<compile_context>
chip_gen: v7x
topology: tpu7x:2x2x1
jax: 0.10.2.dev20260603
libtpu: 0.0.44.dev20260713+nightly
codegen_flags: <defaults>
</compile_context>

<pallas_src>
import functools
import math

import jax
import jax.numpy as jnp
from jax import lax
from jax.experimental import pallas as pl
from jax.experimental.pallas import tpu as pltpu
from jax.experimental.pallas import tpu_sc as plsc

D_MODEL = 512
SCALE = float(math.sqrt(D_MODEL))

NUM_CORES = 2
NUM_SUBCORES = 16
NW = NUM_CORES * NUM_SUBCORES

B_TOTAL = 1024 * 200
BPW = B_TOTAL // NW
C = 40
NCHUNK = BPW // C
NBUF = 5
PF = 3
T = NCHUNK // NBUF

_mesh = plsc.VectorSubcoreMesh(core_axis_name="c", subcore_axis_name="s")


@functools.partial(
    pl.kernel,
    mesh=_mesh,
    out_type=jax.ShapeDtypeStruct((B_TOTAL, D_MODEL), jnp.float32),
    scratch_types=(
        [pltpu.VMEM((BPW,), jnp.int32)]
        + [pltpu.VMEM((C, D_MODEL), jnp.float32)] * NBUF
        + [pltpu.SemaphoreType.DMA] * (4 * NBUF)
    ),
)
def _emb_lookup(idx_hbm, table_hbm, out_hbm, idx_v, *bufs_and_sems):
    bufs = bufs_and_sems[:NBUF]
    gss = bufs_and_sems[NBUF:2 * NBUF]
    gss2 = bufs_and_sems[2 * NBUF:3 * NBUF]
    gss3 = bufs_and_sems[3 * NBUF:4 * NBUF]
    sss = bufs_and_sems[4 * NBUF:]

    wid = lax.axis_index("s") * NUM_CORES + lax.axis_index("c")
    base = wid * BPW
    pltpu.sync_copy(idx_hbm.at[pl.ds(base, BPW)], idx_v)

    CA, CB, CC = 16, 16, 8

    def start_gather(g, b):
        pltpu.async_copy(
            table_hbm.at[idx_v.at[pl.ds(g * C, CA)]],
            bufs[b].at[pl.ds(0, CA)], gss[b])
        pltpu.async_copy(
            table_hbm.at[idx_v.at[pl.ds(g * C + CA, CB)]],
            bufs[b].at[pl.ds(CA, CB)], gss2[b])
        pltpu.async_copy(
            table_hbm.at[idx_v.at[pl.ds(g * C + CA + CB, CC)]],
            bufs[b].at[pl.ds(CA + CB, CC)], gss3[b])

    def wait_gather(b):
        pltpu.make_async_copy(
            table_hbm.at[idx_v.at[pl.ds(0, CA)]],
            bufs[b].at[pl.ds(0, CA)], gss[b]
        ).wait()
        pltpu.make_async_copy(
            table_hbm.at[idx_v.at[pl.ds(0, CB)]],
            bufs[b].at[pl.ds(CA, CB)], gss2[b]
        ).wait()
        pltpu.make_async_copy(
            table_hbm.at[idx_v.at[pl.ds(0, CC)]],
            bufs[b].at[pl.ds(CA + CB, CC)], gss3[b]
        ).wait()

    def start_scatter(g, b):
        pltpu.async_copy(bufs[b], out_hbm.at[pl.ds(base + g * C, C)], sss[b])

    def wait_scatter(b):
        pltpu.make_async_copy(bufs[b], out_hbm.at[pl.ds(base, C)], sss[b]).wait()

    def scale(b):
        def row_body(r, rc):
            for j in range(D_MODEL // 16):
                sl = pl.ds(j * 16, 16)
                bufs[b][r, sl] = bufs[b][r, sl] * SCALE
            return rc

        lax.fori_loop(0, C, row_body, 0, unroll=False)

    def body(g, b, static):
        wait_gather(b)
        scale(b)
        start_scatter(g, b)
        bn = (b + PF) % NBUF
        if static:
            if g >= NBUF - PF:
                wait_scatter(bn)
            if g < NCHUNK - PF:
                start_gather(g + PF, bn)
        else:
            pl.when(g >= NBUF - PF)(lambda: wait_scatter(bn))
            pl.when(g < NCHUNK - PF)(lambda: start_gather(g + PF, bn))

    for g0 in range(PF):
        start_gather(g0, g0)

    def ring_turn(t, carry):
        for b in range(NBUF):
            body(NBUF * t + b, b, static=False)
        return carry

    lax.fori_loop(0, T, ring_turn, 0, unroll=False)
    for g0 in range(T * NBUF, NCHUNK):
        body(g0, g0 % NBUF, static=True)
    for g0 in range(NCHUNK - (NBUF - PF), NCHUNK):
        wait_scatter(g0 % NBUF)


def kernel(x, table):
    flat_idx = x.reshape(-1)
    out = _emb_lookup(flat_idx, table)
    return out.reshape(x.shape + (D_MODEL,))

# --- scband reference (transcript-rebuilt; emitter-appended) ---
"""Pipeline reference for scband-embedding-3109556322547 (READ-ONLY COPY).

The authoritative reference and input builder live on the scoring server;
editing this copy changes nothing except your own understanding.
"""

import jax, jax.numpy as jnp
import numpy as np

VOCAB = 100000
D_MODEL = 512
SCALAR = float(np.sqrt(D_MODEL))

def setup_inputs(seed: int = 0) -> dict:
    key = jax.random.key(seed)
    k1, k2 = jax.random.split(key)
    x = jax.random.randint(k1, (1024, 200), 0, VOCAB, dtype=jnp.int32)
    # learned embedding table, init ~ N(0,1) like nn.Embedding default
    table = jax.random.normal(k2, (VOCAB, D_MODEL), dtype=jnp.float32)
    return {"x": x, "table": table}

def reference(x, table):
    # nn.Embedding lookup followed by sqrt(d_model) scaling
    emb = jnp.take(table, x, axis=0)
    return emb * SCALAR

if __name__ == "__main__":
    import jax
    _d = setup_inputs()
    print(jax.jit(kernel)(*tuple(_d.values())))

</pallas_src>

<mosaic_0001>
#map = affine_map<(d0, d1) -> (0)>
#map1 = affine_map<(d0, d1) -> (0, 0)>
module attributes {stable_mosaic.version = 14 : i64} {
  func.func @_emb_lookup(%arg0: i32, %arg1: i32, %arg2: memref<204800xi32, #tpu.memory_space<hbm>>, %arg3: memref<100000x512xf32, #tpu.memory_space<hbm>>, %arg4: memref<204800x512xf32, #tpu.memory_space<hbm>>, %arg5: memref<6400xi32, #tpu.memory_space<vmem>>, %arg6: memref<40x512xf32, #tpu.memory_space<vmem>>, %arg7: memref<40x512xf32, #tpu.memory_space<vmem>>, %arg8: memref<40x512xf32, #tpu.memory_space<vmem>>, %arg9: memref<40x512xf32, #tpu.memory_space<vmem>>, %arg10: memref<40x512xf32, #tpu.memory_space<vmem>>, %arg11: memref<!tpu.dma_semaphore, #tpu.memory_space<semaphore_mem>>, %arg12: memref<!tpu.dma_semaphore, #tpu.memory_space<semaphore_mem>>, %arg13: memref<!tpu.dma_semaphore, #tpu.memory_space<semaphore_mem>>, %arg14: memref<!tpu.dma_semaphore, #tpu.memory_space<semaphore_mem>>, %arg15: memref<!tpu.dma_semaphore, #tpu.memory_space<semaphore_mem>>, %arg16: memref<!tpu.dma_semaphore, #tpu.memory_space<semaphore_mem>>, %arg17: memref<!tpu.dma_semaphore, #tpu.memory_space<semaphore_mem>>, %arg18: memref<!tpu.dma_semaphore, #tpu.memory_space<semaphore_mem>>, %arg19: memref<!tpu.dma_semaphore, #tpu.memory_space<semaphore_mem>>, %arg20: memref<!tpu.dma_semaphore, #tpu.memory_space<semaphore_mem>>, %arg21: memref<!tpu.dma_semaphore, #tpu.memory_space<semaphore_mem>>, %arg22: memref<!tpu.dma_semaphore, #tpu.memory_space<semaphore_mem>>, %arg23: memref<!tpu.dma_semaphore, #tpu.memory_space<semaphore_mem>>, %arg24: memref<!tpu.dma_semaphore, #tpu.memory_space<semaphore_mem>>, %arg25: memref<!tpu.dma_semaphore, #tpu.memory_space<semaphore_mem>>, %arg26: memref<!tpu.dma_semaphore, #tpu.memory_space<semaphore_mem>>, %arg27: memref<!tpu.dma_semaphore, #tpu.memory_space<semaphore_mem>>, %arg28: memref<!tpu.dma_semaphore, #tpu.memory_space<semaphore_mem>>, %arg29: memref<!tpu.dma_semaphore, #tpu.memory_space<semaphore_mem>>, %arg30: memref<!tpu.dma_semaphore, #tpu.memory_space<semaphore_mem>>) attributes {dimension_semantics = [#tpu.dimension_semantics<core_parallel>, #tpu.dimension_semantics<subcore_parallel>], iteration_bounds = array<i64: 2, 16>, scalar_prefetch = 0 : i64, scratch_operands = 26 : i64, tpu.core_type = #tpu.core_type<sc_vector_subcore>, window_params = [{transform_indices = #map}, {transform_indices = #map1}, {transform_indices = #map1}]} {
    %mul3A = arith.constant 2 : i32
    %mul3A_0 = arith.muli %arg1, %mul3A : i32
    %add3A = arith.addi %mul3A_0, %arg0 : i32
    %mul3A_1 = arith.constant 6400 : i32
    %mul3A_2 = arith.muli %add3A, %mul3A_1 : i32
    "tpu.region"() ({
      %run_scoped3A = tpu.sem_alloc : memref<!tpu.dma_semaphore, #tpu.memory_space<semaphore_mem>>
      %dma_start3A_86 = tpu.memref_slice %arg2[%mul3A_2] : memref<204800xi32, #tpu.memory_space<hbm>> -> memref<6400xi32, #tpu.memory_space<hbm>>
      %dma_start3A_87 = tpu.memref_slice %arg2[%mul3A_2] : memref<204800xi32, #tpu.memory_space<hbm>> -> memref<6400xi32, #tpu.memory_space<hbm>>
      tpu.enqueue_dma source(%dma_start3A_87 : memref<6400xi32, #tpu.memory_space<hbm>>) target(%arg5 : memref<6400xi32, #tpu.memory_space<vmem>>) target_semaphore(%run_scoped3A : memref<!tpu.dma_semaphore, #tpu.memory_space<semaphore_mem>>)
      %dma_wait3A_88 = tpu.memref_slice %arg2[%mul3A_2] : memref<204800xi32, #tpu.memory_space<hbm>> -> memref<6400xi32, #tpu.memory_space<hbm>>
      %dma_wait3A_89 = tpu.memref_slice %arg2[%mul3A_2] : memref<204800xi32, #tpu.memory_space<hbm>> -> memref<6400xi32, #tpu.memory_space<hbm>>
      tpu.wait_dma2 semaphore(%run_scoped3A : memref<!tpu.dma_semaphore, #tpu.memory_space<semaphore_mem>>) src(%dma_wait3A_89 : memref<6400xi32, #tpu.memory_space<hbm>>) dst(%arg5 : memref<6400xi32, #tpu.memory_space<vmem>>)
      tpu.yield
    }) : () -> ()
    %dma_start3A = arith.constant 0 : i32
    %dma_start3A_3 = arith.constant 0 : i32
    %dma_start3A_4 = tpu.memref_slice %arg6[%dma_start3A, %dma_start3A_3] : memref<40x512xf32, #tpu.memory_space<vmem>> -> memref<16x512xf32, #tpu.memory_space<vmem>>
    %dma_start3A_5 = arith.constant 0 : i32
    %dma_start3A_6 = tpu.memref_slice %arg5[%dma_start3A_5] : memref<6400xi32, #tpu.memory_space<vmem>> -> memref<16xi32, #tpu.memory_space<vmem>>
    %dma_start3A_7 = arith.constant 0 : i32
    %dma_start3A_8 = arith.constant 0 : i32
    %dma_start3A_9 = tpu.memref_slice %arg3[%dma_start3A_7, %dma_start3A_8] : memref<100000x512xf32, #tpu.memory_space<hbm>> -> memref<100000x512xf32, #tpu.memory_space<hbm>>
    tpu.enqueue_indirect_dma source(%dma_start3A_9 : memref<100000x512xf32, #tpu.memory_space<hbm>>) target(%dma_start3A_4 : memref<16x512xf32, #tpu.memory_space<vmem>>) offsets(%dma_start3A_6 : memref<16xi32, #tpu.memory_space<vmem>>) semaphore(%arg11 : memref<!tpu.dma_semaphore, #tpu.memory_space<semaphore_mem>>)
    %dma_start3A_10 = arith.constant 16 : i32
    %dma_start3A_11 = arith.constant 0 : i32
    %dma_start3A_12 = tpu.memref_slice %arg6[%dma_start3A_10, %dma_start3A_11] : memref<40x512xf32, #tpu.memory_space<vmem>> -> memref<16x512xf32, #tpu.memory_space<vmem>>
    %dma_start3A_13 = arith.constant 16 : i32
    %dma_start3A_14 = tpu.memref_slice %arg5[%dma_start3A_13] : memref<6400xi32, #tpu.memory_space<vmem>> -> memref<16xi32, #tpu.memory_space<vmem>>
    %dma_start3A_15 = arith.constant 0 : i32
    %dma_start3A_16 = arith.constant 0 : i32
    %dma_start3A_17 = tpu.memref_slice %arg3[%dma_start3A_15, %dma_start3A_16] : memref<100000x512xf32, #tpu.memory_space<hbm>> -> memref<100000x512xf32, #tpu.memory_space<hbm>>
    tpu.enqueue_indirect_dma source(%dma_start3A_17 : memref<100000x512xf32, #tpu.memory_space<hbm>>) target(%dma_start3A_12 : memref<16x512xf32, #tpu.memory_space<vmem>>) offsets(%dma_start3A_14 : memref<16xi32, #tpu.memory_space<vmem>>) semaphore(%arg16 : memref<!tpu.dma_semaphore, #tpu.memory_space<semaphore_mem>>)
    %dma_start3A_18 = arith.constant 32 : i32
    %dma_start3A_19 = arith.constant 0 : i32
    %dma_start3A_20 = tpu.memref_slice %arg6[%dma_start3A_18, %dma_start3A_19] : memref<40x512xf32, #tpu.memory_space<vmem>> -> memref<8x512xf32, #tpu.memory_space<vmem>>
    %dma_start3A_21 = arith.constant 32 : i32
    %dma_start3A_22 = tpu.memref_slice %arg5[%dma_start3A_21] : memref<6400xi32, #tpu.memory_space<vmem>> -> memref<8xi32, #tpu.memory_space<vmem>>
    %dma_start3A_23 = arith.constant 0 : i32
    %dma_start3A_24 = arith.constant 0 : i32
    %dma_start3A_25 = tpu.memref_slice %arg3[%dma_start3A_23, %dma_start3A_24] : memref<100000x512xf32, #tpu.memory_space<hbm>> -> memref<100000x512xf32, #tpu.memory_space<hbm>>
    tpu.enqueue_indirect_dma source(%dma_start3A_25 : memref<100000x512xf32, #tpu.memory_space<hbm>>) target(%dma_start3A_20 : memref<8x512xf32, #tpu.memory_space<vmem>>) offsets(%dma_start3A_22 : memref<8xi32, #tpu.memory_space<vmem>>) semaphore(%arg21 : memref<!tpu.dma_semaphore, #tpu.memory_space<semaphore_mem>>)
    %dma_start3A_26 = arith.constant 0 : i32
    %dma_start3A_27 = arith.constant 0 : i32
    %dma_start3A_28 = tpu.memref_slice %arg7[%dma_start3A_26, %dma_start3A_27] : memref<40x512xf32, #tpu.memory_space<vmem>> -> memref<16x512xf32, #tpu.memory_space<vmem>>
    %dma_start3A_29 = arith.constant 40 : i32
    %dma_start3A_30 = tpu.memref_slice %arg5[%dma_start3A_29] : memref<6400xi32, #tpu.memory_space<vmem>> -> memref<16xi32, #tpu.memory_space<vmem>>
    %dma_start3A_31 = arith.constant 0 : i32
    %dma_start3A_32 = arith.constant 0 : i32
    %dma_start3A_33 = tpu.memref_slice %arg3[%dma_start3A_31, %dma_start3A_32] : memref<100000x512xf32, #tpu.memory_space<hbm>> -> memref<100000x512xf32, #tpu.memory_space<hbm>>
    tpu.enqueue_indirect_dma source(%dma_start3A_33 : memref<100000x512xf32, #tpu.memory_space<hbm>>) target(%dma_start3A_28 : memref<16x512xf32, #tpu.memory_space<vmem>>) offsets(%dma_start3A_30 : memref<16xi32, #tpu.memory_space<vmem>>) semaphore(%arg12 : memref<!tpu.dma_semaphore, #tpu.memory_space<semaphore_mem>>)
    %dma_start3A_34 = arith.constant 16 : i32
    %dma_start3A_35 = arith.constant 0 : i32
    %dma_start3A_36 = tpu.memref_slice %arg7[%dma_start3A_34, %dma_start3A_35] : memref<40x512xf32, #tpu.memory_space<vmem>> -> memref<16x512xf32, #tpu.memory_space<vmem>>
    %dma_start3A_37 = arith.constant 56 : i32
    %dma_start3A_38 = tpu.memref_slice %arg5[%dma_start3A_37] : memref<6400xi32, #tpu.memory_space<vmem>> -> memref<16xi32, #tpu.memory_space<vmem>>
    %dma_start3A_39 = arith.constant 0 : i32
    %dma_start3A_40 = arith.constant 0 : i32
    %dma_start3A_41 = tpu.memref_slice %arg3[%dma_start3A_39, %dma_start3A_40] : memref<100000x512xf32, #tpu.memory_space<hbm>> -> memref<100000x512xf32, #tpu.memory_space<hbm>>
    tpu.enqueue_indirect_dma source(%dma_start3A_41 : memref<100000x512xf32, #tpu.memory_space<hbm>>) target(%dma_start3A_36 : memref<16x512xf32, #tpu.memory_space<vmem>>) offsets(%dma_start3A_38 : memref<16xi32, #tpu.memory_space<vmem>>) semaphore(%arg17 : memref<!tpu.dma_semaphore, #tpu.memory_space<semaphore_mem>>)
    %dma_start3A_42 = arith.constant 32 : i32
    %dma_start3A_43 = arith.constant 0 : i32
    %dma_start3A_44 = tpu.memref_slice %arg7[%dma_start3A_42, %dma_start3A_43] : memref<40x512xf32, #tpu.memory_space<vmem>> -> memref<8x512xf32, #tpu.memory_space<vmem>>
    %dma_start3A_45 = arith.constant 72 : i32
    %dma_start3A_46 = tpu.memref_slice %arg5[%dma_start3A_45] : memref<6400xi32, #tpu.memory_space<vmem>> -> memref<8xi32, #tpu.memory_space<vmem>>
    %dma_start3A_47 = arith.constant 0 : i32
    %dma_start3A_48 = arith.constant 0 : i32
    %dma_start3A_49 = tpu.memref_slice %arg3[%dma_start3A_47, %dma_start3A_48] : memref<100000x512xf32, #tpu.memory_space<hbm>> -> memref<100000x512xf32, #tpu.memory_space<hbm>>
    tpu.enqueue_indirect_dma source(%dma_start3A_49 : memref<100000x512xf32, #tpu.memory_space<hbm>>) target(%dma_start3A_44 : memref<8x512xf32, #tpu.memory_space<vmem>>) offsets(%dma_start3A_46 : memref<8xi32, #tpu.memory_space<vmem>>) semaphore(%arg22 : memref<!tpu.dma_semaphore, #tpu.memory_space<semaphore_mem>>)
    %dma_start3A_50 = arith.constant 0 : i32
    %dma_start3A_51 = arith.constant 0 : i32
    %dma_start3A_52 = tpu.memref_slice %arg8[%dma_start3A_50, %dma_start3A_51] : memref<40x512xf32, #tpu.memory_space<vmem>> -> memref<16x512xf32, #tpu.memory_space<vmem>>
    %dma_start3A_53 = arith.constant 80 : i32
    %dma_start3A_54 = tpu.memref_slice %arg5[%dma_start3A_53] : memref<6400xi32, #tpu.memory_space<vmem>> -> memref<16xi32, #tpu.memory_space<vmem>>
    %dma_start3A_55 = arith.constant 0 : i32
    %dma_start3A_56 = arith.constant 0 : i32
    %dma_start3A_57 = tpu.memref_slice %arg3[%dma_start3A_55, %dma_start3A_56] : memref<100000x512xf32, #tpu.memory_space<hbm>> -> memref<100000x512xf32, #tpu.memory_space<hbm>>
    tpu.enqueue_indirect_dma source(%dma_start3A_57 : memref<100000x512xf32, #tpu.memory_space<hbm>>) target(%dma_start3A_52 : memref<16x512xf32, #tpu.memory_space<vmem>>) offsets(%dma_start3A_54 : memref<16xi32, #tpu.memory_space<vmem>>) semaphore(%arg13 : memref<!tpu.dma_semaphore, #tpu.memory_space<semaphore_mem>>)
    %dma_start3A_58 = arith.constant 16 : i32
    %dma_start3A_59 = arith.constant 0 : i32
    %dma_start3A_60 = tpu.memref_slice %arg8[%dma_start3A_58, %dma_start3A_59] : memref<40x512xf32, #tpu.memory_space<vmem>> -> memref<16x512xf32, #tpu.memory_space<vmem>>
    %dma_start3A_61 = arith.constant 96 : i32
    %dma_start3A_62 = tpu.memref_slice %arg5[%dma_start3A_61] : memref<6400xi32, #tpu.memory_space<vmem>> -> memref<16xi32, #tpu.memory_space<vmem>>
    %dma_start3A_63 = arith.constant 0 : i32
    %dma_start3A_64 = arith.constant 0 : i32
    %dma_start3A_65 = tpu.memref_slice %arg3[%dma_start3A_63, %dma_start3A_64] : memref<100000x512xf32, #tpu.memory_space<hbm>> -> memref<100000x512xf32, #tpu.memory_space<hbm>>
    tpu.enqueue_indirect_dma source(%dma_start3A_65 : memref<100000x512xf32, #tpu.memory_space<hbm>>) target(%dma_start3A_60 : memref<16x512xf32, #tpu.memory_space<vmem>>) offsets(%dma_start3A_62 : memref<16xi32, #tpu.memory_space<vmem>>) semaphore(%arg18 : memref<!tpu.dma_semaphore, #tpu.memory_space<semaphore_mem>>)
    %dma_start3A_66 = arith.constant 32 : i32
    %dma_start3A_67 = arith.constant 0 : i32
    %dma_start3A_68 = tpu.memref_slice %arg8[%dma_start3A_66, %dma_start3A_67] : memref<40x512xf32, #tpu.memory_space<vmem>> -> memref<8x512xf32, #tpu.memory_space<vmem>>
    %dma_start3A_69 = arith.constant 112 : i32
    %dma_start3A_70 = tpu.memref_slice %arg5[%dma_start3A_69] : memref<6400xi32, #tpu.memory_space<vmem>> -> memref<8xi32, #tpu.memory_space<vmem>>
    %dma_start3A_71 = arith.constant 0 : i32
    %dma_start3A_72 = arith.constant 0 : i32
    %dma_start3A_73 = tpu.memref_slice %arg3[%dma_start3A_71, %dma_start3A_72] : memref<100000x512xf32, #tpu.memory_space<hbm>> -> memref<100000x512xf32, #tpu.memory_space<hbm>>
    tpu.enqueue_indirect_dma source(%dma_start3A_73 : memref<100000x512xf32, #tpu.memory_space<hbm>>) target(%dma_start3A_68 : memref<8x512xf32, #tpu.memory_space<vmem>>) offsets(%dma_start3A_70 : memref<8xi32, #tpu.memory_space<vmem>>) semaphore(%arg23 : memref<!tpu.dma_semaphore, #tpu.memory_space<semaphore_mem>>)
    %scan3A = arith.constant 0 : i32
    %scan3A_74 = arith.constant 0 : i32
    %scan3A_75 = arith.constant 32 : i32
    %scan3A_76 = arith.addi %scan3A_74, %scan3A_75 : i32
    %scan3A_77 = arith.constant 1 : i32
    scf.for %scan3A_86 = %scan3A_74 to %scan3A_76 step %scan3A_77  : i32 {
      %mul3A_87 = arith.constant 5 : i32
      %mul3A_88 = arith.muli %mul3A_87, %scan3A_86 : i32
      %add3A_89 = arith.constant 0 : i32
      %add3A_90 = arith.addi %mul3A_88, %add3A_89 : i32
      %dma_wait3A_91 = arith.constant 0 : i32
      %dma_wait3A_92 = arith.constant 0 : i32
      %dma_wait3A_93 = tpu.memref_slice %arg6[%dma_wait3A_91, %dma_wait3A_92] : memref<40x512xf32, #tpu.memory_space<vmem>> -> memref<16x512xf32, #tpu.memory_space<vmem>>
      %dma_wait3A_94 = arith.constant 0 : i32
      %dma_wait3A_95 = tpu.memref_slice %arg5[%dma_wait3A_94] : memref<6400xi32, #tpu.memory_space<vmem>> -> memref<16xi32, #tpu.memory_space<vmem>>
      %dma_wait3A_96 = arith.constant 0 : i32
      %dma_wait3A_97 = arith.constant 0 : i32
      %dma_wait3A_98 = tpu.memref_slice %arg3[%dma_wait3A_96, %dma_wait3A_97] : memref<100000x512xf32, #tpu.memory_space<hbm>> -> memref<100000x512xf32, #tpu.memory_space<hbm>>
      tpu.wait_indirect_dma semaphore(%arg11 : memref<!tpu.dma_semaphore, #tpu.memory_space<semaphore_mem>>) src(%dma_wait3A_98 : memref<100000x512xf32, #tpu.memory_space<hbm>>) dst(%dma_wait3A_93 : memref<16x512xf32, #tpu.memory_space<vmem>>)
      %dma_wait3A_99 = arith.constant 16 : i32
      %dma_wait3A_100 = arith.constant 0 : i32
      %dma_wait3A_101 = tpu.memref_slice %arg6[%dma_wait3A_99, %dma_wait3A_100] : memref<40x512xf32, #tpu.memory_space<vmem>> -> memref<16x512xf32, #tpu.memory_space<vmem>>
      %dma_wait3A_102 = arith.constant 0 : i32
      %dma_wait3A_103 = tpu.memref_slice %arg5[%dma_wait3A_102] : memref<6400xi32, #tpu.memory_space<vmem>> -> memref<16xi32, #tpu.memory_space<vmem>>
      %dma_wait3A_104 = arith.constant 0 : i32
      %dma_wait3A_105 = arith.constant 0 : i32
      %dma_wait3A_106 = tpu.memref_slice %arg3[%dma_wait3A_104, %dma_wait3A_105] : memref<100000x512xf32, #tpu.memory_space<hbm>> -> memref<100000x512xf32, #tpu.memory_space<hbm>>
      tpu.wait_indirect_dma semaphore(%arg16 : memref<!tpu.dma_semaphore, #tpu.memory_space<semaphore_mem>>) src(%dma_wait3A_106 : memref<100000x512xf32, #tpu.memory_space<hbm>>) dst(%dma_wait3A_101 : memref<16x512xf32, #tpu.memory_space<vmem>>)
      %dma_wait3A_107 = arith.constant 32 : i32
      %dma_wait3A_108 = arith.constant 0 : i32
      %dma_wait3A_109 = tpu.memref_slice %arg6[%dma_wait3A_107, %dma_wait3A_108] : memref<40x512xf32, #tpu.memory_space<vmem>> -> memref<8x512xf32, #tpu.memory_space<vmem>>
      %dma_wait3A_110 = arith.constant 0 : i32
      %dma_wait3A_111 = tpu.memref_slice %arg5[%dma_wait3A_110] : memref<6400xi32, #tpu.memory_space<vmem>> -> memref<8xi32, #tpu.memory_space<vmem>>
      %dma_wait3A_112 = arith.constant 0 : i32
      %dma_wait3A_113 = arith.constant 0 : i32
      %dma_wait3A_114 = tpu.memref_slice %arg3[%dma_wait3A_112, %dma_wait3A_113] : memref<100000x512xf32, #tpu.memory_space<hbm>> -> memref<100000x512xf32, #tpu.memory_space<hbm>>
      tpu.wait_indirect_dma semaphore(%arg21 : memref<!tpu.dma_semaphore, #tpu.memory_space<semaphore_mem>>) src(%dma_wait3A_114 : memref<100000x512xf32, #tpu.memory_space<hbm>>) dst(%dma_wait3A_109 : memref<8x512xf32, #tpu.memory_space<vmem>>)
      %scan3A_115 = arith.constant 0 : i32
      %scan3A_116 = arith.constant 0 : i32
      %scan3A_117 = arith.constant 40 : i32
      %scan3A_118 = arith.addi %scan3A_116, %scan3A_117 : i32
      %scan3A_119 = arith.constant 1 : i32
      scf.for %scan3A_338 = %scan3A_116 to %scan3A_118 step %scan3A_119  : i32 {
        %get3A = arith.index_cast %scan3A_338 : i32 to index
        %get3A_339 = arith.constant 0 : index
        %get3A_340 = tpu.vector_load %arg6[%get3A, %get3A_339] {strides = array<i32>} : memref<40x512xf32, #tpu.memory_space<vmem>>, vector<1x16xf32>,
        %get3A_341 = vector.shape_cast %get3A_340 : vector<1x16xf32> to vector<16xf32>
        %mul3A_342 = arith.constant 22.6274166 : f32
        %mul3A_343 = vector.broadcast %mul3A_342 : f32 to vector<16xf32>
        %mul3A_344 = arith.mulf %get3A_341, %mul3A_343 : vector<16xf32>
        %swap3A = arith.index_cast %scan3A_338 : i32 to index
        %swap3A_345 = arith.constant 0 : index
        %swap3A_346 = tpu.vector_load %arg6[%swap3A, %swap3A_345] {strides = array<i32>} : memref<40x512xf32, #tpu.memory_space<vmem>>, vector<1x16xf32>,
        %swap3A_347 = vector.shape_cast %swap3A_346 : vector<1x16xf32> to vector<16xf32>
        %swap3A_348 = vector.shape_cast %mul3A_344 : vector<16xf32> to vector<1x16xf32>
        tpu.vector_store %arg6[%swap3A, %swap3A_345], %swap3A_348 {strides = array<i32>} : memref<40x512xf32, #tpu.memory_space<vmem>>, vector<1x16xf32>,
        %get3A_349 = arith.index_cast %scan3A_338 : i32 to index
        %get3A_350 = arith.constant 16 : index
        %get3A_351 = tpu.vector_load %arg6[%get3A_349, %get3A_350] {strides = array<i32>} : memref<40x512xf32, #tpu.memory_space<vmem>>, vector<1x16xf32>,
        %get3A_352 = vector.shape_cast %get3A_351 : vector<1x16xf32> to vector<16xf32>
        %mul3A_353 = arith.constant 22.6274166 : f32
        %mul3A_354 = vector.broadcast %mul3A_353 : f32 to vector<16xf32>
        %mul3A_355 = arith.mulf %get3A_352, %mul3A_354 : vector<16xf32>
        %swap3A_356 = arith.index_cast %scan3A_338 : i32 to index
        %swap3A_357 = arith.constant 16 : index
        %swap3A_358 = tpu.vector_load %arg6[%swap3A_356, %swap3A_357] {strides = array<i32>} : memref<40x512xf32, #tpu.memory_space<vmem>>, vector<1x16xf32>,
        %swap3A_359 = vector.shape_cast %swap3A_358 : vector<1x16xf32> to vector<16xf32>
        %swap3A_360 = vector.shape_cast %mul3A_355 : vector<16xf32> to vector<1x16xf32>
        tpu.vector_store %arg6[%swap3A_356, %swap3A_357], %swap3A_360 {strides = array<i32>} : memref<40x512xf32, #tpu.memory_space<vmem>>, vector<1x16xf32>,
        %get3A_361 = arith.index_cast %scan3A_338 : i32 to index
        %get3A_362 = arith.constant 32 : index
        %get3A_363 = tpu.vector_load %arg6[%get3A_361, %get3A_362] {strides = array<i32>} : memref<40x512xf32, #tpu.memory_space<vmem>>, vector<1x16xf32>,
        %get3A_364 = vector.shape_cast %get3A_363 : vector<1x16xf32> to vector<16xf32>
        %mul3A_365 = arith.constant 22.6274166 : f32
        %mul3A_366 = vector.broadcast %mul3A_365 : f32 to vector<16xf32>
        %mul3A_367 = arith.mulf %get3A_364, %mul3A_366 : vector<16xf32>
        %swap3A_368 = arith.index_cast %scan3A_338 : i32 to index
        %swap3A_369 = arith.constant 32 : index
        %swap3A_370 = tpu.vector_load %arg6[%swap3A_368, %swap3A_369] {strides = array<i32>} : memref<40x512xf32, #tpu.memory_space<vmem>>, vector<1x16xf32>,
        %swap3A_371 = vector.shape_cast %swap3A_370 : vector<1x16xf32> to vector<16xf32>
        %swap3A_372 = vector.shape_cast %mul3A_367 : vector<16xf32> to vector<1x16xf32>
        tpu.vector_store %arg6[%swap3A_368, %swap3A_369], %swap3A_372 {strides = array<i32>} : memref<40x512xf32, #tpu.memory_space<vmem>>, vector<1x16xf32>,
        %get3A_373 = arith.index_cast %scan3A_338 : i32 to index
        %get3A_374 = arith.constant 48 : index
        %get3A_375 = tpu.vector_load %arg6[%get3A_373, %get3A_374] {strides = array<i32>} : memref<40x512xf32, #tpu.memory_space<vmem>>, vector<1x16xf32>,
        %get3A_376 = vector.shape_cast %get3A_375 : vector<1x16xf32> to vector<16xf32>
        %mul3A_377 = arith.constant 22.6274166 : f32
        %mul3A_378 = vector.broadcast %mul3A_377 : f32 to vector<16xf32>
        %mul3A_379 = arith.mulf %get3A_376, %mul3A_378 : vector<16xf32>
        %swap3A_380 = arith.index_cast %scan3A_338 : i32 to index
        %swap3A_381 = arith.constant 48 : index
        %swap3A_382 = tpu.vector_load %arg6[%swap3A_380, %swap3A_381] {strides = array<i32>} : memref<40x512xf32, #tpu.memory_space<vmem>>, vector<1x16xf32>,
        %swap3A_383 = vector.shape_cast %swap3A_382 : vector<1x16xf32> to vector<16xf32>
        %swap3A_384 = vector.shape_cast %mul3A_379 : vector<16xf32> to vector<1x16xf32>
        tpu.vector_store %arg6[%swap3A_380, %swap3A_381], %swap3A_384 {strides = array<i32>} : memref<40x512xf32, #tpu.memory_space<vmem>>, vector<1x16xf32>,
        %get3A_385 = arith.index_cast %scan3A_338 : i32 to index
        %get3A_386 = arith.constant 64 : index
        %get3A_387 = tpu.vector_load %arg6[%get3A_385, %get3A_386] {strides = array<i32>} : memref<40x512xf32, #tpu.memory_space<vmem>>, vector<1x16xf32>,
        %get3A_388 = vector.shape_cast %get3A_387 : vector<1x16xf32> to vector<16xf32>
        %mul3A_389 = arith.constant 22.6274166 : f32
        %mul3A_390 = vector.broadcast %mul3A_389 : f32 to vector<16xf32>
        %mul3A_391 = arith.mulf %get3A_388, %mul3A_390 : vector<16xf32>
        %swap3A_392 = arith.index_cast %scan3A_338 : i32 to index
        %swap3A_393 = arith.constant 64 : index
        %swap3A_394 = tpu.vector_load %arg6[%swap3A_392, %swap3A_393] {strides = array<i32>} : memref<40x512xf32, #tpu.memory_space<vmem>>, vector<1x16xf32>,
        %swap3A_395 = vector.shape_cast %swap3A_394 : vector<1x16xf32> to vector<16xf32>
        %swap3A_396 = vector.shape_cast %mul3A_391 : vector<16xf32> to vector<1x16xf32>
        tpu.vector_store %arg6[%swap3A_392, %swap3A_393], %swap3A_396 {strides = array<i32>} : memref<40x512xf32, #tpu.memory_space<vmem>>, vector<1x16xf32>,
        %get3A_397 = arith.index_cast %scan3A_338 : i32 to index
        %get3A_398 = arith.constant 80 : index
        %get3A_399 = tpu.vector_load %arg6[%get3A_397, %get3A_398] {strides = array<i32>} : memref<40x512xf32, #tpu.memory_space<vmem>>, vector<1x16xf32>,
        %get3A_400 = vector.shape_cast %get3A_399 : vector<1x16xf32> to vector<16xf32>
        %mul3A_401 = arith.constant 22.6274166 : f32
        %mul3A_402 = vector.broadcast %mul3A_401 : f32 to vector<16xf32>
        %mul3A_403 = arith.mulf %get3A_400, %mul3A_402 : vector<16xf32>
        %swap3A_404 = arith.index_cast %scan3A_338 : i32 to index
        %swap3A_405 = arith.constant 80 : index
        %swap3A_406 = tpu.vector_load %arg6[%swap3A_404, %swap3A_405] {strides = array<i32>} : memref<40x512xf32, #tpu.memory_space<vmem>>, vector<1x16xf32>,
        %swap3A_407 = vector.shape_cast %swap3A_406 : vector<1x16xf32> to vector<16xf32>
        %swap3A_408 = vector.shape_cast %mul3A_403 : vector<16xf32> to vector<1x16xf32>
        tpu.vector_store %arg6[%swap3A_404, %swap3A_405], %swap3A_408 {strides = array<i32>} : memref<40x512xf32, #tpu.memory_space<vmem>>, vector<1x16xf32>,
        %get3A_409 = arith.index_cast %scan3A_338 : i32 to index
        %get3A_410 = arith.constant 96 : index
        %get3A_411 = tpu.vector_load %arg6[%get3A_409, %get3A_410] {strides = array<i32>} : memref<40x512xf32, #tpu.memory_space<vmem>>, vector<1x16xf32>,
        %get3A_412 = vector.shape_cast %get3A_411 : vector<1x16xf32> to vector<16xf32>
        %mul3A_413 = arith.constant 22.6274166 : f32
        %mul3A_414 = vector.broadcast %mul3A_413 : f32 to vector<16xf32>
        %mul3A_415 = arith.mulf %get3A_412, %mul3A_414 : vector<16xf32>
        %swap3A_416 = arith.index_cast %scan3A_338 : i32 to index
        %swap3A_417 = arith.constant 96 : index
        %swap3A_418 = tpu.vector_load %arg6[%swap3A_416, %swap3A_417] {strides = array<i32>} : memref<40x512xf32, #tpu.memory_space<vmem>>, vector<1x16xf32>,
        %swap3A_419 = vector.shape_cast %swap3A_418 : vector<1x16xf32> to vector<16xf32>
        %swap3A_420 = vector.shape_cast %mul3A_415 : vector<16xf32> to vector<1x16xf32>
        tpu.vector_store %arg6[%swap3A_416, %swap3A_417], %swap3A_420 {strides = array<i32>} : memref<40x512xf32, #tpu.memory_space<vmem>>, vector<1x16xf32>,
        %get3A_421 = arith.index_cast %scan3A_338 : i32 to index
        %get3A_422 = arith.constant 112 : index
        %get3A_423 = tpu.vector_load %arg6[%get3A_421, %get3A_422] {strides = array<i32>} : memref<40x512xf32, #tpu.memory_space<vmem>>, vector<1x16xf32>,
        %get3A_424 = vector.shape_cast %get3A_423 : vector<1x16xf32> to vector<16xf32>
        %mul3A_425 = arith.constant 22.6274166 : f32
        %mul3A_426 = vector.broadcast %mul3A_425 : f32 to vector<16xf32>
        %mul3A_427 = arith.mulf %get3A_424, %mul3A_426 : vector<16xf32>
        %swap3A_428 = arith.index_cast %scan3A_338 : i32 to index
        %swap3A_429 = arith.constant 112 : index
        %swap3A_430 = tpu.vector_load %arg6[%swap3A_428, %swap3A_429] {strides = array<i32>} : memref<40x512xf32, #tpu.memory_space<vmem>>, vector<1x16xf32>,
        %swap3A_431 = vector.shape_cast %swap3A_430 : vector<1x16xf32> to vector<16xf32>
        %swap3A_432 = vector.shape_cast %mul3A_427 : vector<16xf32> to vector<1x16xf32>
        tpu.vector_store %arg6[%swap3A_428, %swap3A_429], %swap3A_432 {strides = array<i32>} : memref<40x512xf32, #tpu.memory_space<vmem>>, vector<1x16xf32>,
        %get3A_433 = arith.index_cast %scan3A_338 : i32 to index
        %get3A_434 = arith.constant 128 : index
        %get3A_435 = tpu.vector_load %arg6[%get3A_433, %get3A_434] {strides = array<i32>} : memref<40x512xf32, #tpu.memory_space<vmem>>, vector<1x16xf32>,
        %get3A_436 = vector.shape_cast %get3A_435 : vector<1x16xf32> to vector<16xf32>
        %mul3A_437 = arith.constant 22.6274166 : f32
        %mul3A_438 = vector.broadcast %mul3A_437 : f32 to vector<16xf32>
        %mul3A_439 = arith.mulf %get3A_436, %mul3A_438 : vector<16xf32>
        %swap3A_440 = arith.index_cast %scan3A_338 : i32 to index
        %swap3A_441 = arith.constant 128 : index
        %swap3A_442 = tpu.vector_load %arg6[%swap3A_440, %swap3A_441] {strides = array<i32>} : memref<40x512xf32, #tpu.memory_space<vmem>>, vector<1x16xf32>,
        %swap3A_443 = vector.shape_cast %swap3A_442 : vector<1x16xf32> to vector<16xf32>
        %swap3A_444 = vector.shape_cast %mul3A_439 : vector<16xf32> to vector<1x16xf32>
        tpu.vector_store %arg6[%swap3A_440, %swap3A_441], %swap3A_444 {strides = array<i32>} : memref<40x512xf32, #tpu.memory_space<vmem>>, vector<1x16xf32>,
        %get3A_445 = arith.index_cast %scan3A_338 : i32 to index
        %get3A_446 = arith.constant 144 : index
        %get3A_447 = tpu.vector_load %arg6[%get3A_445, %get3A_446] {strides = array<i32>} : memref<40x512xf32, #tpu.memory_space<vmem>>, vector<1x16xf32>,
        %get3A_448 = vector.shape_cast %get3A_447 : vector<1x16xf32> to vector<16xf32>
        %mul3A_449 = arith.constant 22.6274166 : f32
        %mul3A_450 = vector.broadcast %mul3A_449 : f32 to vector<16xf32>
        %mul3A_451 = arith.mulf %get3A_448, %mul3A_450 : vector<16xf32>
        %swap3A_452 = arith.index_cast %scan3A_338 : i32 to index
        %swap3A_453 = arith.constant 144 : index
        %swap3A_454 = tpu.vector_load %arg6[%swap3A_452, %swap3A_453] {strides = array<i32>} : memref<40x512xf32, #tpu.memory_space<vmem>>, vector<1x16xf32>,
        %swap3A_455 = vector.shape_cast %swap3A_454 : vector<1x16xf32> to vector<16xf32>
        %swap3A_456 = vector.shape_cast %mul3A_451 : vector<16xf32> to vector<1x16xf32>
        tpu.vector_store %arg6[%swap3A_452, %swap3A_453], %swap3A_456 {strides = array<i32>} : memref<40x512xf32, #tpu.memory_space<vmem>>, vector<1x16xf32>,
        %get3A_457 = arith.index_cast %scan3A_338 : i32 to index
        %get3A_458 = arith.constant 160 : index
        %get3A_459 = tpu.vector_load %arg6[%get3A_457, %get3A_458] {strides = array<i32>} : memref<40x512xf32, #tpu.memory_space<vmem>>, vector<1x16xf32>,
        %get3A_460 = vector.shape_cast %get3A_459 : vector<1x16xf32> to vector<16xf32>
        %mul3A_461 = arith.constant 22.6274166 : f32
        %mul3A_462 = vector.broadcast %mul3A_461 : f32 to vector<16xf32>
        %mul3A_463 = arith.mulf %get3A_460, %mul3A_462 : vector<16xf32>
        %swap3A_464 = arith.index_cast %scan3A_338 : i32 to index
        %swap3A_465 = arith.constant 160 : index
        %swap3A_466 = tpu.vector_load %arg6[%swap3A_464, %swap3A_465] {strides = array<i32>} : memref<40x512xf32, #tpu.memory_space<vmem>>, vector<1x16xf32>,
        %swap3A_467 = vector.shape_cast %swap3A_466 : vector<1x16xf32> to vector<16xf32>
        %swap3A_468 = vector.shape_cast %mul3A_463 : vector<16xf32> to vector<1x16xf32>
        tpu.vector_store %arg6[%swap3A_464, %swap3A_465], %swap3A_468 {strides = array<i32>} : memref<40x512xf32, #tpu.memory_space<vmem>>, vector<1x16xf32>,
        %get3A_469 = arith.index_cast %scan3A_338 : i32 to index
        %get3A_470 = arith.constant 176 : index
        %get3A_471 = tpu.vector_load %arg6[%get3A_469, %get3A_470] {strides = array<i32>} : memref<40x512xf32, #tpu.memory_space<vmem>>, vector<1x16xf32>,
        %get3A_472 = vector.shape_cast %get3A_471 : vector<1x16xf32> to vector<16xf32>
        %mul3A_473 = arith.constant 22.6274166 : f32
        %mul3A_474 = vector.broadcast %mul3A_473 : f32 to vector<16xf32>
        %mul3A_475 = arith.mulf %get3A_472, %mul3A_474 : vector<16xf32>
        %swap3A_476 = arith.index_cast %scan3A_338 : i32 to index
        %swap3A_477 = arith.constant 176 : index
        %swap3A_478 = tpu.vector_load %arg6[%swap3A_476, %swap3A_477] {strides = array<i32>} : memref<40x512xf32, #tpu.memory_space<vmem>>, vector<1x16xf32>,
        %swap3A_479 = vector.shape_cast %swap3A_478 : vector<1x16xf32> to vector<16xf32>
        %swap3A_480 = vector.shape_cast %mul3A_475 : vector<16xf32> to vector<1x16xf32>
        tpu.vector_store %arg6[%swap3A_476, %swap3A_477], %swap3A_480 {strides = array<i32>} : memref<40x512xf32, #tpu.memory_space<vmem>>, vector<1x16xf32>,
        %get3A_481 = arith.index_cast %scan3A_338 : i32 to index
        %get3A_482 = arith.constant 192 : index
        %get3A_483 = tpu.vector_load %arg6[%get3A_481, %get3A_482] {strides = array<i32>} : memref<40x512xf32, #tpu.memory_space<vmem>>, vector<1x16xf32>,
        %get3A_484 = vector.shape_cast %get3A_483 : vector<1x16xf32> to vector<16xf32>
        %mul3A_485 = arith.constant 22.6274166 : f32
        %mul3A_486 = vector.broadcast %mul3A_485 : f32 to vector<16xf32>
        %mul3A_487 = arith.mulf %get3A_484, %mul3A_486 : vector<16xf32>
        %swap3A_488 = arith.index_cast %scan3A_338 : i32 to index
        %swap3A_489 = arith.constant 192 : index
        %swap3A_490 = tpu.vector_load %arg6[%swap3A_488, %swap3A_489] {strides = array<i32>} : memref<40x512xf32, #tpu.memory_space<vmem>>, vector<1x16xf32>,
        %swap3A_491 = vector.shape_cast %swap3A_490 : vector<1x16xf32> to vector<16xf32>
        %swap3A_492 = vector.shape_cast %mul3A_487 : vector<16xf32> to vector<1x16xf32>
        tpu.vector_store %arg6[%swap3A_488, %swap3A_489], %swap3A_492 {strides = array<i32>} : memref<40x512xf32, #tpu.memory_space<vmem>>, vector<1x16xf32>,
        %get3A_493 = arith.index_cast %scan3A_338 : i32 to index
        %get3A_494 = arith.constant 208 : index
        %get3A_495 = tpu.vector_load %arg6[%get3A_493, %get3A_494] {strides = array<i32>} : memref<40x512xf32, #tpu.memory_space<vmem>>, vector<1x16xf32>,
        %get3A_496 = vector.shape_cast %get3A_495 : vector<1x16xf32> to vector<16xf32>
        %mul3A_497 = arith.constant 22.6274166 : f32
        %mul3A_498 = vector.broadcast %mul3A_497 : f32 to vector<16xf32>
        %mul3A_499 = arith.mulf %get3A_496, %mul3A_498 : vector<16xf32>
        %swap3A_500 = arith.index_cast %scan3A_338 : i32 to index
        %swap3A_501 = arith.constant 208 : index
        %swap3A_502 = tpu.vector_load %arg6[%swap3A_500, %swap3A_501] {strides = array<i32>} : memref<40x512xf32, #tpu.memory_space<vmem>>, vector<1x16xf32>,
        %swap3A_503 = vector.shape_cast %swap3A_502 : vector<1x16xf32> to vector<16xf32>
        %swap3A_504 = vector.shape_cast %mul3A_499 : vector<16xf32> to vector<1x16xf32>
        tpu.vector_store %arg6[%swap3A_500, %swap3A_501], %swap3A_504 {strides = array<i32>} : memref<40x512xf32, #tpu.memory_space<vmem>>, vector<1x16xf32>,
        %get3A_505 = arith.index_cast %scan3A_338 : i32 to index
        %get3A_506 = arith.constant 224 : index
        %get3A_507 = tpu.vector_load %arg6[%get3A_505, %get3A_506] {strides = array<i32>} : memref<40x512xf32, #tpu.memory_space<vmem>>, vector<1x16xf32>,
        %get3A_508 = vector.shape_cast %get3A_507 : vector<1x16xf32> to vector<16xf32>
        %mul3A_509 = arith.constant 22.6274166 : f32
        %mul3A_510 = vector.broadcast %mul3A_509 : f32 to vector<16xf32>
        %mul3A_511 = arith.mulf %get3A_508, %mul3A_510 : vector<16xf32>
        %swap3A_512 = arith.index_cast %scan3A_338 : i32 to index
        %swap3A_513 = arith.constant 224 : index
        %swap3A_514 = tpu.vector_load %arg6[%swap3A_512, %swap3A_513] {strides = array<i32>} : memref<40x512xf32, #tpu.memory_space<vmem>>, vector<1x16xf32>,
        %swap3A_515 = vector.shape_cast %swap3A_514 : vector<1x16xf32> to vector<16xf32>
        %swap3A_516 = vector.shape_cast %mul3A_511 : vector<16xf32> to vector<1x16xf32>
        tpu.vector_store %arg6[%swap3A_512, %swap3A_513], %swap3A_516 {strides = array<i32>} : memref<40x512xf32, #tpu.memory_space<vmem>>, vector<1x16xf32>,
        %get3A_517 = arith.index_cast %scan3A_338 : i32 to index
        %get3A_518 = arith.constant 240 : index
        %get3A_519 = tpu.vector_load %arg6[%get3A_517, %get3A_518] {strides = array<i32>} : memref<40x512xf32, #tpu.memory_space<vmem>>, vector<1x16xf32>,
        %get3A_520 = vector.shape_cast %get3A_519 : vector<1x16xf32> to vector<16xf32>
        %mul3A_521 = arith.constant 22.6274166 : f32
        %mul3A_522 = vector.broadcast %mul3A_521 : f32 to vector<16xf32>
        %mul3A_523 = arith.mulf %get3A_520, %mul3A_522 : vector<16xf32>
        %swap3A_524 = arith.index_cast %scan3A_338 : i32 to index
        %swap3A_525 = arith.constant 240 : index
        %swap3A_526 = tpu.vector_load %arg6[%swap3A_524, %swap3A_525] {strides = array<i32>} : memref<40x512xf32, #tpu.memory_space<vmem>>, vector<1x16xf32>,
        %swap3A_527 = vector.shape_cast %swap3A_526 : vector<1x16xf32> to vector<16xf32>
        %swap3A_528 = vector.shape_cast %mul3A_523 : vector<16xf32> to vector<1x16xf32>
        tpu.vector_store %arg6[%swap3A_524, %swap3A_525], %swap3A_528 {strides = array<i32>} : memref<40x512xf32, #tpu.memory_space<vmem>>, vector<1x16xf32>,
        %get3A_529 = arith.index_cast %scan3A_338 : i32 to index
        %get3A_530 = arith.constant 256 : index
        %get3A_531 = tpu.vector_load %arg6[%get3A_529, %get3A_530] {strides = array<i32>} : memref<40x512xf32, #tpu.memory_space<vmem>>, vector<1x16xf32>,
        %get3A_532 = vector.shape_cast %get3A_531 : vector<1x16xf32> to vector<16xf32>
        %mul3A_533 = arith.constant 22.6274166 : f32
        %mul3A_534 = vector.broadcast %mul3A_533 : f32 to vector<16xf32>
        %mul3A_535 = arith.mulf %get3A_532, %mul3A_534 : vector<16xf32>
        %swap3A_536 = arith.index_cast %scan3A_338 : i32 to index
        %swap3A_537 = arith.constant 256 : index
        %swap3A_538 = tpu.vector_load %arg6[%swap3A_536, %swap3A_537] {strides = array<i32>} : memref<40x512xf32, #tpu.memory_space<vmem>>, vector<1x16xf32>,
        %swap3A_539 = vector.shape_cast %swap3A_538 : vector<1x16xf32> to vector<16xf32>
        %swap3A_540 = vector.shape_cast %mul3A_535 : vector<16xf32> to vector<1x16xf32>
        tpu.vector_store %arg6[%swap3A_536, %swap3A_537], %swap3A_540 {strides = array<i32>} : memref<40x512xf32, #tpu.memory_space<vmem>>, vector<1x16xf32>,
        %get3A_541 = arith.index_cast %scan3A_338 : i32 to index
        %get3A_542 = arith.constant 272 : index
        %get3A_543 = tpu.vector_load %arg6[%get3A_541, %get3A_542] {strides = array<i32>} : memref<40x512xf32, #tpu.memory_space<vmem>>, vector<1x16xf32>,
        %get3A_544 = vector.shape_cast %get3A_543 : vector<1x16xf32> to vector<16xf32>
        %mul3A_545 = arith.constant 22.6274166 : f32
        %mul3A_546 = vector.broadcast %mul3A_545 : f32 to vector<16xf32>
        %mul3A_547 = arith.mulf %get3A_544, %mul3A_546 : vector<16xf32>
        %swap3A_548 = arith.index_cast %scan3A_338 : i32 to index
        %swap3A_549 = arith.constant 272 : index
        %swap3A_550 = tpu.vector_load %arg6[%swap3A_548, %swap3A_549] {strides = array<i32>} : memref<40x512xf32, #tpu.memory_space<vmem>>, vector<1x16xf32>,
        %swap3A_551 = vector.shape_cast %swap3A_550 : vector<1x16xf32> to vector<16xf32>
        %swap3A_552 = vector.shape_cast %mul3A_547 : vector<16xf32> to vector<1x16xf32>
        tpu.vector_store %arg6[%swap3A_548, %swap3A_549], %swap3A_552 {strides = array<i32>} : memref<40x512xf32, #tpu.memory_space<vmem>>, vector<1x16xf32>,
        %get3A_553 = arith.index_cast %scan3A_338 : i32 to index
        %get3A_554 = arith.constant 288 : index
        %get3A_555 = tpu.vector_load %arg6[%get3A_553, %get3A_554] {strides = array<i32>} : memref<40x512xf32, #tpu.memory_space<vmem>>, vector<1x16xf32>,
        %get3A_556 = vector.shape_cast %get3A_555 : vector<1x16xf32> to vector<16xf32>
        %mul3A_557 = arith.constant 22.6274166 : f32
        %mul3A_558 = vector.broadcast %mul3A_557 : f32 to vector<16xf32>
        %mul3A_559 = arith.mulf %get3A_556, %mul3A_558 : vector<16xf32>
        %swap3A_560 = arith.index_cast %scan3A_338 : i32 to index
        %swap3A_561 = arith.constant 288 : index
        %swap3A_562 = tpu.vector_load %arg6[%swap3A_560, %swap3A_561] {strides = array<i32>} : memref<40x512xf32, #tpu.memory_space<vmem>>, vector<1x16xf32>,
        %swap3A_563 = vector.shape_cast %swap3A_562 : vector<1x16xf32> to vector<16xf32>
        %swap3A_564 = vector.shape_cast %mul3A_559 : vector<16xf32> to vector<1x16xf32>
        tpu.vector_store %arg6[%swap3A_560, %swap3A_561], %swap3A_564 {strides = array<i32>} : memref<40x512xf32, #tpu.memory_space<vmem>>, vector<1x16xf32>,
        %get3A_565 = arith.index_cast %scan3A_338 : i32 to index
        %get3A_566 = arith.constant 304 : index
        %get3A_567 = tpu.vector_load %arg6[%get3A_565, %get3A_566] {strides = array<i32>} : memref<40x512xf32, #tpu.memory_space<vmem>>, vector<1x16xf32>,
        %get3A_568 = vector.shape_cast %get3A_567 : vector<1x16xf32> to vector<16xf32>
        %mul3A_569 = arith.constant 22.6274166 : f32
        %mul3A_570 = vector.broadcast %mul3A_569 : f32 to vector<16xf32>
        %mul3A_571 = arith.mulf %get3A_568, %mul3A_570 : vector<16xf32>
        %swap3A_572 = arith.index_cast %scan3A_338 : i32 to index
        %swap3A_573 = arith.constant 304 : index
        %swap3A_574 = tpu.vector_load %arg6[%swap3A_572, %swap3A_573] {strides = array<i32>} : memref<40x512xf32, #tpu.memory_space<vmem>>, vector<1x16xf32>,
        %swap3A_575 = vector.shape_cast %swap3A_574 : vector<1x16xf32> to vector<16xf32>
        %swap3A_576 = vector.shape_cast %mul3A_571 : vector<16xf32> to vector<1x16xf32>
        tpu.vector_store %arg6[%swap3A_572, %swap3A_573], %swap3A_576 {strides = array<i32>} : memref<40x512xf32, #tpu.memory_space<vmem>>, vector<1x16xf32>,
        %get3A_577 = arith.index_cast %scan3A_338 : i32 to index
        %get3A_578 = arith.constant 320 : index
        %get3A_579 = tpu.vector_load %arg6[%get3A_577, %get3A_578] {strides = array<i32>} : memref<40x512xf32, #tpu.memory_space<vmem>>, vector<1x16xf32>,
        %get3A_580 = vector.shape_cast %get3A_579 : vector<1x16xf32> to vector<16xf32>
        %mul3A_581 = arith.constant 22.6274166 : f32
        %mul3A_582 = vector.broadcast %mul3A_581 : f32 to vector<16xf32>
        %mul3A_583 = arith.mulf %get3A_580, %mul3A_582 : vector<16xf32>
        %swap3A_584 = arith.index_cast %scan3A_338 : i32 to index
        %swap3A_585 = arith.constant 320 : index
        %swap3A_586 = tpu.vector_load %arg6[%swap3A_584, %swap3A_585] {strides = array<i32>} : memref<40x512xf32, #tpu.memory_space<vmem>>, vector<1x16xf32>,
        %swap3A_587 = vector.shape_cast %swap3A_586 : vector<1x16xf32> to vector<16xf32>
        %swap3A_588 = vector.shape_cast %mul3A_583 : vector<16xf32> to vector<1x16xf32>
        tpu.vector_store %arg6[%swap3A_584, %swap3A_585], %swap3A_588 {strides = array<i32>} : memref<40x512xf32, #tpu.memory_space<vmem>>, vector<1x16xf32>,
        %get3A_589 = arith.index_cast %scan3A_338 : i32 to index
        %get3A_590 = arith.constant 336 : index
        %get3A_591 = tpu.vector_load %arg6[%get3A_589, %get3A_590] {strides = array<i32>} : memref<40x512xf32, #tpu.memory_space<vmem>>, vector<1x16xf32>,
        %get3A_592 = vector.shape_cast %get3A_591 : vector<1x16xf32> to vector<16xf32>
        %mul3A_593 = arith.constant 22.6274166 : f32
        %mul3A_594 = vector.broadcast %mul3A_593 : f32 to vector<16xf32>
        %mul3A_595 = arith.mulf %get3A_592, %mul3A_594 : vector<16xf32>
        %swap3A_596 = arith.index_cast %scan3A_338 : i32 to index
        %swap3A_597 = arith.constant 336 : index
        %swap3A_598 = tpu.vector_load %arg6[%swap3A_596, %swap3A_597] {strides = array<i32>} : memref<40x512xf32, #tpu.memory_space<vmem>>, vector<1x16xf32>,
        %swap3A_599 = vector.shape_cast %swap3A_598 : vector<1x16xf32> to vector<16xf32>
        %swap3A_600 = vector.shape_cast %mul3A_595 : vector<16xf32> to vector<1x16xf32>
        tpu.vector_store %arg6[%swap3A_596, %swap3A_597], %swap3A_600 {strides = array<i32>} : memref<40x512xf32, #tpu.memory_space<vmem>>, vector<1x16xf32>,
        %get3A_601 = arith.index_cast %scan3A_338 : i32 to index
        %get3A_602 = arith.constant 352 : index
        %get3A_603 = tpu.vector_load %arg6[%get3A_601, %get3A_602] {strides = array<i32>} : memref<40x512xf32, #tpu.memory_space<vmem>>, vector<1x16xf32>,
        %get3A_604 = vector.shape_cast %get3A_603 : vector<1x16xf32> to vector<16xf32>
        %mul3A_605 = arith.constant 22.6274166 : f32
        %mul3A_606 = vector.broadcast %mul3A_605 : f32 to vector<16xf32>
        %mul3A_607 = arith.mulf %get3A_604, %mul3A_606 : vector<16xf32>
        %swap3A_608 = arith.index_cast %scan3A_338 : i32 to index
        %swap3A_609 = arith.constant 352 : index
        %swap3A_610 = tpu.vector_load %arg6[%swap3A_608, %swap3A_609] {strides = array<i32>} : memref<40x512xf32, #tpu.memory_space<vmem>>, vector<1x16xf32>,
        %swap3A_611 = vector.shape_cast %swap3A_610 : vector<1x16xf32> to vector<16xf32>
        %swap3A_612 = vector.shape_cast %mul3A_607 : vector<16xf32> to vector<1x16xf32>
        tpu.vector_store %arg6[%swap3A_608, %swap3A_609], %swap3A_612 {strides = array<i32>} : memref<40x512xf32, #tpu.memory_space<vmem>>, vector<1x16xf32>,
        %get3A_613 = arith.index_cast %scan3A_338 : i32 to index
        %get3A_614 = arith.constant 368 : index
        %get3A_615 = tpu.vector_load %arg6[%get3A_613, %get3A_614] {strides = array<i32>} : memref<40x512xf32, #tpu.memory_space<vmem>>, vector<1x16xf32>,
        %get3A_616 = vector.shape_cast %get3A_615 : vector<1x16xf32> to vector<16xf32>
        %mul3A_617 = arith.constant 22.6274166 : f32
        %mul3A_618 = vector.broadcast %mul3A_617 : f32 to vector<16xf32>
        %mul3A_619 = arith.mulf %get3A_616, %mul3A_618 : vector<16xf32>
        %swap3A_620 = arith.index_cast %scan3A_338 : i32 to index
        %swap3A_621 = arith.constant 368 : index
        %swap3A_622 = tpu.vector_load %arg6[%swap3A_620, %swap3A_621] {strides = array<i32>} : memref<40x512xf32, #tpu.memory_space<vmem>>, vector<1x16xf32>,
        %swap3A_623 = vector.shape_cast %swap3A_622 : vector<1x16xf32> to vector<16xf32>
        %swap3A_624 = vector.shape_cast %mul3A_619 : vector<16xf32> to vector<1x16xf32>
        tpu.vector_store %arg6[%swap3A_620, %swap3A_621], %swap3A_624 {strides = array<i32>} : memref<40x512xf32, #tpu.memory_space<vmem>>, vector<1x16xf32>,
        %get3A_625 = arith.index_cast %scan3A_338 : i32 to index
        %get3A_626 = arith.constant 384 : index
        %get3A_627 = tpu.vector_load %arg6[%get3A_625, %get3A_626] {strides = array<i32>} : memref<40x512xf32, #tpu.memory_space<vmem>>, vector<1x16xf32>,
        %get3A_628 = vector.shape_cast %get3A_627 : vector<1x16xf32> to vector<16xf32>
        %mul3A_629 = arith.constant 22.6274166 : f32
        %mul3A_630 = vector.broadcast %mul3A_629 : f32 to vector<16xf32>
        %mul3A_631 = arith.mulf %get3A_628, %mul3A_630 : vector<16xf32>
        %swap3A_632 = arith.index_cast %scan3A_338 : i32 to index
        %swap3A_633 = arith.constant 384 : index
        %swap3A_634 = tpu.vector_load %arg6[%swap3A_632, %swap3A_633] {strides = array<i32>} : memref<40x512xf32, #tpu.memory_space<vmem>>, vector<1x16xf32>,
        %swap3A_635 = vector.shape_cast %swap3A_634 : vector<1x16xf32> to vector<16xf32>
        %swap3A_636 = vector.shape_cast %mul3A_631 : vector<16xf32> to vector<1x16xf32>
        tpu.vector_store %arg6[%swap3A_632, %swap3A_633], %swap3A_636 {strides = array<i32>} : memref<40x512xf32, #tpu.memory_space<vmem>>, vector<1x16xf32>,
        %get3A_637 = arith.index_cast %scan3A_338 : i32 to index
        %get3A_638 = arith.constant 400 : index
        %get3A_639 = tpu.vector_load %arg6[%get3A_637, %get3A_638] {strides = array<i32>} : memref<40x512xf32, #tpu.memory_space<vmem>>, vector<1x16xf32>,
        %get3A_640 = vector.shape_cast %get3A_639 : vector<1x16xf32> to vector<16xf32>
        %mul3A_641 = arith.constant 22.6274166 : f32
        %mul3A_642 = vector.broadcast %mul3A_641 : f32 to vector<16xf32>
        %mul3A_643 = arith.mulf %get3A_640, %mul3A_642 : vector<16xf32>
        %swap3A_644 = arith.index_cast %scan3A_338 : i32 to index
        %swap3A_645 = arith.constant 400 : index
        %swap3A_646 = tpu.vector_load %arg6[%swap3A_644, %swap3A_645] {strides = array<i32>} : memref<40x512xf32, #tpu.memory_space<vmem>>, vector<1x16xf32>,
        %swap3A_647 = vector.shape_cast %swap3A_646 : vector<1x16xf32> to vector<16xf32>
        %swap3A_648 = vector.shape_cast %mul3A_643 : vector<16xf32> to vector<1x16xf32>
        tpu.vector_store %arg6[%swap3A_644, %swap3A_645], %swap3A_648 {strides = array<i32>} : memref<40x512xf32, #tpu.memory_space<vmem>>, vector<1x16xf32>,
        %get3A_649 = arith.index_cast %scan3A_338 : i32 to index
        %get3A_650 = arith.constant 416 : index
        %get3A_651 = tpu.vector_load %arg6[%get3A_649, %get3A_650] {strides = array<i32>} : memref<40x512xf32, #tpu.memory_space<vmem>>, vector<1x16xf32>,
        %get3A_652 = vector.shape_cast %get3A_651 : vector<1x16xf32> to vector<16xf32>
        %mul3A_653 = arith.constant 22.6274166 : f32
        %mul3A_654 = vector.broadcast %mul3A_653 : f32 to vector<16xf32>
        %mul3A_655 = arith.mulf %get3A_652, %mul3A_654 : vector<16xf32>
        %swap3A_656 = arith.index_cast %scan3A_338 : i32 to index
        %swap3A_657 = arith.constant 416 : index
        %swap3A_658 = tpu.vector_load %arg6[%swap3A_656, %swap3A_657] {strides = array<i32>} : memref<40x512xf32, #tpu.memory_space<vmem>>, vector<1x16xf32>,
        %swap3A_659 = vector.shape_cast %swap3A_658 : vector<1x16xf32> to vector<16xf32>
        %swap3A_660 = vector.shape_cast %mul3A_655 : vector<16xf32> to vector<1x16xf32>
        tpu.vector_store %arg6[%swap3A_656, %swap3A_657], %swap3A_660 {strides = array<i32>} : memref<40x512xf32, #tpu.memory_space<vmem>>, vector<1x16xf32>,
        %get3A_661 = arith.index_cast %scan3A_338 : i32 to index
        %get3A_662 = arith.constant 432 : index
        %get3A_663 = tpu.vector_load %arg6[%get3A_661, %get3A_662] {strides = array<i32>} : memref<40x512xf32, #tpu.memory_space<vmem>>, vector<1x16xf32>,
        %get3A_664 = vector.shape_cast %get3A_663 : vector<1x16xf32> to vector<16xf32>
        %mul3A_665 = arith.constant 22.6274166 : f32
        %mul3A_666 = vector.broadcast %mul3A_665 : f32 to vector<16xf32>
        %mul3A_667 = arith.mulf %get3A_664, %mul3A_666 : vector<16xf32>
        %swap3A_668 = arith.index_cast %scan3A_338 : i32 to index
        %swap3A_669 = arith.constant 432 : index
        %swap3A_670 = tpu.vector_load %arg6[%swap3A_668, %swap3A_669] {strides = array<i32>} : memref<40x512xf32, #tpu.memory_space<vmem>>, vector<1x16xf32>,
        %swap3A_671 = vector.shape_cast %swap3A_670 : vector<1x16xf32> to vector<16xf32>
        %swap3A_672 = vector.shape_cast %mul3A_667 : vector<16xf32> to vector<1x16xf32>
        tpu.vector_store %arg6[%swap3A_668, %swap3A_669], %swap3A_672 {strides = array<i32>} : memref<40x512xf32, #tpu.memory_space<vmem>>, vector<1x16xf32>,
        %get3A_673 = arith.index_cast %scan3A_338 : i32 to index
        %get3A_674 = arith.constant 448 : index
        %get3A_675 = tpu.vector_load %arg6[%get3A_673, %get3A_674] {strides = array<i32>} : memref<40x512xf32, #tpu.memory_space<vmem>>, vector<1x16xf32>,
        %get3A_676 = vector.shape_cast %get3A_675 : vector<1x16xf32> to vector<16xf32>
        %mul3A_677 = arith.constant 22.6274166 : f32
        %mul3A_678 = vector.broadcast %mul3A_677 : f32 to vector<16xf32>
        %mul3A_679 = arith.mulf %get3A_676, %mul3A_678 : vector<16xf32>
        %swap3A_680 = arith.index_cast %scan3A_338 : i32 to index
        %swap3A_681 = arith.constant 448 : index
        %swap3A_682 = tpu.vector_load %arg6[%swap3A_680, %swap3A_681] {strides = array<i32>} : memref<40x512xf32, #tpu.memory_space<vmem>>, vector<1x16xf32>,
        %swap3A_683 = vector.shape_cast %swap3A_682 : vector<1x16xf32> to vector<16xf32>
        %swap3A_684 = vector.shape_cast %mul3A_679 : vector<16xf32> to vector<1x16xf32>
        tpu.vector_store %arg6[%swap3A_680, %swap3A_681], %swap3A_684 {strides = array<i32>} : memref<40x512xf32, #tpu.memory_space<vmem>>, vector<1x16xf32>,
        %get3A_685 = arith.index_cast %scan3A_338 : i32 to index
        %get3A_686 = arith.constant 464 : index
        %get3A_687 = tpu.vector_load %arg6[%get3A_685, %get3A_686] {strides = array<i32>} : memref<40x512xf32, #tpu.memory_space<vmem>>, vector<1x16xf32>,
        %get3A_688 = vector.shape_cast %get3A_687 : vector<1x16xf32> to vector<16xf32>
        %mul3A_689 = arith.constant 22.6274166 : f32
        %mul3A_690 = vector.broadcast %mul3A_689 : f32 to vector<16xf32>
        %mul3A_691 = arith.mulf %get3A_688, %mul3A_690 : vector<16xf32>
        %swap3A_692 = arith.index_cast %scan3A_338 : i32 to index
        %swap3A_693 = arith.constant 464 : index
        %swap3A_694 = tpu.vector_load %arg6[%swap3A_692, %swap3A_693] {strides = array<i32>} : memref<40x512xf32, #tpu.memory_space<vmem>>, vector<1x16xf32>,
        %swap3A_695 = vector.shape_cast %swap3A_694 : vector<1x16xf32> to vector<16xf32>
        %swap3A_696 = vector.shape_cast %mul3A_691 : vector<16xf32> to vector<1x16xf32>
        tpu.vector_store %arg6[%swap3A_692, %swap3A_693], %swap3A_696 {strides = array<i32>} : memref<40x512xf32, #tpu.memory_space<vmem>>, vector<1x16xf32>,
        %get3A_697 = arith.index_cast %scan3A_338 : i32 to index
        %get3A_698 = arith.constant 480 : index
        %get3A_699 = tpu.vector_load %arg6[%get3A_697, %get3A_698] {strides = array<i32>} : memref<40x512xf32, #tpu.memory_space<vmem>>, vector<1x16xf32>,
        %get3A_700 = vector.shape_cast %get3A_699 : vector<1x16xf32> to vector<16xf32>
        %mul3A_701 = arith.constant 22.6274166 : f32
        %mul3A_702 = vector.broadcast %mul3A_701 : f32 to vector<16xf32>
        %mul3A_703 = arith.mulf %get3A_700, %mul3A_702 : vector<16xf32>
        %swap3A_704 = arith.index_cast %scan3A_338 : i32 to index
        %swap3A_705 = arith.constant 480 : index
        %swap3A_706 = tpu.vector_load %arg6[%swap3A_704, %swap3A_705] {strides = array<i32>} : memref<40x512xf32, #tpu.memory_space<vmem>>, vector<1x16xf32>,
        %swap3A_707 = vector.shape_cast %swap3A_706 : vector<1x16xf32> to vector<16xf32>
        %swap3A_708 = vector.shape_cast %mul3A_703 : vector<16xf32> to vector<1x16xf32>
        tpu.vector_store %arg6[%swap3A_704, %swap3A_705], %swap3A_708 {strides = array<i32>} : memref<40x512xf32, #tpu.memory_space<vmem>>, vector<1x16xf32>,
        %get3A_709 = arith.index_cast %scan3A_338 : i32 to index
        %get3A_710 = arith.constant 496 : index
        %get3A_711 = tpu.vector_load %arg6[%get3A_709, %get3A_710] {strides = array<i32>} : memref<40x512xf32, #tpu.memory_space<vmem>>, vector<1x16xf32>,
        %get3A_712 = vector.shape_cast %get3A_711 : vector<1x16xf32> to vector<16xf32>
        %mul3A_713 = arith.constant 22.6274166 : f32
        %mul3A_714 = vector.broadcast %mul3A_713 : f32 to vector<16xf32>
        %mul3A_715 = arith.mulf %get3A_712, %mul3A_714 : vector<16xf32>
        %swap3A_716 = arith.index_cast %scan3A_338 : i32 to index
        %swap3A_717 = arith.constant 496 : index
        %swap3A_718 = tpu.vector_load %arg6[%swap3A_716, %swap3A_717] {strides = array<i32>} : memref<40x512xf32, #tpu.memory_space<vmem>>, vector<1x16xf32>,
        %swap3A_719 = vector.shape_cast %swap3A_718 : vector<1x16xf32> to vector<16xf32>
        %swap3A_720 = vector.shape_cast %mul3A_715 : vector<16xf32> to vector<1x16xf32>
        tpu.vector_store %arg6[%swap3A_716, %swap3A_717], %swap3A_720 {strides = array<i32>} : memref<40x512xf32, #tpu.memory_space<vmem>>, vector<1x16xf32>,
      }
      %scan3A_120 = arith.constant 40 : i32
      %mul3A_121 = arith.constant 40 : i32
      %mul3A_122 = arith.muli %add3A_90, %mul3A_121 : i32
      %add3A_123 = arith.addi %mul3A_2, %mul3A_122 : i32
      %dma_start3A_124 = arith.constant 0 : i32
      %dma_start3A_125 = tpu.memref_slice %arg4[%add3A_123, %dma_start3A_124] : memref<204800x512xf32, #tpu.memory_space<hbm>> -> memref<40x512xf32, #tpu.memory_space<hbm>>
      %dma_start3A_126 = arith.constant 0 : i32
      %dma_start3A_127 = tpu.memref_slice %arg4[%add3A_123, %dma_start3A_126] : memref<204800x512xf32, #tpu.memory_space<hbm>> -> memref<40x512xf32, #tpu.memory_space<hbm>>
      tpu.enqueue_dma source(%arg6 : memref<40x512xf32, #tpu.memory_space<vmem>>) target(%dma_start3A_127 : memref<40x512xf32, #tpu.memory_space<hbm>>) target_semaphore(%arg26 : memref<!tpu.dma_semaphore, #tpu.memory_space<semaphore_mem>>)
      %ge3A = arith.constant 2 : i32
      %ge3A_128 = arith.cmpi sge, %add3A_90, %ge3A : i32
      %convert_element_type3A = arith.extui %ge3A_128 : i1 to i32
      %cond3A = arith.constant 0 : i32
      %cond3A_129 = arith.cmpi ne, %convert_element_type3A, %cond3A : i32
      scf.if %cond3A_129 {
        %dma_wait3A_338 = arith.constant 0 : i32
        %dma_wait3A_339 = tpu.memref_slice %arg4[%mul3A_2, %dma_wait3A_338] : memref<204800x512xf32, #tpu.memory_space<hbm>> -> memref<40x512xf32, #tpu.memory_space<hbm>>
        %dma_wait3A_340 = arith.constant 0 : i32
        %dma_wait3A_341 = tpu.memref_slice %arg4[%mul3A_2, %dma_wait3A_340] : memref<204800x512xf32, #tpu.memory_space<hbm>> -> memref<40x512xf32, #tpu.memory_space<hbm>>
        tpu.wait_dma2 semaphore(%arg29 : memref<!tpu.dma_semaphore, #tpu.memory_space<semaphore_mem>>) src(%arg9 : memref<40x512xf32, #tpu.memory_space<vmem>>) dst(%dma_wait3A_341 : memref<40x512xf32, #tpu.memory_space<hbm>>)
      } else {
      }
      %lt3A = arith.constant 157 : i32
      %lt3A_130 = arith.cmpi slt, %add3A_90, %lt3A : i32
      %convert_element_type3A_131 = arith.extui %lt3A_130 : i1 to i32
      %cond3A_132 = arith.constant 0 : i32
      %cond3A_133 = arith.cmpi ne, %convert_element_type3A_131, %cond3A_132 : i32
      scf.if %cond3A_133 {
        %add3A_338 = arith.constant 3 : i32
        %add3A_339 = arith.addi %add3A_90, %add3A_338 : i32
        %mul3A_340 = arith.constant 40 : i32
        %mul3A_341 = arith.muli %add3A_339, %mul3A_340 : i32
        %dma_start3A_342 = arith.constant 0 : i32
        %dma_start3A_343 = arith.constant 0 : i32
        %dma_start3A_344 = tpu.memref_slice %arg9[%dma_start3A_342, %dma_start3A_343] : memref<40x512xf32, #tpu.memory_space<vmem>> -> memref<16x512xf32, #tpu.memory_space<vmem>>
        %dma_start3A_345 = tpu.memref_slice %arg5[%mul3A_341] : memref<6400xi32, #tpu.memory_space<vmem>> -> memref<16xi32, #tpu.memory_space<vmem>>
        %dma_start3A_346 = arith.constant 0 : i32
        %dma_start3A_347 = arith.constant 0 : i32
        %dma_start3A_348 = tpu.memref_slice %arg3[%dma_start3A_346, %dma_start3A_347] : memref<100000x512xf32, #tpu.memory_space<hbm>> -> memref<100000x512xf32, #tpu.memory_space<hbm>>
        tpu.enqueue_indirect_dma source(%dma_start3A_348 : memref<100000x512xf32, #tpu.memory_space<hbm>>) target(%dma_start3A_344 : memref<16x512xf32, #tpu.memory_space<vmem>>) offsets(%dma_start3A_345 : memref<16xi32, #tpu.memory_space<vmem>>) semaphore(%arg14 : memref<!tpu.dma_semaphore, #tpu.memory_space<semaphore_mem>>)
        %mul3A_349 = arith.constant 40 : i32
        %mul3A_350 = arith.muli %add3A_339, %mul3A_349 : i32
        %add3A_351 = arith.constant 16 : i32
        %add3A_352 = arith.addi %mul3A_350, %add3A_351 : i32
        %dma_start3A_353 = arith.constant 16 : i32
        %dma_start3A_354 = arith.constant 0 : i32
        %dma_start3A_355 = tpu.memref_slice %arg9[%dma_start3A_353, %dma_start3A_354] : memref<40x512xf32, #tpu.memory_space<vmem>> -> memref<16x512xf32, #tpu.memory_space<vmem>>
        %dma_start3A_356 = tpu.memref_slice %arg5[%add3A_352] : memref<6400xi32, #tpu.memory_space<vmem>> -> memref<16xi32, #tpu.memory_space<vmem>>
        %dma_start3A_357 = arith.constant 0 : i32
        %dma_start3A_358 = arith.constant 0 : i32
        %dma_start3A_359 = tpu.memref_slice %arg3[%dma_start3A_357, %dma_start3A_358] : memref<100000x512xf32, #tpu.memory_space<hbm>> -> memref<100000x512xf32, #tpu.memory_space<hbm>>
        tpu.enqueue_indirect_dma source(%dma_start3A_359 : memref<100000x512xf32, #tpu.memory_space<hbm>>) target(%dma_start3A_355 : memref<16x512xf32, #tpu.memory_space<vmem>>) offsets(%dma_start3A_356 : memref<16xi32, #tpu.memory_space<vmem>>) semaphore(%arg19 : memref<!tpu.dma_semaphore, #tpu.memory_space<semaphore_mem>>)
        %mul3A_360 = arith.constant 40 : i32
        %mul3A_361 = arith.muli %add3A_339, %mul3A_360 : i32
        %add3A_362 = arith.constant 16 : i32
        %add3A_363 = arith.addi %mul3A_361, %add3A_362 : i32
        %add3A_364 = arith.constant 16 : i32
        %add3A_365 = arith.addi %add3A_363, %add3A_364 : i32
        %dma_start3A_366 = arith.constant 32 : i32
        %dma_start3A_367 = arith.constant 0 : i32
        %dma_start3A_368 = tpu.memref_slice %arg9[%dma_start3A_366, %dma_start3A_367] : memref<40x512xf32, #tpu.memory_space<vmem>> -> memref<8x512xf32, #tpu.memory_space<vmem>>
        %dma_start3A_369 = tpu.memref_slice %arg5[%add3A_365] : memref<6400xi32, #tpu.memory_space<vmem>> -> memref<8xi32, #tpu.memory_space<vmem>>
        %dma_start3A_370 = arith.constant 0 : i32
        %dma_start3A_371 = arith.constant 0 : i32
        %dma_start3A_372 = tpu.memref_slice %arg3[%dma_start3A_370, %dma_start3A_371] : memref<100000x512xf32, #tpu.memory_space<hbm>> -> memref<100000x512xf32, #tpu.memory_space<hbm>>
        tpu.enqueue_indirect_dma source(%dma_start3A_372 : memref<100000x512xf32, #tpu.memory_space<hbm>>) target(%dma_start3A_368 : memref<8x512xf32, #tpu.memory_space<vmem>>) offsets(%dma_start3A_369 : memref<8xi32, #tpu.memory_space<vmem>>) semaphore(%arg24 : memref<!tpu.dma_semaphore, #tpu.memory_space<semaphore_mem>>)
      } else {
      }
      %mul3A_134 = arith.constant 5 : i32
      %mul3A_135 = arith.muli %mul3A_134, %scan3A_86 : i32
      %add3A_136 = arith.constant 1 : i32
      %add3A_137 = arith.addi %mul3A_135, %add3A_136 : i32
      %dma_wait3A_138 = arith.constant 0 : i32
      %dma_wait3A_139 = arith.constant 0 : i32
      %dma_wait3A_140 = tpu.memref_slice %arg7[%dma_wait3A_138, %dma_wait3A_139] : memref<40x512xf32, #tpu.memory_space<vmem>> -> memref<16x512xf32, #tpu.memory_space<vmem>>
      %dma_wait3A_141 = arith.constant 0 : i32
      %dma_wait3A_142 = tpu.memref_slice %arg5[%dma_wait3A_141] : memref<6400xi32, #tpu.memory_space<vmem>> -> memref<16xi32, #tpu.memory_space<vmem>>
      %dma_wait3A_143 = arith.constant 0 : i32
      %dma_wait3A_144 = arith.constant 0 : i32
      %dma_wait3A_145 = tpu.memref_slice %arg3[%dma_wait3A_143, %dma_wait3A_144] : memref<100000x512xf32, #tpu.memory_space<hbm>> -> memref<100000x512xf32, #tpu.memory_space<hbm>>
      tpu.wait_indirect_dma semaphore(%arg12 : memref<!tpu.dma_semaphore, #tpu.memory_space<semaphore_mem>>) src(%dma_wait3A_145 : memref<100000x512xf32, #tpu.memory_space<hbm>>) dst(%dma_wait3A_140 : memref<16x512xf32, #tpu.memory_space<vmem>>)
      %dma_wait3A_146 = arith.constant 16 : i32
      %dma_wait3A_147 = arith.constant 0 : i32
      %dma_wait3A_148 = tpu.memref_slice %arg7[%dma_wait3A_146, %dma_wait3A_147] : memref<40x512xf32, #tpu.memory_space<vmem>> -> memref<16x512xf32, #tpu.memory_space<vmem>>
      %dma_wait3A_149 = arith.constant 0 : i32
      %dma_wait3A_150 = tpu.memref_slice %arg5[%dma_wait3A_149] : memref<6400xi32, #tpu.memory_space<vmem>> -> memref<16xi32, #tpu.memory_space<vmem>>
      %dma_wait3A_151 = arith.constant 0 : i32
      %dma_wait3A_152 = arith.constant 0 : i32
      %dma_wait3A_153 = tpu.memref_slice %arg3[%dma_wait3A_151, %dma_wait3A_152] : memref<100000x512xf32, #tpu.memory_space<hbm>> -> memref<100000x512xf32, #tpu.memory_space<hbm>>
      tpu.wait_indirect_dma semaphore(%arg17 : memref<!tpu.dma_semaphore, #tpu.memory_space<semaphore_mem>>) src(%dma_wait3A_153 : memref<100000x512xf32, #tpu.memory_space<hbm>>) dst(%dma_wait3A_148 : memref<16x512xf32, #tpu.memory_space<vmem>>)
      %dma_wait3A_154 = arith.constant 32 : i32
      %dma_wait3A_155 = arith.constant 0 : i32
      %dma_wait3A_156 = tpu.memref_slice %arg7[%dma_wait3A_154, %dma_wait3A_155] : memref<40x512xf32, #tpu.memory_space<vmem>> -> memref<8x512xf32, #tpu.memory_space<vmem>>
      %dma_wait3A_157 = arith.constant 0 : i32
      %dma_wait3A_158 = tpu.memref_slice %arg5[%dma_wait3A_157] : memref<6400xi32, #tpu.memory_space<vmem>> -> memref<8xi32, #tpu.memory_space<vmem>>
      %dma_wait3A_159 = arith.constant 0 : i32
      %dma_wait3A_160 = arith.constant 0 : i32
      %dma_wait3A_161 = tpu.memref_slice %arg3[%dma_wait3A_159, %dma_wait3A_160] : memref<100000x512xf32, #tpu.memory_space<hbm>> -> memref<100000x512xf32, #tpu.memory_space<hbm>>
      tpu.wait_indirect_dma semaphore(%arg22 : memref<!tpu.dma_semaphore, #tpu.memory_space<semaphore_mem>>) src(%dma_wait3A_161 : memref<100000x512xf32, #tpu.memory_space<hbm>>) dst(%dma_wait3A_156 : memref<8x512xf32, #tpu.memory_space<vmem>>)
      %scan3A_162 = arith.constant 0 : i32
      %scan3A_163 = arith.constant 0 : i32
      %scan3A_164 = arith.constant 40 : i32
      %scan3A_165 = arith.addi %scan3A_163, %scan3A_164 : i32
      %scan3A_166 = arith.constant 1 : i32
      scf.for %scan3A_338 = %scan3A_163 to %scan3A_165 step %scan3A_166  : i32 {
        %get3A = arith.index_cast %scan3A_338 : i32 to index
        %get3A_339 = arith.constant 0 : index
        %get3A_340 = tpu.vector_load %arg7[%get3A, %get3A_339] {strides = array<i32>} : memref<40x512xf32, #tpu.memory_space<vmem>>, vector<1x16xf32>,
        %get3A_341 = vector.shape_cast %get3A_340 : vector<1x16xf32> to vector<16xf32>
        %mul3A_342 = arith.constant 22.6274166 : f32
        %mul3A_343 = vector.broadcast %mul3A_342 : f32 to vector<16xf32>
        %mul3A_344 = arith.mulf %get3A_341, %mul3A_343 : vector<16xf32>
        %swap3A = arith.index_cast %scan3A_338 : i32 to index
        %swap3A_345 = arith.constant 0 : index
        %swap3A_346 = tpu.vector_load %arg7[%swap3A, %swap3A_345] {strides = array<i32>} : memref<40x512xf32, #tpu.memory_space<vmem>>, vector<1x16xf32>,
        %swap3A_347 = vector.shape_cast %swap3A_346 : vector<1x16xf32> to vector<16xf32>
        %swap3A_348 = vector.shape_cast %mul3A_344 : vector<16xf32> to vector<1x16xf32>
        tpu.vector_store %arg7[%swap3A, %swap3A_345], %swap3A_348 {strides = array<i32>} : memref<40x512xf32, #tpu.memory_space<vmem>>, vector<1x16xf32>,
        %get3A_349 = arith.index_cast %scan3A_338 : i32 to index
        %get3A_350 = arith.constant 16 : index
        %get3A_351 = tpu.vector_load %arg7[%get3A_349, %get3A_350] {strides = array<i32>} : memref<40x512xf32, #tpu.memory_space<vmem>>, vector<1x16xf32>,
        %get3A_352 = vector.shape_cast %get3A_351 : vector<1x16xf32> to vector<16xf32>
        %mul3A_353 = arith.constant 22.6274166 : f32
        %mul3A_354 = vector.broadcast %mul3A_353 : f32 to vector<16xf32>
        %mul3A_355 = arith.mulf %get3A_352, %mul3A_354 : vector<16xf32>
        %swap3A_356 = arith.index_cast %scan3A_338 : i32 to index
        %swap3A_357 = arith.constant 16 : index
        %swap3A_358 = tpu.vector_load %arg7[%swap3A_356, %swap3A_357] {strides = array<i32>} : memref<40x512xf32, #tpu.memory_space<vmem>>, vector<1x16xf32>,
        %swap3A_359 = vector.shape_cast %swap3A_358 : vector<1x16xf32> to vector<16xf32>
        %swap3A_360 = vector.shape_cast %mul3A_355 : vector<16xf32> to vector<1x16xf32>
        tpu.vector_store %arg7[%swap3A_356, %swap3A_357], %swap3A_360 {strides = array<i32>} : memref<40x512xf32, #tpu.memory_space<vmem>>, vector<1x16xf32>,
        %get3A_361 = arith.index_cast %scan3A_338 : i32 to index
        %get3A_362 = arith.constant 32 : index
        %get3A_363 = tpu.vector_load %arg7[%get3A_361, %get3A_362] {strides = array<i32>} : memref<40x512xf32, #tpu.memory_space<vmem>>, vector<1x16xf32>,
        %get3A_364 = vector.shape_cast %get3A_363 : vector<1x16xf32> to vector<16xf32>
        %mul3A_365 = arith.constant 22.6274166 : f32
        %mul3A_366 = vector.broadcast %mul3A_365 : f32 to vector<16xf32>
        %mul3A_367 = arith.mulf %get3A_364, %mul3A_366 : vector<16xf32>
        %swap3A_368 = arith.index_cast %scan3A_338 : i32 to index
        %swap3A_369 = arith.constant 32 : index
        %swap3A_370 = tpu.vector_load %arg7[%swap3A_368, %swap3A_369] {strides = array<i32>} : memref<40x512xf32, #tpu.memory_space<vmem>>, vector<1x16xf32>,
        %swap3A_371 = vector.shape_cast %swap3A_370 : vector<1x16xf32> to vector<16xf32>
        %swap3A_372 = vector.shape_cast %mul3A_367 : vector<16xf32> to vector<1x16xf32>
        tpu.vector_store %arg7[%swap3A_368, %swap3A_369], %swap3A_372 {strides = array<i32>} : memref<40x512xf32, #tpu.memory_space<vmem>>, vector<1x16xf32>,
        %get3A_373 = arith.index_cast %scan3A_338 : i32 to index
        %get3A_374 = arith.constant 48 : index
        %get3A_375 = tpu.vector_load %arg7[%get3A_373, %get3A_374] {strides = array<i32>} : memref<40x512xf32, #tpu.memory_space<vmem>>, vector<1x16xf32>,
        %get3A_376 = vector.shape_cast %get3A_375 : vector<1x16xf32> to vector<16xf32>
        %mul3A_377 = arith.constant 22.6274166 : f32
        %mul3A_378 = vector.broadcast %mul3A_377 : f32 to vector<16xf32>
        %mul3A_379 = arith.mulf %get3A_376, %mul3A_378 : vector<16xf32>
        %swap3A_380 = arith.index_cast %scan3A_338 : i32 to index
        %swap3A_381 = arith.constant 48 : index
        %swap3A_382 = tpu.vector_load %arg7[%swap3A_380, %swap3A_381] {strides = array<i32>} : memref<40x512xf32, #tpu.memory_space<vmem>>, vector<1x16xf32>,
        %swap3A_383 = vector.shape_cast %swap3A_382 : vector<1x16xf32> to vector<16xf32>
        %swap3A_384 = vector.shape_cast %mul3A_379 : vector<16xf32> to vector<1x16xf32>
        tpu.vector_store %arg7[%swap3A_380, %swap3A_381], %swap3A_384 {strides = array<i32>} : memref<40x512xf32, #tpu.memory_space<vmem>>, vector<1x16xf32>,
        %get3A_385 = arith.index_cast %scan3A_338 : i32 to index
        %get3A_386 = arith.constant 64 : index
        %get3A_387 = tpu.vector_load %arg7[%get3A_385, %get3A_386] {strides = array<i32>} : memref<40x512xf32, #tpu.memory_space<vmem>>, vector<1x16xf32>,
        %get3A_388 = vector.shape_cast %get3A_387 : vector<1x16xf32> to vector<16xf32>
        %mul3A_389 = arith.constant 22.6274166 : f32
        %mul3A_390 = vector.broadcast %mul3A_389 : f32 to vector<16xf32>
        %mul3A_391 = arith.mulf %get3A_388, %mul3A_390 : vector<16xf32>
        %swap3A_392 = arith.index_cast %scan3A_338 : i32 to index
        %swap3A_393 = arith.constant 64 : index
        %swap3A_394 = tpu.vector_load %arg7[%swap3A_392, %swap3A_393] {strides = array<i32>} : memref<40x512xf32, #tpu.memory_space<vmem>>, vector<1x16xf32>,
        %swap3A_395 = vector.shape_cast %swap3A_394 : vector<1x16xf32> to vector<16xf32>
        %swap3A_396 = vector.shape_cast %mul3A_391 : vector<16xf32> to vector<1x16xf32>
        tpu.vector_store %arg7[%swap3A_392, %swap3A_393], %swap3A_396 {strides = array<i32>} : memref<40x512xf32, #tpu.memory_space<vmem>>, vector<1x16xf32>,
        %get3A_397 = arith.index_cast %scan3A_338 : i32 to index
        %get3A_398 = arith.constant 80 : index
        %get3A_399 = tpu.vector_load %arg7[%get3A_397, %get3A_398] {strides = array<i32>} : memref<40x512xf32, #tpu.memory_space<vmem>>, vector<1x16xf32>,
        %get3A_400 = vector.shape_cast %get3A_399 : vector<1x16xf32> to vector<16xf32>
        %mul3A_401 = arith.constant 22.6274166 : f32
        %mul3A_402 = vector.broadcast %mul3A_401 : f32 to vector<16xf32>
        %mul3A_403 = arith.mulf %get3A_400, %mul3A_402 : vector<16xf32>
        %swap3A_404 = arith.index_cast %scan3A_338 : i32 to index
        %swap3A_405 = arith.constant 80 : index
        %swap3A_406 = tpu.vector_load %arg7[%swap3A_404, %swap3A_405] {strides = array<i32>} : memref<40x512xf32, #tpu.memory_space<vmem>>, vector<1x16xf32>,
        %swap3A_407 = vector.shape_cast %swap3A_406 : vector<1x16xf32> to vector<16xf32>
        %swap3A_408 = vector.shape_cast %mul3A_403 : vector<16xf32> to vector<1x16xf32>
        tpu.vector_store %arg7[%swap3A_404, %swap3A_405], %swap3A_408 {strides = array<i32>} : memref<40x512xf32, #tpu.memory_space<vmem>>, vector<1x16xf32>,
        %get3A_409 = arith.index_cast %scan3A_338 : i32 to index
        %get3A_410 = arith.constant 96 : index
        %get3A_411 = tpu.vector_load %arg7[%get3A_409, %get3A_410] {strides = array<i32>} : memref<40x512xf32, #tpu.memory_space<vmem>>, vector<1x16xf32>,
        %get3A_412 = vector.shape_cast %get3A_411 : vector<1x16xf32> to vector<16xf32>
        %mul3A_413 = arith.constant 22.6274166 : f32
        %mul3A_414 = vector.broadcast %mul3A_413 : f32 to vector<16xf32>
        %mul3A_415 = arith.mulf %get3A_412, %mul3A_414 : vector<16xf32>
        %swap3A_416 = arith.index_cast %scan3A_338 : i32 to index
        %swap3A_417 = arith.constant 96 : index
        %swap3A_418 = tpu.vector_load %arg7[%swap3A_416, %swap3A_417] {strides = array<i32>} : memref<40x512xf32, #tpu.memory_space<vmem>>, vector<1x16xf32>,
        %swap3A_419 = vector.shape_cast %swap3A_418 : vector<1x16xf32> to vector<16xf32>
        %swap3A_420 = vector.shape_cast %mul3A_415 : vector<16xf32> to vector<1x16xf32>
        tpu.vector_store %arg7[%swap3A_416, %swap3A_417], %swap3A_420 {strides = array<i32>} : memref<40x512xf32, #tpu.memory_space<vmem>>, vector<1x16xf32>,
        %get3A_421 = arith.index_cast %scan3A_338 : i32 to index
        %get3A_422 = arith.constant 112 : index
        %get3A_423 = tpu.vector_load %arg7[%get3A_421, %get3A_422] {strides = array<i32>} : memref<40x512xf32, #tpu.memory_space<vmem>>, vector<1x16xf32>,
        %get3A_424 = vector.shape_cast %get3A_423 : vector<1x16xf32> to vector<16xf32>
        %mul3A_425 = arith.constant 22.6274166 : f32
        %mul3A_426 = vector.broadcast %mul3A_425 : f32 to vector<16xf32>
        %mul3A_427 = arith.mulf %get3A_424, %mul3A_426 : vector<16xf32>
        %swap3A_428 = arith.index_cast %scan3A_338 : i32 to index
        %swap3A_429 = arith.constant 112 : index
        %swap3A_430 = tpu.vector_load %arg7[%swap3A_428, %swap3A_429] {strides = array<i32>} : memref<40x512xf32, #tpu.memory_space<vmem>>, vector<1x16xf32>,
        %swap3A_431 = vector.shape_cast %swap3A_430 : vector<1x16xf32> to vector<16xf32>
        %swap3A_432 = vector.shape_cast %mul3A_427 : vector<16xf32> to vector<1x16xf32>
        tpu.vector_store %arg7[%swap3A_428, %swap3A_429], %swap3A_432 {strides = array<i32>} : memref<40x512xf32, #tpu.memory_space<vmem>>, vector<1x16xf32>,
        %get3A_433 = arith.index_cast %scan3A_338 : i32 to index
        %get3A_434 = arith.constant 128 : index
        %get3A_435 = tpu.vector_load %arg7[%get3A_433, %get3A_434] {strides = array<i32>} : memref<40x512xf32, #tpu.memory_space<vmem>>, vector<1x16xf32>,
        %get3A_436 = vector.shape_cast %get3A_435 : vector<1x16xf32> to vector<16xf32>
        %mul3A_437 = arith.constant 22.6274166 : f32
        %mul3A_438 = vector.broadcast %mul3A_437 : f32 to vector<16xf32>
        %mul3A_439 = arith.mulf %get3A_436, %mul3A_438 : vector<16xf32>
        %swap3A_440 = arith.index_cast %scan3A_338 : i32 to index
        %swap3A_441 = arith.constant 128 : index
        %swap3A_442 = tpu.vector_load %arg7[%swap3A_440, %swap3A_441] {strides = array<i32>} : memref<40x512xf32, #tpu.memory_space<vmem>>, vector<1x16xf32>,
        %swap3A_443 = vector.shape_cast %swap3A_442 : vector<1x16xf32> to vector<16xf32>
        %swap3A_444 = vector.shape_cast %mul3A_439 : vector<16xf32> to vector<1x16xf32>
        tpu.vector_store %arg7[%swap3A_440, %swap3A_441], %swap3A_444 {strides = array<i32>} : memref<40x512xf32, #tpu.memory_space<vmem>>, vector<1x16xf32>,
        %get3A_445 = arith.index_cast %scan3A_338 : i32 to index
        %get3A_446 = arith.constant 144 : index
        %get3A_447 = tpu.vector_load %arg7[%get3A_445, %get3A_446] {strides = array<i32>} : memref<40x512xf32, #tpu.memory_space<vmem>>, vector<1x16xf32>,
        %get3A_448 = vector.shape_cast %get3A_447 : vector<1x16xf32> to vector<16xf32>
        %mul3A_449 = arith.constant 22.6274166 : f32
        %mul3A_450 = vector.broadcast %mul3A_449 : f32 to vector<16xf32>
        %mul3A_451 = arith.mulf %get3A_448, %mul3A_450 : vector<16xf32>
        %swap3A_452 = arith.index_cast %scan3A_338 : i32 to index
        %swap3A_453 = arith.constant 144 : index
        %swap3A_454 = tpu.vector_load %arg7[%swap3A_452, %swap3A_453] {strides = array<i32>} : memref<40x512xf32, #tpu.memory_space<vmem>>, vector<1x16xf32>,
        %swap3A_455 = vector.shape_cast %swap3A_454 : vector<1x16xf32> to vector<16xf32>
        %swap3A_456 = vector.shape_cast %mul3A_451 : vector<16xf32> to vector<1x16xf32>
        tpu.vector_store %arg7[%swap3A_452, %swap3A_453], %swap3A_456 {strides = array<i32>} : memref<40x512xf32, #tpu.memory_space<vmem>>, vector<1x16xf32>,
        %get3A_457 = arith.index_cast %scan3A_338 : i32 to index
        %get3A_458 = arith.constant 160 : index
        %get3A_459 = tpu.vector_load %arg7[%get3A_457, %get3A_458] {strides = array<i32>} : memref<40x512xf32, #tpu.memory_space<vmem>>, vector<1x16xf32>,
        %get3A_460 = vector.shape_cast %get3A_459 : vector<1x16xf32> to vector<16xf32>
        %mul3A_461 = arith.constant 22.6274166 : f32
        %mul3A_462 = vector.broadcast %mul3A_461 : f32 to vector<16xf32>
        %mul3A_463 = arith.mulf %get3A_460, %mul3A_462 : vector<16xf32>
        %swap3A_464 = arith.index_cast %scan3A_338 : i32 to index
        %swap3A_465 = arith.constant 160 : index
        %swap3A_466 = tpu.vector_load %arg7[%swap3A_464, %swap3A_465] {strides = array<i32>} : memref<40x512xf32, #tpu.memory_space<vmem>>, vector<1x16xf32>,
        %swap3A_467 = vector.shape_cast %swap3A_466 : vector<1x16xf32> to vector<16xf32>
        %swap3A_468 = vector.shape_cast %mul3A_463 : vector<16xf32> to vector<1x16xf32>
        tpu.vector_store %arg7[%swap3A_464, %swap3A_465], %swap3A_468 {strides = array<i32>} : memref<40x512xf32, #tpu.memory_space<vmem>>, vector<1x16xf32>,
        %get3A_469 = arith.index_cast %scan3A_338 : i32 to index
        %get3A_470 = arith.constant 176 : index
        %get3A_471 = tpu.vector_load %arg7[%get3A_469, %get3A_470] {strides = array<i32>} : memref<40x512xf32, #tpu.memory_space<vmem>>, vector<1x16xf32>,
        %get3A_472 = vector.shape_cast %get3A_471 : vector<1x16xf32> to vector<16xf32>
        %mul3A_473 = arith.constant 22.6274166 : f32
        %mul3A_474 = vector.broadcast %mul3A_473 : f32 to vector<16xf32>
        %mul3A_475 = arith.mulf %get3A_472, %mul3A_474 : vector<16xf32>
        %swap3A_476 = arith.index_cast %scan3A_338 : i32 to index
        %swap3A_477 = arith.constant 176 : index
        %swap3A_478 = tpu.vector_load %arg7[%swap3A_476, %swap3A_477] {strides = array<i32>} : memref<40x512xf32, #tpu.memory_space<vmem>>, vector<1x16xf32>,
        %swap3A_479 = vector.shape_cast %swap3A_478 : vector<1x16xf32> to vector<16xf32>
        %swap3A_480 = vector.shape_cast %mul3A_475 : vector<16xf32> to vector<1x16xf32>
        tpu.vector_store %arg7[%swap3A_476, %swap3A_477], %swap3A_480 {strides = array<i32>} : memref<40x512xf32, #tpu.memory_space<vmem>>, vector<1x16xf32>,
        %get3A_481 = arith.index_cast %scan3A_338 : i32 to index
        %get3A_482 = arith.constant 192 : index
        %get3A_483 = tpu.vector_load %arg7[%get3A_481, %get3A_482] {strides = array<i32>} : memref<40x512xf32, #tpu.memory_space<vmem>>, vector<1x16xf32>,
        %get3A_484 = vector.shape_cast %get3A_483 : vector<1x16xf32> to vector<16xf32>
        %mul3A_485 = arith.constant 22.6274166 : f32
        %mul3A_486 = vector.broadcast %mul3A_485 : f32 to vector<16xf32>
        %mul3A_487 = arith.mulf %get3A_484, %mul3A_486 : vector<16xf32>
        %swap3A_488 = arith.index_cast %scan3A_338 : i32 to index
        %swap3A_489 = arith.constant 192 : index
        %swap3A_490 = tpu.vector_load %arg7[%swap3A_488, %swap3A_489] {strides = array<i32>} : memref<40x512xf32, #tpu.memory_space<vmem>>, vector<1x16xf32>,
        %swap3A_491 = vector.shape_cast %swap3A_490 : vector<1x16xf32> to vector<16xf32>
        %swap3A_492 = vector.shape_cast %mul3A_487 : vector<16xf32> to vector<1x16xf32>
        tpu.vector_store %arg7[%swap3A_488, %swap3A_489], %swap3A_492 {strides = array<i32>} : memref<40x512xf32, #tpu.memory_space<vmem>>, vector<1x16xf32>,
        %get3A_493 = arith.index_cast %scan3A_338 : i32 to index
        %get3A_494 = arith.constant 208 : index
        %get3A_495 = tpu.vector_load %arg7[%get3A_493, %get3A_494] {strides = array<i32>} : memref<40x512xf32, #tpu.memory_space<vmem>>, vector<1x16xf32>,
        %get3A_496 = vector.shape_cast %get3A_495 : vector<1x16xf32> to vector<16xf32>
        %mul3A_497 = arith.constant 22.6274166 : f32
        %mul3A_498 = vector.broadcast %mul3A_497 : f32 to vector<16xf32>
        %mul3A_499 = arith.mulf %get3A_496, %mul3A_498 : vector<16xf32>
        %swap3A_500 = arith.index_cast %scan3A_338 : i32 to index
        %swap3A_501 = arith.constant 208 : index
        %swap3A_502 = tpu.vector_load %arg7[%swap3A_500, %swap3A_501] {strides = array<i32>} : memref<40x512xf32, #tpu.memory_space<vmem>>, vector<1x16xf32>,
        %swap3A_503 = vector.shape_cast %swap3A_502 : vector<1x16xf32> to vector<16xf32>
        %swap3A_504 = vector.shape_cast %mul3A_499 : vector<16xf32> to vector<1x16xf32>
        tpu.vector_store %arg7[%swap3A_500, %swap3A_501], %swap3A_504 {strides = array<i32>} : memref<40x512xf32, #tpu.memory_space<vmem>>, vector<1x16xf32>,
        %get3A_505 = arith.index_cast %scan3A_338 : i32 to index
        %get3A_506 = arith.constant 224 : index
        %get3A_507 = tpu.vector_load %arg7[%get3A_505, %get3A_506] {strides = array<i32>} : memref<40x512xf32, #tpu.memory_space<vmem>>, vector<1x16xf32>,
        %get3A_508 = vector.shape_cast %get3A_507 : vector<1x16xf32> to vector<16xf32>
        %mul3A_509 = arith.constant 22.6274166 : f32
        %mul3A_510 = vector.broadcast %mul3A_509 : f32 to vector<16xf32>
        %mul3A_511 = arith.mulf %get3A_508, %mul3A_510 : vector<16xf32>
        %swap3A_512 = arith.index_cast %scan3A_338 : i32 to index
        %swap3A_513 = arith.constant 224 : index
        %swap3A_514 = tpu.vector_load %arg7[%swap3A_512, %swap3A_513] {strides = array<i32>} : memref<40x512xf32, #tpu.memory_space<vmem>>, vector<1x16xf32>,
        %swap3A_515 = vector.shape_cast %swap3A_514 : vector<1x16xf32> to vector<16xf32>
        %swap3A_516 = vector.shape_cast %mul3A_511 : vector<16xf32> to vector<1x16xf32>
        tpu.vector_store %arg7[%swap3A_512, %swap3A_513], %swap3A_516 {strides = array<i32>} : memref<40x512xf32, #tpu.memory_space<vmem>>, vector<1x16xf32>,
        %get3A_517 = arith.index_cast %scan3A_338 : i32 to index
        %get3A_518 = arith.constant 240 : index
        %get3A_519 = tpu.vector_load %arg7[%get3A_517, %get3A_518] {strides = array<i32>} : memref<40x512xf32, #tpu.memory_space<vmem>>, vector<1x16xf32>,
        %get3A_520 = vector.shape_cast %get3A_519 : vector<1x16xf32> to vector<16xf32>
        %mul3A_521 = arith.constant 22.6274166 : f32
        %mul3A_522 = vector.broadcast %mul3A_521 : f32 to vector<16xf32>
        %mul3A_523 = arith.mulf %get3A_520, %mul3A_522 : vector<16xf32>
        %swap3A_524 = arith.index_cast %scan3A_338 : i32 to index
        %swap3A_525 = arith.constant 240 : index
        %swap3A_526 = tpu.vector_load %arg7[%swap3A_524, %swap3A_525] {strides = array<i32>} : memref<40x512xf32, #tpu.memory_space<vmem>>, vector<1x16xf32>,
        %swap3A_527 = vector.shape_cast %swap3A_526 : vector<1x16xf32> to vector<16xf32>
        %swap3A_528 = vector.shape_cast %mul3A_523 : vector<16xf32> to vector<1x16xf32>
        tpu.vector_store %arg7[%swap3A_524, %swap3A_525], %swap3A_528 {strides = array<i32>} : memref<40x512xf32, #tpu.memory_space<vmem>>, vector<1x16xf32>,
        %get3A_529 = arith.index_cast %scan3A_338 : i32 to index
        %get3A_530 = arith.constant 256 : index
        %get3A_531 = tpu.vector_load %arg7[%get3A_529, %get3A_530] {strides = array<i32>} : memref<40x512xf32, #tpu.memory_space<vmem>>, vector<1x16xf32>,
        %get3A_532 = vector.shape_cast %get3A_531 : vector<1x16xf32> to vector<16xf32>
        %mul3A_533 = arith.constant 22.6274166 : f32
        %mul3A_534 = vector.broadcast %mul3A_533 : f32 to vector<16xf32>
        %mul3A_535 = arith.mulf %get3A_532, %mul3A_534 : vector<16xf32>
        %swap3A_536 = arith.index_cast %scan3A_338 : i32 to index
        %swap3A_537 = arith.constant 256 : index
        %swap3A_538 = tpu.vector_load %arg7[%swap3A_536, %swap3A_537] {strides = array<i32>} : memref<40x512xf32, #tpu.memory_space<vmem>>, vector<1x16xf32>,
        %swap3A_539 = vector.shape_cast %swap3A_538 : vector<1x16xf32> to vector<16xf32>
        %swap3A_540 = vector.shape_cast %mul3A_535 : vector<16xf32> to vector<1x16xf32>
        tpu.vector_store %arg7[%swap3A_536, %swap3A_537], %swap3A_540 {strides = array<i32>} : memref<40x512xf32, #tpu.memory_space<vmem>>, vector<1x16xf32>,
        %get3A_541 = arith.index_cast %scan3A_338 : i32 to index
        %get3A_542 = arith.constant 272 : index
        %get3A_543 = tpu.vector_load %arg7[%get3A_541, %get3A_542] {strides = array<i32>} : memref<40x512xf32, #tpu.memory_space<vmem>>, vector<1x16xf32>,
        %get3A_544 = vector.shape_cast %get3A_543 : vector<1x16xf32> to vector<16xf32>
        %mul3A_545 = arith.constant 22.6274166 : f32
        %mul3A_546 = vector.broadcast %mul3A_545 : f32 to vector<16xf32>
        %mul3A_547 = arith.mulf %get3A_544, %mul3A_546 : vector<16xf32>
        %swap3A_548 = arith.index_cast %scan3A_338 : i32 to index
        %swap3A_549 = arith.constant 272 : index
        %swap3A_550 = tpu.vector_load %arg7[%swap3A_548, %swap3A_549] {strides = array<i32>} : memref<40x512xf32, #tpu.memory_space<vmem>>, vector<1x16xf32>,
        %swap3A_551 = vector.shape_cast %swap3A_550 : vector<1x16xf32> to vector<16xf32>
        %swap3A_552 = vector.shape_cast %mul3A_547 : vector<16xf32> to vector<1x16xf32>
        tpu.vector_store %arg7[%swap3A_548, %swap3A_549], %swap3A_552 {strides = array<i32>} : memref<40x512xf32, #tpu.memory_space<vmem>>, vector<1x16xf32>,
        %get3A_553 = arith.index_cast %scan3A_338 : i32 to index
        %get3A_554 = arith.constant 288 : index
        %get3A_555 = tpu.vector_load %arg7[%get3A_553, %get3A_554] {strides = array<i32>} : memref<40x512xf32, #tpu.memory_space<vmem>>, vector<1x16xf32>,
        %get3A_556 = vector.shape_cast %get3A_555 : vector<1x16xf32> to vector<16xf32>
        %mul3A_557 = arith.constant 22.6274166 : f32
        %mul3A_558 = vector.broadcast %mul3A_557 : f32 to vector<16xf32>
        %mul3A_559 = arith.mulf %get3A_556, %mul3A_558 : vector<16xf32>
        %swap3A_560 = arith.index_cast %scan3A_338 : i32 to index
        %swap3A_561 = arith.constant 288 : index
        %swap3A_562 = tpu.vector_load %arg7[%swap3A_560, %swap3A_561] {strides = array<i32>} : memref<40x512xf32, #tpu.memory_space<vmem>>, vector<1x16xf32>,
        %swap3A_563 = vector.shape_cast %swap3A_562 : vector<1x16xf32> to vector<16xf32>
        %swap3A_564 = vector.shape_cast %mul3A_559 : vector<16xf32> to vector<1x16xf32>
        tpu.vector_store %arg7[%swap3A_560, %swap3A_561], %swap3A_564 {strides = array<i32>} : memref<40x512xf32, #tpu.memory_space<vmem>>, vector<1x16xf32>,
        %get3A_565 = arith.index_cast %scan3A_338 : i32 to index
        %get3A_566 = arith.constant 304 : index
        %get3A_567 = tpu.vector_load %arg7[%get3A_565, %get3A_566] {strides = array<i32>} : memref<40x512xf32, #tpu.memory_space<vmem>>, vector<1x16xf32>,
        %get3A_568 = vector.shape_cast %get3A_567 : vector<1x16xf32> to vector<16xf32>
        %mul3A_569 = arith.constant 22.6274166 : f32
        %mul3A_570 = vector.broadcast %mul3A_569 : f32 to vector<16xf32>
        %mul3A_571 = arith.mulf %get3A_568, %mul3A_570 : vector<16xf32>
        %swap3A_572 = arith.index_cast %scan3A_338 : i32 to index
        %swap3A_573 = arith.constant 304 : index
        %swap3A_574 = tpu.vector_load %arg7[%swap3A_572, %swap3A_573] {strides = array<i32>} : memref<40x512xf32, #tpu.memory_space<vmem>>, vector<1x16xf32>,
        %swap3A_575 = vector.shape_cast %swap3A_574 : vector<1x16xf32> to vector<16xf32>
        %swap3A_576 = vector.shape_cast %mul3A_571 : vector<16xf32> to vector<1x16xf32>
        tpu.vector_store %arg7[%swap3A_572, %swap3A_573], %swap3A_576 {strides = array<i32>} : memref<40x512xf32, #tpu.memory_space<vmem>>, vector<1x16xf32>,
        %get3A_577 = arith.index_cast %scan3A_338 : i32 to index
        %get3A_578 = arith.constant 320 : index
        %get3A_579 = tpu.vector_load %arg7[%get3A_577, %get3A_578] {strides = array<i32>} : memref<40x512xf32, #tpu.memory_space<vmem>>, vector<1x16xf32>,
        %get3A_580 = vector.shape_cast %get3A_579 : vector<1x16xf32> to vector<16xf32>
        %mul3A_581 = arith.constant 22.6274166 : f32
        %mul3A_582 = vector.broadcast %mul3A_581 : f32 to vector<16xf32>
        %mul3A_583 = arith.mulf %get3A_580, %mul3A_582 : vector<16xf32>
        %swap3A_584 = arith.index_cast %scan3A_338 : i32 to index
        %swap3A_585 = arith.constant 320 : index
        %swap3A_586 = tpu.vector_load %arg7[%swap3A_584, %swap3A_585] {strides = array<i32>} : memref<40x512xf32, #tpu.memory_space<vmem>>, vector<1x16xf32>,
        %swap3A_587 = vector.shape_cast %swap3A_586 : vector<1x16xf32> to vector<16xf32>
        %swap3A_588 = vector.shape_cast %mul3A_583 : vector<16xf32> to vector<1x16xf32>
        tpu.vector_store %arg7[%swap3A_584, %swap3A_585], %swap3A_588 {strides = array<i32>} : memref<40x512xf32, #tpu.memory_space<vmem>>, vector<1x16xf32>,
        %get3A_589 = arith.index_cast %scan3A_338 : i32 to index
        %get3A_590 = arith.constant 336 : index
        %get3A_591 = tpu.vector_load %arg7[%get3A_589, %get3A_590] {strides = array<i32>} : memref<40x512xf32, #tpu.memory_space<vmem>>, vector<1x16xf32>,
        %get3A_592 = vector.shape_cast %get3A_591 : vector<1x16xf32> to vector<16xf32>
        %mul3A_593 = arith.constant 22.6274166 : f32
        %mul3A_594 = vector.broadcast %mul3A_593 : f32 to vector<16xf32>
        %mul3A_595 = arith.mulf %get3A_592, %mul3A_594 : vector<16xf32>
        %swap3A_596 = arith.index_cast %scan3A_338 : i32 to index
        %swap3A_597 = arith.constant 336 : index
        %swap3A_598 = tpu.vector_load %arg7[%swap3A_596, %swap3A_597] {strides = array<i32>} : memref<40x512xf32, #tpu.memory_space<vmem>>, vector<1x16xf32>,
        %swap3A_599 = vector.shape_cast %swap3A_598 : vector<1x16xf32> to vector<16xf32>
        %swap3A_600 = vector.shape_cast %mul3A_595 : vector<16xf32> to vector<1x16xf32>
        tpu.vector_store %arg7[%swap3A_596, %swap3A_597], %swap3A_600 {strides = array<i32>} : memref<40x512xf32, #tpu.memory_space<vmem>>, vector<1x16xf32>,
        %get3A_601 = arith.index_cast %scan3A_338 : i32 to index
        %get3A_602 = arith.constant 352 : index
        %get3A_603 = tpu.vector_load %arg7[%get3A_601, %get3A_602] {strides = array<i32>} : memref<40x512xf32, #tpu.memory_space<vmem>>, vector<1x16xf32>,
        %get3A_604 = vector.shape_cast %get3A_603 : vector<1x16xf32> to vector<16xf32>
        %mul3A_605 = arith.constant 22.6274166 : f32
        %mul3A_606 = vector.broadcast %mul3A_605 : f32 to vector<16xf32>
        %mul3A_607 = arith.mulf %get3A_604, %mul3A_606 : vector<16xf32>
        %swap3A_608 = arith.index_cast %scan3A_338 : i32 to index
        %swap3A_609 = arith.constant 352 : index
        %swap3A_610 = tpu.vector_load %arg7[%swap3A_608, %swap3A_609] {strides = array<i32>} : memref<40x512xf32, #tpu.memory_space<vmem>>, vector<1x16xf32>,
        %swap3A_611 = vector.shape_cast %swap3A_610 : vector<1x16xf32> to vector<16xf32>
        %swap3A_612 = vector.shape_cast %mul3A_607 : vector<16xf32> to vector<1x16xf32>
        tpu.vector_store %arg7[%swap3A_608, %swap3A_609], %swap3A_612 {strides = array<i32>} : memref<40x512xf32, #tpu.memory_space<vmem>>, vector<1x16xf32>,
        %get3A_613 = arith.index_cast %scan3A_338 : i32 to index
        %get3A_614 = arith.constant 368 : index
        %get3A_615 = tpu.vector_load %arg7[%get3A_613, %get3A_614] {strides = array<i32>} : memref<40x512xf32, #tpu.memory_space<vmem>>, vector<1x16xf32>,
        %get3A_616 = vector.shape_cast %get3A_615 : vector<1x16xf32> to vector<16xf32>
        %mul3A_617 = arith.constant 22.6274166 : f32
        %mul3A_618 = vector.broadcast %mul3A_617 : f32 to vector<16xf32>
        %mul3A_619 = arith.mulf %get3A_616, %mul3A_618 : vector<16xf32>
        %swap3A_620 = arith.index_cast %scan3A_338 : i32 to index
        %swap3A_621 = arith.constant 368 : index
        %swap3A_622 = tpu.vector_load %arg7[%swap3A_620, %swap3A_621] {strides = array<i32>} : memref<40x512xf32, #tpu.memory_space<vmem>>, vector<1x16xf32>,
        %swap3A_623 = vector.shape_cast %swap3A_622 : vector<1x16xf32> to vector<16xf32>
        %swap3A_624 = vector.shape_cast %mul3A_619 : vector<16xf32> to vector<1x16xf32>
        tpu.vector_store %arg7[%swap3A_620, %swap3A_621], %swap3A_624 {strides = array<i32>} : memref<40x512xf32, #tpu.memory_space<vmem>>, vector<1x16xf32>,
        %get3A_625 = arith.index_cast %scan3A_338 : i32 to index
        %get3A_626 = arith.constant 384 : index
        %get3A_627 = tpu.vector_load %arg7[%get3A_625, %get3A_626] {strides = array<i32>} : memref<40x512xf32, #tpu.memory_space<vmem>>, vector<1x16xf32>,
        %get3A_628 = vector.shape_cast %get3A_627 : vector<1x16xf32> to vector<16xf32>
        %mul3A_629 = arith.constant 22.6274166 : f32
        %mul3A_630 = vector.broadcast %mul3A_629 : f32 to vector<16xf32>
        %mul3A_631 = arith.mulf %get3A_628, %mul3A_630 : vector<16xf32>
        %swap3A_632 = arith.index_cast %scan3A_338 : i32 to index
        %swap3A_633 = arith.constant 384 : index
        %swap3A_634 = tpu.vector_load %arg7[%swap3A_632, %swap3A_633] {strides = array<i32>} : memref<40x512xf32, #tpu.memory_space<vmem>>, vector<1x16xf32>,
        %swap3A_635 = vector.shape_cast %swap3A_634 : vector<1x16xf32> to vector<16xf32>
        %swap3A_636 = vector.shape_cast %mul3A_631 : vector<16xf32> to vector<1x16xf32>
        tpu.vector_store %arg7[%swap3A_632, %swap3A_633], %swap3A_636 {strides = array<i32>} : memref<40x512xf32, #tpu.memory_space<vmem>>, vector<1x16xf32>,
        %get3A_637 = arith.index_cast %scan3A_338 : i32 to index
        %get3A_638 = arith.constant 400 : index
        %get3A_639 = tpu.vector_load %arg7[%get3A_637, %get3A_638] {strides = array<i32>} : memref<40x512xf32, #tpu.memory_space<vmem>>, vector<1x16xf32>,
        %get3A_640 = vector.shape_cast %get3A_639 : vector<1x16xf32> to vector<16xf32>
        %mul3A_641 = arith.constant 22.6274166 : f32
        %mul3A_642 = vector.broadcast %mul3A_641 : f32 to vector<16xf32>
        %mul3A_643 = arith.mulf %get3A_640, %mul3A_642 : vector<16xf32>
        %swap3A_644 = arith.index_cast %scan3A_338 : i32 to index
        %swap3A_645 = arith.constant 400 : index
        %swap3A_646 = tpu.vector_load %arg7[%swap3A_644, %swap3A_645] {strides = array<i32>} : memref<40x512xf32, #tpu.memory_space<vmem>>, vector<1x16xf32>,
        %swap3A_647 = vector.shape_cast %swap3A_646 : vector<1x16xf32> to vector<16xf32>
        %swap3A_648 = vector.shape_cast %mul3A_643 : vector<16xf32> to vector<1x16xf32>
        tpu.vector_store %arg7[%swap3A_644, %swap3A_645], %swap3A_648 {strides = array<i32>} : memref<40x512xf32, #tpu.memory_space<vmem>>, vector<1x16xf32>,
        %get3A_649 = arith.index_cast %scan3A_338 : i32 to index
        %get3A_650 = arith.constant 416 : index
        %get3A_651 = tpu.vector_load %arg7[%get3A_649, %get3A_650] {strides = array<i32>} : memref<40x512xf32, #tpu.memory_space<vmem>>, vector<1x16xf32>,
        %get3A_652 = vector.shape_cast %get3A_651 : vector<1x16xf32> to vector<16xf32>
        %mul3A_653 = arith.constant 22.6274166 : f32
        %mul3A_654 = vector.broadcast %mul3A_653 : f32 to vector<16xf32>
        %mul3A_655 = arith.mulf %get3A_652, %mul3A_654 : vector<16xf32>
        %swap3A_656 = arith.index_cast %scan3A_338 : i32 to index
        %swap3A_657 = arith.constant 416 : index
        %swap3A_658 = tpu.vector_load %arg7[%swap3A_656, %swap3A_657] {strides = array<i32>} : memref<40x512xf32, #tpu.memory_space<vmem>>, vector<1x16xf32>,
        %swap3A_659 = vector.shape_cast %swap3A_658 : vector<1x16xf32> to vector<16xf32>
        %swap3A_660 = vector.shape_cast %mul3A_655 : vector<16xf32> to vector<1x16xf32>
        tpu.vector_store %arg7[%swap3A_656, %swap3A_657], %swap3A_660 {strides = array<i32>} : memref<40x512xf32, #tpu.memory_space<vmem>>, vector<1x16xf32>,
        %get3A_661 = arith.index_cast %scan3A_338 : i32 to index
        %get3A_662 = arith.constant 432 : index
        %get3A_663 = tpu.vector_load %arg7[%get3A_661, %get3A_662] {strides = array<i32>} : memref<40x512xf32, #tpu.memory_space<vmem>>, vector<1x16xf32>,
        %get3A_664 = vector.shape_cast %get3A_663 : vector<1x16xf32> to vector<16xf32>
        %mul3A_665 = arith.constant 22.6274166 : f32
        %mul3A_666 = vector.broadcast %mul3A_665 : f32 to vector<16xf32>
        %mul3A_667 = arith.mulf %get3A_664, %mul3A_666 : vector<16xf32>
        %swap3A_668 = arith.index_cast %scan3A_338 : i32 to index
        %swap3A_669 = arith.constant 432 : index
        %swap3A_670 = tpu.vector_load %arg7[%swap3A_668, %swap3A_669] {strides = array<i32>} : memref<40x512xf32, #tpu.memory_space<vmem>>, vector<1x16xf32>,
        %swap3A_671 = vector.shape_cast %swap3A_670 : vector<1x16xf32> to vector<16xf32>
        %swap3A_672 = vector.shape_cast %mul3A_667 : vector<16xf32> to vector<1x16xf32>
        tpu.vector_store %arg7[%swap3A_668, %swap3A_669], %swap3A_672 {strides = array<i32>} : memref<40x512xf32, #tpu.memory_space<vmem>>, vector<1x16xf32>,
        %get3A_673 = arith.index_cast %scan3A_338 : i32 to index
        %get3A_674 = arith.constant 448 : index
        %get3A_675 = tpu.vector_load %arg7[%get3A_673, %get3A_674] {strides = array<i32>} : memref<40x512xf32, #tpu.memory_space<vmem>>, vector<1x16xf32>,
        %get3A_676 = vector.shape_cast %get3A_675 : vector<1x16xf32> to vector<16xf32>
        %mul3A_677 = arith.constant 22.6274166 : f32
        %mul3A_678 = vector.broadcast %mul3A_677 : f32 to vector<16xf32>
        %mul3A_679 = arith.mulf %get3A_676, %mul3A_678 : vector<16xf32>
        %swap3A_680 = arith.index_cast %scan3A_338 : i32 to index
        %swap3A_681 = arith.constant 448 : index
        %swap3A_682 = tpu.vector_load %arg7[%swap3A_680, %swap3A_681] {strides = array<i32>} : memref<40x512xf32, #tpu.memory_space<vmem>>, vector<1x16xf32>,
        %swap3A_683 = vector.shape_cast %swap3A_682 : vector<1x16xf32> to vector<16xf32>
        %swap3A_684 = vector.shape_cast %mul3A_679 : vector<16xf32> to vector<1x16xf32>
        tpu.vector_store %arg7[%swap3A_680, %swap3A_681], %swap3A_684 {strides = array<i32>} : memref<40x512xf32, #tpu.memory_space<vmem>>, vector<1x16xf32>,
        %get3A_685 = arith.index_cast %scan3A_338 : i32 to index
        %get3A_686 = arith.constant 464 : index
        %get3A_687 = tpu.vector_load %arg7[%get3A_685, %get3A_686] {strides = array<i32>} : memref<40x512xf32, #tpu.memory_space<vmem>>, vector<1x16xf32>,
        %get3A_688 = vector.shape_cast %get3A_687 : vector<1x16xf32> to vector<16xf32>
        %mul3A_689 = arith.constant 22.6274166 : f32
        %mul3A_690 = vector.broadcast %mul3A_689 : f32 to vector<16xf32>
        %mul3A_691 = arith.mulf %get3A_688, %mul3A_690 : vector<16xf32>
        %swap3A_692 = arith.index_cast %scan3A_338 : i32 to index
        %swap3A_693 = arith.constant 464 : index
        %swap3A_694 = tpu.vector_load %arg7[%swap3A_692, %swap3A_693] {strides = array<i32>} : memref<40x512xf32, #tpu.memory_space<vmem>>, vector<1x16xf32>,
        %swap3A_695 = vector.shape_cast %swap3A_694 : vector<1x16xf32> to vector<16xf32>
        %swap3A_696 = vector.shape_cast %mul3A_691 : vector<16xf32> to vector<1x16xf32>
        tpu.vector_store %arg7[%swap3A_692, %swap3A_693], %swap3A_696 {strides = array<i32>} : memref<40x512xf32, #tpu.memory_space<vmem>>, vector<1x16xf32>,
        %get3A_697 = arith.index_cast %scan3A_338 : i32 to index
        %get3A_698 = arith.constant 480 : index
        %get3A_699 = tpu.vector_load %arg7[%get3A_697, %get3A_698] {strides = array<i32>} : memref<40x512xf32, #tpu.memory_space<vmem>>, vector<1x16xf32>,
        %get3A_700 = vector.shape_cast %get3A_699 : vector<1x16xf32> to vector<16xf32>
        %mul3A_701 = arith.constant 22.6274166 : f32
        %mul3A_702 = vector.broadcast %mul3A_701 : f32 to vector<16xf32>
        %mul3A_703 = arith.mulf %get3A_700, %mul3A_702 : vector<16xf32>
        %swap3A_704 = arith.index_cast %scan3A_338 : i32 to index
        %swap3A_705 = arith.constant 480 : index
        %swap3A_706 = tpu.vector_load %arg7[%swap3A_704, %swap3A_705] {strides = array<i32>} : memref<40x512xf32, #tpu.memory_space<vmem>>, vector<1x16xf32>,
        %swap3A_707 = vector.shape_cast %swap3A_706 : vector<1x16xf32> to vector<16xf32>
        %swap3A_708 = vector.shape_cast %mul3A_703 : vector<16xf32> to vector<1x16xf32>
        tpu.vector_store %arg7[%swap3A_704, %swap3A_705], %swap3A_708 {strides = array<i32>} : memref<40x512xf32, #tpu.memory_space<vmem>>, vector<1x16xf32>,
        %get3A_709 = arith.index_cast %scan3A_338 : i32 to index
        %get3A_710 = arith.constant 496 : index
        %get3A_711 = tpu.vector_load %arg7[%get3A_709, %get3A_710] {strides = array<i32>} : memref<40x512xf32, #tpu.memory_space<vmem>>, vector<1x16xf32>,
        %get3A_712 = vector.shape_cast %get3A_711 : vector<1x16xf32> to vector<16xf32>
        %mul3A_713 = arith.constant 22.6274166 : f32
        %mul3A_714 = vector.broadcast %mul3A_713 : f32 to vector<16xf32>
        %mul3A_715 = arith.mulf %get3A_712, %mul3A_714 : vector<16xf32>
        %swap3A_716 = arith.index_cast %scan3A_338 : i32 to index
        %swap3A_717 = arith.constant 496 : index
        %swap3A_718 = tpu.vector_load %arg7[%swap3A_716, %swap3A_717] {strides = array<i32>} : memref<40x512xf32, #tpu.memory_space<vmem>>, vector<1x16xf32>,
        %swap3A_719 = vector.shape_cast %swap3A_718 : vector<1x16xf32> to vector<16xf32>
        %swap3A_720 = vector.shape_cast %mul3A_715 : vector<16xf32> to vector<1x16xf32>
        tpu.vector_store %arg7[%swap3A_716, %swap3A_717], %swap3A_720 {strides = array<i32>} : memref<40x512xf32, #tpu.memory_space<vmem>>, vector<1x16xf32>,
      }
      %scan3A_167 = arith.constant 40 : i32
      %mul3A_168 = arith.constant 40 : i32
      %mul3A_169 = arith.muli %add3A_137, %mul3A_168 : i32
      %add3A_170 = arith.addi %mul3A_2, %mul3A_169 : i32
      %dma_start3A_171 = arith.constant 0 : i32
      %dma_start3A_172 = tpu.memref_slice %arg4[%add3A_170, %dma_start3A_171] : memref<204800x512xf32, #tpu.memory_space<hbm>> -> memref<40x512xf32, #tpu.memory_space<hbm>>
      %dma_start3A_173 = arith.constant 0 : i32
      %dma_start3A_174 = tpu.memref_slice %arg4[%add3A_170, %dma_start3A_173] : memref<204800x512xf32, #tpu.memory_space<hbm>> -> memref<40x512xf32, #tpu.memory_space<hbm>>
      tpu.enqueue_dma source(%arg7 : memref<40x512xf32, #tpu.memory_space<vmem>>) target(%dma_start3A_174 : memref<40x512xf32, #tpu.memory_space<hbm>>) target_semaphore(%arg27 : memref<!tpu.dma_semaphore, #tpu.memory_space<semaphore_mem>>)
      %ge3A_175 = arith.constant 2 : i32
      %ge3A_176 = arith.cmpi sge, %add3A_137, %ge3A_175 : i32
      %convert_element_type3A_177 = arith.extui %ge3A_176 : i1 to i32
      %cond3A_178 = arith.constant 0 : i32
      %cond3A_179 = arith.cmpi ne, %convert_element_type3A_177, %cond3A_178 : i32
      scf.if %cond3A_179 {
        %dma_wait3A_338 = arith.constant 0 : i32
        %dma_wait3A_339 = tpu.memref_slice %arg4[%mul3A_2, %dma_wait3A_338] : memref<204800x512xf32, #tpu.memory_space<hbm>> -> memref<40x512xf32, #tpu.memory_space<hbm>>
        %dma_wait3A_340 = arith.constant 0 : i32
        %dma_wait3A_341 = tpu.memref_slice %arg4[%mul3A_2, %dma_wait3A_340] : memref<204800x512xf32, #tpu.memory_space<hbm>> -> memref<40x512xf32, #tpu.memory_space<hbm>>
        tpu.wait_dma2 semaphore(%arg30 : memref<!tpu.dma_semaphore, #tpu.memory_space<semaphore_mem>>) src(%arg10 : memref<40x512xf32, #tpu.memory_space<vmem>>) dst(%dma_wait3A_341 : memref<40x512xf32, #tpu.memory_space<hbm>>)
      } else {
      }
      %lt3A_180 = arith.constant 157 : i32
      %lt3A_181 = arith.cmpi slt, %add3A_137, %lt3A_180 : i32
      %convert_element_type3A_182 = arith.extui %lt3A_181 : i1 to i32
      %cond3A_183 = arith.constant 0 : i32
      %cond3A_184 = arith.cmpi ne, %convert_element_type3A_182, %cond3A_183 : i32
      scf.if %cond3A_184 {
        %add3A_338 = arith.constant 3 : i32
        %add3A_339 = arith.addi %add3A_137, %add3A_338 : i32
        %mul3A_340 = arith.constant 40 : i32
        %mul3A_341 = arith.muli %add3A_339, %mul3A_340 : i32
        %dma_start3A_342 = arith.constant 0 : i32
        %dma_start3A_343 = arith.constant 0 : i32
        %dma_start3A_344 = tpu.memref_slice %arg10[%dma_start3A_342, %dma_start3A_343] : memref<40x512xf32, #tpu.memory_space<vmem>> -> memref<16x512xf32, #tpu.memory_space<vmem>>
        %dma_start3A_345 = tpu.memref_slice %arg5[%mul3A_341] : memref<6400xi32, #tpu.memory_space<vmem>> -> memref<16xi32, #tpu.memory_space<vmem>>
        %dma_start3A_346 = arith.constant 0 : i32
        %dma_start3A_347 = arith.constant 0 : i32
        %dma_start3A_348 = tpu.memref_slice %arg3[%dma_start3A_346, %dma_start3A_347] : memref<100000x512xf32, #tpu.memory_space<hbm>> -> memref<100000x512xf32, #tpu.memory_space<hbm>>
        tpu.enqueue_indirect_dma source(%dma_start3A_348 : memref<100000x512xf32, #tpu.memory_space<hbm>>) target(%dma_start3A_344 : memref<16x512xf32, #tpu.memory_space<vmem>>) offsets(%dma_start3A_345 : memref<16xi32, #tpu.memory_space<vmem>>) semaphore(%arg15 : memref<!tpu.dma_semaphore, #tpu.memory_space<semaphore_mem>>)
        %mul3A_349 = arith.constant 40 : i32
        %mul3A_350 = arith.muli %add3A_339, %mul3A_349 : i32
        %add3A_351 = arith.constant 16 : i32
        %add3A_352 = arith.addi %mul3A_350, %add3A_351 : i32
        %dma_start3A_353 = arith.constant 16 : i32
        %dma_start3A_354 = arith.constant 0 : i32
        %dma_start3A_355 = tpu.memref_slice %arg10[%dma_start3A_353, %dma_start3A_354] : memref<40x512xf32, #tpu.memory_space<vmem>> -> memref<16x512xf32, #tpu.memory_space<vmem>>
        %dma_start3A_356 = tpu.memref_slice %arg5[%add3A_352] : memref<6400xi32, #tpu.memory_space<vmem>> -> memref<16xi32, #tpu.memory_space<vmem>>
        %dma_start3A_357 = arith.constant 0 : i32
        %dma_start3A_358 = arith.constant 0 : i32
        %dma_start3A_359 = tpu.memref_slice %arg3[%dma_start3A_357, %dma_start3A_358] : memref<100000x512xf32, #tpu.memory_space<hbm>> -> memref<100000x512xf32, #tpu.memory_space<hbm>>
        tpu.enqueue_indirect_dma source(%dma_start3A_359 : memref<100000x512xf32, #tpu.memory_space<hbm>>) target(%dma_start3A_355 : memref<16x512xf32, #tpu.memory_space<vmem>>) offsets(%dma_start3A_356 : memref<16xi32, #tpu.memory_space<vmem>>) semaphore(%arg20 : memref<!tpu.dma_semaphore, #tpu.memory_space<semaphore_mem>>)
        %mul3A_360 = arith.constant 40 : i32
        %mul3A_361 = arith.muli %add3A_339, %mul3A_360 : i32
        %add3A_362 = arith.constant 16 : i32
        %add3A_363 = arith.addi %mul3A_361, %add3A_362 : i32
        %add3A_364 = arith.constant 16 : i32
        %add3A_365 = arith.addi %add3A_363, %add3A_364 : i32
        %dma_start3A_366 = arith.constant 32 : i32
        %dma_start3A_367 = arith.constant 0 : i32
        %dma_start3A_368 = tpu.memref_slice %arg10[%dma_start3A_366, %dma_start3A_367] : memref<40x512xf32, #tpu.memory_space<vmem>> -> memref<8x512xf32, #tpu.memory_space<vmem>>
        %dma_start3A_369 = tpu.memref_slice %arg5[%add3A_365] : memref<6400xi32, #tpu.memory_space<vmem>> -> memref<8xi32, #tpu.memory_space<vmem>>
        %dma_start3A_370 = arith.constant 0 : i32
        %dma_start3A_371 = arith.constant 0 : i32
        %dma_start3A_372 = tpu.memref_slice %arg3[%dma_start3A_370, %dma_start3A_371] : memref<100000x512xf32, #tpu.memory_space<hbm>> -> memref<100000x512xf32, #tpu.memory_space<hbm>>
        tpu.enqueue_indirect_dma source(%dma_start3A_372 : memref<100000x512xf32, #tpu.memory_space<hbm>>) target(%dma_start3A_368 : memref<8x512xf32, #tpu.memory_space<vmem>>) offsets(%dma_start3A_369 : memref<8xi32, #tpu.memory_space<vmem>>) semaphore(%arg25 : memref<!tpu.dma_semaphore, #tpu.memory_space<semaphore_mem>>)
      } else {
      }
      %mul3A_185 = arith.constant 5 : i32
      %mul3A_186 = arith.muli %mul3A_185, %scan3A_86 : i32
      %add3A_187 = arith.constant 2 : i32
      %add3A_188 = arith.addi %mul3A_186, %add3A_187 : i32
      %dma_wait3A_189 = arith.constant 0 : i32
      %dma_wait3A_190 = arith.constant 0 : i32
      %dma_wait3A_191 = tpu.memref_slice %arg8[%dma_wait3A_189, %dma_wait3A_190] : memref<40x512xf32, #tpu.memory_space<vmem>> -> memref<16x512xf32, #tpu.memory_space<vmem>>
      %dma_wait3A_192 = arith.constant 0 : i32
      %dma_wait3A_193 = tpu.memref_slice %arg5[%dma_wait3A_192] : memref<6400xi32, #tpu.memory_space<vmem>> -> memref<16xi32, #tpu.memory_space<vmem>>
      %dma_wait3A_194 = arith.constant 0 : i32
      %dma_wait3A_195 = arith.constant 0 : i32
      %dma_wait3A_196 = tpu.memref_slice %arg3[%dma_wait3A_194, %dma_wait3A_195] : memref<100000x512xf32, #tpu.memory_space<hbm>> -> memref<100000x512xf32, #tpu.memory_space<hbm>>
      tpu.wait_indirect_dma semaphore(%arg13 : memref<!tpu.dma_semaphore, #tpu.memory_space<semaphore_mem>>) src(%dma_wait3A_196 : memref<100000x512xf32, #tpu.memory_space<hbm>>) dst(%dma_wait3A_191 : memref<16x512xf32, #tpu.memory_space<vmem>>)
      %dma_wait3A_197 = arith.constant 16 : i32
      %dma_wait3A_198 = arith.constant 0 : i32
      %dma_wait3A_199 = tpu.memref_slice %arg8[%dma_wait3A_197, %dma_wait3A_198] : memref<40x512xf32, #tpu.memory_space<vmem>> -> memref<16x512xf32, #tpu.memory_space<vmem>>
      %dma_wait3A_200 = arith.constant 0 : i32
      %dma_wait3A_201 = tpu.memref_slice %arg5[%dma_wait3A_200] : memref<6400xi32, #tpu.memory_space<vmem>> -> memref<16xi32, #tpu.memory_space<vmem>>
      %dma_wait3A_202 = arith.constant 0 : i32
      %dma_wait3A_203 = arith.constant 0 : i32
      %dma_wait3A_204 = tpu.memref_slice %arg3[%dma_wait3A_202, %dma_wait3A_203] : memref<100000x512xf32, #tpu.memory_space<hbm>> -> memref<100000x512xf32, #tpu.memory_space<hbm>>
      tpu.wait_indirect_dma semaphore(%arg18 : memref<!tpu.dma_semaphore, #tpu.memory_space<semaphore_mem>>) src(%dma_wait3A_204 : memref<100000x512xf32, #tpu.memory_space<hbm>>) dst(%dma_wait3A_199 : memref<16x512xf32, #tpu.memory_space<vmem>>)
      %dma_wait3A_205 = arith.constant 32 : i32
      %dma_wait3A_206 = arith.constant 0 : i32
      %dma_wait3A_207 = tpu.memref_slice %arg8[%dma_wait3A_205, %dma_wait3A_206] : memref<40x512xf32, #tpu.memory_space<vmem>> -> memref<8x512xf32, #tpu.memory_space<vmem>>
      %dma_wait3A_208 = arith.constant 0 : i32
      %dma_wait3A_209 = tpu.memref_slice %arg5[%dma_wait3A_208] : memref<6400xi32, #tpu.memory_space<vmem>> -> memref<8xi32, #tpu.memory_space<vmem>>
      %dma_wait3A_210 = arith.constant 0 : i32
      %dma_wait3A_211 = arith.constant 0 : i32
      %dma_wait3A_212 = tpu.memref_slice %arg3[%dma_wait3A_210, %dma_wait3A_211] : memref<100000x512xf32, #tpu.memory_space<hbm>> -> memref<100000x512xf32, #tpu.memory_space<hbm>>
      tpu.wait_indirect_dma semaphore(%arg23 : memref<!tpu.dma_semaphore, #tpu.memory_space<semaphore_mem>>) src(%dma_wait3A_212 : memref<100000x512xf32, #tpu.memory_space<hbm>>) dst(%dma_wait3A_207 : memref<8x512xf32, #tpu.memory_space<vmem>>)
      %scan3A_213 = arith.constant 0 : i32
      %scan3A_214 = arith.constant 0 : i32
      %scan3A_215 = arith.constant 40 : i32
      %scan3A_216 = arith.addi %scan3A_214, %scan3A_215 : i32
      %scan3A_217 = arith.constant 1 : i32
      scf.for %scan3A_338 = %scan3A_214 to %scan3A_216 step %scan3A_217  : i32 {
        %get3A = arith.index_cast %scan3A_338 : i32 to index
        %get3A_339 = arith.constant 0 : index
        %get3A_340 = tpu.vector_load %arg8[%get3A, %get3A_339] {strides = array<i32>} : memref<40x512xf32, #tpu.memory_space<vmem>>, vector<1x16xf32>,
        %get3A_341 = vector.shape_cast %get3A_340 : vector<1x16xf32> to vector<16xf32>
        %mul3A_342 = arith.constant 22.6274166 : f32
        %mul3A_343 = vector.broadcast %mul3A_342 : f32 to vector<16xf32>
        %mul3A_344 = arith.mulf %get3A_341, %mul3A_343 : vector<16xf32>
        %swap3A = arith.index_cast %scan3A_338 : i32 to index
        %swap3A_345 = arith.constant 0 : index
        %swap3A_346 = tpu.vector_load %arg8[%swap3A, %swap3A_345] {strides = array<i32>} : memref<40x512xf32, #tpu.memory_space<vmem>>, vector<1x16xf32>,
        %swap3A_347 = vector.shape_cast %swap3A_346 : vector<1x16xf32> to vector<16xf32>
        %swap3A_348 = vector.shape_cast %mul3A_344 : vector<16xf32> to vector<1x16xf32>
        tpu.vector_store %arg8[%swap3A, %swap3A_345], %swap3A_348 {strides = array<i32>} : memref<40x512xf32, #tpu.memory_space<vmem>>, vector<1x16xf32>,
        %get3A_349 = arith.index_cast %scan3A_338 : i32 to index
        %get3A_350 = arith.constant 16 : index
        %get3A_351 = tpu.vector_load %arg8[%get3A_349, %get3A_350] {strides = array<i32>} : memref<40x512xf32, #tpu.memory_space<vmem>>, vector<1x16xf32>,
        %get3A_352 = vector.shape_cast %get3A_351 : vector<1x16xf32> to vector<16xf32>
        %mul3A_353 = arith.constant 22.6274166 : f32
        %mul3A_354 = vector.broadcast %mul3A_353 : f32 to vector<16xf32>
        %mul3A_355 = arith.mulf %get3A_352, %mul3A_354 : vector<16xf32>
        %swap3A_356 = arith.index_cast %scan3A_338 : i32 to index
        %swap3A_357 = arith.constant 16 : index
        %swap3A_358 = tpu.vector_load %arg8[%swap3A_356, %swap3A_357] {strides = array<i32>} : memref<40x512xf32, #tpu.memory_space<vmem>>, vector<1x16xf32>,
        %swap3A_359 = vector.shape_cast %swap3A_358 : vector<1x16xf32> to vector<16xf32>
        %swap3A_360 = vector.shape_cast %mul3A_355 : vector<16xf32> to vector<1x16xf32>
        tpu.vector_store %arg8[%swap3A_356, %swap3A_357], %swap3A_360 {strides = array<i32>} : memref<40x512xf32, #tpu.memory_space<vmem>>, vector<1x16xf32>,
        %get3A_361 = arith.index_cast %scan3A_338 : i32 to index
        %get3A_362 = arith.constant 32 : index
        %get3A_363 = tpu.vector_load %arg8[%get3A_361, %get3A_362] {strides = array<i32>} : memref<40x512xf32, #tpu.memory_space<vmem>>, vector<1x16xf32>,
        %get3A_364 = vector.shape_cast %get3A_363 : vector<1x16xf32> to vector<16xf32>
        %mul3A_365 = arith.constant 22.6274166 : f32
        %mul3A_366 = vector.broadcast %mul3A_365 : f32 to vector<16xf32>
        %mul3A_367 = arith.mulf %get3A_364, %mul3A_366 : vector<16xf32>
        %swap3A_368 = arith.index_cast %scan3A_338 : i32 to index
        %swap3A_369 = arith.constant 32 : index
        %swap3A_370 = tpu.vector_load %arg8[%swap3A_368, %swap3A_369] {strides = array<i32>} : memref<40x512xf32, #tpu.memory_space<vmem>>, vector<1x16xf32>,
        %swap3A_371 = vector.shape_cast %swap3A_370 : vector<1x16xf32> to vector<16xf32>
        %swap3A_372 = vector.shape_cast %mul3A_367 : vector<16xf32> to vector<1x16xf32>
        tpu.vector_store %arg8[%swap3A_368, %swap3A_369], %swap3A_372 {strides = array<i32>} : memref<40x512xf32, #tpu.memory_space<vmem>>, vector<1x16xf32>,
        %get3A_373 = arith.index_cast %scan3A_338 : i32 to index
        %get3A_374 = arith.constant 48 : index
        %get3A_375 = tpu.vector_load %arg8[%get3A_373, %get3A_374] {strides = array<i32>} : memref<40x512xf32, #tpu.memory_space<vmem>>, vector<1x16xf32>,
        %get3A_376 = vector.shape_cast %get3A_375 : vector<1x16xf32> to vector<16xf32>
        %mul3A_377 = arith.constant 22.6274166 : f32
        %mul3A_378 = vector.broadcast %mul3A_377 : f32 to vector<16xf32>
        %mul3A_379 = arith.mulf %get3A_376, %mul3A_378 : vector<16xf32>
        %swap3A_380 = arith.index_cast %scan3A_338 : i32 to index
        %swap3A_381 = arith.constant 48 : index
        %swap3A_382 = tpu.vector_load %arg8[%swap3A_380, %swap3A_381] {strides = array<i32>} : memref<40x512xf32, #tpu.memory_space<vmem>>, vector<1x16xf32>,
        %swap3A_383 = vector.shape_cast %swap3A_382 : vector<1x16xf32> to vector<16xf32>
        %swap3A_384 = vector.shape_cast %mul3A_379 : vector<16xf32> to vector<1x16xf32>
        tpu.vector_store %arg8[%swap3A_380, %swap3A_381], %swap3A_384 {strides = array<i32>} : memref<40x512xf32, #tpu.memory_space<vmem>>, vector<1x16xf32>,
        %get3A_385 = arith.index_cast %scan3A_338 : i32 to index
        %get3A_386 = arith.constant 64 : index
        %get3A_387 = tpu.vector_load %arg8[%get3A_385, %get3A_386] {strides = array<i32>} : memref<40x512xf32, #tpu.memory_space<vmem>>, vector<1x16xf32>,
        %get3A_388 = vector.shape_cast %get3A_387 : vector<1x16xf32> to vector<16xf32>
        %mul3A_389 = arith.constant 22.6274166 : f32
        %mul3A_390 = vector.broadcast %mul3A_389 : f32 to vector<16xf32>
        %mul3A_391 = arith.mulf %get3A_388, %mul3A_390 : vector<16xf32>
        %swap3A_392 = arith.index_cast %scan3A_338 : i32 to index
        %swap3A_393 = arith.constant 64 : index
        %swap3A_394 = tpu.vector_load %arg8[%swap3A_392, %swap3A_393] {strides = array<i32>} : memref<40x512xf32, #tpu.memory_space<vmem>>, vector<1x16xf32>,
        %swap3A_395 = vector.shape_cast %swap3A_394 : vector<1x16xf32> to vector<16xf32>
        %swap3A_396 = vector.shape_cast %mul3A_391 : vector<16xf32> to vector<1x16xf32>
        tpu.vector_store %arg8[%swap3A_392, %swap3A_393], %swap3A_396 {strides = array<i32>} : memref<40x512xf32, #tpu.memory_space<vmem>>, vector<1x16xf32>,
        %get3A_397 = arith.index_cast %scan3A_338 : i32 to index
        %get3A_398 = arith.constant 80 : index
        %get3A_399 = tpu.vector_load %arg8[%get3A_397, %get3A_398] {strides = array<i32>} : memref<40x512xf32, #tpu.memory_space<vmem>>, vector<1x16xf32>,
        %get3A_400 = vector.shape_cast %get3A_399 : vector<1x16xf32> to vector<16xf32>
        %mul3A_401 = arith.constant 22.6274166 : f32
        %mul3A_402 = vector.broadcast %mul3A_401 : f32 to vector<16xf32>
        %mul3A_403 = arith.mulf %get3A_400, %mul3A_402 : vector<16xf32>
        %swap3A_404 = arith.index_cast %scan3A_338 : i32 to index
        %swap3A_405 = arith.constant 80 : index
        %swap3A_406 = tpu.vector_load %arg8[%swap3A_404, %swap3A_405] {strides = array<i32>} : memref<40x512xf32, #tpu.memory_space<vmem>>, vector<1x16xf32>,
        %swap3A_407 = vector.shape_cast %swap3A_406 : vector<1x16xf32> to vector<16xf32>
        %swap3A_408 = vector.shape_cast %mul3A_403 : vector<16xf32> to vector<1x16xf32>
        tpu.vector_store %arg8[%swap3A_404, %swap3A_405], %swap3A_408 {strides = array<i32>} : memref<40x512xf32, #tpu.memory_space<vmem>>, vector<1x16xf32>,
        %get3A_409 = arith.index_cast %scan3A_338 : i32 to index
        %get3A_410 = arith.constant 96 : index
        %get3A_411 = tpu.vector_load %arg8[%get3A_409, %get3A_410] {strides = array<i32>} : memref<40x512xf32, #tpu.memory_space<vmem>>, vector<1x16xf32>,
        %get3A_412 = vector.shape_cast %get3A_411 : vector<1x16xf32> to vector<16xf32>
        %mul3A_413 = arith.constant 22.6274166 : f32
        %mul3A_414 = vector.broadcast %mul3A_413 : f32 to vector<16xf32>
        %mul3A_415 = arith.mulf %get3A_412, %mul3A_414 : vector<16xf32>
        %swap3A_416 = arith.index_cast %scan3A_338 : i32 to index
        %swap3A_417 = arith.constant 96 : index
        %swap3A_418 = tpu.vector_load %arg8[%swap3A_416, %swap3A_417] {strides = array<i32>} : memref<40x512xf32, #tpu.memory_space<vmem>>, vector<1x16xf32>,
        %swap3A_419 = vector.shape_cast %swap3A_418 : vector<1x16xf32> to vector<16xf32>
        %swap3A_420 = vector.shape_cast %mul3A_415 : vector<16xf32> to vector<1x16xf32>
        tpu.vector_store %arg8[%swap3A_416, %swap3A_417], %swap3A_420 {strides = array<i32>} : memref<40x512xf32, #tpu.memory_space<vmem>>, vector<1x16xf32>,
        %get3A_421 = arith.index_cast %scan3A_338 : i32 to index
        %get3A_422 = arith.constant 112 : index
        %get3A_423 = tpu.vector_load %arg8[%get3A_421, %get3A_422] {strides = array<i32>} : memref<40x512xf32, #tpu.memory_space<vmem>>, vector<1x16xf32>,
        %get3A_424 = vector.shape_cast %get3A_423 : vector<1x16xf32> to vector<16xf32>
        %mul3A_425 = arith.constant 22.6274166 : f32
        %mul3A_426 = vector.broadcast %mul3A_425 : f32 to vector<16xf32>
        %mul3A_427 = arith.mulf %get3A_424, %mul3A_426 : vector<16xf32>
        %swap3A_428 = arith.index_cast %scan3A_338 : i32 to index
        %swap3A_429 = arith.constant 112 : index
        %swap3A_430 = tpu.vector_load %arg8[%swap3A_428, %swap3A_429] {strides = array<i32>} : memref<40x512xf32, #tpu.memory_space<vmem>>, vector<1x16xf32>,
        %swap3A_431 = vector.shape_cast %swap3A_430 : vector<1x16xf32> to vector<16xf32>
        %swap3A_432 = vector.shape_cast %mul3A_427 : vector<16xf32> to vector<1x16xf32>
        tpu.vector_store %arg8[%swap3A_428, %swap3A_429], %swap3A_432 {strides = array<i32>} : memref<40x512xf32, #tpu.memory_space<vmem>>, vector<1x16xf32>,
        %get3A_433 = arith.index_cast %scan3A_338 : i32 to index
        %get3A_434 = arith.constant 128 : index
        %get3A_435 = tpu.vector_load %arg8[%get3A_433, %get3A_434] {strides = array<i32>} : memref<40x512xf32, #tpu.memory_space<vmem>>, vector<1x16xf32>,
        %get3A_436 = vector.shape_cast %get3A_435 : vector<1x16xf32> to vector<16xf32>
        %mul3A_437 = arith.constant 22.6274166 : f32
        %mul3A_438 = vector.broadcast %mul3A_437 : f32 to vector<16xf32>
        %mul3A_439 = arith.mulf %get3A_436, %mul3A_438 : vector<16xf32>
        %swap3A_440 = arith.index_cast %scan3A_338 : i32 to index
        %swap3A_441 = arith.constant 128 : index
        %swap3A_442 = tpu.vector_load %arg8[%swap3A_440, %swap3A_441] {strides = array<i32>} : memref<40x512xf32, #tpu.memory_space<vmem>>, vector<1x16xf32>,
        %swap3A_443 = vector.shape_cast %swap3A_442 : vector<1x16xf32> to vector<16xf32>
        %swap3A_444 = vector.shape_cast %mul3A_439 : vector<16xf32> to vector<1x16xf32>
        tpu.vector_store %arg8[%swap3A_440, %swap3A_441], %swap3A_444 {strides = array<i32>} : memref<40x512xf32, #tpu.memory_space<vmem>>, vector<1x16xf32>,
        %get3A_445 = arith.index_cast %scan3A_338 : i32 to index
        %get3A_446 = arith.constant 144 : index
        %get3A_447 = tpu.vector_load %arg8[%get3A_445, %get3A_446] {strides = array<i32>} : memref<40x512xf32, #tpu.memory_space<vmem>>, vector<1x16xf32>,
        %get3A_448 = vector.shape_cast %get3A_447 : vector<1x16xf32> to vector<16xf32>
        %mul3A_449 = arith.constant 22.6274166 : f32
        %mul3A_450 = vector.broadcast %mul3A_449 : f32 to vector<16xf32>
        %mul3A_451 = arith.mulf %get3A_448, %mul3A_450 : vector<16xf32>
        %swap3A_452 = arith.index_cast %scan3A_338 : i32 to index
        %swap3A_453 = arith.constant 144 : index
        %swap3A_454 = tpu.vector_load %arg8[%swap3A_452, %swap3A_453] {strides = array<i32>} : memref<40x512xf32, #tpu.memory_space<vmem>>, vector<1x16xf32>,
        %swap3A_455 = vector.shape_cast %swap3A_454 : vector<1x16xf32> to vector<16xf32>
        %swap3A_456 = vector.shape_cast %mul3A_451 : vector<16xf32> to vector<1x16xf32>
        tpu.vector_store %arg8[%swap3A_452, %swap3A_453], %swap3A_456 {strides = array<i32>} : memref<40x512xf32, #tpu.memory_space<vmem>>, vector<1x16xf32>,
        %get3A_457 = arith.index_cast %scan3A_338 : i32 to index
        %get3A_458 = arith.constant 160 : index
        %get3A_459 = tpu.vector_load %arg8[%get3A_457, %get3A_458] {strides = array<i32>} : memref<40x512xf32, #tpu.memory_space<vmem>>, vector<1x16xf32>,
        %get3A_460 = vector.shape_cast %get3A_459 : vector<1x16xf32> to vector<16xf32>
        %mul3A_461 = arith.constant 22.6274166 : f32
        %mul3A_462 = vector.broadcast %mul3A_461 : f32 to vector<16xf32>
        %mul3A_463 = arith.mulf %get3A_460, %mul3A_462 : vector<16xf32>
        %swap3A_464 = arith.index_cast %scan3A_338 : i32 to index
        %swap3A_465 = arith.constant 160 : index
        %swap3A_466 = tpu.vector_load %arg8[%swap3A_464, %swap3A_465] {strides = array<i32>} : memref<40x512xf32, #tpu.memory_space<vmem>>, vector<1x16xf32>,
        %swap3A_467 = vector.shape_cast %swap3A_466 : vector<1x16xf32> to vector<16xf32>
        %swap3A_468 = vector.shape_cast %mul3A_463 : vector<16xf32> to vector<1x16xf32>
        tpu.vector_store %arg8[%swap3A_464, %swap3A_465], %swap3A_468 {strides = array<i32>} : memref<40x512xf32, #tpu.memory_space<vmem>>, vector<1x16xf32>,
        %get3A_469 = arith.index_cast %scan3A_338 : i32 to index
        %get3A_470 = arith.constant 176 : index
        %get3A_471 = tpu.vector_load %arg8[%get3A_469, %get3A_470] {strides = array<i32>} : memref<40x512xf32, #tpu.memory_space<vmem>>, vector<1x16xf32>,
        %get3A_472 = vector.shape_cast %get3A_471 : vector<1x16xf32> to vector<16xf32>
        %mul3A_473 = arith.constant 22.6274166 : f32
        %mul3A_474 = vector.broadcast %mul3A_473 : f32 to vector<16xf32>
        %mul3A_475 = arith.mulf %get3A_472, %mul3A_474 : vector<16xf32>
        %swap3A_476 = arith.index_cast %scan3A_338 : i32 to index
        %swap3A_477 = arith.constant 176 : index
        %swap3A_478 = tpu.vector_load %arg8[%swap3A_476, %swap3A_477] {strides = array<i32>} : memref<40x512xf32, #tpu.memory_space<vmem>>, vector<1x16xf32>,
        %swap3A_479 = vector.shape_cast %swap3A_478 : vector<1x16xf32> to vector<16xf32>
        %swap3A_480 = vector.shape_cast %mul3A_475 : vector<16xf32> to vector<1x16xf32>
        tpu.vector_store %arg8[%swap3A_476, %swap3A_477], %swap3A_480 {strides = array<i32>} : memref<40x512xf32, #tpu.memory_space<vmem>>, vector<1x16xf32>,
        %get3A_481 = arith.index_cast %scan3A_338 : i32 to index
        %get3A_482 = arith.constant 192 : index
        %get3A_483 = tpu.vector_load %arg8[%get3A_481, %get3A_482] {strides = array<i32>} : memref<40x512xf32, #tpu.memory_space<vmem>>, vector<1x16xf32>,
        %get3A_484 = vector.shape_cast %get3A_483 : vector<1x16xf32> to vector<16xf32>
        %mul3A_485 = arith.constant 22.6274166 : f32
        %mul3A_486 = vector.broadcast %mul3A_485 : f32 to vector<16xf32>
        %mul3A_487 = arith.mulf %get3A_484, %mul3A_486 : vector<16xf32>
        %swap3A_488 = arith.index_cast %scan3A_338 : i32 to index
        %swap3A_489 = arith.constant 192 : index
        %swap3A_490 = tpu.vector_load %arg8[%swap3A_488, %swap3A_489] {strides = array<i32>} : memref<40x512xf32, #tpu.memory_space<vmem>>, vector<1x16xf32>,
        %swap3A_491 = vector.shape_cast %swap3A_490 : vector<1x16xf32> to vector<16xf32>
        %swap3A_492 = vector.shape_cast %mul3A_487 : vector<16xf32> to vector<1x16xf32>
        tpu.vector_store %arg8[%swap3A_488, %swap3A_489], %swap3A_492 {strides = array<i32>} : memref<40x512xf32, #tpu.memory_space<vmem>>, vector<1x16xf32>,
        %get3A_493 = arith.index_cast %scan3A_338 : i32 to index
        %get3A_494 = arith.constant 208 : index
        %get3A_495 = tpu.vector_load %arg8[%get3A_493, %get3A_494] {strides = array<i32>} : memref<40x512xf32, #tpu.memory_space<vmem>>, vector<1x16xf32>,
        %get3A_496 = vector.shape_cast %get3A_495 : vector<1x16xf32> to vector<16xf32>
        %mul3A_497 = arith.constant 22.6274166 : f32
        %mul3A_498 = vector.broadcast %mul3A_497 : f32 to vector<16xf32>
        %mul3A_499 = arith.mulf %get3A_496, %mul3A_498 : vector<16xf32>
        %swap3A_500 = arith.index_cast %scan3A_338 : i32 to index
        %swap3A_501 = arith.constant 208 : index
        %swap3A_502 = tpu.vector_load %arg8[%swap3A_500, %swap3A_501] {strides = array<i32>} : memref<40x512xf32, #tpu.memory_space<vmem>>, vector<1x16xf32>,
        %swap3A_503 = vector.shape_cast %swap3A_502 : vector<1x16xf32> to vector<16xf32>
        %swap3A_504 = vector.shape_cast %mul3A_499 : vector<16xf32> to vector<1x16xf32>
        tpu.vector_store %arg8[%swap3A_500, %swap3A_501], %swap3A_504 {strides = array<i32>} : memref<40x512xf32, #tpu.memory_space<vmem>>, vector<1x16xf32>,
        %get3A_505 = arith.index_cast %scan3A_338 : i32 to index
        %get3A_506 = arith.constant 224 : index
        %get3A_507 = tpu.vector_load %arg8[%get3A_505, %get3A_506] {strides = array<i32>} : memref<40x512xf32, #tpu.memory_space<vmem>>, vector<1x16xf32>,
        %get3A_508 = vector.shape_cast %get3A_507 : vector<1x16xf32> to vector<16xf32>
        %mul3A_509 = arith.constant 22.6274166 : f32
        %mul3A_510 = vector.broadcast %mul3A_509 : f32 to vector<16xf32>
        %mul3A_511 = arith.mulf %get3A_508, %mul3A_510 : vector<16xf32>
        %swap3A_512 = arith.index_cast %scan3A_338 : i32 to index
        %swap3A_513 = arith.constant 224 : index
        %swap3A_514 = tpu.vector_load %arg8[%swap3A_512, %swap3A_513] {strides = array<i32>} : memref<40x512xf32, #tpu.memory_space<vmem>>, vector<1x16xf32>,
        %swap3A_515 = vector.shape_cast %swap3A_514 : vector<1x16xf32> to vector<16xf32>
        %swap3A_516 = vector.shape_cast %mul3A_511 : vector<16xf32> to vector<1x16xf32>
        tpu.vector_store %arg8[%swap3A_512, %swap3A_513], %swap3A_516 {strides = array<i32>} : memref<40x512xf32, #tpu.memory_space<vmem>>, vector<1x16xf32>,
        %get3A_517 = arith.index_cast %scan3A_338 : i32 to index
        %get3A_518 = arith.constant 240 : index
        %get3A_519 = tpu.vector_load %arg8[%get3A_517, %get3A_518] {strides = array<i32>} : memref<40x512xf32, #tpu.memory_space<vmem>>, vector<1x16xf32>,
        %get3A_520 = vector.shape_cast %get3A_519 : vector<1x16xf32> to vector<16xf32>
        %mul3A_521 = arith.constant 22.6274166 : f32
        %mul3A_522 = vector.broadcast %mul3A_521 : f32 to vector<16xf32>
        %mul3A_523 = arith.mulf %get3A_520, %mul3A_522 : vector<16xf32>
        %swap3A_524 = arith.index_cast %scan3A_338 : i32 to index
        %swap3A_525 = arith.constant 240 : index
        %swap3A_526 = tpu.vector_load %arg8[%swap3A_524, %swap3A_525] {strides = array<i32>} : memref<40x512xf32, #tpu.memory_space<vmem>>, vector<1x16xf32>,
        %swap3A_527 = vector.shape_cast %swap3A_526 : vector<1x16xf32> to vector<16xf32>
        %swap3A_528 = vector.shape_cast %mul3A_523 : vector<16xf32> to vector<1x16xf32>
        tpu.vector_store %arg8[%swap3A_524, %swap3A_525], %swap3A_528 {strides = array<i32>} : memref<40x512xf32, #tpu.memory_space<vmem>>, vector<1x16xf32>,
        %get3A_529 = arith.index_cast %scan3A_338 : i32 to index
        %get3A_530 = arith.constant 256 : index
        %get3A_531 = tpu.vector_load %arg8[%get3A_529, %get3A_530] {strides = array<i32>} : memref<40x512xf32, #tpu.memory_space<vmem>>, vector<1x16xf32>,
        %get3A_532 = vector.shape_cast %get3A_531 : vector<1x16xf32> to vector<16xf32>
        %mul3A_533 = arith.constant 22.6274166 : f32
        %mul3A_534 = vector.broadcast %mul3A_533 : f32 to vector<16xf32>
        %mul3A_535 = arith.mulf %get3A_532, %mul3A_534 : vector<16xf32>
        %swap3A_536 = arith.index_cast %scan3A_338 : i32 to index
        %swap3A_537 = arith.constant 256 : index
        %swap3A_538 = tpu.vector_load %arg8[%swap3A_536, %swap3A_537] {strides = array<i32>} : memref<40x512xf32, #tpu.memory_space<vmem>>, vector<1x16xf32>,
        %swap3A_539 = vector.shape_cast %swap3A_538 : vector<1x16xf32> to vector<16xf32>
        %swap3A_540 = vector.shape_cast %mul3A_535 : vector<16xf32> to vector<1x16xf32>
        tpu.vector_store %arg8[%swap3A_536, %swap3A_537], %swap3A_540 {strides = array<i32>} : memref<40x512xf32, #tpu.memory_space<vmem>>, vector<1x16xf32>,
        %get3A_541 = arith.index_cast %scan3A_338 : i32 to index
        %get3A_542 = arith.constant 272 : index
        %get3A_543 = tpu.vector_load %arg8[%get3A_541, %get3A_542] {strides = array<i32>} : memref<40x512xf32, #tpu.memory_space<vmem>>, vector<1x16xf32>,
        %get3A_544 = vector.shape_cast %get3A_543 : vector<1x16xf32> to vector<16xf32>
        %mul3A_545 = arith.constant 22.6274166 : f32
        %mul3A_546 = vector.broadcast %mul3A_545 : f32 to vector<16xf32>
        %mul3A_547 = arith.mulf %get3A_544, %mul3A_546 : vector<16xf32>
        %swap3A_548 = arith.index_cast %scan3A_338 : i32 to index
        %swap3A_549 = arith.constant 272 : index
        %swap3A_550 = tpu.vector_load %arg8[%swap3A_548, %swap3A_549] {strides = array<i32>} : memref<40x512xf32, #tpu.memory_space<vmem>>, vector<1x16xf32>,
        %swap3A_551 = vector.shape_cast %swap3A_550 : vector<1x16xf32> to vector<16xf32>
        %swap3A_552 = vector.shape_cast %mul3A_547 : vector<16xf32> to vector<1x16xf32>
        tpu.vector_store %arg8[%swap3A_548, %swap3A_549], %swap3A_552 {strides = array<i32>} : memref<40x512xf32, #tpu.memory_space<vmem>>, vector<1x16xf32>,
        %get3A_553 = arith.index_cast %scan3A_338 : i32 to index
        %get3A_554 = arith.constant 288 : index
        %get3A_555 = tpu.vector_load %arg8[%get3A_553, %get3A_554] {strides = array<i32>} : memref<40x512xf32, #tpu.memory_space<vmem>>, vector<1x16xf32>,
        %get3A_556 = vector.shape_cast %get3A_555 : vector<1x16xf32> to vector<16xf32>
        %mul3A_557 = arith.constant 22.6274166 : f32
        %mul3A_558 = vector.broadcast %mul3A_557 : f32 to vector<16xf32>
        %mul3A_559 = arith.mulf %get3A_556, %mul3A_558 : vector<16xf32>
        %swap3A_560 = arith.index_cast %scan3A_338 : i32 to index
        %swap3A_561 = arith.constant 288 : index
        %swap3A_562 = tpu.vector_load %arg8[%swap3A_560, %swap3A_561] {strides = array<i32>} : memref<40x512xf32, #tpu.memory_space<vmem>>, vector<1x16xf32>,
        %swap3A_563 = vector.shape_cast %swap3A_562 : vector<1x16xf32> to vector<16xf32>
        %swap3A_564 = vector.shape_cast %mul3A_559 : vector<16xf32> to vector<1x16xf32>
        tpu.vector_store %arg8[%swap3A_560, %swap3A_561], %swap3A_564 {strides = array<i32>} : memref<40x512xf32, #tpu.memory_space<vmem>>, vector<1x16xf32>,
        %get3A_565 = arith.index_cast %scan3A_338 : i32 to index
        %get3A_566 = arith.constant 304 : index
        %get3A_567 = tpu.vector_load %arg8[%get3A_565, %get3A_566] {strides = array<i32>} : memref<40x512xf32, #tpu.memory_space<vmem>>, vector<1x16xf32>,
        %get3A_568 = vector.shape_cast %get3A_567 : vector<1x16xf32> to vector<16xf32>
        %mul3A_569 = arith.constant 22.6274166 : f32
        %mul3A_570 = vector.broadcast %mul3A_569 : f32 to vector<16xf32>
        %mul3A_571 = arith.mulf %get3A_568, %mul3A_570 : vector<16xf32>
        %swap3A_572 = arith.index_cast %scan3A_338 : i32 to index
        %swap3A_573 = arith.constant 304 : index
        %swap3A_574 = tpu.vector_load %arg8[%swap3A_572, %swap3A_573] {strides = array<i32>} : memref<40x512xf32, #tpu.memory_space<vmem>>, vector<1x16xf32>,
        %swap3A_575 = vector.shape_cast %swap3A_574 : vector<1x16xf32> to vector<16xf32>
        %swap3A_576 = vector.shape_cast %mul3A_571 : vector<16xf32> to vector<1x16xf32>
        tpu.vector_store %arg8[%swap3A_572, %swap3A_573], %swap3A_576 {strides = array<i32>} : memref<40x512xf32, #tpu.memory_space<vmem>>, vector<1x16xf32>,
        %get3A_577 = arith.index_cast %scan3A_338 : i32 to index
        %get3A_578 = arith.constant 320 : index
        %get3A_579 = tpu.vector_load %arg8[%get3A_577, %get3A_578] {strides = array<i32>} : memref<40x512xf32, #tpu.memory_space<vmem>>, vector<1x16xf32>,
        %get3A_580 = vector.shape_cast %get3A_579 : vector<1x16xf32> to vector<16xf32>
        %mul3A_581 = arith.constant 22.6274166 : f32
        %mul3A_582 = vector.broadcast %mul3A_581 : f32 to vector<16xf32>
        %mul3A_583 = arith.mulf %get3A_580, %mul3A_582 : vector<16xf32>
        %swap3A_584 = arith.index_cast %scan3A_338 : i32 to index
        %swap3A_585 = arith.constant 320 : index
        %swap3A_586 = tpu.vector_load %arg8[%swap3A_584, %swap3A_585] {strides = array<i32>} : memref<40x512xf32, #tpu.memory_space<vmem>>, vector<1x16xf32>,
        %swap3A_587 = vector.shape_cast %swap3A_586 : vector<1x16xf32> to vector<16xf32>
        %swap3A_588 = vector.shape_cast %mul3A_583 : vector<16xf32> to vector<1x16xf32>
        tpu.vector_store %arg8[%swap3A_584, %swap3A_585], %swap3A_588 {strides = array<i32>} : memref<40x512xf32, #tpu.memory_space<vmem>>, vector<1x16xf32>,
        %get3A_589 = arith.index_cast %scan3A_338 : i32 to index
        %get3A_590 = arith.constant 336 : index
        %get3A_591 = tpu.vector_load %arg8[%get3A_589, %get3A_590] {strides = array<i32>} : memref<40x512xf32, #tpu.memory_space<vmem>>, vector<1x16xf32>,
        %get3A_592 = vector.shape_cast %get3A_591 : vector<1x16xf32> to vector<16xf32>
        %mul3A_593 = arith.constant 22.6274166 : f32
        %mul3A_594 = vector.broadcast %mul3A_593 : f32 to vector<16xf32>
        %mul3A_595 = arith.mulf %get3A_592, %mul3A_594 : vector<16xf32>
        %swap3A_596 = arith.index_cast %scan3A_338 : i32 to index
        %swap3A_597 = arith.constant 336 : index
        %swap3A_598 = tpu.vector_load %arg8[%swap3A_596, %swap3A_597] {strides = array<i32>} : memref<40x512xf32, #tpu.memory_space<vmem>>, vector<1x16xf32>,
        %swap3A_599 = vector.shape_cast %swap3A_598 : vector<1x16xf32> to vector<16xf32>
        %swap3A_600 = vector.shape_cast %mul3A_595 : vector<16xf32> to vector<1x16xf32>
        tpu.vector_store %arg8[%swap3A_596, %swap3A_597], %swap3A_600 {strides = array<i32>} : memref<40x512xf32, #tpu.memory_space<vmem>>, vector<1x16xf32>,
        %get3A_601 = arith.index_cast %scan3A_338 : i32 to index
        %get3A_602 = arith.constant 352 : index
        %get3A_603 = tpu.vector_load %arg8[%get3A_601, %get3A_602] {strides = array<i32>} : memref<40x512xf32, #tpu.memory_space<vmem>>, vector<1x16xf32>,
        %get3A_604 = vector.shape_cast %get3A_603 : vector<1x16xf32> to vector<16xf32>
        %mul3A_605 = arith.constant 22.6274166 : f32
        %mul3A_606 = vector.broadcast %mul3A_605 : f32 to vector<16xf32>
        %mul3A_607 = arith.mulf %get3A_604, %mul3A_606 : vector<16xf32>
        %swap3A_608 = arith.index_cast %scan3A_338 : i32 to index
        %swap3A_609 = arith.constant 352 : index
        %swap3A_610 = tpu.vector_load %arg8[%swap3A_608, %swap3A_609] {strides = array<i32>} : memref<40x512xf32, #tpu.memory_space<vmem>>, vector<1x16xf32>,
        %swap3A_611 = vector.shape_cast %swap3A_610 : vector<1x16xf32> to vector<16xf32>
        %swap3A_612 = vector.shape_cast %mul3A_607 : vector<16xf32> to vector<1x16xf32>
        tpu.vector_store %arg8[%swap3A_608, %swap3A_609], %swap3A_612 {strides = array<i32>} : memref<40x512xf32, #tpu.memory_space<vmem>>, vector<1x16xf32>,
        %get3A_613 = arith.index_cast %scan3A_338 : i32 to index
        %get3A_614 = arith.constant 368 : index
        %get3A_615 = tpu.vector_load %arg8[%get3A_613, %get3A_614] {strides = array<i32>} : memref<40x512xf32, #tpu.memory_space<vmem>>, vector<1x16xf32>,
        %get3A_616 = vector.shape_cast %get3A_615 : vector<1x16xf32> to vector<16xf32>
        %mul3A_617 = arith.constant 22.6274166 : f32
        %mul3A_618 = vector.broadcast %mul3A_617 : f32 to vector<16xf32>
        %mul3A_619 = arith.mulf %get3A_616, %mul3A_618 : vector<16xf32>
        %swap3A_620 = arith.index_cast %scan3A_338 : i32 to index
        %swap3A_621 = arith.constant 368 : index
        %swap3A_622 = tpu.vector_load %arg8[%swap3A_620, %swap3A_621] {strides = array<i32>} : memref<40x512xf32, #tpu.memory_space<vmem>>, vector<1x16xf32>,
        %swap3A_623 = vector.shape_cast %swap3A_622 : vector<1x16xf32> to vector<16xf32>
        %swap3A_624 = vector.shape_cast %mul3A_619 : vector<16xf32> to vector<1x16xf32>
        tpu.vector_store %arg8[%swap3A_620, %swap3A_621], %swap3A_624 {strides = array<i32>} : memref<40x512xf32, #tpu.memory_space<vmem>>, vector<1x16xf32>,
        %get3A_625 = arith.index_cast %scan3A_338 : i32 to index
        %get3A_626 = arith.constant 384 : index
        %get3A_627 = tpu.vector_load %arg8[%get3A_625, %get3A_626] {strides = array<i32>} : memref<40x512xf32, #tpu.memory_space<vmem>>, vector<1x16xf32>,
        %get3A_628 = vector.shape_cast %get3A_627 : vector<1x16xf32> to vector<16xf32>
        %mul3A_629 = arith.constant 22.6274166 : f32
        %mul3A_630 = vector.broadcast %mul3A_629 : f32 to vector<16xf32>
        %mul3A_631 = arith.mulf %get3A_628, %mul3A_630 : vector<16xf32>
        %swap3A_632 = arith.index_cast %scan3A_338 : i32 to index
        %swap3A_633 = arith.constant 384 : index
        %swap3A_634 = tpu.vector_load %arg8[%swap3A_632, %swap3A_633] {strides = array<i32>} : memref<40x512xf32, #tpu.memory_space<vmem>>, vector<1x16xf32>,
        %swap3A_635 = vector.shape_cast %swap3A_634 : vector<1x16xf32> to vector<16xf32>
        %swap3A_636 = vector.shape_cast %mul3A_631 : vector<16xf32> to vector<1x16xf32>
        tpu.vector_store %arg8[%swap3A_632, %swap3A_633], %swap3A_636 {strides = array<i32>} : memref<40x512xf32, #tpu.memory_space<vmem>>, vector<1x16xf32>,
        %get3A_637 = arith.index_cast %scan3A_338 : i32 to index
        %get3A_638 = arith.constant 400 : index
        %get3A_639 = tpu.vector_load %arg8[%get3A_637, %get3A_638] {strides = array<i32>} : memref<40x512xf32, #tpu.memory_space<vmem>>, vector<1x16xf32>,
        %get3A_640 = vector.shape_cast %get3A_639 : vector<1x16xf32> to vector<16xf32>
        %mul3A_641 = arith.constant 22.6274166 : f32
        %mul3A_642 = vector.broadcast %mul3A_641 : f32 to vector<16xf32>
        %mul3A_643 = arith.mulf %get3A_640, %mul3A_642 : vector<16xf32>
        %swap3A_644 = arith.index_cast %scan3A_338 : i32 to index
        %swap3A_645 = arith.constant 400 : index
        %swap3A_646 = tpu.vector_load %arg8[%swap3A_644, %swap3A_645] {strides = array<i32>} : memref<40x512xf32, #tpu.memory_space<vmem>>, vector<1x16xf32>,
        %swap3A_647 = vector.shape_cast %swap3A_646 : vector<1x16xf32> to vector<16xf32>
        %swap3A_648 = vector.shape_cast %mul3A_643 : vector<16xf32> to vector<1x16xf32>
        tpu.vector_store %arg8[%swap3A_644, %swap3A_645], %swap3A_648 {strides = array<i32>} : memref<40x512xf32, #tpu.memory_space<vmem>>, vector<1x16xf32>,
        %get3A_649 = arith.index_cast %scan3A_338 : i32 to index
        %get3A_650 = arith.constant 416 : index
        %get3A_651 = tpu.vector_load %arg8[%get3A_649, %get3A_650] {strides = array<i32>} : memref<40x512xf32, #tpu.memory_space<vmem>>, vector<1x16xf32>,
        %get3A_652 = vector.shape_cast %get3A_651 : vector<1x16xf32> to vector<16xf32>
        %mul3A_653 = arith.constant 22.6274166 : f32
        %mul3A_654 = vector.broadcast %mul3A_653 : f32 to vector<16xf32>
        %mul3A_655 = arith.mulf %get3A_652, %mul3A_654 : vector<16xf32>
        %swap3A_656 = arith.index_cast %scan3A_338 : i32 to index
        %swap3A_657 = arith.constant 416 : index
        %swap3A_658 = tpu.vector_load %arg8[%swap3A_656, %swap3A_657] {strides = array<i32>} : memref<40x512xf32, #tpu.memory_space<vmem>>, vector<1x16xf32>,
        %swap3A_659 = vector.shape_cast %swap3A_658 : vector<1x16xf32> to vector<16xf32>
        %swap3A_660 = vector.shape_cast %mul3A_655 : vector<16xf32> to vector<1x16xf32>
        tpu.vector_store %arg8[%swap3A_656, %swap3A_657], %swap3A_660 {strides = array<i32>} : memref<40x512xf32, #tpu.memory_space<vmem>>, vector<1x16xf32>,
        %get3A_661 = arith.index_cast %scan3A_338 : i32 to index
        %get3A_662 = arith.constant 432 : index
        %get3A_663 = tpu.vector_load %arg8[%get3A_661, %get3A_662] {strides = array<i32>} : memref<40x512xf32, #tpu.memory_space<vmem>>, vector<1x16xf32>,
        %get3A_664 = vector.shape_cast %get3A_663 : vector<1x16xf32> to vector<16xf32>
        %mul3A_665 = arith.constant 22.6274166 : f32
        %mul3A_666 = vector.broadcast %mul3A_665 : f32 to vector<16xf32>
        %mul3A_667 = arith.mulf %get3A_664, %mul3A_666 : vector<16xf32>
        %swap3A_668 = arith.index_cast %scan3A_338 : i32 to index
        %swap3A_669 = arith.constant 432 : index
        %swap3A_670 = tpu.vector_load %arg8[%swap3A_668, %swap3A_669] {strides = array<i32>} : memref<40x512xf32, #tpu.memory_space<vmem>>, vector<1x16xf32>,
        %swap3A_671 = vector.shape_cast %swap3A_670 : vector<1x16xf32> to vector<16xf32>
        %swap3A_672 = vector.shape_cast %mul3A_667 : vector<16xf32> to vector<1x16xf32>
        tpu.vector_store %arg8[%swap3A_668, %swap3A_669], %swap3A_672 {strides = array<i32>} : memref<40x512xf32, #tpu.memory_space<vmem>>, vector<1x16xf32>,
        %get3A_673 = arith.index_cast %scan3A_338 : i32 to index
        %get3A_674 = arith.constant 448 : index
        %get3A_675 = tpu.vector_load %arg8[%get3A_673, %get3A_674] {strides = array<i32>} : memref<40x512xf32, #tpu.memory_space<vmem>>, vector<1x16xf32>,
        %get3A_676 = vector.shape_cast %get3A_675 : vector<1x16xf32> to vector<16xf32>
        %mul3A_677 = arith.constant 22.6274166 : f32
        %mul3A_678 = vector.broadcast %mul3A_677 : f32 to vector<16xf32>
        %mul3A_679 = arith.mulf %get3A_676, %mul3A_678 : vector<16xf32>
        %swap3A_680 = arith.index_cast %scan3A_338 : i32 to index
        %swap3A_681 = arith.constant 448 : index
        %swap3A_682 = tpu.vector_load %arg8[%swap3A_680, %swap3A_681] {strides = array<i32>} : memref<40x512xf32, #tpu.memory_space<vmem>>, vector<1x16xf32>,
        %swap3A_683 = vector.shape_cast %swap3A_682 : vector<1x16xf32> to vector<16xf32>
        %swap3A_684 = vector.shape_cast %mul3A_679 : vector<16xf32> to vector<1x16xf32>
        tpu.vector_store %arg8[%swap3A_680, %swap3A_681], %swap3A_684 {strides = array<i32>} : memref<40x512xf32, #tpu.memory_space<vmem>>, vector<1x16xf32>,
        %get3A_685 = arith.index_cast %scan3A_338 : i32 to index
        %get3A_686 = arith.constant 464 : index
        %get3A_687 = tpu.vector_load %arg8[%get3A_685, %get3A_686] {strides = array<i32>} : memref<40x512xf32, #tpu.memory_space<vmem>>, vector<1x16xf32>,
        %get3A_688 = vector.shape_cast %get3A_687 : vector<1x16xf32> to vector<16xf32>
        %mul3A_689 = arith.constant 22.6274166 : f32
        %mul3A_690 = vector.broadcast %mul3A_689 : f32 to vector<16xf32>
        %mul3A_691 = arith.mulf %get3A_688, %mul3A_690 : vector<16xf32>
        %swap3A_692 = arith.index_cast %scan3A_338 : i32 to index
        %swap3A_693 = arith.constant 464 : index
        %swap3A_694 = tpu.vector_load %arg8[%swap3A_692, %swap3A_693] {strides = array<i32>} : memref<40x512xf32, #tpu.memory_space<vmem>>, vector<1x16xf32>,
        %swap3A_695 = vector.shape_cast %swap3A_694 : vector<1x16xf32> to vector<16xf32>
        %swap3A_696 = vector.shape_cast %mul3A_691 : vector<16xf32> to vector<1x16xf32>
        tpu.vector_store %arg8[%swap3A_692, %swap3A_693], %swap3A_696 {strides = array<i32>} : memref<40x512xf32, #tpu.memory_space<vmem>>, vector<1x16xf32>,
        %get3A_697 = arith.index_cast %scan3A_338 : i32 to index
        %get3A_698 = arith.constant 480 : index
        %get3A_699 = tpu.vector_load %arg8[%get3A_697, %get3A_698] {strides = array<i32>} : memref<40x512xf32, #tpu.memory_space<vmem>>, vector<1x16xf32>,
        %get3A_700 = vector.shape_cast %get3A_699 : vector<1x16xf32> to vector<16xf32>
        %mul3A_701 = arith.constant 22.6274166 : f32
        %mul3A_702 = vector.broadcast %mul3A_701 : f32 to vector<16xf32>
        %mul3A_703 = arith.mulf %get3A_700, %mul3A_702 : vector<16xf32>
        %swap3A_704 = arith.index_cast %scan3A_338 : i32 to index
        %swap3A_705 = arith.constant 480 : index
        %swap3A_706 = tpu.vector_load %arg8[%swap3A_704, %swap3A_705] {strides = array<i32>} : memref<40x512xf32, #tpu.memory_space<vmem>>, vector<1x16xf32>,
        %swap3A_707 = vector.shape_cast %swap3A_706 : vector<1x16xf32> to vector<16xf32>
        %swap3A_708 = vector.shape_cast %mul3A_703 : vector<16xf32> to vector<1x16xf32>
        tpu.vector_store %arg8[%swap3A_704, %swap3A_705], %swap3A_708 {strides = array<i32>} : memref<40x512xf32, #tpu.memory_space<vmem>>, vector<1x16xf32>,
        %get3A_709 = arith.index_cast %scan3A_338 : i32 to index
        %get3A_710 = arith.constant 496 : index
        %get3A_711 = tpu.vector_load %arg8[%get3A_709, %get3A_710] {strides = array<i32>} : memref<40x512xf32, #tpu.memory_space<vmem>>, vector<1x16xf32>,
        %get3A_712 = vector.shape_cast %get3A_711 : vector<1x16xf32> to vector<16xf32>
        %mul3A_713 = arith.constant 22.6274166 : f32
        %mul3A_714 = vector.broadcast %mul3A_713 : f32 to vector<16xf32>
        %mul3A_715 = arith.mulf %get3A_712, %mul3A_714 : vector<16xf32>
        %swap3A_716 = arith.index_cast %scan3A_338 : i32 to index
        %swap3A_717 = arith.constant 496 : index
        %swap3A_718 = tpu.vector_load %arg8[%swap3A_716, %swap3A_717] {strides = array<i32>} : memref<40x512xf32, #tpu.memory_space<vmem>>, vector<1x16xf32>,
        %swap3A_719 = vector.shape_cast %swap3A_718 : vector<1x16xf32> to vector<16xf32>
        %swap3A_720 = vector.shape_cast %mul3A_715 : vector<16xf32> to vector<1x16xf32>
        tpu.vector_store %arg8[%swap3A_716, %swap3A_717], %swap3A_720 {strides = array<i32>} : memref<40x512xf32, #tpu.memory_space<vmem>>, vector<1x16xf32>,
      }
      %scan3A_218 = arith.constant 40 : i32
      %mul3A_219 = arith.constant 40 : i32
      %mul3A_220 = arith.muli %add3A_188, %mul3A_219 : i32
      %add3A_221 = arith.addi %mul3A_2, %mul3A_220 : i32
      %dma_start3A_222 = arith.constant 0 : i32
      %dma_start3A_223 = tpu.memref_slice %arg4[%add3A_221, %dma_start3A_222] : memref<204800x512xf32, #tpu.memory_space<hbm>> -> memref<40x512xf32, #tpu.memory_space<hbm>>
      %dma_start3A_224 = arith.constant 0 : i32
      %dma_start3A_225 = tpu.memref_slice %arg4[%add3A_221, %dma_start3A_224] : memref<204800x512xf32, #tpu.memory_space<hbm>> -> memref<40x512xf32, #tpu.memory_space<hbm>>
      tpu.enqueue_dma source(%arg8 : memref<40x512xf32, #tpu.memory_space<vmem>>) target(%dma_start3A_225 : memref<40x512xf32, #tpu.memory_space<hbm>>) target_semaphore(%arg28 : memref<!tpu.dma_semaphore, #tpu.memory_space<semaphore_mem>>)
      %ge3A_226 = arith.constant 2 : i32
      %ge3A_227 = arith.cmpi sge, %add3A_188, %ge3A_226 : i32
      %convert_element_type3A_228 = arith.extui %ge3A_227 : i1 to i32
      %cond3A_229 = arith.constant 0 : i32
      %cond3A_230 = arith.cmpi ne, %convert_element_type3A_228, %cond3A_229 : i32
      scf.if %cond3A_230 {
        %dma_wait3A_338 = arith.constant 0 : i32
        %dma_wait3A_339 = tpu.memref_slice %arg4[%mul3A_2, %dma_wait3A_338] : memref<204800x512xf32, #tpu.memory_space<hbm>> -> memref<40x512xf32, #tpu.memory_space<hbm>>
        %dma_wait3A_340 = arith.constant 0 : i32
        %dma_wait3A_341 = tpu.memref_slice %arg4[%mul3A_2, %dma_wait3A_340] : memref<204800x512xf32, #tpu.memory_space<hbm>> -> memref<40x512xf32, #tpu.memory_space<hbm>>
        tpu.wait_dma2 semaphore(%arg26 : memref<!tpu.dma_semaphore, #tpu.memory_space<semaphore_mem>>) src(%arg6 : memref<40x512xf32, #tpu.memory_space<vmem>>) dst(%dma_wait3A_341 : memref<40x512xf32, #tpu.memory_space<hbm>>)
      } else {
      }
      %lt3A_231 = arith.constant 157 : i32
      %lt3A_232 = arith.cmpi slt, %add3A_188, %lt3A_231 : i32
      %convert_element_type3A_233 = arith.extui %lt3A_232 : i1 to i32
      %cond3A_234 = arith.constant 0 : i32
      %cond3A_235 = arith.cmpi ne, %convert_element_type3A_233, %cond3A_234 : i32
      scf.if %cond3A_235 {
        %add3A_338 = arith.constant 3 : i32
        %add3A_339 = arith.addi %add3A_188, %add3A_338 : i32
        %mul3A_340 = arith.constant 40 : i32
        %mul3A_341 = arith.muli %add3A_339, %mul3A_340 : i32
        %dma_start3A_342 = arith.constant 0 : i32
        %dma_start3A_343 = arith.constant 0 : i32
        %dma_start3A_344 = tpu.memref_slice %arg6[%dma_start3A_342, %dma_start3A_343] : memref<40x512xf32, #tpu.memory_space<vmem>> -> memref<16x512xf32, #tpu.memory_space<vmem>>
        %dma_start3A_345 = tpu.memref_slice %arg5[%mul3A_341] : memref<6400xi32, #tpu.memory_space<vmem>> -> memref<16xi32, #tpu.memory_space<vmem>>
        %dma_start3A_346 = arith.constant 0 : i32
        %dma_start3A_347 = arith.constant 0 : i32
        %dma_start3A_348 = tpu.memref_slice %arg3[%dma_start3A_346, %dma_start3A_347] : memref<100000x512xf32, #tpu.memory_space<hbm>> -> memref<100000x512xf32, #tpu.memory_space<hbm>>
        tpu.enqueue_indirect_dma source(%dma_start3A_348 : memref<100000x512xf32, #tpu.memory_space<hbm>>) target(%dma_start3A_344 : memref<16x512xf32, #tpu.memory_space<vmem>>) offsets(%dma_start3A_345 : memref<16xi32, #tpu.memory_space<vmem>>) semaphore(%arg11 : memref<!tpu.dma_semaphore, #tpu.memory_space<semaphore_mem>>)
        %mul3A_349 = arith.constant 40 : i32
        %mul3A_350 = arith.muli %add3A_339, %mul3A_349 : i32
        %add3A_351 = arith.constant 16 : i32
        %add3A_352 = arith.addi %mul3A_350, %add3A_351 : i32
        %dma_start3A_353 = arith.constant 16 : i32
        %dma_start3A_354 = arith.constant 0 : i32
        %dma_start3A_355 = tpu.memref_slice %arg6[%dma_start3A_353, %dma_start3A_354] : memref<40x512xf32, #tpu.memory_space<vmem>> -> memref<16x512xf32, #tpu.memory_space<vmem>>
        %dma_start3A_356 = tpu.memref_slice %arg5[%add3A_352] : memref<6400xi32, #tpu.memory_space<vmem>> -> memref<16xi32, #tpu.memory_space<vmem>>
        %dma_start3A_357 = arith.constant 0 : i32
        %dma_start3A_358 = arith.constant 0 : i32
        %dma_start3A_359 = tpu.memref_slice %arg3[%dma_start3A_357, %dma_start3A_358] : memref<100000x512xf32, #tpu.memory_space<hbm>> -> memref<100000x512xf32, #tpu.memory_space<hbm>>
        tpu.enqueue_indirect_dma source(%dma_start3A_359 : memref<100000x512xf32, #tpu.memory_space<hbm>>) target(%dma_start3A_355 : memref<16x512xf32, #tpu.memory_space<vmem>>) offsets(%dma_start3A_356 : memref<16xi32, #tpu.memory_space<vmem>>) semaphore(%arg16 : memref<!tpu.dma_semaphore, #tpu.memory_space<semaphore_mem>>)
        %mul3A_360 = arith.constant 40 : i32
        %mul3A_361 = arith.muli %add3A_339, %mul3A_360 : i32
        %add3A_362 = arith.constant 16 : i32
        %add3A_363 = arith.addi %mul3A_361, %add3A_362 : i32
        %add3A_364 = arith.constant 16 : i32
        %add3A_365 = arith.addi %add3A_363, %add3A_364 : i32
        %dma_start3A_366 = arith.constant 32 : i32
        %dma_start3A_367 = arith.constant 0 : i32
        %dma_start3A_368 = tpu.memref_slice %arg6[%dma_start3A_366, %dma_start3A_367] : memref<40x512xf32, #tpu.memory_space<vmem>> -> memref<8x512xf32, #tpu.memory_space<vmem>>
        %dma_start3A_369 = tpu.memref_slice %arg5[%add3A_365] : memref<6400xi32, #tpu.memory_space<vmem>> -> memref<8xi32, #tpu.memory_space<vmem>>
        %dma_start3A_370 = arith.constant 0 : i32
        %dma_start3A_371 = arith.constant 0 : i32
        %dma_start3A_372 = tpu.memref_slice %arg3[%dma_start3A_370, %dma_start3A_371] : memref<100000x512xf32, #tpu.memory_space<hbm>> -> memref<100000x512xf32, #tpu.memory_space<hbm>>
        tpu.enqueue_indirect_dma source(%dma_start3A_372 : memref<100000x512xf32, #tpu.memory_space<hbm>>) target(%dma_start3A_368 : memref<8x512xf32, #tpu.memory_space<vmem>>) offsets(%dma_start3A_369 : memref<8xi32, #tpu.memory_space<vmem>>) semaphore(%arg21 : memref<!tpu.dma_semaphore, #tpu.memory_space<semaphore_mem>>)
      } else {
      }
      %mul3A_236 = arith.constant 5 : i32
      %mul3A_237 = arith.muli %mul3A_236, %scan3A_86 : i32
      %add3A_238 = arith.constant 3 : i32
      %add3A_239 = arith.addi %mul3A_237, %add3A_238 : i32
      %dma_wait3A_240 = arith.constant 0 : i32
      %dma_wait3A_241 = arith.constant 0 : i32
      %dma_wait3A_242 = tpu.memref_slice %arg9[%dma_wait3A_240, %dma_wait3A_241] : memref<40x512xf32, #tpu.memory_space<vmem>> -> memref<16x512xf32, #tpu.memory_space<vmem>>
      %dma_wait3A_243 = arith.constant 0 : i32
      %dma_wait3A_244 = tpu.memref_slice %arg5[%dma_wait3A_243] : memref<6400xi32, #tpu.memory_space<vmem>> -> memref<16xi32, #tpu.memory_space<vmem>>
      %dma_wait3A_245 = arith.constant 0 : i32
      %dma_wait3A_246 = arith.constant 0 : i32
      %dma_wait3A_247 = tpu.memref_slice %arg3[%dma_wait3A_245, %dma_wait3A_246] : memref<100000x512xf32, #tpu.memory_space<hbm>> -> memref<100000x512xf32, #tpu.memory_space<hbm>>
      tpu.wait_indirect_dma semaphore(%arg14 : memref<!tpu.dma_semaphore, #tpu.memory_space<semaphore_mem>>) src(%dma_wait3A_247 : memref<100000x512xf32, #tpu.memory_space<hbm>>) dst(%dma_wait3A_242 : memref<16x512xf32, #tpu.memory_space<vmem>>)
      %dma_wait3A_248 = arith.constant 16 : i32
      %dma_wait3A_249 = arith.constant 0 : i32
      %dma_wait3A_250 = tpu.memref_slice %arg9[%dma_wait3A_248, %dma_wait3A_249] : memref<40x512xf32, #tpu.memory_space<vmem>> -> memref<16x512xf32, #tpu.memory_space<vmem>>
      %dma_wait3A_251 = arith.constant 0 : i32
      %dma_wait3A_252 = tpu.memref_slice %arg5[%dma_wait3A_251] : memref<6400xi32, #tpu.memory_space<vmem>> -> memref<16xi32, #tpu.memory_space<vmem>>
      %dma_wait3A_253 = arith.constant 0 : i32
      %dma_wait3A_254 = arith.constant 0 : i32
      %dma_wait3A_255 = tpu.memref_slice %arg3[%dma_wait3A_253, %dma_wait3A_254] : memref<100000x512xf32, #tpu.memory_space<hbm>> -> memref<100000x512xf32, #tpu.memory_space<hbm>>
      tpu.wait_indirect_dma semaphore(%arg19 : memref<!tpu.dma_semaphore, #tpu.memory_space<semaphore_mem>>) src(%dma_wait3A_255 : memref<100000x512xf32, #tpu.memory_space<hbm>>) dst(%dma_wait3A_250 : memref<16x512xf32, #tpu.memory_space<vmem>>)
      %dma_wait3A_256 = arith.constant 32 : i32
      %dma_wait3A_257 = arith.constant 0 : i32
      %dma_wait3A_258 = tpu.memref_slice %arg9[%dma_wait3A_256, %dma_wait3A_257] : memref<40x512xf32, #tpu.memory_space<vmem>> -> memref<8x512xf32, #tpu.memory_space<vmem>>
      %dma_wait3A_259 = arith.constant 0 : i32
      %dma_wait3A_260 = tpu.memref_slice %arg5[%dma_wait3A_259] : memref<6400xi32, #tpu.memory_space<vmem>> -> memref<8xi32, #tpu.memory_space<vmem>>
      %dma_wait3A_261 = arith.constant 0 : i32
      %dma_wait3A_262 = arith.constant 0 : i32
      %dma_wait3A_263 = tpu.memref_slice %arg3[%dma_wait3A_261, %dma_wait3A_262] : memref<100000x512xf32, #tpu.memory_space<hbm>> -> memref<100000x512xf32, #tpu.memory_space<hbm>>
      tpu.wait_indirect_dma semaphore(%arg24 : memref<!tpu.dma_semaphore, #tpu.memory_space<semaphore_mem>>) src(%dma_wait3A_263 : memref<100000x512xf32, #tpu.memory_space<hbm>>) dst(%dma_wait3A_258 : memref<8x512xf32, #tpu.memory_space<vmem>>)
      %scan3A_264 = arith.constant 0 : i32
      %scan3A_265 = arith.constant 0 : i32
      %scan3A_266 = arith.constant 40 : i32
      %scan3A_267 = arith.addi %scan3A_265, %scan3A_266 : i32
      %scan3A_268 = arith.constant 1 : i32
      scf.for %scan3A_338 = %scan3A_265 to %scan3A_267 step %scan3A_268  : i32 {
        %get3A = arith.index_cast %scan3A_338 : i32 to index
        %get3A_339 = arith.constant 0 : index
        %get3A_340 = tpu.vector_load %arg9[%get3A, %get3A_339] {strides = array<i32>} : memref<40x512xf32, #tpu.memory_space<vmem>>, vector<1x16xf32>,
        %get3A_341 = vector.shape_cast %get3A_340 : vector<1x16xf32> to vector<16xf32>
        %mul3A_342 = arith.constant 22.6274166 : f32
        %mul3A_343 = vector.broadcast %mul3A_342 : f32 to vector<16xf32>
        %mul3A_344 = arith.mulf %get3A_341, %mul3A_343 : vector<16xf32>
        %swap3A = arith.index_cast %scan3A_338 : i32 to index
        %swap3A_345 = arith.constant 0 : index
        %swap3A_346 = tpu.vector_load %arg9[%swap3A, %swap3A_345] {strides = array<i32>} : memref<40x512xf32, #tpu.memory_space<vmem>>, vector<1x16xf32>,
        %swap3A_347 = vector.shape_cast %swap3A_346 : vector<1x16xf32> to vector<16xf32>
        %swap3A_348 = vector.shape_cast %mul3A_344 : vector<16xf32> to vector<1x16xf32>
        tpu.vector_store %arg9[%swap3A, %swap3A_345], %swap3A_348 {strides = array<i32>} : memref<40x512xf32, #tpu.memory_space<vmem>>, vector<1x16xf32>,
        %get3A_349 = arith.index_cast %scan3A_338 : i32 to index
        %get3A_350 = arith.constant 16 : index
        %get3A_351 = tpu.vector_load %arg9[%get3A_349, %get3A_350] {strides = array<i32>} : memref<40x512xf32, #tpu.memory_space<vmem>>, vector<1x16xf32>,
        %get3A_352 = vector.shape_cast %get3A_351 : vector<1x16xf32> to vector<16xf32>
        %mul3A_353 = arith.constant 22.6274166 : f32
        %mul3A_354 = vector.broadcast %mul3A_353 : f32 to vector<16xf32>
        %mul3A_355 = arith.mulf %get3A_352, %mul3A_354 : vector<16xf32>
        %swap3A_356 = arith.index_cast %scan3A_338 : i32 to index
        %swap3A_357 = arith.constant 16 : index
        %swap3A_358 = tpu.vector_load %arg9[%swap3A_356, %swap3A_357] {strides = array<i32>} : memref<40x512xf32, #tpu.memory_space<vmem>>, vector<1x16xf32>,
        %swap3A_359 = vector.shape_cast %swap3A_358 : vector<1x16xf32> to vector<16xf32>
        %swap3A_360 = vector.shape_cast %mul3A_355 : vector<16xf32> to vector<1x16xf32>
        tpu.vector_store %arg9[%swap3A_356, %swap3A_357], %swap3A_360 {strides = array<i32>} : memref<40x512xf32, #tpu.memory_space<vmem>>, vector<1x16xf32>,
        %get3A_361 = arith.index_cast %scan3A_338 : i32 to index
        %get3A_362 = arith.constant 32 : index
        %get3A_363 = tpu.vector_load %arg9[%get3A_361, %get3A_362] {strides = array<i32>} : memref<40x512xf32, #tpu.memory_space<vmem>>, vector<1x16xf32>,
        %get3A_364 = vector.shape_cast %get3A_363 : vector<1x16xf32> to vector<16xf32>
        %mul3A_365 = arith.constant 22.6274166 : f32
        %mul3A_366 = vector.broadcast %mul3A_365 : f32 to vector<16xf32>
        %mul3A_367 = arith.mulf %get3A_364, %mul3A_366 : vector<16xf32>
        %swap3A_368 = arith.index_cast %scan3A_338 : i32 to index
        %swap3A_369 = arith.constant 32 : index
        %swap3A_370 = tpu.vector_load %arg9[%swap3A_368, %swap3A_369] {strides = array<i32>} : memref<40x512xf32, #tpu.memory_space<vmem>>, vector<1x16xf32>,
        %swap3A_371 = vector.shape_cast %swap3A_370 : vector<1x16xf32> to vector<16xf32>
        %swap3A_372 = vector.shape_cast %mul3A_367 : vector<16xf32> to vector<1x16xf32>
        tpu.vector_store %arg9[%swap3A_368, %swap3A_369], %swap3A_372 {strides = array<i32>} : memref<40x512xf32, #tpu.memory_space<vmem>>, vector<1x16xf32>,
        %get3A_373 = arith.index_cast %scan3A_338 : i32 to index
        %get3A_374 = arith.constant 48 : index
        %get3A_375 = tpu.vector_load %arg9[%get3A_373, %get3A_374] {strides = array<i32>} : memref<40x512xf32, #tpu.memory_space<vmem>>, vector<1x16xf32>,
        %get3A_376 = vector.shape_cast %get3A_375 : vector<1x16xf32> to vector<16xf32>
        %mul3A_377 = arith.constant 22.6274166 : f32
        %mul3A_378 = vector.broadcast %mul3A_377 : f32 to vector<16xf32>
        %mul3A_379 = arith.mulf %get3A_376, %mul3A_378 : vector<16xf32>
        %swap3A_380 = arith.index_cast %scan3A_338 : i32 to index
        %swap3A_381 = arith.constant 48 : index
        %swap3A_382 = tpu.vector_load %arg9[%swap3A_380, %swap3A_381] {strides = array<i32>} : memref<40x512xf32, #tpu.memory_space<vmem>>, vector<1x16xf32>,
        %swap3A_383 = vector.shape_cast %swap3A_382 : vector<1x16xf32> to vector<16xf32>
        %swap3A_384 = vector.shape_cast %mul3A_379 : vector<16xf32> to vector<1x16xf32>
        tpu.vector_store %arg9[%swap3A_380, %swap3A_381], %swap3A_384 {strides = array<i32>} : memref<40x512xf32, #tpu.memory_space<vmem>>, vector<1x16xf32>,
        %get3A_385 = arith.index_cast %scan3A_338 : i32 to index
        %get3A_386 = arith.constant 64 : index
        %get3A_387 = tpu.vector_load %arg9[%get3A_385, %get3A_386] {strides = array<i32>} : memref<40x512xf32, #tpu.memory_space<vmem>>, vector<1x16xf32>,
        %get3A_388 = vector.shape_cast %get3A_387 : vector<1x16xf32> to vector<16xf32>
        %mul3A_389 = arith.constant 22.6274166 : f32
        %mul3A_390 = vector.broadcast %mul3A_389 : f32 to vector<16xf32>
        %mul3A_391 = arith.mulf %get3A_388, %mul3A_390 : vector<16xf32>
        %swap3A_392 = arith.index_cast %scan3A_338 : i32 to index
        %swap3A_393 = arith.constant 64 : index
        %swap3A_394 = tpu.vector_load %arg9[%swap3A_392, %swap3A_393] {strides = array<i32>} : memref<40x512xf32, #tpu.memory_space<vmem>>, vector<1x16xf32>,
        %swap3A_395 = vector.shape_cast %swap3A_394 : vector<1x16xf32> to vector<16xf32>
        %swap3A_396 = vector.shape_cast %mul3A_391 : vector<16xf32> to vector<1x16xf32>
        tpu.vector_store %arg9[%swap3A_392, %swap3A_393], %swap3A_396 {strides = array<i32>} : memref<40x512xf32, #tpu.memory_space<vmem>>, vector<1x16xf32>,
        %get3A_397 = arith.index_cast %scan3A_338 : i32 to index
        %get3A_398 = arith.constant 80 : index
        %get3A_399 = tpu.vector_load %arg9[%get3A_397, %get3A_398] {strides = array<i32>} : memref<40x512xf32, #tpu.memory_space<vmem>>, vector<1x16xf32>,
        %get3A_400 = vector.shape_cast %get3A_399 : vector<1x16xf32> to vector<16xf32>
        %mul3A_401 = arith.constant 22.6274166 : f32
        %mul3A_402 = vector.broadcast %mul3A_401 : f32 to vector<16xf32>
        %mul3A_403 = arith.mulf %get3A_400, %mul3A_402 : vector<16xf32>
        %swap3A_404 = arith.index_cast %scan3A_338 : i32 to index
        %swap3A_405 = arith.constant 80 : index
        %swap3A_406 = tpu.vector_load %arg9[%swap3A_404, %swap3A_405] {strides = array<i32>} : memref<40x512xf32, #tpu.memory_space<vmem>>, vector<1x16xf32>,
        %swap3A_407 = vector.shape_cast %swap3A_406 : vector<1x16xf32> to vector<16xf32>
        %swap3A_408 = vector.shape_cast %mul3A_403 : vector<16xf32> to vector<1x16xf32>
        tpu.vector_store %arg9[%swap3A_404, %swap3A_405], %swap3A_408 {strides = array<i32>} : memref<40x512xf32, #tpu.memory_space<vmem>>, vector<1x16xf32>,
        %get3A_409 = arith.index_cast %scan3A_338 : i32 to index
        %get3A_410 = arith.constant 96 : index
        %get3A_411 = tpu.vector_load %arg9[%get3A_409, %get3A_410] {strides = array<i32>} : memref<40x512xf32, #tpu.memory_space<vmem>>, vector<1x16xf32>,
        %get3A_412 = vector.shape_cast %get3A_411 : vector<1x16xf32> to vector<16xf32>
        %mul3A_413 = arith.constant 22.6274166 : f32
        %mul3A_414 = vector.broadcast %mul3A_413 : f32 to vector<16xf32>
        %mul3A_415 = arith.mulf %get3A_412, %mul3A_414 : vector<16xf32>
        %swap3A_416 = arith.index_cast %scan3A_338 : i32 to index
        %swap3A_417 = arith.constant 96 : index
        %swap3A_418 = tpu.vector_load %arg9[%swap3A_416, %swap3A_417] {strides = array<i32>} : memref<40x512xf32, #tpu.memory_space<vmem>>, vector<1x16xf32>,
        %swap3A_419 = vector.shape_cast %swap3A_418 : vector<1x16xf32> to vector<16xf32>
        %swap3A_420 = vector.shape_cast %mul3A_415 : vector<16xf32> to vector<1x16xf32>
        tpu.vector_store %arg9[%swap3A_416, %swap3A_417], %swap3A_420 {strides = array<i32>} : memref<40x512xf32, #tpu.memory_space<vmem>>, vector<1x16xf32>,
        %get3A_421 = arith.index_cast %scan3A_338 : i32 to index
        %get3A_422 = arith.constant 112 : index
        %get3A_423 = tpu.vector_load %arg9[%get3A_421, %get3A_422] {strides = array<i32>} : memref<40x512xf32, #tpu.memory_space<vmem>>, vector<1x16xf32>,
        %get3A_424 = vector.shape_cast %get3A_423 : vector<1x16xf32> to vector<16xf32>
        %mul3A_425 = arith.constant 22.6274166 : f32
        %mul3A_426 = vector.broadcast %mul3A_425 : f32 to vector<16xf32>
        %mul3A_427 = arith.mulf %get3A_424, %mul3A_426 : vector<16xf32>
        %swap3A_428 = arith.index_cast %scan3A_338 : i32 to index
        %swap3A_429 = arith.constant 112 : index
        %swap3A_430 = tpu.vector_load %arg9[%swap3A_428, %swap3A_429] {strides = array<i32>} : memref<40x512xf32, #tpu.memory_space<vmem>>, vector<1x16xf32>,
        %swap3A_431 = vector.shape_cast %swap3A_430 : vector<1x16xf32> to vector<16xf32>
        %swap3A_432 = vector.shape_cast %mul3A_427 : vector<16xf32> to vector<1x16xf32>
        tpu.vector_store %arg9[%swap3A_428, %swap3A_429], %swap3A_432 {strides = array<i32>} : memref<40x512xf32, #tpu.memory_space<vmem>>, vector<1x16xf32>,
        %get3A_433 = arith.index_cast %scan3A_338 : i32 to index
        %get3A_434 = arith.constant 128 : index
        %get3A_435 = tpu.vector_load %arg9[%get3A_433, %get3A_434] {strides = array<i32>} : memref<40x512xf32, #tpu.memory_space<vmem>>, vector<1x16xf32>,
        %get3A_436 = vector.shape_cast %get3A_435 : vector<1x16xf32> to vector<16xf32>
        %mul3A_437 = arith.constant 22.6274166 : f32
        %mul3A_438 = vector.broadcast %mul3A_437 : f32 to vector<16xf32>
        %mul3A_439 = arith.mulf %get3A_436, %mul3A_438 : vector<16xf32>
        %swap3A_440 = arith.index_cast %scan3A_338 : i32 to index
        %swap3A_441 = arith.constant 128 : index
        %swap3A_442 = tpu.vector_load %arg9[%swap3A_440, %swap3A_441] {strides = array<i32>} : memref<40x512xf32, #tpu.memory_space<vmem>>, vector<1x16xf32>,
        %swap3A_443 = vector.shape_cast %swap3A_442 : vector<1x16xf32> to vector<16xf32>
        %swap3A_444 = vector.shape_cast %mul3A_439 : vector<16xf32> to vector<1x16xf32>
        tpu.vector_store %arg9[%swap3A_440, %swap3A_441], %swap3A_444 {strides = array<i32>} : memref<40x512xf32, #tpu.memory_space<vmem>>, vector<1x16xf32>,
        %get3A_445 = arith.index_cast %scan3A_338 : i32 to index
        %get3A_446 = arith.constant 144 : index
        %get3A_447 = tpu.vector_load %arg9[%get3A_445, %get3A_446] {strides = array<i32>} : memref<40x512xf32, #tpu.memory_space<vmem>>, vector<1x16xf32>,
        %get3A_448 = vector.shape_cast %get3A_447 : vector<1x16xf32> to vector<16xf32>
        %mul3A_449 = arith.constant 22.6274166 : f32
        %mul3A_450 = vector.broadcast %mul3A_449 : f32 to vector<16xf32>
        %mul3A_451 = arith.mulf %get3A_448, %mul3A_450 : vector<16xf32>
        %swap3A_452 = arith.index_cast %scan3A_338 : i32 to index
        %swap3A_453 = arith.constant 144 : index
        %swap3A_454 = tpu.vector_load %arg9[%swap3A_452, %swap3A_453] {strides = array<i32>} : memref<40x512xf32, #tpu.memory_space<vmem>>, vector<1x16xf32>,
        %swap3A_455 = vector.shape_cast %swap3A_454 : vector<1x16xf32> to vector<16xf32>
        %swap3A_456 = vector.shape_cast %mul3A_451 : vector<16xf32> to vector<1x16xf32>
        tpu.vector_store %arg9[%swap3A_452, %swap3A_453], %swap3A_456 {strides = array<i32>} : memref<40x512xf32, #tpu.memory_space<vmem>>, vector<1x16xf32>,
        %get3A_457 = arith.index_cast %scan3A_338 : i32 to index
        %get3A_458 = arith.constant 160 : index
        %get3A_459 = tpu.vector_load %arg9[%get3A_457, %get3A_458] {strides = array<i32>} : memref<40x512xf32, #tpu.memory_space<vmem>>, vector<1x16xf32>,
        %get3A_460 = vector.shape_cast %get3A_459 : vector<1x16xf32> to vector<16xf32>
        %mul3A_461 = arith.constant 22.6274166 : f32
        %mul3A_462 = vector.broadcast %mul3A_461 : f32 to vector<16xf32>
        %mul3A_463 = arith.mulf %get3A_460, %mul3A_462 : vector<16xf32>
        %swap3A_464 = arith.index_cast %scan3A_338 : i32 to index
        %swap3A_465 = arith.constant 160 : index
        %swap3A_466 = tpu.vector_load %arg9[%swap3A_464, %swap3A_465] {strides = array<i32>} : memref<40x512xf32, #tpu.memory_space<vmem>>, vector<1x16xf32>,
        %swap3A_467 = vector.shape_cast %swap3A_466 : vector<1x16xf32> to vector<16xf32>
        %swap3A_468 = vector.shape_cast %mul3A_463 : vector<16xf32> to vector<1x16xf32>
        tpu.vector_store %arg9[%swap3A_464, %swap3A_465], %swap3A_468 {strides = array<i32>} : memref<40x512xf32, #tpu.memory_space<vmem>>, vector<1x16xf32>,
        %get3A_469 = arith.index_cast %scan3A_338 : i32 to index
        %get3A_470 = arith.constant 176 : index
        %get3A_471 = tpu.vector_load %arg9[%get3A_469, %get3A_470] {strides = array<i32>} : memref<40x512xf32, #tpu.memory_space<vmem>>, vector<1x16xf32>,
        %get3A_472 = vector.shape_cast %get3A_471 : vector<1x16xf32> to vector<16xf32>
        %mul3A_473 = arith.constant 22.6274166 : f32
        %mul3A_474 = vector.broadcast %mul3A_473 : f32 to vector<16xf32>
        %mul3A_475 = arith.mulf %get3A_472, %mul3A_474 : vector<16xf32>
        %swap3A_476 = arith.index_cast %scan3A_338 : i32 to index
        %swap3A_477 = arith.constant 176 : index
        %swap3A_478 = tpu.vector_load %arg9[%swap3A_476, %swap3A_477] {strides = array<i32>} : memref<40x512xf32, #tpu.memory_space<vmem>>, vector<1x16xf32>,
        %swap3A_479 = vector.shape_cast %swap3A_478 : vector<1x16xf32> to vector<16xf32>
        %swap3A_480 = vector.shape_cast %mul3A_475 : vector<16xf32> to vector<1x16xf32>
        tpu.vector_store %arg9[%swap3A_476, %swap3A_477], %swap3A_480 {strides = array<i32>} : memref<40x512xf32, #tpu.memory_space<vmem>>, vector<1x16xf32>,
        %get3A_481 = arith.index_cast %scan3A_338 : i32 to index
        %get3A_482 = arith.constant 192 : index
        %get3A_483 = tpu.vector_load %arg9[%get3A_481, %get3A_482] {strides = array<i32>} : memref<40x512xf32, #tpu.memory_space<vmem>>, vector<1x16xf32>,
        %get3A_484 = vector.shape_cast %get3A_483 : vector<1x16xf32> to vector<16xf32>
        %mul3A_485 = arith.constant 22.6274166 : f32
        %mul3A_486 = vector.broadcast %mul3A_485 : f32 to vector<16xf32>
        %mul3A_487 = arith.mulf %get3A_484, %mul3A_486 : vector<16xf32>
        %swap3A_488 = arith.index_cast %scan3A_338 : i32 to index
        %swap3A_489 = arith.constant 192 : index
        %swap3A_490 = tpu.vector_load %arg9[%swap3A_488, %swap3A_489] {strides = array<i32>} : memref<40x512xf32, #tpu.memory_space<vmem>>, vector<1x16xf32>,
        %swap3A_491 = vector.shape_cast %swap3A_490 : vector<1x16xf32> to vector<16xf32>
        %swap3A_492 = vector.shape_cast %mul3A_487 : vector<16xf32> to vector<1x16xf32>
        tpu.vector_store %arg9[%swap3A_488, %swap3A_489], %swap3A_492 {strides = array<i32>} : memref<40x512xf32, #tpu.memory_space<vmem>>, vector<1x16xf32>,
        %get3A_493 = arith.index_cast %scan3A_338 : i32 to index
        %get3A_494 = arith.constant 208 : index
        %get3A_495 = tpu.vector_load %arg9[%get3A_493, %get3A_494] {strides = array<i32>} : memref<40x512xf32, #tpu.memory_space<vmem>>, vector<1x16xf32>,
        %get3A_496 = vector.shape_cast %get3A_495 : vector<1x16xf32> to vector<16xf32>
        %mul3A_497 = arith.constant 22.6274166 : f32
        %mul3A_498 = vector.broadcast %mul3A_497 : f32 to vector<16xf32>
        %mul3A_499 = arith.mulf %get3A_496, %mul3A_498 : vector<16xf32>
        %swap3A_500 = arith.index_cast %scan3A_338 : i32 to index
        %swap3A_501 = arith.constant 208 : index
        %swap3A_502 = tpu.vector_load %arg9[%swap3A_500, %swap3A_501] {strides = array<i32>} : memref<40x512xf32, #tpu.memory_space<vmem>>, vector<1x16xf32>,
        %swap3A_503 = vector.shape_cast %swap3A_502 : vector<1x16xf32> to vector<16xf32>
        %swap3A_504 = vector.shape_cast %mul3A_499 : vector<16xf32> to vector<1x16xf32>
        tpu.vector_store %arg9[%swap3A_500, %swap3A_501], %swap3A_504 {strides = array<i32>} : memref<40x512xf32, #tpu.memory_space<vmem>>, vector<1x16xf32>,
        %get3A_505 = arith.index_cast %scan3A_338 : i32 to index
        %get3A_506 = arith.constant 224 : index
        %get3A_507 = tpu.vector_load %arg9[%get3A_505, %get3A_506] {strides = array<i32>} : memref<40x512xf32, #tpu.memory_space<vmem>>, vector<1x16xf32>,
        %get3A_508 = vector.shape_cast %get3A_507 : vector<1x16xf32> to vector<16xf32>
        %mul3A_509 = arith.constant 22.6274166 : f32
        %mul3A_510 = vector.broadcast %mul3A_509 : f32 to vector<16xf32>
        %mul3A_511 = arith.mulf %get3A_508, %mul3A_510 : vector<16xf32>
        %swap3A_512 = arith.index_cast %scan3A_338 : i32 to index
        %swap3A_513 = arith.constant 224 : index
        %swap3A_514 = tpu.vector_load %arg9[%swap3A_512, %swap3A_513] {strides = array<i32>} : memref<40x512xf32, #tpu.memory_space<vmem>>, vector<1x16xf32>,
        %swap3A_515 = vector.shape_cast %swap3A_514 : vector<1x16xf32> to vector<16xf32>
        %swap3A_516 = vector.shape_cast %mul3A_511 : vector<16xf32> to vector<1x16xf32>
        tpu.vector_store %arg9[%swap3A_512, %swap3A_513], %swap3A_516 {strides = array<i32>} : memref<40x512xf32, #tpu.memory_space<vmem>>, vector<1x16xf32>,
        %get3A_517 = arith.index_cast %scan3A_338 : i32 to index
        %get3A_518 = arith.constant 240 : index
        %get3A_519 = tpu.vector_load %arg9[%get3A_517, %get3A_518] {strides = array<i32>} : memref<40x512xf32, #tpu.memory_space<vmem>>, vector<1x16xf32>,
        %get3A_520 = vector.shape_cast %get3A_519 : vector<1x16xf32> to vector<16xf32>
        %mul3A_521 = arith.constant 22.6274166 : f32
        %mul3A_522 = vector.broadcast %mul3A_521 : f32 to vector<16xf32>
        %mul3A_523 = arith.mulf %get3A_520, %mul3A_522 : vector<16xf32>
        %swap3A_524 = arith.index_cast %scan3A_338 : i32 to index
        %swap3A_525 = arith.constant 240 : index
        %swap3A_526 = tpu.vector_load %arg9[%swap3A_524, %swap3A_525] {strides = array<i32>} : memref<40x512xf32, #tpu.memory_space<vmem>>, vector<1x16xf32>,
        %swap3A_527 = vector.shape_cast %swap3A_526 : vector<1x16xf32> to vector<16xf32>
        %swap3A_528 = vector.shape_cast %mul3A_523 : vector<16xf32> to vector<1x16xf32>
        tpu.vector_store %arg9[%swap3A_524, %swap3A_525], %swap3A_528 {strides = array<i32>} : memref<40x512xf32, #tpu.memory_space<vmem>>, vector<1x16xf32>,
        %get3A_529 = arith.index_cast %scan3A_338 : i32 to index
        %get3A_530 = arith.constant 256 : index
        %get3A_531 = tpu.vector_load %arg9[%get3A_529, %get3A_530] {strides = array<i32>} : memref<40x512xf32, #tpu.memory_space<vmem>>, vector<1x16xf32>,
        %get3A_532 = vector.shape_cast %get3A_531 : vector<1x16xf32> to vector<16xf32>
        %mul3A_533 = arith.constant 22.6274166 : f32
        %mul3A_534 = vector.broadcast %mul3A_533 : f32 to vector<16xf32>
        %mul3A_535 = arith.mulf %get3A_532, %mul3A_534 : vector<16xf32>
        %swap3A_536 = arith.index_cast %scan3A_338 : i32 to index
        %swap3A_537 = arith.constant 256 : index
        %swap3A_538 = tpu.vector_load %arg9[%swap3A_536, %swap3A_537] {strides = array<i32>} : memref<40x512xf32, #tpu.memory_space<vmem>>, vector<1x16xf32>,
        %swap3A_539 = vector.shape_cast %swap3A_538 : vector<1x16xf32> to vector<16xf32>
        %swap3A_540 = vector.shape_cast %mul3A_535 : vector<16xf32> to vector<1x16xf32>
        tpu.vector_store %arg9[%swap3A_536, %swap3A_537], %swap3A_540 {strides = array<i32>} : memref<40x512xf32, #tpu.memory_space<vmem>>, vector<1x16xf32>,
        %get3A_541 = arith.index_cast %scan3A_338 : i32 to index
        %get3A_542 = arith.constant 272 : index
        %get3A_543 = tpu.vector_load %arg9[%get3A_541, %get3A_542] {strides = array<i32>} : memref<40x512xf32, #tpu.memory_space<vmem>>, vector<1x16xf32>,
        %get3A_544 = vector.shape_cast %get3A_543 : vector<1x16xf32> to vector<16xf32>
        %mul3A_545 = arith.constant 22.6274166 : f32
        %mul3A_546 = vector.broadcast %mul3A_545 : f32 to vector<16xf32>
        %mul3A_547 = arith.mulf %get3A_544, %mul3A_546 : vector<16xf32>
        %swap3A_548 = arith.index_cast %scan3A_338 : i32 to index
        %swap3A_549 = arith.constant 272 : index
        %swap3A_550 = tpu.vector_load %arg9[%swap3A_548, %swap3A_549] {strides = array<i32>} : memref<40x512xf32, #tpu.memory_space<vmem>>, vector<1x16xf32>,
        %swap3A_551 = vector.shape_cast %swap3A_550 : vector<1x16xf32> to vector<16xf32>
        %swap3A_552 = vector.shape_cast %mul3A_547 : vector<16xf32> to vector<1x16xf32>
        tpu.vector_store %arg9[%swap3A_548, %swap3A_549], %swap3A_552 {strides = array<i32>} : memref<40x512xf32, #tpu.memory_space<vmem>>, vector<1x16xf32>,
        %get3A_553 = arith.index_cast %scan3A_338 : i32 to index
        %get3A_554 = arith.constant 288 : index
        %get3A_555 = tpu.vector_load %arg9[%get3A_553, %get3A_554] {strides = array<i32>} : memref<40x512xf32, #tpu.memory_space<vmem>>, vector<1x16xf32>,
        %get3A_556 = vector.shape_cast %get3A_555 : vector<1x16xf32> to vector<16xf32>
        %mul3A_557 = arith.constant 22.6274166 : f32
        %mul3A_558 = vector.broadcast %mul3A_557 : f32 to vector<16xf32>
        %mul3A_559 = arith.mulf %get3A_556, %mul3A_558 : vector<16xf32>
        %swap3A_560 = arith.index_cast %scan3A_338 : i32 to index
        %swap3A_561 = arith.constant 288 : index
        %swap3A_562 = tpu.vector_load %arg9[%swap3A_560, %swap3A_561] {strides = array<i32>} : memref<40x512xf32, #tpu.memory_space<vmem>>, vector<1x16xf32>,
        %swap3A_563 = vector.shape_cast %swap3A_562 : vector<1x16xf32> to vector<16xf32>
        %swap3A_564 = vector.shape_cast %mul3A_559 : vector<16xf32> to vector<1x16xf32>
        tpu.vector_store %arg9[%swap3A_560, %swap3A_561], %swap3A_564 {strides = array<i32>} : memref<40x512xf32, #tpu.memory_space<vmem>>, vector<1x16xf32>,
        %get3A_565 = arith.index_cast %scan3A_338 : i32 to index
        %get3A_566 = arith.constant 304 : index
        %get3A_567 = tpu.vector_load %arg9[%get3A_565, %get3A_566] {strides = array<i32>} : memref<40x512xf32, #tpu.memory_space<vmem>>, vector<1x16xf32>,
        %get3A_568 = vector.shape_cast %get3A_567 : vector<1x16xf32> to vector<16xf32>
        %mul3A_569 = arith.constant 22.6274166 : f32
        %mul3A_570 = vector.broadcast %mul3A_569 : f32 to vector<16xf32>
        %mul3A_571 = arith.mulf %get3A_568, %mul3A_570 : vector<16xf32>
        %swap3A_572 = arith.index_cast %scan3A_338 : i32 to index
        %swap3A_573 = arith.constant 304 : index
        %swap3A_574 = tpu.vector_load %arg9[%swap3A_572, %swap3A_573] {strides = array<i32>} : memref<40x512xf32, #tpu.memory_space<vmem>>, vector<1x16xf32>,
        %swap3A_575 = vector.shape_cast %swap3A_574 : vector<1x16xf32> to vector<16xf32>
        %swap3A_576 = vector.shape_cast %mul3A_571 : vector<16xf32> to vector<1x16xf32>
        tpu.vector_store %arg9[%swap3A_572, %swap3A_573], %swap3A_576 {strides = array<i32>} : memref<40x512xf32, #tpu.memory_space<vmem>>, vector<1x16xf32>,
        %get3A_577 = arith.index_cast %scan3A_338 : i32 to index
        %get3A_578 = arith.constant 320 : index
        %get3A_579 = tpu.vector_load %arg9[%get3A_577, %get3A_578] {strides = array<i32>} : memref<40x512xf32, #tpu.memory_space<vmem>>, vector<1x16xf32>,
        %get3A_580 = vector.shape_cast %get3A_579 : vector<1x16xf32> to vector<16xf32>
        %mul3A_581 = arith.constant 22.6274166 : f32
        %mul3A_582 = vector.broadcast %mul3A_581 : f32 to vector<16xf32>
        %mul3A_583 = arith.mulf %get3A_580, %mul3A_582 : vector<16xf32>
        %swap3A_584 = arith.index_cast %scan3A_338 : i32 to index
        %swap3A_585 = arith.constant 320 : index
        %swap3A_586 = tpu.vector_load %arg9[%swap3A_584, %swap3A_585] {strides = array<i32>} : memref<40x512xf32, #tpu.memory_space<vmem>>, vector<1x16xf32>,
        %swap3A_587 = vector.shape_cast %swap3A_586 : vector<1x16xf32> to vector<16xf32>
        %swap3A_588 = vector.shape_cast %mul3A_583 : vector<16xf32> to vector<1x16xf32>
        tpu.vector_store %arg9[%swap3A_584, %swap3A_585], %swap3A_588 {strides = array<i32>} : memref<40x512xf32, #tpu.memory_space<vmem>>, vector<1x16xf32>,
        %get3A_589 = arith.index_cast %scan3A_338 : i32 to index
        %get3A_590 = arith.constant 336 : index
        %get3A_591 = tpu.vector_load %arg9[%get3A_589, %get3A_590] {strides = array<i32>} : memref<40x512xf32, #tpu.memory_space<vmem>>, vector<1x16xf32>,
        %get3A_592 = vector.shape_cast %get3A_591 : vector<1x16xf32> to vector<16xf32>
        %mul3A_593 = arith.constant 22.6274166 : f32
        %mul3A_594 = vector.broadcast %mul3A_593 : f32 to vector<16xf32>
        %mul3A_595 = arith.mulf %get3A_592, %mul3A_594 : vector<16xf32>
        %swap3A_596 = arith.index_cast %scan3A_338 : i32 to index
        %swap3A_597 = arith.constant 336 : index
        %swap3A_598 = tpu.vector_load %arg9[%swap3A_596, %swap3A_597] {strides = array<i32>} : memref<40x512xf32, #tpu.memory_space<vmem>>, vector<1x16xf32>,
        %swap3A_599 = vector.shape_cast %swap3A_598 : vector<1x16xf32> to vector<16xf32>
        %swap3A_600 = vector.shape_cast %mul3A_595 : vector<16xf32> to vector<1x16xf32>
        tpu.vector_store %arg9[%swap3A_596, %swap3A_597], %swap3A_600 {strides = array<i32>} : memref<40x512xf32, #tpu.memory_space<vmem>>, vector<1x16xf32>,
        %get3A_601 = arith.index_cast %scan3A_338 : i32 to index
        %get3A_602 = arith.constant 352 : index
        %get3A_603 = tpu.vector_load %arg9[%get3A_601, %get3A_602] {strides = array<i32>} : memref<40x512xf32, #tpu.memory_space<vmem>>, vector<1x16xf32>,
        %get3A_604 = vector.shape_cast %get3A_603 : vector<1x16xf32> to vector<16xf32>
        %mul3A_605 = arith.constant 22.6274166 : f32
        %mul3A_606 = vector.broadcast %mul3A_605 : f32 to vector<16xf32>
        %mul3A_607 = arith.mulf %get3A_604, %mul3A_606 : vector<16xf32>
        %swap3A_608 = arith.index_cast %scan3A_338 : i32 to index
        %swap3A_609 = arith.constant 352 : index
        %swap3A_610 = tpu.vector_load %arg9[%swap3A_608, %swap3A_609] {strides = array<i32>} : memref<40x512xf32, #tpu.memory_space<vmem>>, vector<1x16xf32>,
        %swap3A_611 = vector.shape_cast %swap3A_610 : vector<1x16xf32> to vector<16xf32>
        %swap3A_612 = vector.shape_cast %mul3A_607 : vector<16xf32> to vector<1x16xf32>
        tpu.vector_store %arg9[%swap3A_608, %swap3A_609], %swap3A_612 {strides = array<i32>} : memref<40x512xf32, #tpu.memory_space<vmem>>, vector<1x16xf32>,
        %get3A_613 = arith.index_cast %scan3A_338 : i32 to index
        %get3A_614 = arith.constant 368 : index
        %get3A_615 = tpu.vector_load %arg9[%get3A_613, %get3A_614] {strides = array<i32>} : memref<40x512xf32, #tpu.memory_space<vmem>>, vector<1x16xf32>,
        %get3A_616 = vector.shape_cast %get3A_615 : vector<1x16xf32> to vector<16xf32>
        %mul3A_617 = arith.constant 22.6274166 : f32
        %mul3A_618 = vector.broadcast %mul3A_617 : f32 to vector<16xf32>
        %mul3A_619 = arith.mulf %get3A_616, %mul3A_618 : vector<16xf32>
        %swap3A_620 = arith.index_cast %scan3A_338 : i32 to index
        %swap3A_621 = arith.constant 368 : index
        %swap3A_622 = tpu.vector_load %arg9[%swap3A_620, %swap3A_621] {strides = array<i32>} : memref<40x512xf32, #tpu.memory_space<vmem>>, vector<1x16xf32>,
        %swap3A_623 = vector.shape_cast %swap3A_622 : vector<1x16xf32> to vector<16xf32>
        %swap3A_624 = vector.shape_cast %mul3A_619 : vector<16xf32> to vector<1x16xf32>
        tpu.vector_store %arg9[%swap3A_620, %swap3A_621], %swap3A_624 {strides = array<i32>} : memref<40x512xf32, #tpu.memory_space<vmem>>, vector<1x16xf32>,
        %get3A_625 = arith.index_cast %scan3A_338 : i32 to index
        %get3A_626 = arith.constant 384 : index
        %get3A_627 = tpu.vector_load %arg9[%get3A_625, %get3A_626] {strides = array<i32>} : memref<40x512xf32, #tpu.memory_space<vmem>>, vector<1x16xf32>,
        %get3A_628 = vector.shape_cast %get3A_627 : vector<1x16xf32> to vector<16xf32>
        %mul3A_629 = arith.constant 22.6274166 : f32
        %mul3A_630 = vector.broadcast %mul3A_629 : f32 to vector<16xf32>
        %mul3A_631 = arith.mulf %get3A_628, %mul3A_630 : vector<16xf32>
        %swap3A_632 = arith.index_cast %scan3A_338 : i32 to index
        %swap3A_633 = arith.constant 384 : index
        %swap3A_634 = tpu.vector_load %arg9[%swap3A_632, %swap3A_633] {strides = array<i32>} : memref<40x512xf32, #tpu.memory_space<vmem>>, vector<1x16xf32>,
        %swap3A_635 = vector.shape_cast %swap3A_634 : vector<1x16xf32> to vector<16xf32>
        %swap3A_636 = vector.shape_cast %mul3A_631 : vector<16xf32> to vector<1x16xf32>
        tpu.vector_store %arg9[%swap3A_632, %swap3A_633], %swap3A_636 {strides = array<i32>} : memref<40x512xf32, #tpu.memory_space<vmem>>, vector<1x16xf32>,
        %get3A_637 = arith.index_cast %scan3A_338 : i32 to index
        %get3A_638 = arith.constant 400 : index
        %get3A_639 = tpu.vector_load %arg9[%get3A_637, %get3A_638] {strides = array<i32>} : memref<40x512xf32, #tpu.memory_space<vmem>>, vector<1x16xf32>,
        %get3A_640 = vector.shape_cast %get3A_639 : vector<1x16xf32> to vector<16xf32>
        %mul3A_641 = arith.constant 22.6274166 : f32
        %mul3A_642 = vector.broadcast %mul3A_641 : f32 to vector<16xf32>
        %mul3A_643 = arith.mulf %get3A_640, %mul3A_642 : vector<16xf32>
        %swap3A_644 = arith.index_cast %scan3A_338 : i32 to index
        %swap3A_645 = arith.constant 400 : index
        %swap3A_646 = tpu.vector_load %arg9[%swap3A_644, %swap3A_645] {strides = array<i32>} : memref<40x512xf32, #tpu.memory_space<vmem>>, vector<1x16xf32>,
        %swap3A_647 = vector.shape_cast %swap3A_646 : vector<1x16xf32> to vector<16xf32>
        %swap3A_648 = vector.shape_cast %mul3A_643 : vector<16xf32> to vector<1x16xf32>
        tpu.vector_store %arg9[%swap3A_644, %swap3A_645], %swap3A_648 {strides = array<i32>} : memref<40x512xf32, #tpu.memory_space<vmem>>, vector<1x16xf32>,
        %get3A_649 = arith.index_cast %scan3A_338 : i32 to index
        %get3A_650 = arith.constant 416 : index
        %get3A_651 = tpu.vector_load %arg9[%get3A_649, %get3A_650] {strides = array<i32>} : memref<40x512xf32, #tpu.memory_space<vmem>>, vector<1x16xf32>,
        %get3A_652 = vector.shape_cast %get3A_651 : vector<1x16xf32> to vector<16xf32>
        %mul3A_653 = arith.constant 22.6274166 : f32
        %mul3A_654 = vector.broadcast %mul3A_653 : f32 to vector<16xf32>
        %mul3A_655 = arith.mulf %get3A_652, %mul3A_654 : vector<16xf32>
        %swap3A_656 = arith.index_cast %scan3A_338 : i32 to index
        %swap3A_657 = arith.constant 416 : index
        %swap3A_658 = tpu.vector_load %arg9[%swap3A_656, %swap3A_657] {strides = array<i32>} : memref<40x512xf32, #tpu.memory_space<vmem>>, vector<1x16xf32>,
        %swap3A_659 = vector.shape_cast %swap3A_658 : vector<1x16xf32> to vector<16xf32>
        %swap3A_660 = vector.shape_cast %mul3A_655 : vector<16xf32> to vector<1x16xf32>
        tpu.vector_store %arg9[%swap3A_656, %swap3A_657], %swap3A_660 {strides = array<i32>} : memref<40x512xf32, #tpu.memory_space<vmem>>, vector<1x16xf32>,
        %get3A_661 = arith.index_cast %scan3A_338 : i32 to index
        %get3A_662 = arith.constant 432 : index
        %get3A_663 = tpu.vector_load %arg9[%get3A_661, %get3A_662] {strides = array<i32>} : memref<40x512xf32, #tpu.memory_space<vmem>>, vector<1x16xf32>,
        %get3A_664 = vector.shape_cast %get3A_663 : vector<1x16xf32> to vector<16xf32>
        %mul3A_665 = arith.constant 22.6274166 : f32
        %mul3A_666 = vector.broadcast %mul3A_665 : f32 to vector<16xf32>
        %mul3A_667 = arith.mulf %get3A_664, %mul3A_666 : vector<16xf32>
        %swap3A_668 = arith.index_cast %scan3A_338 : i32 to index
        %swap3A_669 = arith.constant 432 : index
        %swap3A_670 = tpu.vector_load %arg9[%swap3A_668, %swap3A_669] {strides = array<i32>} : memref<40x512xf32, #tpu.memory_space<vmem>>, vector<1x16xf32>,
        %swap3A_671 = vector.shape_cast %swap3A_670 : vector<1x16xf32> to vector<16xf32>
        %swap3A_672 = vector.shape_cast %mul3A_667 : vector<16xf32> to vector<1x16xf32>
        tpu.vector_store %arg9[%swap3A_668, %swap3A_669], %swap3A_672 {strides = array<i32>} : memref<40x512xf32, #tpu.memory_space<vmem>>, vector<1x16xf32>,
        %get3A_673 = arith.index_cast %scan3A_338 : i32 to index
        %get3A_674 = arith.constant 448 : index
        %get3A_675 = tpu.vector_load %arg9[%get3A_673, %get3A_674] {strides = array<i32>} : memref<40x512xf32, #tpu.memory_space<vmem>>, vector<1x16xf32>,
        %get3A_676 = vector.shape_cast %get3A_675 : vector<1x16xf32> to vector<16xf32>
        %mul3A_677 = arith.constant 22.6274166 : f32
        %mul3A_678 = vector.broadcast %mul3A_677 : f32 to vector<16xf32>
        %mul3A_679 = arith.mulf %get3A_676, %mul3A_678 : vector<16xf32>
        %swap3A_680 = arith.index_cast %scan3A_338 : i32 to index
        %swap3A_681 = arith.constant 448 : index
        %swap3A_682 = tpu.vector_load %arg9[%swap3A_680, %swap3A_681] {strides = array<i32>} : memref<40x512xf32, #tpu.memory_space<vmem>>, vector<1x16xf32>,
        %swap3A_683 = vector.shape_cast %swap3A_682 : vector<1x16xf32> to vector<16xf32>
        %swap3A_684 = vector.shape_cast %mul3A_679 : vector<16xf32> to vector<1x16xf32>
        tpu.vector_store %arg9[%swap3A_680, %swap3A_681], %swap3A_684 {strides = array<i32>} : memref<40x512xf32, #tpu.memory_space<vmem>>, vector<1x16xf32>,
        %get3A_685 = arith.index_cast %scan3A_338 : i32 to index
        %get3A_686 = arith.constant 464 : index
        %get3A_687 = tpu.vector_load %arg9[%get3A_685, %get3A_686] {strides = array<i32>} : memref<40x512xf32, #tpu.memory_space<vmem>>, vector<1x16xf32>,
        %get3A_688 = vector.shape_cast %get3A_687 : vector<1x16xf32> to vector<16xf32>
        %mul3A_689 = arith.constant 22.6274166 : f32
        %mul3A_690 = vector.broadcast %mul3A_689 : f32 to vector<16xf32>
        %mul3A_691 = arith.mulf %get3A_688, %mul3A_690 : vector<16xf32>
        %swap3A_692 = arith.index_cast %scan3A_338 : i32 to index
        %swap3A_693 = arith.constant 464 : index
        %swap3A_694 = tpu.vector_load %arg9[%swap3A_692, %swap3A_693] {strides = array<i32>} : memref<40x512xf32, #tpu.memory_space<vmem>>, vector<1x16xf32>,
        %swap3A_695 = vector.shape_cast %swap3A_694 : vector<1x16xf32> to vector<16xf32>
        %swap3A_696 = vector.shape_cast %mul3A_691 : vector<16xf32> to vector<1x16xf32>
        tpu.vector_store %arg9[%swap3A_692, %swap3A_693], %swap3A_696 {strides = array<i32>} : memref<40x512xf32, #tpu.memory_space<vmem>>, vector<1x16xf32>,
        %get3A_697 = arith.index_cast %scan3A_338 : i32 to index
        %get3A_698 = arith.constant 480 : index
        %get3A_699 = tpu.vector_load %arg9[%get3A_697, %get3A_698] {strides = array<i32>} : memref<40x512xf32, #tpu.memory_space<vmem>>, vector<1x16xf32>,
        %get3A_700 = vector.shape_cast %get3A_699 : vector<1x16xf32> to vector<16xf32>
        %mul3A_701 = arith.constant 22.6274166 : f32
        %mul3A_702 = vector.broadcast %mul3A_701 : f32 to vector<16xf32>
        %mul3A_703 = arith.mulf %get3A_700, %mul3A_702 : vector<16xf32>
        %swap3A_704 = arith.index_cast %scan3A_338 : i32 to index
        %swap3A_705 = arith.constant 480 : index
        %swap3A_706 = tpu.vector_load %arg9[%swap3A_704, %swap3A_705] {strides = array<i32>} : memref<40x512xf32, #tpu.memory_space<vmem>>, vector<1x16xf32>,
        %swap3A_707 = vector.shape_cast %swap3A_706 : vector<1x16xf32> to vector<16xf32>
        %swap3A_708 = vector.shape_cast %mul3A_703 : vector<16xf32> to vector<1x16xf32>
        tpu.vector_store %arg9[%swap3A_704, %swap3A_705], %swap3A_708 {strides = array<i32>} : memref<40x512xf32, #tpu.memory_space<vmem>>, vector<1x16xf32>,
        %get3A_709 = arith.index_cast %scan3A_338 : i32 to index
        %get3A_710 = arith.constant 496 : index
        %get3A_711 = tpu.vector_load %arg9[%get3A_709, %get3A_710] {strides = array<i32>} : memref<40x512xf32, #tpu.memory_space<vmem>>, vector<1x16xf32>,
        %get3A_712 = vector.shape_cast %get3A_711 : vector<1x16xf32> to vector<16xf32>
        %mul3A_713 = arith.constant 22.6274166 : f32
        %mul3A_714 = vector.broadcast %mul3A_713 : f32 to vector<16xf32>
        %mul3A_715 = arith.mulf %get3A_712, %mul3A_714 : vector<16xf32>
        %swap3A_716 = arith.index_cast %scan3A_338 : i32 to index
        %swap3A_717 = arith.constant 496 : index
        %swap3A_718 = tpu.vector_load %arg9[%swap3A_716, %swap3A_717] {strides = array<i32>} : memref<40x512xf32, #tpu.memory_space<vmem>>, vector<1x16xf32>,
        %swap3A_719 = vector.shape_cast %swap3A_718 : vector<1x16xf32> to vector<16xf32>
        %swap3A_720 = vector.shape_cast %mul3A_715 : vector<16xf32> to vector<1x16xf32>
        tpu.vector_store %arg9[%swap3A_716, %swap3A_717], %swap3A_720 {strides = array<i32>} : memref<40x512xf32, #tpu.memory_space<vmem>>, vector<1x16xf32>,
      }
      %scan3A_269 = arith.constant 40 : i32
      %mul3A_270 = arith.constant 40 : i32
      %mul3A_271 = arith.muli %add3A_239, %mul3A_270 : i32
      %add3A_272 = arith.addi %mul3A_2, %mul3A_271 : i32
      %dma_start3A_273 = arith.constant 0 : i32
      %dma_start3A_274 = tpu.memref_slice %arg4[%add3A_272, %dma_start3A_273] : memref<204800x512xf32, #tpu.memory_space<hbm>> -> memref<40x512xf32, #tpu.memory_space<hbm>>
      %dma_start3A_275 = arith.constant 0 : i32
      %dma_start3A_276 = tpu.memref_slice %arg4[%add3A_272, %dma_start3A_275] : memref<204800x512xf32, #tpu.memory_space<hbm>> -> memref<40x512xf32, #tpu.memory_space<hbm>>
      tpu.enqueue_dma source(%arg9 : memref<40x512xf32, #tpu.memory_space<vmem>>) target(%dma_start3A_276 : memref<40x512xf32, #tpu.memory_space<hbm>>) target_semaphore(%arg29 : memref<!tpu.dma_semaphore, #tpu.memory_space<semaphore_mem>>)
      %ge3A_277 = arith.constant 2 : i32
      %ge3A_278 = arith.cmpi sge, %add3A_239, %ge3A_277 : i32
      %convert_element_type3A_279 = arith.extui %ge3A_278 : i1 to i32
      %cond3A_280 = arith.constant 0 : i32
      %cond3A_281 = arith.cmpi ne, %convert_element_type3A_279, %cond3A_280 : i32
      scf.if %cond3A_281 {
        %dma_wait3A_338 = arith.constant 0 : i32
        %dma_wait3A_339 = tpu.memref_slice %arg4[%mul3A_2, %dma_wait3A_338] : memref<204800x512xf32, #tpu.memory_space<hbm>> -> memref<40x512xf32, #tpu.memory_space<hbm>>
        %dma_wait3A_340 = arith.constant 0 : i32
        %dma_wait3A_341 = tpu.memref_slice %arg4[%mul3A_2, %dma_wait3A_340] : memref<204800x512xf32, #tpu.memory_space<hbm>> -> memref<40x512xf32, #tpu.memory_space<hbm>>
        tpu.wait_dma2 semaphore(%arg27 : memref<!tpu.dma_semaphore, #tpu.memory_space<semaphore_mem>>) src(%arg7 : memref<40x512xf32, #tpu.memory_space<vmem>>) dst(%dma_wait3A_341 : memref<40x512xf32, #tpu.memory_space<hbm>>)
      } else {
      }
      %lt3A_282 = arith.constant 157 : i32
      %lt3A_283 = arith.cmpi slt, %add3A_239, %lt3A_282 : i32
      %convert_element_type3A_284 = arith.extui %lt3A_283 : i1 to i32
      %cond3A_285 = arith.constant 0 : i32
      %cond3A_286 = arith.cmpi ne, %convert_element_type3A_284, %cond3A_285 : i32
      scf.if %cond3A_286 {
        %add3A_338 = arith.constant 3 : i32
        %add3A_339 = arith.addi %add3A_239, %add3A_338 : i32
        %mul3A_340 = arith.constant 40 : i32
        %mul3A_341 = arith.muli %add3A_339, %mul3A_340 : i32
        %dma_start3A_342 = arith.constant 0 : i32
        %dma_start3A_343 = arith.constant 0 : i32
        %dma_start3A_344 = tpu.memref_slice %arg7[%dma_start3A_342, %dma_start3A_343] : memref<40x512xf32, #tpu.memory_space<vmem>> -> memref<16x512xf32, #tpu.memory_space<vmem>>
        %dma_start3A_345 = tpu.memref_slice %arg5[%mul3A_341] : memref<6400xi32, #tpu.memory_space<vmem>> -> memref<16xi32, #tpu.memory_space<vmem>>
        %dma_start3A_346 = arith.constant 0 : i32
        %dma_start3A_347 = arith.constant 0 : i32
        %dma_start3A_348 = tpu.memref_slice %arg3[%dma_start3A_346, %dma_start3A_347] : memref<100000x512xf32, #tpu.memory_space<hbm>> -> memref<100000x512xf32, #tpu.memory_space<hbm>>
        tpu.enqueue_indirect_dma source(%dma_start3A_348 : memref<100000x512xf32, #tpu.memory_space<hbm>>) target(%dma_start3A_344 : memref<16x512xf32, #tpu.memory_space<vmem>>) offsets(%dma_start3A_345 : memref<16xi32, #tpu.memory_space<vmem>>) semaphore(%arg12 : memref<!tpu.dma_semaphore, #tpu.memory_space<semaphore_mem>>)
        %mul3A_349 = arith.constant 40 : i32
        %mul3A_350 = arith.muli %add3A_339, %mul3A_349 : i32
        %add3A_351 = arith.constant 16 : i32
        %add3A_352 = arith.addi %mul3A_350, %add3A_351 : i32
        %dma_start3A_353 = arith.constant 16 : i32
        %dma_start3A_354 = arith.constant 0 : i32
        %dma_start3A_355 = tpu.memref_slice %arg7[%dma_start3A_353, %dma_start3A_354] : memref<40x512xf32, #tpu.memory_space<vmem>> -> memref<16x512xf32, #tpu.memory_space<vmem>>
        %dma_start3A_356 = tpu.memref_slice %arg5[%add3A_352] : memref<6400xi32, #tpu.memory_space<vmem>> -> memref<16xi32, #tpu.memory_space<vmem>>
        %dma_start3A_357 = arith.constant 0 : i32
        %dma_start3A_358 = arith.constant 0 : i32
        %dma_start3A_359 = tpu.memref_slice %arg3[%dma_start3A_357, %dma_start3A_358] : memref<100000x512xf32, #tpu.memory_space<hbm>> -> memref<100000x512xf32, #tpu.memory_space<hbm>>
        tpu.enqueue_indirect_dma source(%dma_start3A_359 : memref<100000x512xf32, #tpu.memory_space<hbm>>) target(%dma_start3A_355 : memref<16x512xf32, #tpu.memory_space<vmem>>) offsets(%dma_start3A_356 : memref<16xi32, #tpu.memory_space<vmem>>) semaphore(%arg17 : memref<!tpu.dma_semaphore, #tpu.memory_space<semaphore_mem>>)
        %mul3A_360 = arith.constant 40 : i32
        %mul3A_361 = arith.muli %add3A_339, %mul3A_360 : i32
        %add3A_362 = arith.constant 16 : i32
        %add3A_363 = arith.addi %mul3A_361, %add3A_362 : i32
        %add3A_364 = arith.constant 16 : i32
        %add3A_365 = arith.addi %add3A_363, %add3A_364 : i32
        %dma_start3A_366 = arith.constant 32 : i32
        %dma_start3A_367 = arith.constant 0 : i32
        %dma_start3A_368 = tpu.memref_slice %arg7[%dma_start3A_366, %dma_start3A_367] : memref<40x512xf32, #tpu.memory_space<vmem>> -> memref<8x512xf32, #tpu.memory_space<vmem>>
        %dma_start3A_369 = tpu.memref_slice %arg5[%add3A_365] : memref<6400xi32, #tpu.memory_space<vmem>> -> memref<8xi32, #tpu.memory_space<vmem>>
        %dma_start3A_370 = arith.constant 0 : i32
        %dma_start3A_371 = arith.constant 0 : i32
        %dma_start3A_372 = tpu.memref_slice %arg3[%dma_start3A_370, %dma_start3A_371] : memref<100000x512xf32, #tpu.memory_space<hbm>> -> memref<100000x512xf32, #tpu.memory_space<hbm>>
        tpu.enqueue_indirect_dma source(%dma_start3A_372 : memref<100000x512xf32, #tpu.memory_space<hbm>>) target(%dma_start3A_368 : memref<8x512xf32, #tpu.memory_space<vmem>>) offsets(%dma_start3A_369 : memref<8xi32, #tpu.memory_space<vmem>>) semaphore(%arg22 : memref<!tpu.dma_semaphore, #tpu.memory_space<semaphore_mem>>)
      } else {
      }
      %mul3A_287 = arith.constant 5 : i32
      %mul3A_288 = arith.muli %mul3A_287, %scan3A_86 : i32
      %add3A_289 = arith.constant 4 : i32
      %add3A_290 = arith.addi %mul3A_288, %add3A_289 : i32
      %dma_wait3A_291 = arith.constant 0 : i32
      %dma_wait3A_292 = arith.constant 0 : i32
      %dma_wait3A_293 = tpu.memref_slice %arg10[%dma_wait3A_291, %dma_wait3A_292] : memref<40x512xf32, #tpu.memory_space<vmem>> -> memref<16x512xf32, #tpu.memory_space<vmem>>
      %dma_wait3A_294 = arith.constant 0 : i32
      %dma_wait3A_295 = tpu.memref_slice %arg5[%dma_wait3A_294] : memref<6400xi32, #tpu.memory_space<vmem>> -> memref<16xi32, #tpu.memory_space<vmem>>
      %dma_wait3A_296 = arith.constant 0 : i32
      %dma_wait3A_297 = arith.constant 0 : i32
      %dma_wait3A_298 = tpu.memref_slice %arg3[%dma_wait3A_296, %dma_wait3A_297] : memref<100000x512xf32, #tpu.memory_space<hbm>> -> memref<100000x512xf32, #tpu.memory_space<hbm>>
      tpu.wait_indirect_dma semaphore(%arg15 : memref<!tpu.dma_semaphore, #tpu.memory_space<semaphore_mem>>) src(%dma_wait3A_298 : memref<100000x512xf32, #tpu.memory_space<hbm>>) dst(%dma_wait3A_293 : memref<16x512xf32, #tpu.memory_space<vmem>>)
      %dma_wait3A_299 = arith.constant 16 : i32
      %dma_wait3A_300 = arith.constant 0 : i32
      %dma_wait3A_301 = tpu.memref_slice %arg10[%dma_wait3A_299, %dma_wait3A_300] : memref<40x512xf32, #tpu.memory_space<vmem>> -> memref<16x512xf32, #tpu.memory_space<vmem>>
      %dma_wait3A_302 = arith.constant 0 : i32
      %dma_wait3A_303 = tpu.memref_slice %arg5[%dma_wait3A_302] : memref<6400xi32, #tpu.memory_space<vmem>> -> memref<16xi32, #tpu.memory_space<vmem>>
      %dma_wait3A_304 = arith.constant 0 : i32
      %dma_wait3A_305 = arith.constant 0 : i32
      %dma_wait3A_306 = tpu.memref_slice %arg3[%dma_wait3A_304, %dma_wait3A_305] : memref<100000x512xf32, #tpu.memory_space<hbm>> -> memref<100000x512xf32, #tpu.memory_space<hbm>>
      tpu.wait_indirect_dma semaphore(%arg20 : memref<!tpu.dma_semaphore, #tpu.memory_space<semaphore_mem>>) src(%dma_wait3A_306 : memref<100000x512xf32, #tpu.memory_space<hbm>>) dst(%dma_wait3A_301 : memref<16x512xf32, #tpu.memory_space<vmem>>)
      %dma_wait3A_307 = arith.constant 32 : i32
      %dma_wait3A_308 = arith.constant 0 : i32
      %dma_wait3A_309 = tpu.memref_slice %arg10[%dma_wait3A_307, %dma_wait3A_308] : memref<40x512xf32, #tpu.memory_space<vmem>> -> memref<8x512xf32, #tpu.memory_space<vmem>>
      %dma_wait3A_310 = arith.constant 0 : i32
      %dma_wait3A_311 = tpu.memref_slice %arg5[%dma_wait3A_310] : memref<6400xi32, #tpu.memory_space<vmem>> -> memref<8xi32, #tpu.memory_space<vmem>>
      %dma_wait3A_312 = arith.constant 0 : i32
      %dma_wait3A_313 = arith.constant 0 : i32
      %dma_wait3A_314 = tpu.memref_slice %arg3[%dma_wait3A_312, %dma_wait3A_313] : memref<100000x512xf32, #tpu.memory_space<hbm>> -> memref<100000x512xf32, #tpu.memory_space<hbm>>
      tpu.wait_indirect_dma semaphore(%arg25 : memref<!tpu.dma_semaphore, #tpu.memory_space<semaphore_mem>>) src(%dma_wait3A_314 : memref<100000x512xf32, #tpu.memory_space<hbm>>) dst(%dma_wait3A_309 : memref<8x512xf32, #tpu.memory_space<vmem>>)
      %scan3A_315 = arith.constant 0 : i32
      %scan3A_316 = arith.constant 0 : i32
      %scan3A_317 = arith.constant 40 : i32
      %scan3A_318 = arith.addi %scan3A_316, %scan3A_317 : i32
      %scan3A_319 = arith.constant 1 : i32
      scf.for %scan3A_338 = %scan3A_316 to %scan3A_318 step %scan3A_319  : i32 {
        %get3A = arith.index_cast %scan3A_338 : i32 to index
        %get3A_339 = arith.constant 0 : index
        %get3A_340 = tpu.vector_load %arg10[%get3A, %get3A_339] {strides = array<i32>} : memref<40x512xf32, #tpu.memory_space<vmem>>, vector<1x16xf32>,
        %get3A_341 = vector.shape_cast %get3A_340 : vector<1x16xf32> to vector<16xf32>
        %mul3A_342 = arith.constant 22.6274166 : f32
        %mul3A_343 = vector.broadcast %mul3A_342 : f32 to vector<16xf32>
        %mul3A_344 = arith.mulf %get3A_341, %mul3A_343 : vector<16xf32>
        %swap3A = arith.index_cast %scan3A_338 : i32 to index
        %swap3A_345 = arith.constant 0 : index
        %swap3A_346 = tpu.vector_load %arg10[%swap3A, %swap3A_345] {strides = array<i32>} : memref<40x512xf32, #tpu.memory_space<vmem>>, vector<1x16xf32>,
        %swap3A_347 = vector.shape_cast %swap3A_346 : vector<1x16xf32> to vector<16xf32>
        %swap3A_348 = vector.shape_cast %mul3A_344 : vector<16xf32> to vector<1x16xf32>
        tpu.vector_store %arg10[%swap3A, %swap3A_345], %swap3A_348 {strides = array<i32>} : memref<40x512xf32, #tpu.memory_space<vmem>>, vector<1x16xf32>,
        %get3A_349 = arith.index_cast %scan3A_338 : i32 to index
        %get3A_350 = arith.constant 16 : index
        %get3A_351 = tpu.vector_load %arg10[%get3A_349, %get3A_350] {strides = array<i32>} : memref<40x512xf32, #tpu.memory_space<vmem>>, vector<1x16xf32>,
        %get3A_352 = vector.shape_cast %get3A_351 : vector<1x16xf32> to vector<16xf32>
        %mul3A_353 = arith.constant 22.6274166 : f32
        %mul3A_354 = vector.broadcast %mul3A_353 : f32 to vector<16xf32>
        %mul3A_355 = arith.mulf %get3A_352, %mul3A_354 : vector<16xf32>
        %swap3A_356 = arith.index_cast %scan3A_338 : i32 to index
        %swap3A_357 = arith.constant 16 : index
        %swap3A_358 = tpu.vector_load %arg10[%swap3A_356, %swap3A_357] {strides = array<i32>} : memref<40x512xf32, #tpu.memory_space<vmem>>, vector<1x16xf32>,
        %swap3A_359 = vector.shape_cast %swap3A_358 : vector<1x16xf32> to vector<16xf32>
        %swap3A_360 = vector.shape_cast %mul3A_355 : vector<16xf32> to vector<1x16xf32>
        tpu.vector_store %arg10[%swap3A_356, %swap3A_357], %swap3A_360 {strides = array<i32>} : memref<40x512xf32, #tpu.memory_space<vmem>>, vector<1x16xf32>,
        %get3A_361 = arith.index_cast %scan3A_338 : i32 to index
        %get3A_362 = arith.constant 32 : index
        %get3A_363 = tpu.vector_load %arg10[%get3A_361, %get3A_362] {strides = array<i32>} : memref<40x512xf32, #tpu.memory_space<vmem>>, vector<1x16xf32>,
        %get3A_364 = vector.shape_cast %get3A_363 : vector<1x16xf32> to vector<16xf32>
        %mul3A_365 = arith.constant 22.6274166 : f32
        %mul3A_366 = vector.broadcast %mul3A_365 : f32 to vector<16xf32>
        %mul3A_367 = arith.mulf %get3A_364, %mul3A_366 : vector<16xf32>
        %swap3A_368 = arith.index_cast %scan3A_338 : i32 to index
        %swap3A_369 = arith.constant 32 : index
        %swap3A_370 = tpu.vector_load %arg10[%swap3A_368, %swap3A_369] {strides = array<i32>} : memref<40x512xf32, #tpu.memory_space<vmem>>, vector<1x16xf32>,
        %swap3A_371 = vector.shape_cast %swap3A_370 : vector<1x16xf32> to vector<16xf32>
        %swap3A_372 = vector.shape_cast %mul3A_367 : vector<16xf32> to vector<1x16xf32>
        tpu.vector_store %arg10[%swap3A_368, %swap3A_369], %swap3A_372 {strides = array<i32>} : memref<40x512xf32, #tpu.memory_space<vmem>>, vector<1x16xf32>,
        %get3A_373 = arith.index_cast %scan3A_338 : i32 to index
        %get3A_374 = arith.constant 48 : index
        %get3A_375 = tpu.vector_load %arg10[%get3A_373, %get3A_374] {strides = array<i32>} : memref<40x512xf32, #tpu.memory_space<vmem>>, vector<1x16xf32>,
        %get3A_376 = vector.shape_cast %get3A_375 : vector<1x16xf32> to vector<16xf32>
        %mul3A_377 = arith.constant 22.6274166 : f32
        %mul3A_378 = vector.broadcast %mul3A_377 : f32 to vector<16xf32>
        %mul3A_379 = arith.mulf %get3A_376, %mul3A_378 : vector<16xf32>
        %swap3A_380 = arith.index_cast %scan3A_338 : i32 to index
        %swap3A_381 = arith.constant 48 : index
        %swap3A_382 = tpu.vector_load %arg10[%swap3A_380, %swap3A_381] {strides = array<i32>} : memref<40x512xf32, #tpu.memory_space<vmem>>, vector<1x16xf32>,
        %swap3A_383 = vector.shape_cast %swap3A_382 : vector<1x16xf32> to vector<16xf32>
        %swap3A_384 = vector.shape_cast %mul3A_379 : vector<16xf32> to vector<1x16xf32>
        tpu.vector_store %arg10[%swap3A_380, %swap3A_381], %swap3A_384 {strides = array<i32>} : memref<40x512xf32, #tpu.memory_space<vmem>>, vector<1x16xf32>,
        %get3A_385 = arith.index_cast %scan3A_338 : i32 to index
        %get3A_386 = arith.constant 64 : index
        %get3A_387 = tpu.vector_load %arg10[%get3A_385, %get3A_386] {strides = array<i32>} : memref<40x512xf32, #tpu.memory_space<vmem>>, vector<1x16xf32>,
        %get3A_388 = vector.shape_cast %get3A_387 : vector<1x16xf32> to vector<16xf32>
        %mul3A_389 = arith.constant 22.6274166 : f32
        %mul3A_390 = vector.broadcast %mul3A_389 : f32 to vector<16xf32>
        %mul3A_391 = arith.mulf %get3A_388, %mul3A_390 : vector<16xf32>
        %swap3A_392 = arith.index_cast %scan3A_338 : i32 to index
        %swap3A_393 = arith.constant 64 : index
        %swap3A_394 = tpu.vector_load %arg10[%swap3A_392, %swap3A_393] {strides = array<i32>} : memref<40x512xf32, #tpu.memory_space<vmem>>, vector<1x16xf32>,
        %swap3A_395 = vector.shape_cast %swap3A_394 : vector<1x16xf32> to vector<16xf32>
        %swap3A_396 = vector.shape_cast %mul3A_391 : vector<16xf32> to vector<1x16xf32>
        tpu.vector_store %arg10[%swap3A_392, %swap3A_393], %swap3A_396 {strides = array<i32>} : memref<40x512xf32, #tpu.memory_space<vmem>>, vector<1x16xf32>,
        %get3A_397 = arith.index_cast %scan3A_338 : i32 to index
        %get3A_398 = arith.constant 80 : index
        %get3A_399 = tpu.vector_load %arg10[%get3A_397, %get3A_398] {strides = array<i32>} : memref<40x512xf32, #tpu.memory_space<vmem>>, vector<1x16xf32>,
        %get3A_400 = vector.shape_cast %get3A_399 : vector<1x16xf32> to vector<16xf32>
        %mul3A_401 = arith.constant 22.6274166 : f32
        %mul3A_402 = vector.broadcast %mul3A_401 : f32 to vector<16xf32>
        %mul3A_403 = arith.mulf %get3A_400, %mul3A_402 : vector<16xf32>
        %swap3A_404 = arith.index_cast %scan3A_338 : i32 to index
        %swap3A_405 = arith.constant 80 : index
        %swap3A_406 = tpu.vector_load %arg10[%swap3A_404, %swap3A_405] {strides = array<i32>} : memref<40x512xf32, #tpu.memory_space<vmem>>, vector<1x16xf32>,
        %swap3A_407 = vector.shape_cast %swap3A_406 : vector<1x16xf32> to vector<16xf32>
        %swap3A_408 = vector.shape_cast %mul3A_403 : vector<16xf32> to vector<1x16xf32>
        tpu.vector_store %arg10[%swap3A_404, %swap3A_405], %swap3A_408 {strides = array<i32>} : memref<40x512xf32, #tpu.memory_space<vmem>>, vector<1x16xf32>,
        %get3A_409 = arith.index_cast %scan3A_338 : i32 to index
        %get3A_410 = arith.constant 96 : index
        %get3A_411 = tpu.vector_load %arg10[%get3A_409, %get3A_410] {strides = array<i32>} : memref<40x512xf32, #tpu.memory_space<vmem>>, vector<1x16xf32>,
        %get3A_412 = vector.shape_cast %get3A_411 : vector<1x16xf32> to vector<16xf32>
        %mul3A_413 = arith.constant 22.6274166 : f32
        %mul3A_414 = vector.broadcast %mul3A_413 : f32 to vector<16xf32>
        %mul3A_415 = arith.mulf %get3A_412, %mul3A_414 : vector<16xf32>
        %swap3A_416 = arith.index_cast %scan3A_338 : i32 to index
        %swap3A_417 = arith.constant 96 : index
        %swap3A_418 = tpu.vector_load %arg10[%swap3A_416, %swap3A_417] {strides = array<i32>} : memref<40x512xf32, #tpu.memory_space<vmem>>, vector<1x16xf32>,
        %swap3A_419 = vector.shape_cast %swap3A_418 : vector<1x16xf32> to vector<16xf32>
        %swap3A_420 = vector.shape_cast %mul3A_415 : vector<16xf32> to vector<1x16xf32>
        tpu.vector_store %arg10[%swap3A_416, %swap3A_417], %swap3A_420 {strides = array<i32>} : memref<40x512xf32, #tpu.memory_space<vmem>>, vector<1x16xf32>,
        %get3A_421 = arith.index_cast %scan3A_338 : i32 to index
        %get3A_422 = arith.constant 112 : index
        %get3A_423 = tpu.vector_load %arg10[%get3A_421, %get3A_422] {strides = array<i32>} : memref<40x512xf32, #tpu.memory_space<vmem>>, vector<1x16xf32>,
        %get3A_424 = vector.shape_cast %get3A_423 : vector<1x16xf32> to vector<16xf32>
        %mul3A_425 = arith.constant 22.6274166 : f32
        %mul3A_426 = vector.broadcast %mul3A_425 : f32 to vector<16xf32>
        %mul3A_427 = arith.mulf %get3A_424, %mul3A_426 : vector<16xf32>
        %swap3A_428 = arith.index_cast %scan3A_338 : i32 to index
        %swap3A_429 = arith.constant 112 : index
        %swap3A_430 = tpu.vector_load %arg10[%swap3A_428, %swap3A_429] {strides = array<i32>} : memref<40x512xf32, #tpu.memory_space<vmem>>, vector<1x16xf32>,
        %swap3A_431 = vector.shape_cast %swap3A_430 : vector<1x16xf32> to vector<16xf32>
        %swap3A_432 = vector.shape_cast %mul3A_427 : vector<16xf32> to vector<1x16xf32>
        tpu.vector_store %arg10[%swap3A_428, %swap3A_429], %swap3A_432 {strides = array<i32>} : memref<40x512xf32, #tpu.memory_space<vmem>>, vector<1x16xf32>,
        %get3A_433 = arith.index_cast %scan3A_338 : i32 to index
        %get3A_434 = arith.constant 128 : index
        %get3A_435 = tpu.vector_load %arg10[%get3A_433, %get3A_434] {strides = array<i32>} : memref<40x512xf32, #tpu.memory_space<vmem>>, vector<1x16xf32>,
        %get3A_436 = vector.shape_cast %get3A_435 : vector<1x16xf32> to vector<16xf32>
        %mul3A_437 = arith.constant 22.6274166 : f32
        %mul3A_438 = vector.broadcast %mul3A_437 : f32 to vector<16xf32>
        %mul3A_439 = arith.mulf %get3A_436, %mul3A_438 : vector<16xf32>
        %swap3A_440 = arith.index_cast %scan3A_338 : i32 to index
        %swap3A_441 = arith.constant 128 : index
        %swap3A_442 = tpu.vector_load %arg10[%swap3A_440, %swap3A_441] {strides = array<i32>} : memref<40x512xf32, #tpu.memory_space<vmem>>, vector<1x16xf32>,
        %swap3A_443 = vector.shape_cast %swap3A_442 : vector<1x16xf32> to vector<16xf32>
        %swap3A_444 = vector.shape_cast %mul3A_439 : vector<16xf32> to vector<1x16xf32>
        tpu.vector_store %arg10[%swap3A_440, %swap3A_441], %swap3A_444 {strides = array<i32>} : memref<40x512xf32, #tpu.memory_space<vmem>>, vector<1x16xf32>,
        %get3A_445 = arith.index_cast %scan3A_338 : i32 to index
        %get3A_446 = arith.constant 144 : index
        %get3A_447 = tpu.vector_load %arg10[%get3A_445, %get3A_446] {strides = array<i32>} : memref<40x512xf32, #tpu.memory_space<vmem>>, vector<1x16xf32>,
        %get3A_448 = vector.shape_cast %get3A_447 : vector<1x16xf32> to vector<16xf32>
        %mul3A_449 = arith.constant 22.6274166 : f32
        %mul3A_450 = vector.broadcast %mul3A_449 : f32 to vector<16xf32>
        %mul3A_451 = arith.mulf %get3A_448, %mul3A_450 : vector<16xf32>
        %swap3A_452 = arith.index_cast %scan3A_338 : i32 to index
        %swap3A_453 = arith.constant 144 : index
        %swap3A_454 = tpu.vector_load %arg10[%swap3A_452, %swap3A_453] {strides = array<i32>} : memref<40x512xf32, #tpu.memory_space<vmem>>, vector<1x16xf32>,
        %swap3A_455 = vector.shape_cast %swap3A_454 : vector<1x16xf32> to vector<16xf32>
        %swap3A_456 = vector.shape_cast %mul3A_451 : vector<16xf32> to vector<1x16xf32>
        tpu.vector_store %arg10[%swap3A_452, %swap3A_453], %swap3A_456 {strides = array<i32>} : memref<40x512xf32, #tpu.memory_space<vmem>>, vector<1x16xf32>,
        %get3A_457 = arith.index_cast %scan3A_338 : i32 to index
        %get3A_458 = arith.constant 160 : index
        %get3A_459 = tpu.vector_load %arg10[%get3A_457, %get3A_458] {strides = array<i32>} : memref<40x512xf32, #tpu.memory_space<vmem>>, vector<1x16xf32>,
        %get3A_460 = vector.shape_cast %get3A_459 : vector<1x16xf32> to vector<16xf32>
        %mul3A_461 = arith.constant 22.6274166 : f32
        %mul3A_462 = vector.broadcast %mul3A_461 : f32 to vector<16xf32>
        %mul3A_463 = arith.mulf %get3A_460, %mul3A_462 : vector<16xf32>
        %swap3A_464 = arith.index_cast %scan3A_338 : i32 to index
        %swap3A_465 = arith.constant 160 : index
        %swap3A_466 = tpu.vector_load %arg10[%swap3A_464, %swap3A_465] {strides = array<i32>} : memref<40x512xf32, #tpu.memory_space<vmem>>, vector<1x16xf32>,
        %swap3A_467 = vector.shape_cast %swap3A_466 : vector<1x16xf32> to vector<16xf32>
        %swap3A_468 = vector.shape_cast %mul3A_463 : vector<16xf32> to vector<1x16xf32>
        tpu.vector_store %arg10[%swap3A_464, %swap3A_465], %swap3A_468 {strides = array<i32>} : memref<40x512xf32, #tpu.memory_space<vmem>>, vector<1x16xf32>,
        %get3A_469 = arith.index_cast %scan3A_338 : i32 to index
        %get3A_470 = arith.constant 176 : index
        %get3A_471 = tpu.vector_load %arg10[%get3A_469, %get3A_470] {strides = array<i32>} : memref<40x512xf32, #tpu.memory_space<vmem>>, vector<1x16xf32>,
        %get3A_472 = vector.shape_cast %get3A_471 : vector<1x16xf32> to vector<16xf32>
        %mul3A_473 = arith.constant 22.6274166 : f32
        %mul3A_474 = vector.broadcast %mul3A_473 : f32 to vector<16xf32>
        %mul3A_475 = arith.mulf %get3A_472, %mul3A_474 : vector<16xf32>
        %swap3A_476 = arith.index_cast %scan3A_338 : i32 to index
        %swap3A_477 = arith.constant 176 : index
        %swap3A_478 = tpu.vector_load %arg10[%swap3A_476, %swap3A_477] {strides = array<i32>} : memref<40x512xf32, #tpu.memory_space<vmem>>, vector<1x16xf32>,
        %swap3A_479 = vector.shape_cast %swap3A_478 : vector<1x16xf32> to vector<16xf32>
        %swap3A_480 = vector.shape_cast %mul3A_475 : vector<16xf32> to vector<1x16xf32>
        tpu.vector_store %arg10[%swap3A_476, %swap3A_477], %swap3A_480 {strides = array<i32>} : memref<40x512xf32, #tpu.memory_space<vmem>>, vector<1x16xf32>,
        %get3A_481 = arith.index_cast %scan3A_338 : i32 to index
        %get3A_482 = arith.constant 192 : index
        %get3A_483 = tpu.vector_load %arg10[%get3A_481, %get3A_482] {strides = array<i32>} : memref<40x512xf32, #tpu.memory_space<vmem>>, vector<1x16xf32>,
        %get3A_484 = vector.shape_cast %get3A_483 : vector<1x16xf32> to vector<16xf32>
        %mul3A_485 = arith.constant 22.6274166 : f32
        %mul3A_486 = vector.broadcast %mul3A_485 : f32 to vector<16xf32>
        %mul3A_487 = arith.mulf %get3A_484, %mul3A_486 : vector<16xf32>
        %swap3A_488 = arith.index_cast %scan3A_338 : i32 to index
        %swap3A_489 = arith.constant 192 : index
        %swap3A_490 = tpu.vector_load %arg10[%swap3A_488, %swap3A_489] {strides = array<i32>} : memref<40x512xf32, #tpu.memory_space<vmem>>, vector<1x16xf32>,
        %swap3A_491 = vector.shape_cast %swap3A_490 : vector<1x16xf32> to vector<16xf32>
        %swap3A_492 = vector.shape_cast %mul3A_487 : vector<16xf32> to vector<1x16xf32>
        tpu.vector_store %arg10[%swap3A_488, %swap3A_489], %swap3A_492 {strides = array<i32>} : memref<40x512xf32, #tpu.memory_space<vmem>>, vector<1x16xf32>,
        %get3A_493 = arith.index_cast %scan3A_338 : i32 to index
        %get3A_494 = arith.constant 208 : index
        %get3A_495 = tpu.vector_load %arg10[%get3A_493, %get3A_494] {strides = array<i32>} : memref<40x512xf32, #tpu.memory_space<vmem>>, vector<1x16xf32>,
        %get3A_496 = vector.shape_cast %get3A_495 : vector<1x16xf32> to vector<16xf32>
        %mul3A_497 = arith.constant 22.6274166 : f32
        %mul3A_498 = vector.broadcast %mul3A_497 : f32 to vector<16xf32>
        %mul3A_499 = arith.mulf %get3A_496, %mul3A_498 : vector<16xf32>
        %swap3A_500 = arith.index_cast %scan3A_338 : i32 to index
        %swap3A_501 = arith.constant 208 : index
        %swap3A_502 = tpu.vector_load %arg10[%swap3A_500, %swap3A_501] {strides = array<i32>} : memref<40x512xf32, #tpu.memory_space<vmem>>, vector<1x16xf32>,
        %swap3A_503 = vector.shape_cast %swap3A_502 : vector<1x16xf32> to vector<16xf32>
        %swap3A_504 = vector.shape_cast %mul3A_499 : vector<16xf32> to vector<1x16xf32>
        tpu.vector_store %arg10[%swap3A_500, %swap3A_501], %swap3A_504 {strides = array<i32>} : memref<40x512xf32, #tpu.memory_space<vmem>>, vector<1x16xf32>,
        %get3A_505 = arith.index_cast %scan3A_338 : i32 to index
        %get3A_506 = arith.constant 224 : index
        %get3A_507 = tpu.vector_load %arg10[%get3A_505, %get3A_506] {strides = array<i32>} : memref<40x512xf32, #tpu.memory_space<vmem>>, vector<1x16xf32>,
        %get3A_508 = vector.shape_cast %get3A_507 : vector<1x16xf32> to vector<16xf32>
        %mul3A_509 = arith.constant 22.6274166 : f32
        %mul3A_510 = vector.broadcast %mul3A_509 : f32 to vector<16xf32>
        %mul3A_511 = arith.mulf %get3A_508, %mul3A_510 : vector<16xf32>
        %swap3A_512 = arith.index_cast %scan3A_338 : i32 to index
        %swap3A_513 = arith.constant 224 : index
        %swap3A_514 = tpu.vector_load %arg10[%swap3A_512, %swap3A_513] {strides = array<i32>} : memref<40x512xf32, #tpu.memory_space<vmem>>, vector<1x16xf32>,
        %swap3A_515 = vector.shape_cast %swap3A_514 : vector<1x16xf32> to vector<16xf32>
        %swap3A_516 = vector.shape_cast %mul3A_511 : vector<16xf32> to vector<1x16xf32>
        tpu.vector_store %arg10[%swap3A_512, %swap3A_513], %swap3A_516 {strides = array<i32>} : memref<40x512xf32, #tpu.memory_space<vmem>>, vector<1x16xf32>,
        %get3A_517 = arith.index_cast %scan3A_338 : i32 to index
        %get3A_518 = arith.constant 240 : index
        %get3A_519 = tpu.vector_load %arg10[%get3A_517, %get3A_518] {strides = array<i32>} : memref<40x512xf32, #tpu.memory_space<vmem>>, vector<1x16xf32>,
        %get3A_520 = vector.shape_cast %get3A_519 : vector<1x16xf32> to vector<16xf32>
        %mul3A_521 = arith.constant 22.6274166 : f32
        %mul3A_522 = vector.broadcast %mul3A_521 : f32 to vector<16xf32>
        %mul3A_523 = arith.mulf %get3A_520, %mul3A_522 : vector<16xf32>
        %swap3A_524 = arith.index_cast %scan3A_338 : i32 to index
        %swap3A_525 = arith.constant 240 : index
        %swap3A_526 = tpu.vector_load %arg10[%swap3A_524, %swap3A_525] {strides = array<i32>} : memref<40x512xf32, #tpu.memory_space<vmem>>, vector<1x16xf32>,
        %swap3A_527 = vector.shape_cast %swap3A_526 : vector<1x16xf32> to vector<16xf32>
        %swap3A_528 = vector.shape_cast %mul3A_523 : vector<16xf32> to vector<1x16xf32>
        tpu.vector_store %arg10[%swap3A_524, %swap3A_525], %swap3A_528 {strides = array<i32>} : memref<40x512xf32, #tpu.memory_space<vmem>>, vector<1x16xf32>,
        %get3A_529 = arith.index_cast %scan3A_338 : i32 to index
        %get3A_530 = arith.constant 256 : index
        %get3A_531 = tpu.vector_load %arg10[%get3A_529, %get3A_530] {strides = array<i32>} : memref<40x512xf32, #tpu.memory_space<vmem>>, vector<1x16xf32>,
        %get3A_532 = vector.shape_cast %get3A_531 : vector<1x16xf32> to vector<16xf32>
        %mul3A_533 = arith.constant 22.6274166 : f32
        %mul3A_534 = vector.broadcast %mul3A_533 : f32 to vector<16xf32>
        %mul3A_535 = arith.mulf %get3A_532, %mul3A_534 : vector<16xf32>
        %swap3A_536 = arith.index_cast %scan3A_338 : i32 to index
        %swap3A_537 = arith.constant 256 : index
        %swap3A_538 = tpu.vector_load %arg10[%swap3A_536, %swap3A_537] {strides = array<i32>} : memref<40x512xf32, #tpu.memory_space<vmem>>, vector<1x16xf32>,
        %swap3A_539 = vector.shape_cast %swap3A_538 : vector<1x16xf32> to vector<16xf32>
        %swap3A_540 = vector.shape_cast %mul3A_535 : vector<16xf32> to vector<1x16xf32>
        tpu.vector_store %arg10[%swap3A_536, %swap3A_537], %swap3A_540 {strides = array<i32>} : memref<40x512xf32, #tpu.memory_space<vmem>>, vector<1x16xf32>,
        %get3A_541 = arith.index_cast %scan3A_338 : i32 to index
        %get3A_542 = arith.constant 272 : index
        %get3A_543 = tpu.vector_load %arg10[%get3A_541, %get3A_542] {strides = array<i32>} : memref<40x512xf32, #tpu.memory_space<vmem>>, vector<1x16xf32>,
        %get3A_544 = vector.shape_cast %get3A_543 : vector<1x16xf32> to vector<16xf32>
        %mul3A_545 = arith.constant 22.6274166 : f32
        %mul3A_546 = vector.broadcast %mul3A_545 : f32 to vector<16xf32>
        %mul3A_547 = arith.mulf %get3A_544, %mul3A_546 : vector<16xf32>
        %swap3A_548 = arith.index_cast %scan3A_338 : i32 to index
        %swap3A_549 = arith.constant 272 : index
        %swap3A_550 = tpu.vector_load %arg10[%swap3A_548, %swap3A_549] {strides = array<i32>} : memref<40x512xf32, #tpu.memory_space<vmem>>, vector<1x16xf32>,
        %swap3A_551 = vector.shape_cast %swap3A_550 : vector<1x16xf32> to vector<16xf32>
        %swap3A_552 = vector.shape_cast %mul3A_547 : vector<16xf32> to vector<1x16xf32>
        tpu.vector_store %arg10[%swap3A_548, %swap3A_549], %swap3A_552 {strides = array<i32>} : memref<40x512xf32, #tpu.memory_space<vmem>>, vector<1x16xf32>,
        %get3A_553 = arith.index_cast %scan3A_338 : i32 to index
        %get3A_554 = arith.constant 288 : index
        %get3A_555 = tpu.vector_load %arg10[%get3A_553, %get3A_554] {strides = array<i32>} : memref<40x512xf32, #tpu.memory_space<vmem>>, vector<1x16xf32>,
        %get3A_556 = vector.shape_cast %get3A_555 : vector<1x16xf32> to vector<16xf32>
        %mul3A_557 = arith.constant 22.6274166 : f32
        %mul3A_558 = vector.broadcast %mul3A_557 : f32 to vector<16xf32>
        %mul3A_559 = arith.mulf %get3A_556, %mul3A_558 : vector<16xf32>
        %swap3A_560 = arith.index_cast %scan3A_338 : i32 to index
        %swap3A_561 = arith.constant 288 : index
        %swap3A_562 = tpu.vector_load %arg10[%swap3A_560, %swap3A_561] {strides = array<i32>} : memref<40x512xf32, #tpu.memory_space<vmem>>, vector<1x16xf32>,
        %swap3A_563 = vector.shape_cast %swap3A_562 : vector<1x16xf32> to vector<16xf32>
        %swap3A_564 = vector.shape_cast %mul3A_559 : vector<16xf32> to vector<1x16xf32>
        tpu.vector_store %arg10[%swap3A_560, %swap3A_561], %swap3A_564 {strides = array<i32>} : memref<40x512xf32, #tpu.memory_space<vmem>>, vector<1x16xf32>,
        %get3A_565 = arith.index_cast %scan3A_338 : i32 to index
        %get3A_566 = arith.constant 304 : index
        %get3A_567 = tpu.vector_load %arg10[%get3A_565, %get3A_566] {strides = array<i32>} : memref<40x512xf32, #tpu.memory_space<vmem>>, vector<1x16xf32>,
        %get3A_568 = vector.shape_cast %get3A_567 : vector<1x16xf32> to vector<16xf32>
        %mul3A_569 = arith.constant 22.6274166 : f32
        %mul3A_570 = vector.broadcast %mul3A_569 : f32 to vector<16xf32>
        %mul3A_571 = arith.mulf %get3A_568, %mul3A_570 : vector<16xf32>
        %swap3A_572 = arith.index_cast %scan3A_338 : i32 to index
        %swap3A_573 = arith.constant 304 : index
        %swap3A_574 = tpu.vector_load %arg10[%swap3A_572, %swap3A_573] {strides = array<i32>} : memref<40x512xf32, #tpu.memory_space<vmem>>, vector<1x16xf32>,
        %swap3A_575 = vector.shape_cast %swap3A_574 : vector<1x16xf32> to vector<16xf32>
        %swap3A_576 = vector.shape_cast %mul3A_571 : vector<16xf32> to vector<1x16xf32>
        tpu.vector_store %arg10[%swap3A_572, %swap3A_573], %swap3A_576 {strides = array<i32>} : memref<40x512xf32, #tpu.memory_space<vmem>>, vector<1x16xf32>,
        %get3A_577 = arith.index_cast %scan3A_338 : i32 to index
        %get3A_578 = arith.constant 320 : index
        %get3A_579 = tpu.vector_load %arg10[%get3A_577, %get3A_578] {strides = array<i32>} : memref<40x512xf32, #tpu.memory_space<vmem>>, vector<1x16xf32>,
        %get3A_580 = vector.shape_cast %get3A_579 : vector<1x16xf32> to vector<16xf32>
        %mul3A_581 = arith.constant 22.6274166 : f32
        %mul3A_582 = vector.broadcast %mul3A_581 : f32 to vector<16xf32>
        %mul3A_583 = arith.mulf %get3A_580, %mul3A_582 : vector<16xf32>
        %swap3A_584 = arith.index_cast %scan3A_338 : i32 to index
        %swap3A_585 = arith.constant 320 : index
        %swap3A_586 = tpu.vector_load %arg10[%swap3A_584, %swap3A_585] {strides = array<i32>} : memref<40x512xf32, #tpu.memory_space<vmem>>, vector<1x16xf32>,
        %swap3A_587 = vector.shape_cast %swap3A_586 : vector<1x16xf32> to vector<16xf32>
        %swap3A_588 = vector.shape_cast %mul3A_583 : vector<16xf32> to vector<1x16xf32>
        tpu.vector_store %arg10[%swap3A_584, %swap3A_585], %swap3A_588 {strides = array<i32>} : memref<40x512xf32, #tpu.memory_space<vmem>>, vector<1x16xf32>,
        %get3A_589 = arith.index_cast %scan3A_338 : i32 to index
        %get3A_590 = arith.constant 336 : index
        %get3A_591 = tpu.vector_load %arg10[%get3A_589, %get3A_590] {strides = array<i32>} : memref<40x512xf32, #tpu.memory_space<vmem>>, vector<1x16xf32>,
        %get3A_592 = vector.shape_cast %get3A_591 : vector<1x16xf32> to vector<16xf32>
        %mul3A_593 = arith.constant 22.6274166 : f32
        %mul3A_594 = vector.broadcast %mul3A_593 : f32 to vector<16xf32>
        %mul3A_595 = arith.mulf %get3A_592, %mul3A_594 : vector<16xf32>
        %swap3A_596 = arith.index_cast %scan3A_338 : i32 to index
        %swap3A_597 = arith.constant 336 : index
        %swap3A_598 = tpu.vector_load %arg10[%swap3A_596, %swap3A_597] {strides = array<i32>} : memref<40x512xf32, #tpu.memory_space<vmem>>, vector<1x16xf32>,
        %swap3A_599 = vector.shape_cast %swap3A_598 : vector<1x16xf32> to vector<16xf32>
        %swap3A_600 = vector.shape_cast %mul3A_595 : vector<16xf32> to vector<1x16xf32>
        tpu.vector_store %arg10[%swap3A_596, %swap3A_597], %swap3A_600 {strides = array<i32>} : memref<40x512xf32, #tpu.memory_space<vmem>>, vector<1x16xf32>,
        %get3A_601 = arith.index_cast %scan3A_338 : i32 to index
        %get3A_602 = arith.constant 352 : index
        %get3A_603 = tpu.vector_load %arg10[%get3A_601, %get3A_602] {strides = array<i32>} : memref<40x512xf32, #tpu.memory_space<vmem>>, vector<1x16xf32>,
        %get3A_604 = vector.shape_cast %get3A_603 : vector<1x16xf32> to vector<16xf32>
        %mul3A_605 = arith.constant 22.6274166 : f32
        %mul3A_606 = vector.broadcast %mul3A_605 : f32 to vector<16xf32>
        %mul3A_607 = arith.mulf %get3A_604, %mul3A_606 : vector<16xf32>
        %swap3A_608 = arith.index_cast %scan3A_338 : i32 to index
        %swap3A_609 = arith.constant 352 : index
        %swap3A_610 = tpu.vector_load %arg10[%swap3A_608, %swap3A_609] {strides = array<i32>} : memref<40x512xf32, #tpu.memory_space<vmem>>, vector<1x16xf32>,
        %swap3A_611 = vector.shape_cast %swap3A_610 : vector<1x16xf32> to vector<16xf32>
        %swap3A_612 = vector.shape_cast %mul3A_607 : vector<16xf32> to vector<1x16xf32>
        tpu.vector_store %arg10[%swap3A_608, %swap3A_609], %swap3A_612 {strides = array<i32>} : memref<40x512xf32, #tpu.memory_space<vmem>>, vector<1x16xf32>,
        %get3A_613 = arith.index_cast %scan3A_338 : i32 to index
        %get3A_614 = arith.constant 368 : index
        %get3A_615 = tpu.vector_load %arg10[%get3A_613, %get3A_614] {strides = array<i32>} : memref<40x512xf32, #tpu.memory_space<vmem>>, vector<1x16xf32>,
        %get3A_616 = vector.shape_cast %get3A_615 : vector<1x16xf32> to vector<16xf32>
        %mul3A_617 = arith.constant 22.6274166 : f32
        %mul3A_618 = vector.broadcast %mul3A_617 : f32 to vector<16xf32>
        %mul3A_619 = arith.mulf %get3A_616, %mul3A_618 : vector<16xf32>
        %swap3A_620 = arith.index_cast %scan3A_338 : i32 to index
        %swap3A_621 = arith.constant 368 : index
        %swap3A_622 = tpu.vector_load %arg10[%swap3A_620, %swap3A_621] {strides = array<i32>} : memref<40x512xf32, #tpu.memory_space<vmem>>, vector<1x16xf32>,
        %swap3A_623 = vector.shape_cast %swap3A_622 : vector<1x16xf32> to vector<16xf32>
        %swap3A_624 = vector.shape_cast %mul3A_619 : vector<16xf32> to vector<1x16xf32>
        tpu.vector_store %arg10[%swap3A_620, %swap3A_621], %swap3A_624 {strides = array<i32>} : memref<40x512xf32, #tpu.memory_space<vmem>>, vector<1x16xf32>,
        %get3A_625 = arith.index_cast %scan3A_338 : i32 to index
        %get3A_626 = arith.constant 384 : index
        %get3A_627 = tpu.vector_load %arg10[%get3A_625, %get3A_626] {strides = array<i32>} : memref<40x512xf32, #tpu.memory_space<vmem>>, vector<1x16xf32>,
        %get3A_628 = vector.shape_cast %get3A_627 : vector<1x16xf32> to vector<16xf32>
        %mul3A_629 = arith.constant 22.6274166 : f32
        %mul3A_630 = vector.broadcast %mul3A_629 : f32 to vector<16xf32>
        %mul3A_631 = arith.mulf %get3A_628, %mul3A_630 : vector<16xf32>
        %swap3A_632 = arith.index_cast %scan3A_338 : i32 to index
        %swap3A_633 = arith.constant 384 : index
        %swap3A_634 = tpu.vector_load %arg10[%swap3A_632, %swap3A_633] {strides = array<i32>} : memref<40x512xf32, #tpu.memory_space<vmem>>, vector<1x16xf32>,
        %swap3A_635 = vector.shape_cast %swap3A_634 : vector<1x16xf32> to vector<16xf32>
        %swap3A_636 = vector.shape_cast %mul3A_631 : vector<16xf32> to vector<1x16xf32>
        tpu.vector_store %arg10[%swap3A_632, %swap3A_633], %swap3A_636 {strides = array<i32>} : memref<40x512xf32, #tpu.memory_space<vmem>>, vector<1x16xf32>,
        %get3A_637 = arith.index_cast %scan3A_338 : i32 to index
        %get3A_638 = arith.constant 400 : index
        %get3A_639 = tpu.vector_load %arg10[%get3A_637, %get3A_638] {strides = array<i32>} : memref<40x512xf32, #tpu.memory_space<vmem>>, vector<1x16xf32>,
        %get3A_640 = vector.shape_cast %get3A_639 : vector<1x16xf32> to vector<16xf32>
        %mul3A_641 = arith.constant 22.6274166 : f32
        %mul3A_642 = vector.broadcast %mul3A_641 : f32 to vector<16xf32>
        %mul3A_643 = arith.mulf %get3A_640, %mul3A_642 : vector<16xf32>
        %swap3A_644 = arith.index_cast %scan3A_338 : i32 to index
        %swap3A_645 = arith.constant 400 : index
        %swap3A_646 = tpu.vector_load %arg10[%swap3A_644, %swap3A_645] {strides = array<i32>} : memref<40x512xf32, #tpu.memory_space<vmem>>, vector<1x16xf32>,
        %swap3A_647 = vector.shape_cast %swap3A_646 : vector<1x16xf32> to vector<16xf32>
        %swap3A_648 = vector.shape_cast %mul3A_643 : vector<16xf32> to vector<1x16xf32>
        tpu.vector_store %arg10[%swap3A_644, %swap3A_645], %swap3A_648 {strides = array<i32>} : memref<40x512xf32, #tpu.memory_space<vmem>>, vector<1x16xf32>,
        %get3A_649 = arith.index_cast %scan3A_338 : i32 to index
        %get3A_650 = arith.constant 416 : index
        %get3A_651 = tpu.vector_load %arg10[%get3A_649, %get3A_650] {strides = array<i32>} : memref<40x512xf32, #tpu.memory_space<vmem>>, vector<1x16xf32>,
        %get3A_652 = vector.shape_cast %get3A_651 : vector<1x16xf32> to vector<16xf32>
        %mul3A_653 = arith.constant 22.6274166 : f32
        %mul3A_654 = vector.broadcast %mul3A_653 : f32 to vector<16xf32>
        %mul3A_655 = arith.mulf %get3A_652, %mul3A_654 : vector<16xf32>
        %swap3A_656 = arith.index_cast %scan3A_338 : i32 to index
        %swap3A_657 = arith.constant 416 : index
        %swap3A_658 = tpu.vector_load %arg10[%swap3A_656, %swap3A_657] {strides = array<i32>} : memref<40x512xf32, #tpu.memory_space<vmem>>, vector<1x16xf32>,
        %swap3A_659 = vector.shape_cast %swap3A_658 : vector<1x16xf32> to vector<16xf32>
        %swap3A_660 = vector.shape_cast %mul3A_655 : vector<16xf32> to vector<1x16xf32>
        tpu.vector_store %arg10[%swap3A_656, %swap3A_657], %swap3A_660 {strides = array<i32>} : memref<40x512xf32, #tpu.memory_space<vmem>>, vector<1x16xf32>,
        %get3A_661 = arith.index_cast %scan3A_338 : i32 to index
        %get3A_662 = arith.constant 432 : index
        %get3A_663 = tpu.vector_load %arg10[%get3A_661, %get3A_662] {strides = array<i32>} : memref<40x512xf32, #tpu.memory_space<vmem>>, vector<1x16xf32>,
        %get3A_664 = vector.shape_cast %get3A_663 : vector<1x16xf32> to vector<16xf32>
        %mul3A_665 = arith.constant 22.6274166 : f32
        %mul3A_666 = vector.broadcast %mul3A_665 : f32 to vector<16xf32>
        %mul3A_667 = arith.mulf %get3A_664, %mul3A_666 : vector<16xf32>
        %swap3A_668 = arith.index_cast %scan3A_338 : i32 to index
        %swap3A_669 = arith.constant 432 : index
        %swap3A_670 = tpu.vector_load %arg10[%swap3A_668, %swap3A_669] {strides = array<i32>} : memref<40x512xf32, #tpu.memory_space<vmem>>, vector<1x16xf32>,
        %swap3A_671 = vector.shape_cast %swap3A_670 : vector<1x16xf32> to vector<16xf32>
        %swap3A_672 = vector.shape_cast %mul3A_667 : vector<16xf32> to vector<1x16xf32>
        tpu.vector_store %arg10[%swap3A_668, %swap3A_669], %swap3A_672 {strides = array<i32>} : memref<40x512xf32, #tpu.memory_space<vmem>>, vector<1x16xf32>,
        %get3A_673 = arith.index_cast %scan3A_338 : i32 to index
        %get3A_674 = arith.constant 448 : index
        %get3A_675 = tpu.vector_load %arg10[%get3A_673, %get3A_674] {strides = array<i32>} : memref<40x512xf32, #tpu.memory_space<vmem>>, vector<1x16xf32>,
        %get3A_676 = vector.shape_cast %get3A_675 : vector<1x16xf32> to vector<16xf32>
        %mul3A_677 = arith.constant 22.6274166 : f32
        %mul3A_678 = vector.broadcast %mul3A_677 : f32 to vector<16xf32>
        %mul3A_679 = arith.mulf %get3A_676, %mul3A_678 : vector<16xf32>
        %swap3A_680 = arith.index_cast %scan3A_338 : i32 to index
        %swap3A_681 = arith.constant 448 : index
        %swap3A_682 = tpu.vector_load %arg10[%swap3A_680, %swap3A_681] {strides = array<i32>} : memref<40x512xf32, #tpu.memory_space<vmem>>, vector<1x16xf32>,
        %swap3A_683 = vector.shape_cast %swap3A_682 : vector<1x16xf32> to vector<16xf32>
        %swap3A_684 = vector.shape_cast %mul3A_679 : vector<16xf32> to vector<1x16xf32>
        tpu.vector_store %arg10[%swap3A_680, %swap3A_681], %swap3A_684 {strides = array<i32>} : memref<40x512xf32, #tpu.memory_space<vmem>>, vector<1x16xf32>,
        %get3A_685 = arith.index_cast %scan3A_338 : i32 to index
        %get3A_686 = arith.constant 464 : index
        %get3A_687 = tpu.vector_load %arg10[%get3A_685, %get3A_686] {strides = array<i32>} : memref<40x512xf32, #tpu.memory_space<vmem>>, vector<1x16xf32>,
        %get3A_688 = vector.shape_cast %get3A_687 : vector<1x16xf32> to vector<16xf32>
        %mul3A_689 = arith.constant 22.6274166 : f32
        %mul3A_690 = vector.broadcast %mul3A_689 : f32 to vector<16xf32>
        %mul3A_691 = arith.mulf %get3A_688, %mul3A_690 : vector<16xf32>
        %swap3A_692 = arith.index_cast %scan3A_338 : i32 to index
        %swap3A_693 = arith.constant 464 : index
        %swap3A_694 = tpu.vector_load %arg10[%swap3A_692, %swap3A_693] {strides = array<i32>} : memref<40x512xf32, #tpu.memory_space<vmem>>, vector<1x16xf32>,
        %swap3A_695 = vector.shape_cast %swap3A_694 : vector<1x16xf32> to vector<16xf32>
        %swap3A_696 = vector.shape_cast %mul3A_691 : vector<16xf32> to vector<1x16xf32>
        tpu.vector_store %arg10[%swap3A_692, %swap3A_693], %swap3A_696 {strides = array<i32>} : memref<40x512xf32, #tpu.memory_space<vmem>>, vector<1x16xf32>,
        %get3A_697 = arith.index_cast %scan3A_338 : i32 to index
        %get3A_698 = arith.constant 480 : index
        %get3A_699 = tpu.vector_load %arg10[%get3A_697, %get3A_698] {strides = array<i32>} : memref<40x512xf32, #tpu.memory_space<vmem>>, vector<1x16xf32>,
        %get3A_700 = vector.shape_cast %get3A_699 : vector<1x16xf32> to vector<16xf32>
        %mul3A_701 = arith.constant 22.6274166 : f32
        %mul3A_702 = vector.broadcast %mul3A_701 : f32 to vector<16xf32>
        %mul3A_703 = arith.mulf %get3A_700, %mul3A_702 : vector<16xf32>
        %swap3A_704 = arith.index_cast %scan3A_338 : i32 to index
        %swap3A_705 = arith.constant 480 : index
        %swap3A_706 = tpu.vector_load %arg10[%swap3A_704, %swap3A_705] {strides = array<i32>} : memref<40x512xf32, #tpu.memory_space<vmem>>, vector<1x16xf32>,
        %swap3A_707 = vector.shape_cast %swap3A_706 : vector<1x16xf32> to vector<16xf32>
        %swap3A_708 = vector.shape_cast %mul3A_703 : vector<16xf32> to vector<1x16xf32>
        tpu.vector_store %arg10[%swap3A_704, %swap3A_705], %swap3A_708 {strides = array<i32>} : memref<40x512xf32, #tpu.memory_space<vmem>>, vector<1x16xf32>,
        %get3A_709 = arith.index_cast %scan3A_338 : i32 to index
        %get3A_710 = arith.constant 496 : index
        %get3A_711 = tpu.vector_load %arg10[%get3A_709, %get3A_710] {strides = array<i32>} : memref<40x512xf32, #tpu.memory_space<vmem>>, vector<1x16xf32>,
        %get3A_712 = vector.shape_cast %get3A_711 : vector<1x16xf32> to vector<16xf32>
        %mul3A_713 = arith.constant 22.6274166 : f32
        %mul3A_714 = vector.broadcast %mul3A_713 : f32 to vector<16xf32>
        %mul3A_715 = arith.mulf %get3A_712, %mul3A_714 : vector<16xf32>
        %swap3A_716 = arith.index_cast %scan3A_338 : i32 to index
        %swap3A_717 = arith.constant 496 : index
        %swap3A_718 = tpu.vector_load %arg10[%swap3A_716, %swap3A_717] {strides = array<i32>} : memref<40x512xf32, #tpu.memory_space<vmem>>, vector<1x16xf32>,
        %swap3A_719 = vector.shape_cast %swap3A_718 : vector<1x16xf32> to vector<16xf32>
        %swap3A_720 = vector.shape_cast %mul3A_715 : vector<16xf32> to vector<1x16xf32>
        tpu.vector_store %arg10[%swap3A_716, %swap3A_717], %swap3A_720 {strides = array<i32>} : memref<40x512xf32, #tpu.memory_space<vmem>>, vector<1x16xf32>,
      }
      %scan3A_320 = arith.constant 40 : i32
      %mul3A_321 = arith.constant 40 : i32
      %mul3A_322 = arith.muli %add3A_290, %mul3A_321 : i32
      %add3A_323 = arith.addi %mul3A_2, %mul3A_322 : i32
      %dma_start3A_324 = arith.constant 0 : i32
      %dma_start3A_325 = tpu.memref_slice %arg4[%add3A_323, %dma_start3A_324] : memref<204800x512xf32, #tpu.memory_space<hbm>> -> memref<40x512xf32, #tpu.memory_space<hbm>>
      %dma_start3A_326 = arith.constant 0 : i32
      %dma_start3A_327 = tpu.memref_slice %arg4[%add3A_323, %dma_start3A_326] : memref<204800x512xf32, #tpu.memory_space<hbm>> -> memref<40x512xf32, #tpu.memory_space<hbm>>
      tpu.enqueue_dma source(%arg10 : memref<40x512xf32, #tpu.memory_space<vmem>>) target(%dma_start3A_327 : memref<40x512xf32, #tpu.memory_space<hbm>>) target_semaphore(%arg30 : memref<!tpu.dma_semaphore, #tpu.memory_space<semaphore_mem>>)
      %ge3A_328 = arith.constant 2 : i32
      %ge3A_329 = arith.cmpi sge, %add3A_290, %ge3A_328 : i32
      %convert_element_type3A_330 = arith.extui %ge3A_329 : i1 to i32
      %cond3A_331 = arith.constant 0 : i32
      %cond3A_332 = arith.cmpi ne, %convert_element_type3A_330, %cond3A_331 : i32
      scf.if %cond3A_332 {
        %dma_wait3A_338 = arith.constant 0 : i32
        %dma_wait3A_339 = tpu.memref_slice %arg4[%mul3A_2, %dma_wait3A_338] : memref<204800x512xf32, #tpu.memory_space<hbm>> -> memref<40x512xf32, #tpu.memory_space<hbm>>
        %dma_wait3A_340 = arith.constant 0 : i32
        %dma_wait3A_341 = tpu.memref_slice %arg4[%mul3A_2, %dma_wait3A_340] : memref<204800x512xf32, #tpu.memory_space<hbm>> -> memref<40x512xf32, #tpu.memory_space<hbm>>
        tpu.wait_dma2 semaphore(%arg28 : memref<!tpu.dma_semaphore, #tpu.memory_space<semaphore_mem>>) src(%arg8 : memref<40x512xf32, #tpu.memory_space<vmem>>) dst(%dma_wait3A_341 : memref<40x512xf32, #tpu.memory_space<hbm>>)
      } else {
      }
      %lt3A_333 = arith.constant 157 : i32
      %lt3A_334 = arith.cmpi slt, %add3A_290, %lt3A_333 : i32
      %convert_element_type3A_335 = arith.extui %lt3A_334 : i1 to i32
      %cond3A_336 = arith.constant 0 : i32
      %cond3A_337 = arith.cmpi ne, %convert_element_type3A_335, %cond3A_336 : i32
      scf.if %cond3A_337 {
        %add3A_338 = arith.constant 3 : i32
        %add3A_339 = arith.addi %add3A_290, %add3A_338 : i32
        %mul3A_340 = arith.constant 40 : i32
        %mul3A_341 = arith.muli %add3A_339, %mul3A_340 : i32
        %dma_start3A_342 = arith.constant 0 : i32
        %dma_start3A_343 = arith.constant 0 : i32
        %dma_start3A_344 = tpu.memref_slice %arg8[%dma_start3A_342, %dma_start3A_343] : memref<40x512xf32, #tpu.memory_space<vmem>> -> memref<16x512xf32, #tpu.memory_space<vmem>>
        %dma_start3A_345 = tpu.memref_slice %arg5[%mul3A_341] : memref<6400xi32, #tpu.memory_space<vmem>> -> memref<16xi32, #tpu.memory_space<vmem>>
        %dma_start3A_346 = arith.constant 0 : i32
        %dma_start3A_347 = arith.constant 0 : i32
        %dma_start3A_348 = tpu.memref_slice %arg3[%dma_start3A_346, %dma_start3A_347] : memref<100000x512xf32, #tpu.memory_space<hbm>> -> memref<100000x512xf32, #tpu.memory_space<hbm>>
        tpu.enqueue_indirect_dma source(%dma_start3A_348 : memref<100000x512xf32, #tpu.memory_space<hbm>>) target(%dma_start3A_344 : memref<16x512xf32, #tpu.memory_space<vmem>>) offsets(%dma_start3A_345 : memref<16xi32, #tpu.memory_space<vmem>>) semaphore(%arg13 : memref<!tpu.dma_semaphore, #tpu.memory_space<semaphore_mem>>)
        %mul3A_349 = arith.constant 40 : i32
        %mul3A_350 = arith.muli %add3A_339, %mul3A_349 : i32
        %add3A_351 = arith.constant 16 : i32
        %add3A_352 = arith.addi %mul3A_350, %add3A_351 : i32
        %dma_start3A_353 = arith.constant 16 : i32
        %dma_start3A_354 = arith.constant 0 : i32
        %dma_start3A_355 = tpu.memref_slice %arg8[%dma_start3A_353, %dma_start3A_354] : memref<40x512xf32, #tpu.memory_space<vmem>> -> memref<16x512xf32, #tpu.memory_space<vmem>>
        %dma_start3A_356 = tpu.memref_slice %arg5[%add3A_352] : memref<6400xi32, #tpu.memory_space<vmem>> -> memref<16xi32, #tpu.memory_space<vmem>>
        %dma_start3A_357 = arith.constant 0 : i32
        %dma_start3A_358 = arith.constant 0 : i32
        %dma_start3A_359 = tpu.memref_slice %arg3[%dma_start3A_357, %dma_start3A_358] : memref<100000x512xf32, #tpu.memory_space<hbm>> -> memref<100000x512xf32, #tpu.memory_space<hbm>>
        tpu.enqueue_indirect_dma source(%dma_start3A_359 : memref<100000x512xf32, #tpu.memory_space<hbm>>) target(%dma_start3A_355 : memref<16x512xf32, #tpu.memory_space<vmem>>) offsets(%dma_start3A_356 : memref<16xi32, #tpu.memory_space<vmem>>) semaphore(%arg18 : memref<!tpu.dma_semaphore, #tpu.memory_space<semaphore_mem>>)
        %mul3A_360 = arith.constant 40 : i32
        %mul3A_361 = arith.muli %add3A_339, %mul3A_360 : i32
        %add3A_362 = arith.constant 16 : i32
        %add3A_363 = arith.addi %mul3A_361, %add3A_362 : i32
        %add3A_364 = arith.constant 16 : i32
        %add3A_365 = arith.addi %add3A_363, %add3A_364 : i32
        %dma_start3A_366 = arith.constant 32 : i32
        %dma_start3A_367 = arith.constant 0 : i32
        %dma_start3A_368 = tpu.memref_slice %arg8[%dma_start3A_366, %dma_start3A_367] : memref<40x512xf32, #tpu.memory_space<vmem>> -> memref<8x512xf32, #tpu.memory_space<vmem>>
        %dma_start3A_369 = tpu.memref_slice %arg5[%add3A_365] : memref<6400xi32, #tpu.memory_space<vmem>> -> memref<8xi32, #tpu.memory_space<vmem>>
        %dma_start3A_370 = arith.constant 0 : i32
        %dma_start3A_371 = arith.constant 0 : i32
        %dma_start3A_372 = tpu.memref_slice %arg3[%dma_start3A_370, %dma_start3A_371] : memref<100000x512xf32, #tpu.memory_space<hbm>> -> memref<100000x512xf32, #tpu.memory_space<hbm>>
        tpu.enqueue_indirect_dma source(%dma_start3A_372 : memref<100000x512xf32, #tpu.memory_space<hbm>>) target(%dma_start3A_368 : memref<8x512xf32, #tpu.memory_space<vmem>>) offsets(%dma_start3A_369 : memref<8xi32, #tpu.memory_space<vmem>>) semaphore(%arg23 : memref<!tpu.dma_semaphore, #tpu.memory_space<semaphore_mem>>)
      } else {
      }
    }
    %scan3A_78 = arith.constant 32 : i32
    %dma_wait3A = arith.constant 0 : i32
    %dma_wait3A_79 = tpu.memref_slice %arg4[%mul3A_2, %dma_wait3A] : memref<204800x512xf32, #tpu.memory_space<hbm>> -> memref<40x512xf32, #tpu.memory_space<hbm>>
    %dma_wait3A_80 = arith.constant 0 : i32
    %dma_wait3A_81 = tpu.memref_slice %arg4[%mul3A_2, %dma_wait3A_80] : memref<204800x512xf32, #tpu.memory_space<hbm>> -> memref<40x512xf32, #tpu.memory_space<hbm>>
    tpu.wait_dma2 semaphore(%arg29 : memref<!tpu.dma_semaphore, #tpu.memory_space<semaphore_mem>>) src(%arg9 : memref<40x512xf32, #tpu.memory_space<vmem>>) dst(%dma_wait3A_81 : memref<40x512xf32, #tpu.memory_space<hbm>>)
    %dma_wait3A_82 = arith.constant 0 : i32
    %dma_wait3A_83 = tpu.memref_slice %arg4[%mul3A_2, %dma_wait3A_82] : memref<204800x512xf32, #tpu.memory_space<hbm>> -> memref<40x512xf32, #tpu.memory_space<hbm>>
    %dma_wait3A_84 = arith.constant 0 : i32
    %dma_wait3A_85 = tpu.memref_slice %arg4[%mul3A_2, %dma_wait3A_84] : memref<204800x512xf32, #tpu.memory_space<hbm>> -> memref<40x512xf32, #tpu.memory_space<hbm>>
    tpu.wait_dma2 semaphore(%arg30 : memref<!tpu.dma_semaphore, #tpu.memory_space<semaphore_mem>>) src(%arg10 : memref<40x512xf32, #tpu.memory_space<vmem>>) dst(%dma_wait3A_85 : memref<40x512xf32, #tpu.memory_space<hbm>>)
    return
  }
}

</mosaic_0001>

<sc_bundles>
// kernel: kernel.3.cloned.1.call-start
scs
__scs_entry_jumppad:
0x0: {  	(pc) =	sbr.rel $0x88, $3  }
0x1: {  	(tag) =	ssettag $0x0;
	lr =	simm.s32 $0x1  }
0x2: {  	[smem:$0x3F9F] =	sst lr;
	_ =	strace $0xD0000000  }
0x3: {  	_ = 	snop  }
0x4: {  	_ = 	snop  }
0x5: {  	_ = 	snop  }
0x6: {  	_ = 	snop  }
0x7: {  	_ = 	snop  }
__scs_overlays_trampoline_lowered:
0x8: {  	[smem:$0x3FAE] =	sst s0  }
0x9: {  	[smem:$0x3FAF] =	sst s1  }
0xa: {  	[smem:$0x3FB0] =	sst s2  }
0xb: {  	[smem:$0x3FB1] =	sst s3  }
0xc: {  	[smem:$0x3FB2] =	sst s4  }
0xd: {  	[smem:$0x3FB3] =	sst s5  }
0xe: {  	[smem:$0x3FB4] =	sst s6  }
0xf: {  	[smem:$0x3FB5] =	sst s7  }
0x10: {  	[smem:$0x3FB6] =	sst s8  }
0x11: {  	[smem:$0x3FB7] =	sst s9;
	s0 =	simm.s32 @!p0 $0x0  }
0x12: {  	s1 =	sld [smem:$0x3F9D];
	s0 =	simm.s32 @p0 $0x1  }
0x13: {  	[smem:$0x3FB8] =	sst s0;
	s0 =	simm.s32 @!p1 $0x0  }
0x14: {  	s2 =	sld [smem:$0x3F9C];
	s0 =	simm.s32 @p1 $0x1  }
0x15: {  	[smem:$0x3FB9] =	sst s0;
	s0 =	simm.s32 @!p2 $0x0  }
0x16: {  	s3 =	sld [smem:$0x3FDB];
	s0 =	simm.s32 @p2 $0x1  }
0x17: {  	s4 =	simm.s32 $0x1BF5;
	[smem:$0x3FBB] =	sst s0  }
0x18: {  	s0 =	sld [smem:$0x3F9E];
	_ =	swait.ge [sflag:s4], $0x0  }
0x19: {  	s7 =	sld [smem:$0x3F9F]  }
0x1a: {  	s8 =	sadd.s32 $0xFFFFE003, lr  }
0x1b: {  	s9 =	sadd.s32 $0xFFFFFEF7, lr;
	s5 =	simm.s32 $0xFFFFFFFF;
	p2 =	slt.u32 s8, $0xFFFFF086  }
0x1c: {  	p1 =	slt.u32 s9, $0xF7A;
	s5 =	simm.s32 @!p2 $0x0  }
0x1d: {  	s5 =	simm.s32 @p1 $0x1;
	p0 =	seq.s32 s7, s2  }
0x1e: {  	s7 =	smul.u32 @!p0 $0xF7A, s2;
	p2 =	seq.s32 @!p0 s5, $0x0  }
0x1f: {  	s9 =	smul.u32 $0xF7A, s1;
	s8 =	simm.s32 @!p0 $0x1BF5;
	p2 =	por !p2, p0  }
0x20: {  	[sflag:s8] =	ssyncset.s32 @!p0 $0xFFFFF086;
	s6 =	sadd.s32 @!p0 s3, s7;
	s7 =	simm.s32 @!p0 $0x108  }
0x21: {  	s3 =	sadd.s32 s3, s9;
	s6 =	sadd.s32 @!p0 $0x88, s6;
	s7 =	simm.s32 @p2 $0x1082  }
0x22: {  	[simem:s7], [sflag:s8] =	dma.local @!p0 [hbm:s6], $0xF7A  }
0x23: {  	s9 =	sor.u32 $0xD0000000, s2;
	s6 =	simm.s32 $0x108;
	_ =	swait.ge @!p0 [sflag:s8], $0x0  }
0x24: {  	s3 =	sadd.s32 $0x88, s3;
	s6 =	simm.s32 @!p1 $0x1082;
	[sflag:s4] =	ssyncset.s32 $0xFFFFF086  }
0x25: {  	[simem:s6], [sflag:s4] =	dma.local [hbm:s3], $0xF7A  }
0x26: {  	[smem:$0x3F9F] =	sst s1;
	(tag) =	ssettag s2;
	_ =	strace s9  }
0x27: {  	s1 =	sld [smem:$0x3FAF]  }
0x28: {  	s2 =	sld [smem:$0x3FB0]  }
0x29: {  	s4 =	sld [smem:$0x3FB2]  }
0x2a: {  	p0 =	seq.s32 s5, $0x0;
	s5 =	sld [smem:$0x3FB3]  }
0x2b: {  	s6 =	sld [smem:$0x3FB4]  }
0x2c: {  	s7 =	sld [smem:$0x3FB5]  }
0x2d: {  	s3 =	simm.s32 $0x108;
	s8 =	sld [smem:$0x3FB6]  }
0x2e: {  	s3 =	simm.s32 @!p0 $0x1082;
	s9 =	sld [smem:$0x3FB7]  }
0x2f: {  	lr =	sadd.s32 s0, s3;
	s0 =	sld [smem:$0x3FAE]  }
0x30: {  	s3 =	sld [smem:$0x3FB1]  }
0x31: {  	[smem:$0x3FBA] =	sst s10  }
0x32: {  	s10 =	sld [smem:$0x3FB8];
	_ =	sdelay $0x3  }
0x33: {  	p0 =	seq.s32 s10, $0x1;
	s10 =	sld [smem:$0x3FBA];
	_ =	sdelay $0x3  }
0x34: {  	[smem:$0x3FBA] =	sst s10  }
0x35: {  	s10 =	sld [smem:$0x3FB9];
	_ =	sdelay $0x3  }
0x36: {  	p1 =	seq.s32 s10, $0x1;
	s10 =	sld [smem:$0x3FBA];
	_ =	sdelay $0x3  }
0x37: {  	[smem:$0x3FBA] =	sst s10  }
0x38: {  	s10 =	sld [smem:$0x3FBB]  }
0x39: {  	_ = 	snop;
	(pc) =	sbr.ind lr, $3  }
0x3a: {  	_ = 	snop  }
0x3b: {  	_ = 	snop  }
0x3c: {  	p2 =	seq.s32 s10, $0x1;
	s10 =	sld [smem:$0x3FBA]  }
0x3d: {  	_ =	shalt  }
0x3e: {  	_ =	shalt  }
0x3f: {  	_ =	shalt  }
0x40: {  	_ =	shalt  }
0x41: {  	_ =	shalt  }
0x42: {  	_ =	shalt  }
0x43: {  	_ =	shalt  }
0x44: {  	_ =	shalt  }
0x45: {  	_ =	shalt  }
0x46: {  	_ =	shalt  }
0x47: {  	_ =	shalt  }
0x48: {  	_ =	shalt  }
0x49: {  	_ =	shalt  }
0x4a: {  	_ =	shalt  }
0x4b: {  	_ =	shalt  }
0x4c: {  	_ =	shalt  }
0x4d: {  	_ =	shalt  }
0x4e: {  	_ =	shalt  }
0x4f: {  	_ =	shalt  }
0x50: {  	_ =	shalt  }
0x51: {  	_ =	shalt  }
0x52: {  	_ =	shalt  }
0x53: {  	_ =	shalt  }
0x54: {  	_ =	shalt  }
0x55: {  	_ =	shalt  }
0x56: {  	_ =	shalt  }
0x57: {  	_ =	shalt  }
0x58: {  	_ =	shalt  }
0x59: {  	_ =	shalt  }
0x5a: {  	_ =	shalt  }
0x5b: {  	_ =	shalt  }
0x5c: {  	_ =	shalt  }
0x5d: {  	_ =	shalt  }
0x5e: {  	_ =	shalt  }
0x5f: {  	_ =	shalt  }
0x60: {  	_ =	shalt  }
0x61: {  	_ =	shalt  }
0x62: {  	_ =	shalt  }
0x63: {  	_ =	shalt  }
0x64: {  	_ =	shalt  }
0x65: {  	_ =	shalt  }
0x66: {  	_ =	shalt  }
0x67: {  	_ =	shalt  }
0x68: {  	_ =	shalt  }
0x69: {  	_ =	shalt  }
0x6a: {  	_ =	shalt  }
0x6b: {  	_ =	shalt  }
0x6c: {  	_ =	shalt  }
0x6d: {  	_ =	shalt  }
0x6e: {  	_ =	shalt  }
0x6f: {  	_ =	shalt  }
0x70: {  	_ =	shalt  }
0x71: {  	_ =	shalt  }
0x72: {  	_ =	shalt  }
0x73: {  	_ =	shalt  }
0x74: {  	_ =	shalt  }
0x75: {  	_ =	shalt  }
0x76: {  	_ =	shalt  }
0x77: {  	_ =	shalt  }
0x78: {  	_ =	shalt  }
0x79: {  	_ =	shalt  }
0x7a: {  	_ =	shalt  }
0x7b: {  	_ =	shalt  }
0x7c: {  	_ =	shalt  }
0x7d: {  	_ =	shalt  }
0x7e: {  	_ =	shalt  }
0x7f: {  	_ =	shalt  }
0x80: {  	_ =	shalt  }
0x81: {  	_ =	shalt  }
0x82: {  	_ =	shalt  }
0x83: {  	_ =	shalt  }
0x84: {  	_ =	shalt  }
0x85: {  	_ =	shalt  }
0x86: {  	_ =	shalt  }
0x87: {  	_ =	shalt  }
.Lfunc_end0:
.L_simem_size_0:
called_computation_lowered:
.L_overlay_start_0:
0x88: {  	s2 =	sld [smem:$0x3FD9]  }
0x89: {  	s3 =	sld [smem:$0x3FFE];
	_ =	sdelay $0x1  }
0x8a: {  	s1 =	srdreg.scid  }
0x8b: {  	s0 =	sand.u32 $0x1, s1  }
0x8c: {  	s17 =	sshll.u32 s0, $0xA;
	s2 =	sadd.s32 s3, s2  }
0x8d: {  	s2 =	sadd.s32 s2, s17  }
0x8e: {  	[smem:$0x3FC6] =	sst s2  }
0x8f: {  	_ = 	snop  }
0x90: {  	s2 =	sld [smem:$0x3FC8]  }
0x91: {  	s18 =	sld [smem:$0x3FD0];
	(tm) =	ssettm $0x1  }
0x92: {  	s4 =	sld [smem:$0x3FFB];
	_ =	sdelay $0x3  }
0x93: {  	_ =	strace s4  }
0x94: {  	s4 =	sld [smem:$0x3FFC];
	_ =	sdelay $0x3  }
0x95: {  	_ =	strace s4  }
0x96: {  	s4 =	sld [smem:$0x3FFD];
	_ =	sdelay $0x3  }
0x97: {  	_ =	strace s4  }
0x98: {  	_ =	strace $0x8FFFFFFF  }
0x99: {  	s19 =	sld [smem:$0x3FDB];
	_ =	sdelay $0x1  }
0x9a: {  	s5 =	simm.s32 $_scs_section_size  }
0x9b: {  	s6 =	simm.s32 $_size__tile_overlayer_lowered;
	s7 =	simm.s32 $_tile_overlayer_lowered  }
0x9c: {  	s22 =	simm.s32 $0x1BFF;
	s21 =	sshll.u32 s7, $0x1;
	s4 =	sadd.s32 s5, s19  }
0x9d: {  	s8 =	simm.s32 $0x0;
	s20 =	sshll.u32 s6, $0x1;
	s6 =	sadd.s32 s21, s4  }
0x9e: {  	[timem:s8], [sflag:s22] =	dma.local [hbm:s6], s20  }
0x9f: {  	_ =	swait.ge [sflag:s22], s20  }
0xa0: {  	s5 =	ssub.s32 $0x0, s20;
	[sflag:s22] =	ssyncset.done $0x0  }
0xa1: {  	[sflag:s22] =	ssyncadd.s32 s5;
	_ =	sdelay $0x1  }
0xa2: {  	s23 =	simm.s32 $0x1B8B  }
0xa3: {  	_ =	swait.ge [sflag:s23], $0x1  }
0xa4: {  	[sflag:s23] =	ssyncset.done $0x0  }
0xa5: {  	s25 =	simm.s32 $0x1B8E;
	s24 =	sld [smem:$0x3FFE];
	[sflag:s23] =	ssyncadd.s32 $0xFFFFFFFF  }
0xa6: {  	s26 =	simm.s32 $execute0_lowered;
	[smem:$0x3FD2] =	sst s25  }
0xa7: {  	s6 =	sshll.u32 s26, $0x1;
	_ =	strace $0x80000046;
	[dreg:$0x1] =	wrdreg $0xFFFFFFFF  }
0xa8: {  	s28 =	simm.s32 $_size_execute0_lowered;
	s4 =	sadd.s32 s4, s6;
	[dreg:$0x0] =	wrdreg $0x0  }
0xa9: {  	s6 =	sshll.u32 s28, $0x1;
	[dreg:$0x2] =	wrdreg s4  }
0xaa: {  	[dreg:$0x3] =	wrdreg s6  }
0xab: {  	[dreg:$0x4] =	wrdreg $0xC0  }
0xac: {  	_ =	task [dreg:s8], $0x5FFFF  }
0xad: {  	[dreg:$0x1] =	wrdreg $0xFFFFFFFF  }
0xae: {  	[dreg:$0x0] =	wrdreg $0x60  }
0xaf: {  	[dreg:$0x2] =	wrdreg s24  }
0xb0: {  	[dreg:$0x3] =	wrdreg s2  }
0xb1: {  	[dreg:$0x4] =	wrdreg s18  }
0xb2: {  	[dreg:$0x5] =	wrdreg $0x9  }
0xb3: {  	_ =	task.clear_ibuf [dreg:s8], $0x6FFFF;
	_ =	strace $0x90000046  }
0xb4: {  	s29 =	simm.s32 $0x9;
	_ =	strace $0x80000048  }
0xb5: {  	_ =	swait.ge [sflag:s29], $0x1  }
0xb6: {  	[sflag:s29] =	ssyncadd.s32 $0xFFFFFFFF  }
0xb7: {  	_ =	strace $0x90000048  }
0xb8: {  	_ =	sfence  }
0xb9: {  	s30 =	sld [smem:$0x0];
	_ =	sdelay $0x2  }
0xba: {  	s31 =	sshll.u32 s1, $0xD;
	s1 =	sshrl.u32 s1, $0x2  }
0xbb: {  	s3 =	sand.u32 $0x4000, s31;
	s1 =	sadd.s32 s1, s30  }
0xbc: {  	s0 =	sor.u32 s3, s0;
	s1 =	sshll.u32 s1, $0x11  }
0xbd: {  	s0 =	sor.u32 s1, s0  }
0xbe: {  	s0 =	sadd.s32 $0x8F2B, s0  }
0xbf: {  	[sflag:s0] =	ssyncadd.remote.s32 $0x1  }
0xc0: {  	_ =	sfence.sel $0xFFFF  }
0xc1: {  	[dreg:$0x0] =	wrdreg $0xFFFFFFFF;
	(pc) =	sbr.abs _section_cstart, $3  }
0xc2: {  	[dreg:$0x1] =	wrdreg $0xFFFFFFFF  }
0xc3: {  	_ =	task.clear_ibuf [dreg:s8], $0x2FFFF;
	_ =	strace $0x9FFFFFFF  }
0xc4: {  	(tm) =	ssettm $0x7FFFFFFF  }
0xc5: {  	_ =	shalt  }
tec
execute0_lowered:
.L_overlay_start_1:
0x0: {  	(tag) =	ssettag $0x1  }
0x1: {  	s0 =	srdreg.scid;
	s2 =	stileid.u32  }
0x2: {  	s1 =	rddreg [dreg:$0x0];
	s5 =	simm.s32 $0x0;
	s28 =	simm.s32 $0x1  }
0x3: {  	s29 =	simm.s32 $0x6;
	s30 =	simm.s32 $0xB;
	s31 =	simm.s32 $0x10900  }
0x4: {  	s20 =	simm.s32 $0x2;
	s21 =	simm.s32 $0x7;
	s18 =	simm.s32 $0x3  }
0x5: {  	s19 =	simm.s32 $0x8;
	s15 =	simm.s32 $0xE;
	s14 =	simm.s32 $0x5  }
0x6: {  	s12 =	simm.s32 $0xA;
	s13 =	simm.s32 $0xF;
	s17 =	simm.s32 $0x12  }
0x7: {  	s0 =	sand.u32 $0x1, s0;
	s3 =	sshll.u32 s2, $0x1;
	s2 =	rddreg [dreg:$0x1]  }
0x8: {  	s9 =	simm.s32 $0x0;
	[smem:$0x7FF] =	sst s5;
	s4 =	sor.u32 s0, s3  }
0x9: {  	s3 =	rddreg [dreg:$0x2];
	s0 =	ssub.s32 $0x2, s0;
	s6 =	smul.u32 $0x1900, s4  }
0xa: {  	_ =	strace $0x80000047;
	s7 =	sadd.s32 $0x100, s2;
	s22 =	sshrl.u32 s0, $0x1  }
0xb: {  	s0 =	ssub.s32 s0, s22;
	s23 =	sor.u32 $0x28, s6;
	[dreg:$0x4] =	wrdreg s6  }
0xc: {  	s22 =	simm.s32 $0xC;
	s24 =	sor.u32 $0x50, s6;
	[dreg:$0x6] =	wrdreg s23  }
0xd: {  	s4 =	sshrl.u32 s6, $0x3;
	s25 =	sor.u32 $0x78, s6;
	[dreg:$0x7] =	wrdreg s24  }
.Ltmp0:
0xe: {  	s26 =	sor.u32 $0xA0, s6;
	[dreg:$0x8] =	wrdreg s25;
	(pc) =	sbr.rel .LBB2_1-.Ltmp0, $4  }
0xf: {  	s0 =	smax.u32 s0, $0x1;
	s6 =	simm.s32 $0x11;
	[dreg:$0x9] =	wrdreg s26  }
0x10: {  	v2 =	vlaneseq.u32;
	s1 =	sadd.s32 s4, s1;
	[dreg:$0xa] =	wrdreg s0;
	s23 =	simm.s32 $0x15900  }
0x11: {  	vm0 =	vmmov $0xffff;
	v1 =	vshrl.u32 v2, $0x3;
	s25 =	simm.s32 $0xD;
	s26 =	simm.s32 $0x10;
	s1 =	sadd.s32 $0x400, s1  }
0x12: {  	v0 =	vand.u32 $0x7, v2;
	v2 =	vor.u32 $0x8, v2;
	v1 =	vmul.u32 $0x8, v1;
	s0 =	simm.s32 $0x9;
	[dreg:$0x5] =	wrdreg s1;
	s1 =	simm.s32 $0x4  }
.LBB2_14:
0x13: {  	s4 =	simm.s32 $0x13  }
0x14: {  	_ =	swait.ge [sflag:s4], $0x5000  }
0x15: {  	[sflag:s4] =	ssyncset.done $0x0  }
0x16: {  	s8 =	simm.s32 $0x14;
	[sflag:s4] =	ssyncadd.s32 $0xFFFFB000  }
0x17: {  	_ =	swait.ge [sflag:s8], $0x5000  }
0x18: {  	s9 =	rddreg [dreg:$0xb]  }
0x19: {  	s24 =	rddreg [dreg:$0xa];
	s9 =	sadd.s32 $0x1, s9  }
0x1a: {  	p0 =	sne.s32 s9, s24  }
.Ltmp1:
0x1b: {  	_ = 	snop;
	(pc) =	sbr.rel @!p0 .LBB2_15-.Ltmp1, $3  }
0x1c: {  	_ =	sdelay $0x1  }
0x1d: {  	[sflag:s8] =	ssyncset.done $0x0  }
0x1e: {  	[sflag:s8] =	ssyncadd.s32 $0xFFFFB000  }
.LBB2_1:
0x1f: {  	[dreg:$0xb] =	wrdreg s9  }
0x20: {  	s4 =	rddreg [dreg:$0x5];
	s24 =	simm.s32 $0x15  }
0x21: {  	[tilespmem:s5], [sflag:$0x15] =	stream.linear.gather [hbm4b:s4+s5], $0x1900, $0x38;
	[tilespmem:$0x1A900] =	vst v63  }
0x22: {  	_ =	swait.ge [sflag:s24], $0x1900  }
0x23: {  	[sflag:s24] =	ssyncset.done $0x0  }
0x24: {  	[sflag:s24] =	ssyncadd.s32 $0xFFFFE700  }
0x25: {  	v3 =	vld [tilespmem:$0x0];
	_ =	sdelay $0x4  }
0x26: {  	v4 =	vshll.u32 v3, $0x2  }
0x27: {  	v3 =	vand.u32 $0x7, v3;
	v4 =	vand.u32 $0xFFFFFFE0, v4  }
0x28: {  	v3 =	vor.u32 v3, v4  }
0x29: {  	v4 =	vperm.xlane v3, v0;
	_ =	sdelay $0x1  }
0x2a: {  	v4 =	vadd.s32 v1, v4;
	_ =	sdelay $0x1  }
0x2b: {  	v3 =	vperm.xlane v3, v2;
	_ =	sdelay $0x1  }
0x2c: {  	s8 =	simm.s32 $0x1900;
	v3 =	vadd.s32 v1, v3  }
0x2d: {  	[tilespmem:s8], [sflag:$0x1] =	stream.indirect_vreg.gather [hbm4b:s2+s5], $0x80, v4, vm0, $0xb8;
	[tilespmem:$0x1A900] =	vst v63  }
0x2e: {  	s9 =	simm.s32 $0x2100  }
0x2f: {  	[tilespmem:s9], [sflag:$0x1] =	stream.indirect_vreg.gather [hbm4b:s7+s5], $0x80, v4, vm0, $0xb8;
	[tilespmem:$0x1A900] =	vst v63  }
0x30: {  	s10 =	simm.s32 $0x2900  }
0x31: {  	[tilespmem:s10], [sflag:$0x1] =	stream.indirect_vreg.gather [hbm4b:s2+s5], $0x80, v3, vm0, $0xb8;
	[tilespmem:$0x1A900] =	vst v63  }
0x32: {  	s11 =	simm.s32 $0x3100  }
0x33: {  	[tilespmem:s11], [sflag:$0x1] =	stream.indirect_vreg.gather [hbm4b:s7+s5], $0x80, v3, vm0, $0xb8;
	[tilespmem:$0x1A900] =	vst v63  }
0x34: {  	v3 =	vld [tilespmem:$0x10];
	_ =	sdelay $0x4  }
0x35: {  	v56 =	vshll.u32 v3, $0x2  }
0x36: {  	v3 =	vand.u32 $0x7, v3;
	v4 =	vand.u32 $0xFFFFFFE0, v56  }
0x37: {  	v3 =	vor.u32 v3, v4  }
0x38: {  	v4 =	vperm.xlane v3, v0;
	_ =	sdelay $0x1  }
0x39: {  	v4 =	vadd.s32 v1, v4;
	_ =	sdelay $0x1  }
0x3a: {  	v3 =	vperm.xlane v3, v2;
	_ =	sdelay $0x1  }
0x3b: {  	s16 =	simm.s32 $0x3900;
	v3 =	vadd.s32 v1, v3  }
0x3c: {  	[tilespmem:s16], [sflag:$0x6] =	stream.indirect_vreg.gather [hbm4b:s2+s5], $0x80, v4, vm0, $0xb8;
	[tilespmem:$0x1A900] =	vst v63  }
0x3d: {  	s24 =	simm.s32 $0x4100  }
0x3e: {  	[tilespmem:s24], [sflag:$0x6] =	stream.indirect_vreg.gather [hbm4b:s7+s5], $0x80, v4, vm0, $0xb8;
	[tilespmem:$0x1A900] =	vst v63  }
0x3f: {  	s8 =	simm.s32 $0x4900  }
0x40: {  	[tilespmem:s8], [sflag:$0x6] =	stream.indirect_vreg.gather [hbm4b:s2+s5], $0x80, v3, vm0, $0xb8;
	[tilespmem:$0x1A900] =	vst v63  }
0x41: {  	s9 =	simm.s32 $0x5100  }
0x42: {  	[tilespmem:s9], [sflag:$0x6] =	stream.indirect_vreg.gather [hbm4b:s7+s5], $0x80, v3, vm0, $0xb8;
	[tilespmem:$0x1A900] =	vst v63  }
0x43: {  	v3 =	vld.msk [tilespmem:$0x20], $0xff;
	_ =	sdelay $0x4  }
0x44: {  	v57 =	vshll.u32 v3, $0x2  }
0x45: {  	v3 =	vand.u32 $0x7, v3;
	v4 =	vand.u32 $0xFFFFFFE0, v57  }
0x46: {  	v3 =	vor.u32 v3, v4  }
0x47: {  	v3 =	vperm.xlane v3, v0;
	_ =	sdelay $0x1  }
0x48: {  	v3 =	vadd.s32 v1, v3;
	_ =	sdelay $0x3  }
0x49: {  	s10 =	simm.s32 $0x5900  }
0x4a: {  	[tilespmem:s10], [sflag:$0xB] =	stream.indirect_vreg.gather [hbm4b:s2+s5], $0x80, v3, vm0, $0xb8;
	[tilespmem:$0x1A900] =	vst v63  }
0x4b: {  	s11 =	simm.s32 $0x6100  }
0x4c: {  	[tilespmem:s11], [sflag:$0xB] =	stream.indirect_vreg.gather [hbm4b:s7+s5], $0x80, v3, vm0, $0xb8;
	[tilespmem:$0x1A900] =	vst v63  }
0x4d: {  	v3 =	vld [tilespmem:$0x28];
	_ =	sdelay $0x4  }
0x4e: {  	v58 =	vshll.u32 v3, $0x2  }
0x4f: {  	v3 =	vand.u32 $0x7, v3;
	v4 =	vand.u32 $0xFFFFFFE0, v58  }
0x50: {  	v3 =	vor.u32 v3, v4  }
0x51: {  	v4 =	vperm.xlane v3, v0;
	_ =	sdelay $0x1  }
0x52: {  	v4 =	vadd.s32 v1, v4;
	_ =	sdelay $0x1  }
0x53: {  	v3 =	vperm.xlane v3, v2;
	_ =	sdelay $0x1  }
0x54: {  	s16 =	simm.s32 $0x6900;
	v3 =	vadd.s32 v1, v3  }
0x55: {  	[tilespmem:s16], [sflag:$0x2] =	stream.indirect_vreg.gather [hbm4b:s2+s5], $0x80, v4, vm0, $0xb8;
	[tilespmem:$0x1A900] =	vst v63  }
0x56: {  	s24 =	simm.s32 $0x7100  }
0x57: {  	[tilespmem:s24], [sflag:$0x2] =	stream.indirect_vreg.gather [hbm4b:s7+s5], $0x80, v4, vm0, $0xb8;
	[tilespmem:$0x1A900] =	vst v63  }
0x58: {  	s8 =	simm.s32 $0x7900  }
0x59: {  	[tilespmem:s8], [sflag:$0x2] =	stream.indirect_vreg.gather [hbm4b:s2+s5], $0x80, v3, vm0, $0xb8;
	[tilespmem:$0x1A900] =	vst v63  }
0x5a: {  	s9 =	simm.s32 $0x8100  }
0x5b: {  	[tilespmem:s9], [sflag:$0x2] =	stream.indirect_vreg.gather [hbm4b:s7+s5], $0x80, v3, vm0, $0xb8;
	[tilespmem:$0x1A900] =	vst v63  }
0x5c: {  	v3 =	vld [tilespmem:$0x38];
	_ =	sdelay $0x4  }
0x5d: {  	v59 =	vshll.u32 v3, $0x2  }
0x5e: {  	v3 =	vand.u32 $0x7, v3;
	v4 =	vand.u32 $0xFFFFFFE0, v59  }
0x5f: {  	v3 =	vor.u32 v3, v4  }
0x60: {  	v4 =	vperm.xlane v3, v0;
	_ =	sdelay $0x1  }
0x61: {  	v4 =	vadd.s32 v1, v4;
	_ =	sdelay $0x1  }
0x62: {  	v3 =	vperm.xlane v3, v2;
	_ =	sdelay $0x1  }
0x63: {  	s10 =	simm.s32 $0x8900;
	v3 =	vadd.s32 v1, v3  }
0x64: {  	[tilespmem:s10], [sflag:$0x7] =	stream.indirect_vreg.gather [hbm4b:s2+s5], $0x80, v4, vm0, $0xb8;
	[tilespmem:$0x1A900] =	vst v63  }
0x65: {  	s11 =	simm.s32 $0x9100  }
0x66: {  	[tilespmem:s11], [sflag:$0x7] =	stream.indirect_vreg.gather [hbm4b:s7+s5], $0x80, v4, vm0, $0xb8;
	[tilespmem:$0x1A900] =	vst v63  }
0x67: {  	s16 =	simm.s32 $0x9900  }
0x68: {  	[tilespmem:s16], [sflag:$0x7] =	stream.indirect_vreg.gather [hbm4b:s2+s5], $0x80, v3, vm0, $0xb8;
	[tilespmem:$0x1A900] =	vst v63  }
0x69: {  	s24 =	simm.s32 $0xA100  }
0x6a: {  	[tilespmem:s24], [sflag:$0x7] =	stream.indirect_vreg.gather [hbm4b:s7+s5], $0x80, v3, vm0, $0xb8;
	[tilespmem:$0x1A900] =	vst v63  }
0x6b: {  	v3 =	vld.msk [tilespmem:$0x48], $0xff;
	_ =	sdelay $0x4  }
0x6c: {  	v60 =	vshll.u32 v3, $0x2  }
0x6d: {  	v3 =	vand.u32 $0x7, v3;
	v4 =	vand.u32 $0xFFFFFFE0, v60  }
0x6e: {  	v3 =	vor.u32 v3, v4  }
0x6f: {  	v3 =	vperm.xlane v3, v0;
	_ =	sdelay $0x1  }
0x70: {  	v3 =	vadd.s32 v1, v3;
	_ =	sdelay $0x3  }
0x71: {  	s8 =	simm.s32 $0xA900  }
0x72: {  	[tilespmem:s8], [sflag:$0xC] =	stream.indirect_vreg.gather [hbm4b:s2+s5], $0x80, v3, vm0, $0xb8;
	[tilespmem:$0x1A900] =	vst v63  }
0x73: {  	s9 =	simm.s32 $0xB100  }
0x74: {  	[tilespmem:s9], [sflag:$0xC] =	stream.indirect_vreg.gather [hbm4b:s7+s5], $0x80, v3, vm0, $0xb8;
	[tilespmem:$0x1A900] =	vst v63  }
0x75: {  	v3 =	vld [tilespmem:$0x50];
	_ =	sdelay $0x4  }
0x76: {  	v61 =	vshll.u32 v3, $0x2  }
0x77: {  	v3 =	vand.u32 $0x7, v3;
	v4 =	vand.u32 $0xFFFFFFE0, v61  }
0x78: {  	v3 =	vor.u32 v3, v4  }
0x79: {  	v4 =	vperm.xlane v3, v0;
	_ =	sdelay $0x1  }
0x7a: {  	v4 =	vadd.s32 v1, v4;
	_ =	sdelay $0x1  }
0x7b: {  	v3 =	vperm.xlane v3, v2;
	_ =	sdelay $0x1  }
0x7c: {  	s10 =	simm.s32 $0xB900;
	v3 =	vadd.s32 v1, v3  }
0x7d: {  	[tilespmem:s10], [sflag:$0x3] =	stream.indirect_vreg.gather [hbm4b:s2+s5], $0x80, v4, vm0, $0xb8;
	[tilespmem:$0x1A900] =	vst v63  }
0x7e: {  	s11 =	simm.s32 $0xC100  }
0x7f: {  	[tilespmem:s11], [sflag:$0x3] =	stream.indirect_vreg.gather [hbm4b:s7+s5], $0x80, v4, vm0, $0xb8;
	[tilespmem:$0x1A900] =	vst v63  }
0x80: {  	s16 =	simm.s32 $0xC900  }
0x81: {  	[tilespmem:s16], [sflag:$0x3] =	stream.indirect_vreg.gather [hbm4b:s2+s5], $0x80, v3, vm0, $0xb8;
	[tilespmem:$0x1A900] =	vst v63  }
0x82: {  	s24 =	simm.s32 $0xD100  }
0x83: {  	[tilespmem:s24], [sflag:$0x3] =	stream.indirect_vreg.gather [hbm4b:s7+s5], $0x80, v3, vm0, $0xb8;
	[tilespmem:$0x1A900] =	vst v63  }
0x84: {  	v3 =	vld [tilespmem:$0x60];
	_ =	sdelay $0x4  }
0x85: {  	v62 =	vshll.u32 v3, $0x2  }
0x86: {  	v3 =	vand.u32 $0x7, v3;
	v4 =	vand.u32 $0xFFFFFFE0, v62  }
0x87: {  	v3 =	vor.u32 v3, v4  }
0x88: {  	v4 =	vperm.xlane v3, v0;
	_ =	sdelay $0x1  }
0x89: {  	v4 =	vadd.s32 v1, v4;
	_ =	sdelay $0x1  }
0x8a: {  	v3 =	vperm.xlane v3, v2;
	_ =	sdelay $0x1  }
0x8b: {  	s8 =	simm.s32 $0xD900;
	v3 =	vadd.s32 v1, v3  }
0x8c: {  	[tilespmem:s8], [sflag:$0x8] =	stream.indirect_vreg.gather [hbm4b:s2+s5], $0x80, v4, vm0, $0xb8;
	[tilespmem:$0x1A900] =	vst v63  }
0x8d: {  	s9 =	simm.s32 $0xE100  }
0x8e: {  	[tilespmem:s9], [sflag:$0x8] =	stream.indirect_vreg.gather [hbm4b:s7+s5], $0x80, v4, vm0, $0xb8;
	[tilespmem:$0x1A900] =	vst v63  }
0x8f: {  	s10 =	simm.s32 $0xE900  }
0x90: {  	[tilespmem:s10], [sflag:$0x8] =	stream.indirect_vreg.gather [hbm4b:s2+s5], $0x80, v3, vm0, $0xb8;
	[tilespmem:$0x1A900] =	vst v63  }
0x91: {  	s11 =	simm.s32 $0xF100  }
0x92: {  	[tilespmem:s11], [sflag:$0x8] =	stream.indirect_vreg.gather [hbm4b:s7+s5], $0x80, v3, vm0, $0xb8;
	[tilespmem:$0x1A900] =	vst v63  }
0x93: {  	v3 =	vld.msk [tilespmem:$0x70], $0xff;
	_ =	sdelay $0x4  }
0x94: {  	v63 =	vshll.u32 v3, $0x2  }
0x95: {  	v3 =	vand.u32 $0x7, v3;
	v4 =	vand.u32 $0xFFFFFFE0, v63  }
0x96: {  	v3 =	vor.u32 v3, v4  }
0x97: {  	v3 =	vperm.xlane v3, v0;
	_ =	sdelay $0x1  }
0x98: {  	v3 =	vadd.s32 v1, v3;
	_ =	sdelay $0x3  }
0x99: {  	s16 =	simm.s32 $0xF900  }
0x9a: {  	[tilespmem:s16], [sflag:$0xD] =	stream.indirect_vreg.gather [hbm4b:s2+s5], $0x80, v3, vm0, $0xb8;
	[tilespmem:$0x1A900] =	vst v63  }
0x9b: {  	s24 =	simm.s32 $0x10100  }
0x9c: {  	[tilespmem:s24], [sflag:$0xD] =	stream.indirect_vreg.gather [hbm4b:s7+s5], $0x80, v3, vm0, $0xb8;
	[tilespmem:$0x1A900] =	vst v63  }
0x9d: {  	s24 =	simm.s32 $0x0  }
.LBB2_2:
0x9e: {  	_ =	swait.ge [sflag:s28], $0x2000  }
0x9f: {  	[sflag:s28] =	ssyncset.done $0x0  }
0xa0: {  	[sflag:s28] =	ssyncadd.s32 $0xFFFFE000  }
0xa1: {  	_ =	swait.ge [sflag:s29], $0x2000  }
0xa2: {  	[sflag:s29] =	ssyncset.done $0x0  }
0xa3: {  	[sflag:s29] =	ssyncadd.s32 $0xFFFFE000  }
0xa4: {  	s4 =	simm.s32 $0x0;
	_ =	swait.ge [sflag:s30], $0x1000  }
0xa5: {  	s8 =	sand.u32 $0x7000, s4;
	s4 =	sand.u32 $0x380, s4;
	[sflag:s30] =	ssyncset.done $0x0  }
0xa6: {  	s8 =	sor.u32 s4, s8;
	[sflag:s30] =	ssyncadd.s32 $0xFFFFF000  }
0xa7: {  	v3 =	vld [tilespmem:s8+$0x1D70]  }
0xa8: {  	v4 =	vld [tilespmem:s8+$0x2100]  }
0xa9: {  	v5 =	vld [tilespmem:s8+$0x2110]  }
0xaa: {  	v6 =	vld [tilespmem:s8+$0x1D60]  }
0xab: {  	v7 =	vld [tilespmem:s8+$0x1D50]  }
0xac: {  	v8 =	vld [tilespmem:s8+$0x2120]  }
0xad: {  	v9 =	vld [tilespmem:s8+$0x1D40]  }
0xae: {  	v10 =	vld [tilespmem:s8+$0x2570]  }
0xaf: {  	v11 =	vld [tilespmem:s8+$0x2510]  }
0xb0: {  	v12 =	vld [tilespmem:s8+$0x2550]  }
0xb1: {  	v16 =	vld [tilespmem:s8+$0x2130]  }
0xb2: {  	v17 =	vld [tilespmem:s8+$0x2140]  }
0xb3: {  	v14 =	vld [tilespmem:s8+$0x2500]  }
0xb4: {  	v13 =	vld [tilespmem:s8+$0x2540]  }
0xb5: {  	v15 =	vld [tilespmem:s8+$0x1D30];
	v11 =	vmul.f32 $2.262741660e+01, v11  }
0xb6: {  	v18 =	vld [tilespmem:s8+$0x1D20];
	v10 =	vmul.f32 $2.262741660e+01, v10  }
0xb7: {  	v19 =	vld [tilespmem:s8+$0x1D10];
	v12 =	vmul.f32 $2.262741660e+01, v12;
	[tilespmem:s8+$0x2510] =	vst v11  }
0xb8: {  	v20 =	vld [tilespmem:s8+$0x1960];
	v14 =	vmul.f32 $2.262741660e+01, v14;
	[tilespmem:s8+$0x2570] =	vst v10  }
0xb9: {  	v24 =	vld [tilespmem:s8+$0x1900];
	v11 =	vmul.f32 $2.262741660e+01, v13;
	[tilespmem:s8+$0x2550] =	vst v12  }
0xba: {  	v15 =	vmul.f32 $2.262741660e+01, v15;
	v10 =	vld [tilespmem:s8+$0x2520];
	[tilespmem:s8+$0x2500] =	vst v14  }
0xbb: {  	v13 =	vld [tilespmem:s8+$0x1D00];
	[tilespmem:s8+$0x2540] =	vst v11;
	v11 =	vmul.f32 $2.262741660e+01, v18  }
0xbc: {  	v12 =	vld [tilespmem:s8+$0x1970];
	[tilespmem:s8+$0x1D30] =	vst v15;
	v18 =	vmul.f32 $2.262741660e+01, v9;
	v9 =	vmul.f32 $2.262741660e+01, v19  }
0xbd: {  	v22 =	vld [tilespmem:s8+$0x2160];
	v21 =	vmul.f32 $2.262741660e+01, v7;
	v20 =	vmul.f32 $2.262741660e+01, v20;
	[tilespmem:s8+$0x1D20] =	vst v11  }
0xbe: {  	v19 =	vld [tilespmem:s8+$0x2150];
	v11 =	vmul.f32 $2.262741660e+01, v6;
	[tilespmem:s8+$0x1D10] =	vst v9;
	v9 =	vmul.f32 $2.262741660e+01, v8  }
0xbf: {  	v23 =	vld [tilespmem:s8+$0x2170];
	[tilespmem:s8+$0x1960] =	vst v20;
	v8 =	vmul.f32 $2.262741660e+01, v24;
	v7 =	vmul.f32 $2.262741660e+01, v10  }
0xc0: {  	v14 =	vld [tilespmem:s8+$0x1910];
	[tilespmem:s8+$0x1D50] =	vst v21;
	v6 =	vmul.f32 $2.262741660e+01, v13;
	v10 =	vmul.f32 $2.262741660e+01, v3  }
0xc1: {  	v15 =	vld [tilespmem:s8+$0x1940];
	[tilespmem:s8+$0x1D40] =	vst v18;
	v3 =	vmul.f32 $2.262741660e+01, v12;
	v12 =	vmul.f32 $2.262741660e+01, v4  }
0xc2: {  	v13 =	vmul.f32 $2.262741660e+01, v5;
	v4 =	vmul.f32 $2.262741660e+01, v16;
	v16 =	vld [tilespmem:s8+$0x1920];
	[tilespmem:s8+$0x2520] =	vst v7  }
0xc3: {  	[tilespmem:s8+$0x1D00] =	vst v6;
	v7 =	vmul.f32 $2.262741660e+01, v17;
	v5 =	vmul.f32 $2.262741660e+01, v19;
	v17 =	vld [tilespmem:s8+$0x1930]  }
0xc4: {  	s9 =	simm.s32 $0x80;
	s4 =	simm.s32 $0x200;
	v18 =	vld [tilespmem:s8+$0x2530];
	[tilespmem:s8+$0x1970] =	vst v3;
	v6 =	vmul.f32 $2.262741660e+01, v22;
	v3 =	vmul.f32 $2.262741660e+01, v23  }
.LBB2_3:
0xc5: {  	s10 =	sand.u32 $0x7000, s4;
	s11 =	sand.u32 $0x380, s9;
	v14 =	vmul.f32 $2.262741660e+01, v14;
	[tilespmem:s8+$0x1D60] =	vst v11;
	v11 =	vld [tilespmem:s8+$0x2560]  }
0xc6: {  	p0 =	sne.s32 s4, $0x4E00;
	s4 =	sadd.s32 $0x200, s4;
	s10 =	sor.u32 s11, s10;
	v15 =	vmul.f32 $2.262741660e+01, v15;
	v19 =	vld [tilespmem:s8+$0x1950];
	[tilespmem:s8+$0x1D70] =	vst v10  }
0xc7: {  	v10 =	vld [tilespmem:s10+$0x1D70];
	v16 =	vmul.f32 $2.262741660e+01, v16;
	[tilespmem:s8+$0x2100] =	vst v12  }
0xc8: {  	v12 =	vld [tilespmem:s10+$0x2100];
	v17 =	vmul.f32 $2.262741660e+01, v17;
	[tilespmem:s8+$0x2110] =	vst v13  }
0xc9: {  	v13 =	vld [tilespmem:s10+$0x2110];
	[tilespmem:s8+$0x1920] =	vst v16;
	v16 =	vmul.f32 $2.262741660e+01, v18  }
0xca: {  	v18 =	vld [tilespmem:s10+$0x1D60];
	[tilespmem:s8+$0x1930] =	vst v17;
	v11 =	vmul.f32 $2.262741660e+01, v11  }
0xcb: {  	v17 =	vld [tilespmem:s10+$0x1D50];
	v19 =	vmul.f32 $2.262741660e+01, v19;
	[tilespmem:s8+$0x2120] =	vst v9  }
0xcc: {  	v9 =	vld [tilespmem:s10+$0x2120];
	[tilespmem:s8+$0x2530] =	vst v16  }
0xcd: {  	v16 =	vld [tilespmem:s10+$0x1D40];
	[tilespmem:s8+$0x1950] =	vst v19  }
0xce: {  	v19 =	vld [tilespmem:s10+$0x2570];
	[tilespmem:s8+$0x1940] =	vst v15  }
0xcf: {  	v15 =	vld [tilespmem:s10+$0x2510];
	[tilespmem:s8+$0x2560] =	vst v11  }
0xd0: {  	v11 =	vld [tilespmem:s10+$0x2550];
	[tilespmem:s8+$0x2130] =	vst v4  }
0xd1: {  	v4 =	vld [tilespmem:s10+$0x2130];
	[tilespmem:s8+$0x2140] =	vst v7  }
0xd2: {  	v7 =	vld [tilespmem:s10+$0x2140];
	[tilespmem:s8+$0x1910] =	vst v14  }
0xd3: {  	v14 =	vld [tilespmem:s10+$0x2540];
	[tilespmem:s8+$0x2150] =	vst v5  }
0xd4: {  	v19 =	vmul.f32 $2.262741660e+01, v19;
	v5 =	vld [tilespmem:s10+$0x2500];
	[tilespmem:s8+$0x2160] =	vst v6  }
0xd5: {  	v6 =	vld [tilespmem:s10+$0x1D30];
	[tilespmem:s8+$0x1900] =	vst v8  }
0xd6: {  	v15 =	vmul.f32 $2.262741660e+01, v15;
	v8 =	vld [tilespmem:s10+$0x1D20];
	[tilespmem:s8+$0x2170] =	vst v3;
	s8 =	smov.u32 s10  }
0xd7: {  	v11 =	vmul.f32 $2.262741660e+01, v11;
	v3 =	vld [tilespmem:s8+$0x1D10];
	[tilespmem:s8+$0x2570] =	vst v19  }
0xd8: {  	v19 =	vmul.f32 $2.262741660e+01, v16;
	[tilespmem:s8+$0x2510] =	vst v15;
	v15 =	vld [tilespmem:s8+$0x2520];
	v14 =	vmul.f32 $2.262741660e+01, v14  }
0xd9: {  	v20 =	vmul.f32 $2.262741660e+01, v17;
	v16 =	vld [tilespmem:s8+$0x1D00];
	v5 =	vmul.f32 $2.262741660e+01, v5;
	[tilespmem:s8+$0x2550] =	vst v11  }
0xda: {  	v11 =	vmul.f32 $2.262741660e+01, v18;
	v17 =	vld [tilespmem:s8+$0x1970];
	v6 =	vmul.f32 $2.262741660e+01, v6;
	[tilespmem:s8+$0x2540] =	vst v14  }
0xdb: {  	v10 =	vmul.f32 $2.262741660e+01, v10;
	v18 =	vld [tilespmem:s8+$0x1960];
	v8 =	vmul.f32 $2.262741660e+01, v8;
	[tilespmem:s8+$0x2500] =	vst v5  }
0xdc: {  	v12 =	vmul.f32 $2.262741660e+01, v12;
	v3 =	vmul.f32 $2.262741660e+01, v3;
	[tilespmem:s8+$0x1D30] =	vst v6;
	v5 =	vld [tilespmem:s8+$0x2150]  }
0xdd: {  	v13 =	vmul.f32 $2.262741660e+01, v13;
	[tilespmem:s8+$0x1D20] =	vst v8;
	v6 =	vld [tilespmem:s8+$0x2160];
	v8 =	vmul.f32 $2.262741660e+01, v15  }
0xde: {  	v9 =	vmul.f32 $2.262741660e+01, v9;
	v15 =	vmul.f32 $2.262741660e+01, v16;
	[tilespmem:s8+$0x1D10] =	vst v3;
	v3 =	vld [tilespmem:s8+$0x2170]  }
0xdf: {  	v4 =	vmul.f32 $2.262741660e+01, v4;
	v21 =	vld [tilespmem:s8+$0x1900];
	v16 =	vmul.f32 $2.262741660e+01, v17;
	[tilespmem:s8+$0x2520] =	vst v8  }
.Ltmp2:
0xe0: {  	v7 =	vmul.f32 $2.262741660e+01, v7;
	v14 =	vld [tilespmem:s8+$0x1910];
	v8 =	vmul.f32 $2.262741660e+01, v18;
	[tilespmem:s8+$0x1D00] =	vst v15;
	(pc) =	sbr.rel @p0 .LBB2_3-.Ltmp2, $4  }
0xe1: {  	v15 =	vld [tilespmem:s8+$0x1940];
	[tilespmem:s8+$0x1970] =	vst v16;
	v5 =	vmul.f32 $2.262741660e+01, v5  }
0xe2: {  	v16 =	vld [tilespmem:s8+$0x1920];
	[tilespmem:s8+$0x1960] =	vst v8;
	v6 =	vmul.f32 $2.262741660e+01, v6  }
0xe3: {  	v17 =	vld [tilespmem:s8+$0x1930];
	[tilespmem:s8+$0x1D40] =	vst v19;
	v3 =	vmul.f32 $2.262741660e+01, v3  }
0xe4: {  	s9 =	sadd.s32 $0x80, s9;
	v8 =	vmul.f32 $2.262741660e+01, v21;
	[tilespmem:s8+$0x1D50] =	vst v20;
	v18 =	vld [tilespmem:s8+$0x2530]  }
0xe5: {  	[tilespmem:s8+$0x1D60] =	vst v11  }
0xe6: {  	[tilespmem:s8+$0x1D70] =	vst v10  }
0xe7: {  	[tilespmem:s8+$0x2100] =	vst v12  }
0xe8: {  	[tilespmem:s8+$0x2110] =	vst v13  }
0xe9: {  	[tilespmem:s8+$0x2120] =	vst v9  }
0xea: {  	[tilespmem:s8+$0x2130] =	vst v4  }
0xeb: {  	[tilespmem:s8+$0x2140] =	vst v7  }
0xec: {  	[tilespmem:s8+$0x2150] =	vst v5  }
0xed: {  	[tilespmem:s8+$0x2160] =	vst v6  }
0xee: {  	v11 =	vld [tilespmem:s8+$0x1950];
	[tilespmem:s8+$0x2170] =	vst v3;
	v9 =	vmul.f32 $2.262741660e+01, v15  }
0xef: {  	v12 =	vld [tilespmem:s8+$0x2560];
	[tilespmem:s8+$0x1900] =	vst v8;
	v10 =	vmul.f32 $2.262741660e+01, v16  }
0xf0: {  	v16 =	vmul.f32 $2.262741660e+01, v17;
	[tilespmem:s8+$0x1940] =	vst v9  }
0xf1: {  	v9 =	vmul.f32 $2.262741660e+01, v14;
	[tilespmem:s8+$0x1920] =	vst v10  }
0xf2: {  	s4 =	smul.u32 $0xC8, s24;
	v10 =	vmul.f32 $2.262741660e+01, v18;
	[tilespmem:s8+$0x1930] =	vst v16  }
0xf3: {  	s9 =	rddreg [dreg:$0x4];
	v11 =	vmul.f32 $2.262741660e+01, v11;
	[tilespmem:s8+$0x1910] =	vst v9  }
0xf4: {  	s9 =	sadd.s32 s9, s4;
	[tilespmem:s8+$0x2530] =	vst v10;
	v10 =	vmul.f32 $2.262741660e+01, v12  }
0xf5: {  	p0 =	seq.s32 s24, $0x0;
	s9 =	sshll.u32 s9, $0x6;
	[tilespmem:s8+$0x1950] =	vst v11  }
0xf6: {  	s11 =	simm.s32 $0x1900;
	s10 =	sadd.s32 s3, s9;
	[tilespmem:s8+$0x2560] =	vst v10;
	s8 =	simm.s32 @!p0 $0x13  }
0xf7: {  	[hbm4b:s10+s5] =	stream.linear.scatter [tilespmem:s11], [sflag:$0x10], $0x5000, $0x38;
	[tilespmem:$0x1A900] =	vst v63  }
0xf8: {  	_ =	swait.ge @!p0 [sflag:s8], $0x5000  }
0xf9: {  	[sflag:s8] =	ssyncset.done @!p0 $0x0  }
0xfa: {  	[sflag:s8] =	ssyncadd.s32 @!p0 $0xFFFFB000  }
0xfb: {  	v3 =	vld [tilespmem:s4+$0x78];
	_ =	sdelay $0x4  }
0xfc: {  	v4 =	vshll.u32 v3, $0x2  }
0xfd: {  	v3 =	vand.u32 $0x7, v3;
	v4 =	vand.u32 $0xFFFFFFE0, v4  }
0xfe: {  	v3 =	vor.u32 v3, v4  }
0xff: {  	v4 =	vperm.xlane v3, v0;
	_ =	sdelay $0x1  }
0x100: {  	v4 =	vadd.s32 v1, v4;
	_ =	sdelay $0x1  }
0x101: {  	v3 =	vperm.xlane v3, v2;
	_ =	sdelay $0x1  }
0x102: {  	s8 =	simm.s32 $0x0;
	v3 =	vadd.s32 v1, v3  }
0x103: {  	[tilespmem:s31], [sflag:$0x4] =	stream.indirect_vreg.gather [hbm4b:s2+s8], $0x80, v4, vm0, $0xb8;
	[tilespmem:$0x1A900] =	vst v63  }
0x104: {  	s16 =	simm.s32 $0x11100  }
0x105: {  	[tilespmem:s16], [sflag:$0x4] =	stream.indirect_vreg.gather [hbm4b:s7+s8], $0x80, v4, vm0, $0xb8;
	[tilespmem:$0x1A900] =	vst v63  }
0x106: {  	s10 =	simm.s32 $0x11900  }
0x107: {  	[tilespmem:s10], [sflag:$0x4] =	stream.indirect_vreg.gather [hbm4b:s2+s8], $0x80, v3, vm0, $0xb8;
	[tilespmem:$0x1A900] =	vst v63  }
0x108: {  	s11 =	simm.s32 $0x12100  }
0x109: {  	[tilespmem:s11], [sflag:$0x4] =	stream.indirect_vreg.gather [hbm4b:s7+s8], $0x80, v3, vm0, $0xb8;
	[tilespmem:$0x1A900] =	vst v63  }
0x10a: {  	v3 =	vld [tilespmem:s4+$0x88];
	_ =	sdelay $0x4  }
0x10b: {  	v4 =	vshll.u32 v3, $0x2  }
0x10c: {  	v3 =	vand.u32 $0x7, v3;
	v4 =	vand.u32 $0xFFFFFFE0, v4  }
0x10d: {  	v3 =	vor.u32 v3, v4  }
0x10e: {  	v4 =	vperm.xlane v3, v0;
	_ =	sdelay $0x1  }
0x10f: {  	v4 =	vadd.s32 v1, v4;
	_ =	sdelay $0x1  }
0x110: {  	v3 =	vperm.xlane v3, v2;
	_ =	sdelay $0x1  }
0x111: {  	s16 =	simm.s32 $0x12900;
	v3 =	vadd.s32 v1, v3  }
0x112: {  	[tilespmem:s16], [sflag:$0x9] =	stream.indirect_vreg.gather [hbm4b:s2+s8], $0x80, v4, vm0, $0xb8;
	[tilespmem:$0x1A900] =	vst v63  }
0x113: {  	s10 =	simm.s32 $0x13100  }
0x114: {  	[tilespmem:s10], [sflag:$0x9] =	stream.indirect_vreg.gather [hbm4b:s7+s8], $0x80, v4, vm0, $0xb8;
	[tilespmem:$0x1A900] =	vst v63  }
0x115: {  	s11 =	simm.s32 $0x13900  }
0x116: {  	[tilespmem:s11], [sflag:$0x9] =	stream.indirect_vreg.gather [hbm4b:s2+s8], $0x80, v3, vm0, $0xb8;
	[tilespmem:$0x1A900] =	vst v63  }
0x117: {  	s16 =	simm.s32 $0x14100  }
0x118: {  	[tilespmem:s16], [sflag:$0x9] =	stream.indirect_vreg.gather [hbm4b:s7+s8], $0x80, v3, vm0, $0xb8;
	[tilespmem:$0x1A900] =	vst v63  }
0x119: {  	v3 =	vld.msk [tilespmem:s4+$0x98], $0xff;
	_ =	sdelay $0x4  }
0x11a: {  	v4 =	vshll.u32 v3, $0x2  }
0x11b: {  	v3 =	vand.u32 $0x7, v3;
	v4 =	vand.u32 $0xFFFFFFE0, v4  }
0x11c: {  	v3 =	vor.u32 v3, v4  }
0x11d: {  	v3 =	vperm.xlane v3, v0;
	_ =	sdelay $0x1  }
0x11e: {  	v3 =	vadd.s32 v1, v3;
	_ =	sdelay $0x3  }
0x11f: {  	s10 =	simm.s32 $0x14900  }
0x120: {  	[tilespmem:s10], [sflag:$0xE] =	stream.indirect_vreg.gather [hbm4b:s2+s8], $0x80, v3, vm0, $0xb8;
	[tilespmem:$0x1A900] =	vst v63  }
0x121: {  	s11 =	simm.s32 $0x15100  }
0x122: {  	[tilespmem:s11], [sflag:$0xE] =	stream.indirect_vreg.gather [hbm4b:s7+s8], $0x80, v3, vm0, $0xb8;
	[tilespmem:$0x1A900] =	vst v63  }
0x123: {  	_ =	swait.ge [sflag:s20], $0x2000  }
0x124: {  	[sflag:s20] =	ssyncset.done $0x0  }
0x125: {  	[sflag:s20] =	ssyncadd.s32 $0xFFFFE000  }
0x126: {  	_ =	swait.ge [sflag:s21], $0x2000  }
0x127: {  	[sflag:s21] =	ssyncset.done $0x0  }
0x128: {  	[sflag:s21] =	ssyncadd.s32 $0xFFFFE000  }
0x129: {  	_ =	swait.ge [sflag:s22], $0x1000  }
0x12a: {  	s16 =	sand.u32 $0x7000, s8;
	s8 =	sand.u32 $0x380, s8;
	[sflag:s22] =	ssyncset.done $0x0  }
0x12b: {  	s8 =	sor.u32 s8, s16;
	[sflag:s22] =	ssyncadd.s32 $0xFFFFF000  }
0x12c: {  	v3 =	vld [tilespmem:s8+$0x6D70]  }
0x12d: {  	v4 =	vld [tilespmem:s8+$0x7100]  }
0x12e: {  	v5 =	vld [tilespmem:s8+$0x7110]  }
0x12f: {  	v6 =	vld [tilespmem:s8+$0x6D60]  }
0x130: {  	v7 =	vld [tilespmem:s8+$0x6D50]  }
0x131: {  	v8 =	vld [tilespmem:s8+$0x7120]  }
0x132: {  	v9 =	vld [tilespmem:s8+$0x6D40]  }
0x133: {  	v10 =	vld [tilespmem:s8+$0x7570]  }
0x134: {  	v11 =	vld [tilespmem:s8+$0x7510]  }
0x135: {  	v12 =	vld [tilespmem:s8+$0x7550]  }
0x136: {  	v16 =	vld [tilespmem:s8+$0x7130]  }
0x137: {  	v17 =	vld [tilespmem:s8+$0x7140]  }
0x138: {  	v14 =	vld [tilespmem:s8+$0x7500]  }
0x139: {  	v13 =	vld [tilespmem:s8+$0x7540]  }
0x13a: {  	v15 =	vld [tilespmem:s8+$0x6D30];
	v11 =	vmul.f32 $2.262741660e+01, v11  }
0x13b: {  	v18 =	vld [tilespmem:s8+$0x6D20];
	v10 =	vmul.f32 $2.262741660e+01, v10  }
0x13c: {  	v19 =	vld [tilespmem:s8+$0x6D10];
	v12 =	vmul.f32 $2.262741660e+01, v12;
	[tilespmem:s8+$0x7510] =	vst v11  }
0x13d: {  	v20 =	vld [tilespmem:s8+$0x6960];
	v14 =	vmul.f32 $2.262741660e+01, v14;
	[tilespmem:s8+$0x7570] =	vst v10  }
0x13e: {  	v24 =	vld [tilespmem:s8+$0x6900];
	v11 =	vmul.f32 $2.262741660e+01, v13;
	[tilespmem:s8+$0x7550] =	vst v12  }
0x13f: {  	v15 =	vmul.f32 $2.262741660e+01, v15;
	v10 =	vld [tilespmem:s8+$0x7520];
	[tilespmem:s8+$0x7500] =	vst v14  }
0x140: {  	v13 =	vld [tilespmem:s8+$0x6D00];
	[tilespmem:s8+$0x7540] =	vst v11;
	v11 =	vmul.f32 $2.262741660e+01, v18  }
0x141: {  	v12 =	vld [tilespmem:s8+$0x6970];
	[tilespmem:s8+$0x6D30] =	vst v15;
	v18 =	vmul.f32 $2.262741660e+01, v9;
	v9 =	vmul.f32 $2.262741660e+01, v19  }
0x142: {  	v22 =	vld [tilespmem:s8+$0x7160];
	v21 =	vmul.f32 $2.262741660e+01, v7;
	v20 =	vmul.f32 $2.262741660e+01, v20;
	[tilespmem:s8+$0x6D20] =	vst v11  }
0x143: {  	v19 =	vld [tilespmem:s8+$0x7150];
	v11 =	vmul.f32 $2.262741660e+01, v6;
	[tilespmem:s8+$0x6D10] =	vst v9;
	v9 =	vmul.f32 $2.262741660e+01, v8  }
0x144: {  	v23 =	vld [tilespmem:s8+$0x7170];
	[tilespmem:s8+$0x6960] =	vst v20;
	v8 =	vmul.f32 $2.262741660e+01, v24;
	v7 =	vmul.f32 $2.262741660e+01, v10  }
0x145: {  	v14 =	vld [tilespmem:s8+$0x6910];
	[tilespmem:s8+$0x6D50] =	vst v21;
	v6 =	vmul.f32 $2.262741660e+01, v13;
	v10 =	vmul.f32 $2.262741660e+01, v3  }
0x146: {  	v15 =	vld [tilespmem:s8+$0x6940];
	[tilespmem:s8+$0x6D40] =	vst v18;
	v3 =	vmul.f32 $2.262741660e+01, v12;
	v12 =	vmul.f32 $2.262741660e+01, v4  }
0x147: {  	v13 =	vmul.f32 $2.262741660e+01, v5;
	v4 =	vmul.f32 $2.262741660e+01, v16;
	v16 =	vld [tilespmem:s8+$0x6920];
	[tilespmem:s8+$0x7520] =	vst v7  }
0x148: {  	[tilespmem:s8+$0x6D00] =	vst v6;
	v7 =	vmul.f32 $2.262741660e+01, v17;
	v5 =	vmul.f32 $2.262741660e+01, v19;
	v17 =	vld [tilespmem:s8+$0x6930]  }
0x149: {  	s9 =	simm.s32 $0x200;
	s10 =	simm.s32 $0x80;
	v18 =	vld [tilespmem:s8+$0x7530];
	[tilespmem:s8+$0x6970] =	vst v3;
	v6 =	vmul.f32 $2.262741660e+01, v22;
	v3 =	vmul.f32 $2.262741660e+01, v23  }
.LBB2_5:
0x14a: {  	s11 =	sand.u32 $0x7000, s9;
	s16 =	sand.u32 $0x380, s10;
	v14 =	vmul.f32 $2.262741660e+01, v14;
	[tilespmem:s8+$0x6D60] =	vst v11;
	v11 =	vld [tilespmem:s8+$0x7560]  }
0x14b: {  	p1 =	sne.s32 s9, $0x4E00;
	s9 =	sadd.s32 $0x200, s9;
	s11 =	sor.u32 s16, s11;
	v15 =	vmul.f32 $2.262741660e+01, v15;
	v19 =	vld [tilespmem:s8+$0x6950];
	[tilespmem:s8+$0x6D70] =	vst v10  }
0x14c: {  	v10 =	vld [tilespmem:s11+$0x6D70];
	v16 =	vmul.f32 $2.262741660e+01, v16;
	[tilespmem:s8+$0x7100] =	vst v12  }
0x14d: {  	v12 =	vld [tilespmem:s11+$0x7100];
	v17 =	vmul.f32 $2.262741660e+01, v17;
	[tilespmem:s8+$0x7110] =	vst v13  }
0x14e: {  	v13 =	vld [tilespmem:s11+$0x7110];
	[tilespmem:s8+$0x6920] =	vst v16;
	v16 =	vmul.f32 $2.262741660e+01, v18  }
0x14f: {  	v18 =	vld [tilespmem:s11+$0x6D60];
	[tilespmem:s8+$0x6930] =	vst v17;
	v11 =	vmul.f32 $2.262741660e+01, v11  }
0x150: {  	v17 =	vld [tilespmem:s11+$0x6D50];
	v19 =	vmul.f32 $2.262741660e+01, v19;
	[tilespmem:s8+$0x7120] =	vst v9  }
0x151: {  	v9 =	vld [tilespmem:s11+$0x7120];
	[tilespmem:s8+$0x7530] =	vst v16  }
0x152: {  	v16 =	vld [tilespmem:s11+$0x6D40];
	[tilespmem:s8+$0x6950] =	vst v19  }
0x153: {  	v19 =	vld [tilespmem:s11+$0x7570];
	[tilespmem:s8+$0x6940] =	vst v15  }
0x154: {  	v15 =	vld [tilespmem:s11+$0x7510];
	[tilespmem:s8+$0x7560] =	vst v11  }
0x155: {  	v11 =	vld [tilespmem:s11+$0x7550];
	[tilespmem:s8+$0x7130] =	vst v4  }
0x156: {  	v4 =	vld [tilespmem:s11+$0x7130];
	[tilespmem:s8+$0x7140] =	vst v7  }
0x157: {  	v7 =	vld [tilespmem:s11+$0x7140];
	[tilespmem:s8+$0x6910] =	vst v14  }
0x158: {  	v14 =	vld [tilespmem:s11+$0x7540];
	[tilespmem:s8+$0x7150] =	vst v5  }
0x159: {  	v19 =	vmul.f32 $2.262741660e+01, v19;
	v5 =	vld [tilespmem:s11+$0x7500];
	[tilespmem:s8+$0x7160] =	vst v6  }
0x15a: {  	v6 =	vld [tilespmem:s11+$0x6D30];
	[tilespmem:s8+$0x6900] =	vst v8  }
0x15b: {  	v15 =	vmul.f32 $2.262741660e+01, v15;
	v8 =	vld [tilespmem:s11+$0x6D20];
	[tilespmem:s8+$0x7170] =	vst v3;
	s8 =	smov.u32 s11  }
0x15c: {  	v11 =	vmul.f32 $2.262741660e+01, v11;
	v3 =	vld [tilespmem:s8+$0x6D10];
	[tilespmem:s8+$0x7570] =	vst v19  }
0x15d: {  	v19 =	vmul.f32 $2.262741660e+01, v16;
	[tilespmem:s8+$0x7510] =	vst v15;
	v15 =	vld [tilespmem:s8+$0x7520];
	v14 =	vmul.f32 $2.262741660e+01, v14  }
0x15e: {  	v20 =	vmul.f32 $2.262741660e+01, v17;
	v16 =	vld [tilespmem:s8+$0x6D00];
	v5 =	vmul.f32 $2.262741660e+01, v5;
	[tilespmem:s8+$0x7550] =	vst v11  }
0x15f: {  	v11 =	vmul.f32 $2.262741660e+01, v18;
	v17 =	vld [tilespmem:s8+$0x6970];
	v6 =	vmul.f32 $2.262741660e+01, v6;
	[tilespmem:s8+$0x7540] =	vst v14  }
0x160: {  	v10 =	vmul.f32 $2.262741660e+01, v10;
	v18 =	vld [tilespmem:s8+$0x6960];
	v8 =	vmul.f32 $2.262741660e+01, v8;
	[tilespmem:s8+$0x7500] =	vst v5  }
0x161: {  	v12 =	vmul.f32 $2.262741660e+01, v12;
	v3 =	vmul.f32 $2.262741660e+01, v3;
	[tilespmem:s8+$0x6D30] =	vst v6;
	v5 =	vld [tilespmem:s8+$0x7150]  }
0x162: {  	v13 =	vmul.f32 $2.262741660e+01, v13;
	[tilespmem:s8+$0x6D20] =	vst v8;
	v6 =	vld [tilespmem:s8+$0x7160];
	v8 =	vmul.f32 $2.262741660e+01, v15  }
0x163: {  	v9 =	vmul.f32 $2.262741660e+01, v9;
	v15 =	vmul.f32 $2.262741660e+01, v16;
	[tilespmem:s8+$0x6D10] =	vst v3;
	v3 =	vld [tilespmem:s8+$0x7170]  }
0x164: {  	v4 =	vmul.f32 $2.262741660e+01, v4;
	v21 =	vld [tilespmem:s8+$0x6900];
	v16 =	vmul.f32 $2.262741660e+01, v17;
	[tilespmem:s8+$0x7520] =	vst v8  }
.Ltmp3:
0x165: {  	v7 =	vmul.f32 $2.262741660e+01, v7;
	v14 =	vld [tilespmem:s8+$0x6910];
	v8 =	vmul.f32 $2.262741660e+01, v18;
	[tilespmem:s8+$0x6D00] =	vst v15;
	(pc) =	sbr.rel @p1 .LBB2_5-.Ltmp3, $4  }
0x166: {  	v15 =	vld [tilespmem:s8+$0x6940];
	[tilespmem:s8+$0x6970] =	vst v16;
	v5 =	vmul.f32 $2.262741660e+01, v5  }
0x167: {  	v16 =	vld [tilespmem:s8+$0x6920];
	[tilespmem:s8+$0x6960] =	vst v8;
	v6 =	vmul.f32 $2.262741660e+01, v6  }
0x168: {  	v17 =	vld [tilespmem:s8+$0x6930];
	[tilespmem:s8+$0x6D40] =	vst v19;
	v3 =	vmul.f32 $2.262741660e+01, v3  }
0x169: {  	s10 =	sadd.s32 $0x80, s10;
	v8 =	vmul.f32 $2.262741660e+01, v21;
	[tilespmem:s8+$0x6D50] =	vst v20;
	v18 =	vld [tilespmem:s8+$0x7530]  }
0x16a: {  	[tilespmem:s8+$0x6D60] =	vst v11  }
0x16b: {  	[tilespmem:s8+$0x6D70] =	vst v10  }
0x16c: {  	[tilespmem:s8+$0x7100] =	vst v12  }
0x16d: {  	[tilespmem:s8+$0x7110] =	vst v13  }
0x16e: {  	[tilespmem:s8+$0x7120] =	vst v9  }
0x16f: {  	[tilespmem:s8+$0x7130] =	vst v4  }
0x170: {  	[tilespmem:s8+$0x7140] =	vst v7  }
0x171: {  	[tilespmem:s8+$0x7150] =	vst v5  }
0x172: {  	[tilespmem:s8+$0x7160] =	vst v6  }
0x173: {  	v11 =	vld [tilespmem:s8+$0x6950];
	[tilespmem:s8+$0x7170] =	vst v3;
	v9 =	vmul.f32 $2.262741660e+01, v15  }
0x174: {  	v12 =	vld [tilespmem:s8+$0x7560];
	[tilespmem:s8+$0x6900] =	vst v8;
	v10 =	vmul.f32 $2.262741660e+01, v16  }
0x175: {  	v16 =	vmul.f32 $2.262741660e+01, v17;
	[tilespmem:s8+$0x6940] =	vst v9  }
0x176: {  	v9 =	vmul.f32 $2.262741660e+01, v14;
	[tilespmem:s8+$0x6920] =	vst v10  }
0x177: {  	v10 =	vmul.f32 $2.262741660e+01, v18;
	[tilespmem:s8+$0x6930] =	vst v16  }
0x178: {  	s9 =	rddreg [dreg:$0x6];
	v11 =	vmul.f32 $2.262741660e+01, v11;
	[tilespmem:s8+$0x6910] =	vst v9  }
0x179: {  	s9 =	sadd.s32 s4, s9;
	[tilespmem:s8+$0x7530] =	vst v10;
	v10 =	vmul.f32 $2.262741660e+01, v12  }
0x17a: {  	s9 =	sshll.u32 s9, $0x6;
	[tilespmem:s8+$0x6950] =	vst v11  }
0x17b: {  	s11 =	simm.s32 $0x6900;
	s10 =	sadd.s32 s3, s9;
	[tilespmem:s8+$0x7560] =	vst v10;
	s8 =	simm.s32 @!p0 $0x14  }
0x17c: {  	[hbm4b:s10+s5] =	stream.linear.scatter [tilespmem:s11], [sflag:$0x11], $0x5000, $0x38;
	[tilespmem:$0x1A900] =	vst v63  }
0x17d: {  	_ =	swait.ge @!p0 [sflag:s8], $0x5000  }
0x17e: {  	[sflag:s8] =	ssyncset.done @!p0 $0x0  }
0x17f: {  	[sflag:s8] =	ssyncadd.s32 @!p0 $0xFFFFB000  }
0x180: {  	v3 =	vld [tilespmem:s4+$0xA0];
	_ =	sdelay $0x4  }
0x181: {  	v4 =	vshll.u32 v3, $0x2  }
0x182: {  	v3 =	vand.u32 $0x7, v3;
	v4 =	vand.u32 $0xFFFFFFE0, v4  }
0x183: {  	v3 =	vor.u32 v3, v4  }
0x184: {  	v4 =	vperm.xlane v3, v0;
	_ =	sdelay $0x1  }
0x185: {  	v4 =	vadd.s32 v1, v4;
	_ =	sdelay $0x1  }
0x186: {  	v3 =	vperm.xlane v3, v2;
	_ =	sdelay $0x1  }
0x187: {  	s8 =	simm.s32 $0x0;
	v3 =	vadd.s32 v1, v3  }
0x188: {  	[tilespmem:s23], [sflag:$0x5] =	stream.indirect_vreg.gather [hbm4b:s2+s8], $0x80, v4, vm0, $0xb8;
	[tilespmem:$0x1A900] =	vst v63  }
0x189: {  	s16 =	simm.s32 $0x16100  }
0x18a: {  	[tilespmem:s16], [sflag:$0x5] =	stream.indirect_vreg.gather [hbm4b:s7+s8], $0x80, v4, vm0, $0xb8;
	[tilespmem:$0x1A900] =	vst v63  }
0x18b: {  	s10 =	simm.s32 $0x16900  }
0x18c: {  	[tilespmem:s10], [sflag:$0x5] =	stream.indirect_vreg.gather [hbm4b:s2+s8], $0x80, v3, vm0, $0xb8;
	[tilespmem:$0x1A900] =	vst v63  }
0x18d: {  	s11 =	simm.s32 $0x17100  }
0x18e: {  	[tilespmem:s11], [sflag:$0x5] =	stream.indirect_vreg.gather [hbm4b:s7+s8], $0x80, v3, vm0, $0xb8;
	[tilespmem:$0x1A900] =	vst v63  }
0x18f: {  	v3 =	vld [tilespmem:s4+$0xB0];
	_ =	sdelay $0x4  }
0x190: {  	v4 =	vshll.u32 v3, $0x2  }
0x191: {  	v3 =	vand.u32 $0x7, v3;
	v4 =	vand.u32 $0xFFFFFFE0, v4  }
0x192: {  	v3 =	vor.u32 v3, v4  }
0x193: {  	v4 =	vperm.xlane v3, v0;
	_ =	sdelay $0x1  }
0x194: {  	v4 =	vadd.s32 v1, v4;
	_ =	sdelay $0x1  }
0x195: {  	v3 =	vperm.xlane v3, v2;
	_ =	sdelay $0x1  }
0x196: {  	s16 =	simm.s32 $0x17900;
	v3 =	vadd.s32 v1, v3  }
0x197: {  	[tilespmem:s16], [sflag:$0xA] =	stream.indirect_vreg.gather [hbm4b:s2+s8], $0x80, v4, vm0, $0xb8;
	[tilespmem:$0x1A900] =	vst v63  }
0x198: {  	s10 =	simm.s32 $0x18100  }
0x199: {  	[tilespmem:s10], [sflag:$0xA] =	stream.indirect_vreg.gather [hbm4b:s7+s8], $0x80, v4, vm0, $0xb8;
	[tilespmem:$0x1A900] =	vst v63  }
0x19a: {  	s11 =	simm.s32 $0x18900  }
0x19b: {  	[tilespmem:s11], [sflag:$0xA] =	stream.indirect_vreg.gather [hbm4b:s2+s8], $0x80, v3, vm0, $0xb8;
	[tilespmem:$0x1A900] =	vst v63  }
0x19c: {  	s16 =	simm.s32 $0x19100  }
0x19d: {  	[tilespmem:s16], [sflag:$0xA] =	stream.indirect_vreg.gather [hbm4b:s7+s8], $0x80, v3, vm0, $0xb8;
	[tilespmem:$0x1A900] =	vst v63  }
0x19e: {  	v3 =	vld.msk [tilespmem:s4+$0xC0], $0xff;
	_ =	sdelay $0x4  }
0x19f: {  	v4 =	vshll.u32 v3, $0x2  }
0x1a0: {  	v3 =	vand.u32 $0x7, v3;
	v4 =	vand.u32 $0xFFFFFFE0, v4  }
0x1a1: {  	v3 =	vor.u32 v3, v4  }
0x1a2: {  	v3 =	vperm.xlane v3, v0;
	_ =	sdelay $0x1  }
0x1a3: {  	v3 =	vadd.s32 v1, v3;
	_ =	sdelay $0x3  }
0x1a4: {  	s10 =	simm.s32 $0x19900  }
0x1a5: {  	[tilespmem:s10], [sflag:$0xF] =	stream.indirect_vreg.gather [hbm4b:s2+s8], $0x80, v3, vm0, $0xb8;
	[tilespmem:$0x1A900] =	vst v63  }
0x1a6: {  	s11 =	simm.s32 $0x1A100  }
0x1a7: {  	[tilespmem:s11], [sflag:$0xF] =	stream.indirect_vreg.gather [hbm4b:s7+s8], $0x80, v3, vm0, $0xb8;
	[tilespmem:$0x1A900] =	vst v63  }
0x1a8: {  	_ =	swait.ge [sflag:s18], $0x2000  }
0x1a9: {  	[sflag:s18] =	ssyncset.done $0x0  }
0x1aa: {  	[sflag:s18] =	ssyncadd.s32 $0xFFFFE000  }
0x1ab: {  	_ =	swait.ge [sflag:s19], $0x2000  }
0x1ac: {  	[sflag:s19] =	ssyncset.done $0x0  }
0x1ad: {  	[sflag:s19] =	ssyncadd.s32 $0xFFFFE000  }
0x1ae: {  	_ =	swait.ge [sflag:s25], $0x1000  }
0x1af: {  	s16 =	sand.u32 $0x7000, s8;
	s8 =	sand.u32 $0x380, s8;
	[sflag:s25] =	ssyncset.done $0x0  }
0x1b0: {  	s8 =	sor.u32 s8, s16;
	[sflag:s25] =	ssyncadd.s32 $0xFFFFF000  }
0x1b1: {  	v3 =	vld [tilespmem:s8+$0xBD70]  }
0x1b2: {  	v4 =	vld [tilespmem:s8+$0xC100]  }
0x1b3: {  	v5 =	vld [tilespmem:s8+$0xC110]  }
0x1b4: {  	v6 =	vld [tilespmem:s8+$0xBD60]  }
0x1b5: {  	v7 =	vld [tilespmem:s8+$0xBD50]  }
0x1b6: {  	v8 =	vld [tilespmem:s8+$0xC120]  }
0x1b7: {  	v9 =	vld [tilespmem:s8+$0xBD40]  }
0x1b8: {  	v10 =	vld [tilespmem:s8+$0xC570]  }
0x1b9: {  	v11 =	vld [tilespmem:s8+$0xC510]  }
0x1ba: {  	v12 =	vld [tilespmem:s8+$0xC550]  }
0x1bb: {  	v16 =	vld [tilespmem:s8+$0xC130]  }
0x1bc: {  	v17 =	vld [tilespmem:s8+$0xC140]  }
0x1bd: {  	v14 =	vld [tilespmem:s8+$0xC500]  }
0x1be: {  	v13 =	vld [tilespmem:s8+$0xC540]  }
0x1bf: {  	v15 =	vld [tilespmem:s8+$0xBD30];
	v11 =	vmul.f32 $2.262741660e+01, v11  }
0x1c0: {  	v18 =	vld [tilespmem:s8+$0xBD20];
	v10 =	vmul.f32 $2.262741660e+01, v10  }
0x1c1: {  	v19 =	vld [tilespmem:s8+$0xBD10];
	v12 =	vmul.f32 $2.262741660e+01, v12;
	[tilespmem:s8+$0xC510] =	vst v11  }
0x1c2: {  	v20 =	vld [tilespmem:s8+$0xB960];
	v14 =	vmul.f32 $2.262741660e+01, v14;
	[tilespmem:s8+$0xC570] =	vst v10  }
0x1c3: {  	v24 =	vld [tilespmem:s8+$0xB900];
	v11 =	vmul.f32 $2.262741660e+01, v13;
	[tilespmem:s8+$0xC550] =	vst v12  }
0x1c4: {  	v15 =	vmul.f32 $2.262741660e+01, v15;
	v10 =	vld [tilespmem:s8+$0xC520];
	[tilespmem:s8+$0xC500] =	vst v14  }
0x1c5: {  	v13 =	vld [tilespmem:s8+$0xBD00];
	[tilespmem:s8+$0xC540] =	vst v11;
	v11 =	vmul.f32 $2.262741660e+01, v18  }
0x1c6: {  	v12 =	vld [tilespmem:s8+$0xB970];
	[tilespmem:s8+$0xBD30] =	vst v15;
	v18 =	vmul.f32 $2.262741660e+01, v9;
	v9 =	vmul.f32 $2.262741660e+01, v19  }
0x1c7: {  	v22 =	vld [tilespmem:s8+$0xC160];
	v21 =	vmul.f32 $2.262741660e+01, v7;
	v20 =	vmul.f32 $2.262741660e+01, v20;
	[tilespmem:s8+$0xBD20] =	vst v11  }
0x1c8: {  	v19 =	vld [tilespmem:s8+$0xC150];
	v11 =	vmul.f32 $2.262741660e+01, v6;
	[tilespmem:s8+$0xBD10] =	vst v9;
	v9 =	vmul.f32 $2.262741660e+01, v8  }
0x1c9: {  	v23 =	vld [tilespmem:s8+$0xC170];
	[tilespmem:s8+$0xB960] =	vst v20;
	v8 =	vmul.f32 $2.262741660e+01, v24;
	v7 =	vmul.f32 $2.262741660e+01, v10  }
0x1ca: {  	v14 =	vld [tilespmem:s8+$0xB910];
	[tilespmem:s8+$0xBD50] =	vst v21;
	v6 =	vmul.f32 $2.262741660e+01, v13;
	v10 =	vmul.f32 $2.262741660e+01, v3  }
0x1cb: {  	v15 =	vld [tilespmem:s8+$0xB940];
	[tilespmem:s8+$0xBD40] =	vst v18;
	v3 =	vmul.f32 $2.262741660e+01, v12;
	v12 =	vmul.f32 $2.262741660e+01, v4  }
0x1cc: {  	v13 =	vmul.f32 $2.262741660e+01, v5;
	v4 =	vmul.f32 $2.262741660e+01, v16;
	v16 =	vld [tilespmem:s8+$0xB920];
	[tilespmem:s8+$0xC520] =	vst v7  }
0x1cd: {  	[tilespmem:s8+$0xBD00] =	vst v6;
	v7 =	vmul.f32 $2.262741660e+01, v17;
	v5 =	vmul.f32 $2.262741660e+01, v19;
	v17 =	vld [tilespmem:s8+$0xB930]  }
0x1ce: {  	s9 =	simm.s32 $0x200;
	s10 =	simm.s32 $0x80;
	v18 =	vld [tilespmem:s8+$0xC530];
	[tilespmem:s8+$0xB970] =	vst v3;
	v6 =	vmul.f32 $2.262741660e+01, v22;
	v3 =	vmul.f32 $2.262741660e+01, v23  }
.LBB2_7:
0x1cf: {  	s11 =	sand.u32 $0x7000, s9;
	s16 =	sand.u32 $0x380, s10;
	v14 =	vmul.f32 $2.262741660e+01, v14;
	[tilespmem:s8+$0xBD60] =	vst v11;
	v11 =	vld [tilespmem:s8+$0xC560]  }
0x1d0: {  	p0 =	sne.s32 s9, $0x4E00;
	s9 =	sadd.s32 $0x200, s9;
	s11 =	sor.u32 s16, s11;
	v15 =	vmul.f32 $2.262741660e+01, v15;
	v19 =	vld [tilespmem:s8+$0xB950];
	[tilespmem:s8+$0xBD70] =	vst v10  }
0x1d1: {  	v10 =	vld [tilespmem:s11+$0xBD70];
	v16 =	vmul.f32 $2.262741660e+01, v16;
	[tilespmem:s8+$0xC100] =	vst v12  }
0x1d2: {  	v12 =	vld [tilespmem:s11+$0xC100];
	v17 =	vmul.f32 $2.262741660e+01, v17;
	[tilespmem:s8+$0xC110] =	vst v13  }
0x1d3: {  	v13 =	vld [tilespmem:s11+$0xC110];
	[tilespmem:s8+$0xB920] =	vst v16;
	v16 =	vmul.f32 $2.262741660e+01, v18  }
0x1d4: {  	v18 =	vld [tilespmem:s11+$0xBD60];
	[tilespmem:s8+$0xB930] =	vst v17;
	v11 =	vmul.f32 $2.262741660e+01, v11  }
0x1d5: {  	v17 =	vld [tilespmem:s11+$0xBD50];
	v19 =	vmul.f32 $2.262741660e+01, v19;
	[tilespmem:s8+$0xC120] =	vst v9  }
0x1d6: {  	v9 =	vld [tilespmem:s11+$0xC120];
	[tilespmem:s8+$0xC530] =	vst v16  }
0x1d7: {  	v16 =	vld [tilespmem:s11+$0xBD40];
	[tilespmem:s8+$0xB950] =	vst v19  }
0x1d8: {  	v19 =	vld [tilespmem:s11+$0xC570];
	[tilespmem:s8+$0xB940] =	vst v15  }
0x1d9: {  	v15 =	vld [tilespmem:s11+$0xC510];
	[tilespmem:s8+$0xC560] =	vst v11  }
0x1da: {  	v11 =	vld [tilespmem:s11+$0xC550];
	[tilespmem:s8+$0xC130] =	vst v4  }
0x1db: {  	v4 =	vld [tilespmem:s11+$0xC130];
	[tilespmem:s8+$0xC140] =	vst v7  }
0x1dc: {  	v7 =	vld [tilespmem:s11+$0xC140];
	[tilespmem:s8+$0xB910] =	vst v14  }
0x1dd: {  	v14 =	vld [tilespmem:s11+$0xC540];
	[tilespmem:s8+$0xC150] =	vst v5  }
0x1de: {  	v19 =	vmul.f32 $2.262741660e+01, v19;
	v5 =	vld [tilespmem:s11+$0xC500];
	[tilespmem:s8+$0xC160] =	vst v6  }
0x1df: {  	v6 =	vld [tilespmem:s11+$0xBD30];
	[tilespmem:s8+$0xB900] =	vst v8  }
0x1e0: {  	v15 =	vmul.f32 $2.262741660e+01, v15;
	v8 =	vld [tilespmem:s11+$0xBD20];
	[tilespmem:s8+$0xC170] =	vst v3;
	s8 =	smov.u32 s11  }
0x1e1: {  	v11 =	vmul.f32 $2.262741660e+01, v11;
	v3 =	vld [tilespmem:s8+$0xBD10];
	[tilespmem:s8+$0xC570] =	vst v19  }
0x1e2: {  	v19 =	vmul.f32 $2.262741660e+01, v16;
	[tilespmem:s8+$0xC510] =	vst v15;
	v15 =	vld [tilespmem:s8+$0xC520];
	v14 =	vmul.f32 $2.262741660e+01, v14  }
0x1e3: {  	v20 =	vmul.f32 $2.262741660e+01, v17;
	v16 =	vld [tilespmem:s8+$0xBD00];
	v5 =	vmul.f32 $2.262741660e+01, v5;
	[tilespmem:s8+$0xC550] =	vst v11  }
0x1e4: {  	v11 =	vmul.f32 $2.262741660e+01, v18;
	v17 =	vld [tilespmem:s8+$0xB970];
	v6 =	vmul.f32 $2.262741660e+01, v6;
	[tilespmem:s8+$0xC540] =	vst v14  }
0x1e5: {  	v10 =	vmul.f32 $2.262741660e+01, v10;
	v18 =	vld [tilespmem:s8+$0xB960];
	v8 =	vmul.f32 $2.262741660e+01, v8;
	[tilespmem:s8+$0xC500] =	vst v5  }
0x1e6: {  	v12 =	vmul.f32 $2.262741660e+01, v12;
	v3 =	vmul.f32 $2.262741660e+01, v3;
	[tilespmem:s8+$0xBD30] =	vst v6;
	v5 =	vld [tilespmem:s8+$0xC150]  }
0x1e7: {  	v13 =	vmul.f32 $2.262741660e+01, v13;
	[tilespmem:s8+$0xBD20] =	vst v8;
	v6 =	vld [tilespmem:s8+$0xC160];
	v8 =	vmul.f32 $2.262741660e+01, v15  }
0x1e8: {  	v9 =	vmul.f32 $2.262741660e+01, v9;
	v15 =	vmul.f32 $2.262741660e+01, v16;
	[tilespmem:s8+$0xBD10] =	vst v3;
	v3 =	vld [tilespmem:s8+$0xC170]  }
0x1e9: {  	v4 =	vmul.f32 $2.262741660e+01, v4;
	v21 =	vld [tilespmem:s8+$0xB900];
	v16 =	vmul.f32 $2.262741660e+01, v17;
	[tilespmem:s8+$0xC520] =	vst v8  }
.Ltmp4:
0x1ea: {  	v7 =	vmul.f32 $2.262741660e+01, v7;
	v14 =	vld [tilespmem:s8+$0xB910];
	v8 =	vmul.f32 $2.262741660e+01, v18;
	[tilespmem:s8+$0xBD00] =	vst v15;
	(pc) =	sbr.rel @p0 .LBB2_7-.Ltmp4, $4  }
0x1eb: {  	v15 =	vld [tilespmem:s8+$0xB940];
	[tilespmem:s8+$0xB970] =	vst v16;
	v5 =	vmul.f32 $2.262741660e+01, v5  }
0x1ec: {  	v16 =	vld [tilespmem:s8+$0xB920];
	[tilespmem:s8+$0xB960] =	vst v8;
	v6 =	vmul.f32 $2.262741660e+01, v6  }
0x1ed: {  	v17 =	vld [tilespmem:s8+$0xB930];
	[tilespmem:s8+$0xBD40] =	vst v19;
	v3 =	vmul.f32 $2.262741660e+01, v3  }
0x1ee: {  	s10 =	sadd.s32 $0x80, s10;
	v8 =	vmul.f32 $2.262741660e+01, v21;
	[tilespmem:s8+$0xBD50] =	vst v20;
	v18 =	vld [tilespmem:s8+$0xC530]  }
0x1ef: {  	[tilespmem:s8+$0xBD60] =	vst v11  }
0x1f0: {  	[tilespmem:s8+$0xBD70] =	vst v10  }
0x1f1: {  	[tilespmem:s8+$0xC100] =	vst v12  }
0x1f2: {  	[tilespmem:s8+$0xC110] =	vst v13  }
0x1f3: {  	[tilespmem:s8+$0xC120] =	vst v9  }
0x1f4: {  	[tilespmem:s8+$0xC130] =	vst v4  }
0x1f5: {  	[tilespmem:s8+$0xC140] =	vst v7  }
0x1f6: {  	[tilespmem:s8+$0xC150] =	vst v5  }
0x1f7: {  	[tilespmem:s8+$0xC160] =	vst v6  }
0x1f8: {  	v11 =	vld [tilespmem:s8+$0xB950];
	[tilespmem:s8+$0xC170] =	vst v3;
	v9 =	vmul.f32 $2.262741660e+01, v15  }
0x1f9: {  	v12 =	vld [tilespmem:s8+$0xC560];
	[tilespmem:s8+$0xB900] =	vst v8;
	v10 =	vmul.f32 $2.262741660e+01, v16  }
0x1fa: {  	v16 =	vmul.f32 $2.262741660e+01, v17;
	[tilespmem:s8+$0xB940] =	vst v9  }
0x1fb: {  	v9 =	vmul.f32 $2.262741660e+01, v14;
	[tilespmem:s8+$0xB920] =	vst v10  }
0x1fc: {  	v10 =	vmul.f32 $2.262741660e+01, v18;
	[tilespmem:s8+$0xB930] =	vst v16  }
0x1fd: {  	s9 =	rddreg [dreg:$0x7];
	v11 =	vmul.f32 $2.262741660e+01, v11;
	[tilespmem:s8+$0xB910] =	vst v9  }
0x1fe: {  	s9 =	sadd.s32 s4, s9;
	[tilespmem:s8+$0xC530] =	vst v10;
	v10 =	vmul.f32 $2.262741660e+01, v12  }
0x1ff: {  	s9 =	sshll.u32 s9, $0x6;
	[tilespmem:s8+$0xB950] =	vst v11  }
0x200: {  	s10 =	simm.s32 $0xB900;
	s9 =	sadd.s32 s3, s9;
	[tilespmem:s8+$0xC560] =	vst v10  }
0x201: {  	[hbm4b:s9+s5] =	stream.linear.scatter [tilespmem:s10], [sflag:$0x12], $0x5000, $0x38;
	[tilespmem:$0x1A900] =	vst v63  }
0x202: {  	_ =	swait.ge [sflag:s26], $0x5000  }
0x203: {  	[sflag:s26] =	ssyncset.done $0x0  }
0x204: {  	p0 =	seq.s32 s24, $0x1F;
	[sflag:s26] =	ssyncadd.s32 $0xFFFFB000  }
0x205: {  	v3 =	vld @!p0 [tilespmem:s4+$0xC8];
	_ =	sdelay $0x4  }
0x206: {  	v4 =	vshll.u32 @!p0 v3, $0x2  }
0x207: {  	v5 =	vlaneseq.u32 @!p0;
	v3 =	vand.u32 @!p0 $0x7, v3;
	v4 =	vand.u32 @!p0 $0xFFFFFFE0, v4  }
0x208: {  	v6 =	vshrl.u32 @!p0 v5, $0x3;
	v3 =	vor.u32 @!p0 v3, v4;
	v4 =	vand.u32 @!p0 $0x7, v5  }
0x209: {  	v6 =	vmul.u32 @!p0 $0x8, v6;
	v7 =	vperm.xlane @!p0 v3, v4;
	_ =	sdelay $0x1  }
0x20a: {  	v7 =	vadd.s32 @!p0 v6, v7  }
0x20b: {  	v5 =	vor.u32 @!p0 $0x8, v5  }
0x20c: {  	v3 =	vperm.xlane @!p0 v3, v5;
	_ =	sdelay $0x1  }
0x20d: {  	vm1 =	vmmov @!p0 $0xffff;
	s8 =	simm.s32 @!p0 $0x0;
	s9 =	simm.s32 @!p0 $0x1900;
	v3 =	vadd.s32 @!p0 v6, v3  }
0x20e: {  	[tilespmem:s9], [sflag:$0x1] =	stream.indirect_vreg.gather @!p0 [hbm4b:s2+s8], $0x80, v7, vm1, $0xb8;
	[tilespmem:$0x1A900] =	vst v63  }
0x20f: {  	s9 =	simm.s32 @!p0 $0x2100  }
0x210: {  	[tilespmem:s9], [sflag:$0x1] =	stream.indirect_vreg.gather @!p0 [hbm4b:s7+s8], $0x80, v7, vm1, $0xb8;
	[tilespmem:$0x1A900] =	vst v63  }
0x211: {  	s9 =	simm.s32 @!p0 $0x2900  }
0x212: {  	[tilespmem:s9], [sflag:$0x1] =	stream.indirect_vreg.gather @!p0 [hbm4b:s2+s8], $0x80, v3, vm1, $0xb8;
	[tilespmem:$0x1A900] =	vst v63  }
0x213: {  	s9 =	simm.s32 @!p0 $0x3100  }
0x214: {  	[tilespmem:s9], [sflag:$0x1] =	stream.indirect_vreg.gather @!p0 [hbm4b:s7+s8], $0x80, v3, vm1, $0xb8;
	[tilespmem:$0x1A900] =	vst v63  }
0x215: {  	v3 =	vld @!p0 [tilespmem:s4+$0xD8];
	_ =	sdelay $0x4  }
0x216: {  	v7 =	vshll.u32 @!p0 v3, $0x2  }
0x217: {  	v3 =	vand.u32 @!p0 $0x7, v3;
	v7 =	vand.u32 @!p0 $0xFFFFFFE0, v7  }
0x218: {  	v3 =	vor.u32 @!p0 v3, v7  }
0x219: {  	v7 =	vperm.xlane @!p0 v3, v4;
	_ =	sdelay $0x1  }
0x21a: {  	v7 =	vadd.s32 @!p0 v6, v7;
	_ =	sdelay $0x1  }
0x21b: {  	v3 =	vperm.xlane @!p0 v3, v5;
	_ =	sdelay $0x1  }
0x21c: {  	s9 =	simm.s32 @!p0 $0x3900;
	v3 =	vadd.s32 @!p0 v6, v3  }
0x21d: {  	[tilespmem:s9], [sflag:$0x6] =	stream.indirect_vreg.gather @!p0 [hbm4b:s2+s8], $0x80, v7, vm1, $0xb8;
	[tilespmem:$0x1A900] =	vst v63  }
0x21e: {  	s9 =	simm.s32 @!p0 $0x4100  }
0x21f: {  	[tilespmem:s9], [sflag:$0x6] =	stream.indirect_vreg.gather @!p0 [hbm4b:s7+s8], $0x80, v7, vm1, $0xb8;
	[tilespmem:$0x1A900] =	vst v63  }
0x220: {  	s9 =	simm.s32 @!p0 $0x4900  }
0x221: {  	[tilespmem:s9], [sflag:$0x6] =	stream.indirect_vreg.gather @!p0 [hbm4b:s2+s8], $0x80, v3, vm1, $0xb8;
	[tilespmem:$0x1A900] =	vst v63  }
0x222: {  	s9 =	simm.s32 @!p0 $0x5100  }
0x223: {  	[tilespmem:s9], [sflag:$0x6] =	stream.indirect_vreg.gather @!p0 [hbm4b:s7+s8], $0x80, v3, vm1, $0xb8;
	[tilespmem:$0x1A900] =	vst v63  }
0x224: {  	v3 =	vld.msk @!p0 [tilespmem:s4+$0xE8], $0xff;
	_ =	sdelay $0x4  }
0x225: {  	v5 =	vshll.u32 @!p0 v3, $0x2  }
0x226: {  	v3 =	vand.u32 @!p0 $0x7, v3;
	v5 =	vand.u32 @!p0 $0xFFFFFFE0, v5  }
0x227: {  	v3 =	vor.u32 @!p0 v3, v5  }
0x228: {  	v3 =	vperm.xlane @!p0 v3, v4;
	_ =	sdelay $0x1  }
0x229: {  	v3 =	vadd.s32 @!p0 v6, v3;
	_ =	sdelay $0x3  }
0x22a: {  	s9 =	simm.s32 @!p0 $0x5900  }
0x22b: {  	[tilespmem:s9], [sflag:$0xB] =	stream.indirect_vreg.gather @!p0 [hbm4b:s2+s8], $0x80, v3, vm1, $0xb8;
	[tilespmem:$0x1A900] =	vst v63  }
0x22c: {  	s9 =	simm.s32 @!p0 $0x6100  }
0x22d: {  	[tilespmem:s9], [sflag:$0xB] =	stream.indirect_vreg.gather @!p0 [hbm4b:s7+s8], $0x80, v3, vm1, $0xb8;
	[tilespmem:$0x1A900] =	vst v63  }
0x22e: {  	_ =	swait.ge [sflag:s1], $0x2000  }
0x22f: {  	[sflag:s1] =	ssyncset.done $0x0  }
0x230: {  	[sflag:s1] =	ssyncadd.s32 $0xFFFFE000  }
0x231: {  	_ =	swait.ge [sflag:s0], $0x2000  }
0x232: {  	[sflag:s0] =	ssyncset.done $0x0  }
0x233: {  	[sflag:s0] =	ssyncadd.s32 $0xFFFFE000  }
0x234: {  	s11 =	simm.s32 $0x0;
	_ =	swait.ge [sflag:s15], $0x1000  }
0x235: {  	s16 =	sand.u32 $0x7000, s11;
	s8 =	sand.u32 $0x380, s11;
	[sflag:s15] =	ssyncset.done $0x0  }
0x236: {  	s9 =	sor.u32 s8, s16;
	[sflag:s15] =	ssyncadd.s32 $0xFFFFF000  }
0x237: {  	s8 =	sadd.s32 $0x10900, s9;
	v3 =	vld [tilespmem:s9+$0x10900]  }
0x238: {  	v4 =	vld [tilespmem:s8+$0x810]  }
0x239: {  	v5 =	vld [tilespmem:s8+$0x800]  }
0x23a: {  	v6 =	vld [tilespmem:s8+$0x470]  }
0x23b: {  	v7 =	vld [tilespmem:s8+$0x450]  }
0x23c: {  	v8 =	vld [tilespmem:s8+$0x440]  }
0x23d: {  	v9 =	vld [tilespmem:s8+$0x430]  }
0x23e: {  	v10 =	vld [tilespmem:s8+$0x420]  }
0x23f: {  	v11 =	vld [tilespmem:s8+$0x410]  }
0x240: {  	v12 =	vld [tilespmem:s8+$0xC70]  }
0x241: {  	v13 =	vld [tilespmem:s8+$0x400]  }
0x242: {  	v14 =	vld [tilespmem:s8+$0xC20]  }
0x243: {  	v15 =	vld [tilespmem:s8+$0xC40];
	v3 =	vmul.f32 $2.262741660e+01, v3  }
0x244: {  	v17 =	vld [tilespmem:s8+$0x460];
	v10 =	vmul.f32 $2.262741660e+01, v10  }
0x245: {  	v18 =	vld [tilespmem:s8+$0x830];
	v11 =	vmul.f32 $2.262741660e+01, v11;
	[tilespmem:s9+$0x10900] =	vst v3  }
0x246: {  	v13 =	vmul.f32 $2.262741660e+01, v13;
	v3 =	vld [tilespmem:s8+$0x70];
	[tilespmem:s8+$0x420] =	vst v10  }
0x247: {  	v14 =	vmul.f32 $2.262741660e+01, v14;
	[tilespmem:s8+$0x410] =	vst v11;
	v16 =	vld [tilespmem:s8+$0x30]  }
0x248: {  	v9 =	vmul.f32 $2.262741660e+01, v9;
	v10 =	vmul.f32 $2.262741660e+01, v12;
	[tilespmem:s8+$0x400] =	vst v13;
	v12 =	vld [tilespmem:s8+$0x20]  }
0x249: {  	v8 =	vmul.f32 $2.262741660e+01, v8;
	[tilespmem:s8+$0xC20] =	vst v14;
	v11 =	vld [tilespmem:s8+$0x10]  }
0x24a: {  	v20 =	vld [tilespmem:s8+$0x40];
	[tilespmem:s8+$0x430] =	vst v9  }
0x24b: {  	v14 =	vld [tilespmem:s8+$0x840];
	[tilespmem:s8+$0x440] =	vst v8;
	v3 =	vmul.f32 $2.262741660e+01, v3  }
0x24c: {  	[tilespmem:s8+$0xC70] =	vst v10;
	v10 =	vld [tilespmem:s8+$0x820];
	v13 =	vmul.f32 $2.262741660e+01, v16  }
0x24d: {  	v12 =	vmul.f32 $2.262741660e+01, v12;
	v16 =	vld [tilespmem:s8+$0x860];
	[tilespmem:s8+$0x70] =	vst v3  }
0x24e: {  	v19 =	vmul.f32 $2.262741660e+01, v7;
	v11 =	vmul.f32 $2.262741660e+01, v11;
	v3 =	vld [tilespmem:s8+$0x850];
	[tilespmem:s8+$0x30] =	vst v13  }
0x24f: {  	v17 =	vmul.f32 $2.262741660e+01, v17;
	v13 =	vmul.f32 $2.262741660e+01, v15;
	[tilespmem:s8+$0x20] =	vst v12;
	v12 =	vld [tilespmem:s8+$0x870]  }
0x250: {  	v21 =	vmul.f32 $2.262741660e+01, v6;
	v7 =	vmul.f32 $2.262741660e+01, v5;
	[tilespmem:s8+$0x10] =	vst v11;
	v11 =	vld [tilespmem:s8+$0xC00]  }
0x251: {  	v6 =	vmul.f32 $2.262741660e+01, v4;
	v8 =	vmul.f32 $2.262741660e+01, v18;
	[tilespmem:s8+$0xC40] =	vst v13;
	v13 =	vld [tilespmem:s8+$0x50]  }
0x252: {  	[tilespmem:s8+$0x450] =	vst v19;
	v5 =	vmul.f32 $2.262741660e+01, v14;
	v4 =	vmul.f32 $2.262741660e+01, v10;
	v15 =	vld [tilespmem:s8+$0x60]  }
0x253: {  	[tilespmem:s8+$0x460] =	vst v17;
	v14 =	vld [tilespmem:s8+$0xC10];
	v10 =	vmul.f32 $2.262741660e+01, v16;
	v9 =	vmul.f32 $2.262741660e+01, v3  }
0x254: {  	s10 =	simm.s32 $0x80;
	s9 =	simm.s32 $0x200;
	[tilespmem:s8+$0x470] =	vst v21;
	v16 =	vld [tilespmem:s8+$0xC30];
	v3 =	vmul.f32 $2.262741660e+01, v12;
	v12 =	vmul.f32 $2.262741660e+01, v20  }
.LBB2_9:
0x255: {  	s11 =	sand.u32 $0x7000, s9;
	s16 =	sand.u32 $0x380, s10;
	[tilespmem:s8+$0x800] =	vst v7;
	v7 =	vmul.f32 $2.262741660e+01, v11;
	v11 =	vld [tilespmem:s8+$0xC50]  }
0x256: {  	p1 =	sne.s32 s9, $0x4E00;
	s9 =	sadd.s32 $0x200, s9;
	s11 =	sor.u32 s16, s11;
	v13 =	vmul.f32 $2.262741660e+01, v13;
	[tilespmem:s8+$0x810] =	vst v6;
	v6 =	vld [tilespmem:s8+$0xC60]  }
0x257: {  	s16 =	sadd.s32 $0x10900, s11;
	v17 =	vld [tilespmem:s11+$0x10900];
	v15 =	vmul.f32 $2.262741660e+01, v15;
	[tilespmem:s8+$0x820] =	vst v4  }
0x258: {  	v4 =	vld [tilespmem:s16+$0x810];
	[tilespmem:s8+$0x830] =	vst v8;
	v8 =	vmul.f32 $2.262741660e+01, v14  }
0x259: {  	v14 =	vld [tilespmem:s16+$0x800];
	[tilespmem:s8+$0x840] =	vst v5;
	v5 =	vmul.f32 $2.262741660e+01, v16  }
0x25a: {  	v16 =	vld [tilespmem:s16+$0x470];
	[tilespmem:s8+$0x850] =	vst v9;
	v9 =	vmul.f32 $2.262741660e+01, v11  }
0x25b: {  	v11 =	vld [tilespmem:s16+$0x460];
	[tilespmem:s8+$0x860] =	vst v10;
	v6 =	vmul.f32 $2.262741660e+01, v6  }
0x25c: {  	v10 =	vmul.f32 $2.262741660e+01, v17;
	v17 =	vld [tilespmem:s16+$0x450];
	[tilespmem:s8+$0x40] =	vst v12  }
0x25d: {  	v12 =	vld [tilespmem:s16+$0x440];
	[tilespmem:s8+$0xC60] =	vst v6  }
0x25e: {  	v6 =	vld [tilespmem:s16+$0x430];
	[tilespmem:s8+$0x60] =	vst v15  }
0x25f: {  	v15 =	vld [tilespmem:s16+$0x420];
	[tilespmem:s8+$0x50] =	vst v13  }
0x260: {  	v13 =	vld [tilespmem:s16+$0x410];
	[tilespmem:s8+$0xC50] =	vst v9  }
0x261: {  	v9 =	vld [tilespmem:s16+$0xC70];
	[tilespmem:s8+$0xC00] =	vst v7  }
0x262: {  	v7 =	vld [tilespmem:s16+$0x400];
	[tilespmem:s8+$0x870] =	vst v3  }
0x263: {  	v3 =	vld [tilespmem:s16+$0xC20];
	[tilespmem:s8+$0xC10] =	vst v8  }
0x264: {  	v8 =	vmul.f32 $2.262741660e+01, v15;
	v15 =	vld [tilespmem:s16+$0xC40];
	[tilespmem:s8+$0xC30] =	vst v5;
	s8 =	smov.u32 s16  }
0x265: {  	[tilespmem:s11+$0x10900] =	vst v10;
	v5 =	vld [tilespmem:s8+$0x70];
	v10 =	vmul.f32 $2.262741660e+01, v13  }
0x266: {  	v13 =	vld [tilespmem:s8+$0x30];
	[tilespmem:s8+$0x420] =	vst v8;
	v8 =	vmul.f32 $2.262741660e+01, v9  }
0x267: {  	v9 =	vld [tilespmem:s8+$0x20];
	v7 =	vmul.f32 $2.262741660e+01, v7;
	[tilespmem:s8+$0x410] =	vst v10;
	v10 =	vmul.f32 $2.262741660e+01, v6  }
0x268: {  	v12 =	vmul.f32 $2.262741660e+01, v12;
	v6 =	vld [tilespmem:s8+$0x10];
	v3 =	vmul.f32 $2.262741660e+01, v3;
	[tilespmem:s8+$0xC70] =	vst v8  }
0x269: {  	v17 =	vmul.f32 $2.262741660e+01, v17;
	[tilespmem:s8+$0x400] =	vst v7;
	v8 =	vld [tilespmem:s8+$0x820];
	v7 =	vmul.f32 $2.262741660e+01, v15  }
0x26a: {  	v18 =	vmul.f32 $2.262741660e+01, v11;
	v5 =	vmul.f32 $2.262741660e+01, v5;
	v11 =	vld [tilespmem:s8+$0x830];
	[tilespmem:s8+$0xC20] =	vst v3  }
0x26b: {  	v16 =	vmul.f32 $2.262741660e+01, v16;
	v3 =	vmul.f32 $2.262741660e+01, v13;
	v13 =	vld [tilespmem:s8+$0x840];
	[tilespmem:s8+$0xC40] =	vst v7  }
0x26c: {  	v7 =	vmul.f32 $2.262741660e+01, v14;
	v9 =	vmul.f32 $2.262741660e+01, v9;
	[tilespmem:s8+$0x70] =	vst v5;
	v14 =	vld [tilespmem:s8+$0x850]  }
0x26d: {  	v5 =	vmul.f32 $2.262741660e+01, v6;
	[tilespmem:s8+$0x30] =	vst v3;
	v6 =	vmul.f32 $2.262741660e+01, v4;
	v3 =	vld [tilespmem:s8+$0x860]  }
0x26e: {  	[tilespmem:s8+$0x20] =	vst v9;
	v4 =	vmul.f32 $2.262741660e+01, v8;
	v19 =	vld [tilespmem:s8+$0x870]  }
0x26f: {  	[tilespmem:s8+$0x10] =	vst v5;
	v20 =	vld [tilespmem:s8+$0x40];
	v8 =	vmul.f32 $2.262741660e+01, v11  }
.Ltmp5:
0x270: {  	[tilespmem:s8+$0x430] =	vst v10;
	v5 =	vmul.f32 $2.262741660e+01, v13;
	v11 =	vld [tilespmem:s8+$0xC00];
	(pc) =	sbr.rel @p1 .LBB2_9-.Ltmp5, $4  }
0x271: {  	v13 =	vld [tilespmem:s8+$0x50];
	[tilespmem:s8+$0x440] =	vst v12;
	v9 =	vmul.f32 $2.262741660e+01, v14  }
0x272: {  	v15 =	vld [tilespmem:s8+$0x60];
	[tilespmem:s8+$0x450] =	vst v17;
	v10 =	vmul.f32 $2.262741660e+01, v3  }
0x273: {  	[tilespmem:s8+$0x460] =	vst v18;
	v3 =	vmul.f32 $2.262741660e+01, v19;
	v14 =	vld [tilespmem:s8+$0xC10]  }
0x274: {  	s10 =	sadd.s32 $0x80, s10;
	v12 =	vmul.f32 $2.262741660e+01, v20;
	[tilespmem:s8+$0x470] =	vst v16;
	v16 =	vld [tilespmem:s8+$0xC30]  }
0x275: {  	[tilespmem:s8+$0x800] =	vst v7  }
0x276: {  	[tilespmem:s8+$0x810] =	vst v6  }
0x277: {  	[tilespmem:s8+$0x820] =	vst v4  }
0x278: {  	v6 =	vld [tilespmem:s8+$0xC60];
	[tilespmem:s8+$0x830] =	vst v8  }
0x279: {  	[tilespmem:s8+$0x840] =	vst v5  }
0x27a: {  	v4 =	vld [tilespmem:s8+$0xC50];
	[tilespmem:s8+$0x850] =	vst v9  }
0x27b: {  	[tilespmem:s8+$0x860] =	vst v10  }
0x27c: {  	[tilespmem:s8+$0x870] =	vst v3;
	v7 =	vmul.f32 $2.262741660e+01, v13  }
0x27d: {  	[tilespmem:s8+$0x40] =	vst v12;
	v5 =	vmul.f32 $2.262741660e+01, v6  }
0x27e: {  	[tilespmem:s8+$0x50] =	vst v7;
	v6 =	vmul.f32 $2.262741660e+01, v15  }
0x27f: {  	v4 =	vmul.f32 $2.262741660e+01, v4;
	[tilespmem:s8+$0xC60] =	vst v5  }
0x280: {  	[tilespmem:s8+$0x60] =	vst v6;
	v5 =	vmul.f32 $2.262741660e+01, v11  }
0x281: {  	s9 =	rddreg [dreg:$0x8];
	[tilespmem:s8+$0xC50] =	vst v4;
	v4 =	vmul.f32 $2.262741660e+01, v14  }
0x282: {  	s9 =	sadd.s32 s4, s9;
	[tilespmem:s8+$0xC00] =	vst v5;
	v5 =	vmul.f32 $2.262741660e+01, v16  }
0x283: {  	s9 =	sshll.u32 s9, $0x6;
	[tilespmem:s8+$0xC10] =	vst v4  }
0x284: {  	s10 =	sadd.s32 s3, s9;
	[tilespmem:s8+$0xC30] =	vst v5  }
0x285: {  	[hbm4b:s10+s5] =	stream.linear.scatter [tilespmem:s31], [sflag:$0x13], $0x5000, $0x38;
	[tilespmem:$0x1A900] =	vst v63  }
0x286: {  	_ =	swait.ge [sflag:s6], $0x5000  }
0x287: {  	[sflag:s6] =	ssyncset.done $0x0  }
0x288: {  	[sflag:s6] =	ssyncadd.s32 $0xFFFFB000  }
0x289: {  	v3 =	vld @!p0 [tilespmem:s4+$0xF0];
	_ =	sdelay $0x4  }
0x28a: {  	v4 =	vshll.u32 @!p0 v3, $0x2  }
0x28b: {  	v5 =	vlaneseq.u32 @!p0;
	v3 =	vand.u32 @!p0 $0x7, v3;
	v4 =	vand.u32 @!p0 $0xFFFFFFE0, v4  }
0x28c: {  	v6 =	vshrl.u32 @!p0 v5, $0x3;
	v3 =	vor.u32 @!p0 v3, v4;
	v4 =	vand.u32 @!p0 $0x7, v5  }
0x28d: {  	v6 =	vmul.u32 @!p0 $0x8, v6;
	v7 =	vperm.xlane @!p0 v3, v4;
	_ =	sdelay $0x1  }
0x28e: {  	v7 =	vadd.s32 @!p0 v6, v7  }
0x28f: {  	v5 =	vor.u32 @!p0 $0x8, v5  }
0x290: {  	v3 =	vperm.xlane @!p0 v3, v5;
	_ =	sdelay $0x1  }
0x291: {  	s9 =	simm.s32 @!p0 $0x6900;
	s8 =	simm.s32 @!p0 $0x0;
	v3 =	vadd.s32 @!p0 v6, v3  }
0x292: {  	[tilespmem:s9], [sflag:$0x2] =	stream.indirect_vreg.gather @!p0 [hbm4b:s2+s8], $0x80, v7, vm1, $0xb8;
	[tilespmem:$0x1A900] =	vst v63  }
0x293: {  	s9 =	simm.s32 @!p0 $0x7100  }
0x294: {  	[tilespmem:s9], [sflag:$0x2] =	stream.indirect_vreg.gather @!p0 [hbm4b:s7+s8], $0x80, v7, vm1, $0xb8;
	[tilespmem:$0x1A900] =	vst v63  }
0x295: {  	s9 =	simm.s32 @!p0 $0x7900  }
0x296: {  	[tilespmem:s9], [sflag:$0x2] =	stream.indirect_vreg.gather @!p0 [hbm4b:s2+s8], $0x80, v3, vm1, $0xb8;
	[tilespmem:$0x1A900] =	vst v63  }
0x297: {  	s9 =	simm.s32 @!p0 $0x8100  }
0x298: {  	[tilespmem:s9], [sflag:$0x2] =	stream.indirect_vreg.gather @!p0 [hbm4b:s7+s8], $0x80, v3, vm1, $0xb8;
	[tilespmem:$0x1A900] =	vst v63  }
0x299: {  	v3 =	vld @!p0 [tilespmem:s4+$0x100];
	_ =	sdelay $0x4  }
0x29a: {  	v7 =	vshll.u32 @!p0 v3, $0x2  }
0x29b: {  	v3 =	vand.u32 @!p0 $0x7, v3;
	v7 =	vand.u32 @!p0 $0xFFFFFFE0, v7  }
0x29c: {  	v3 =	vor.u32 @!p0 v3, v7  }
0x29d: {  	v7 =	vperm.xlane @!p0 v3, v4;
	_ =	sdelay $0x1  }
0x29e: {  	v7 =	vadd.s32 @!p0 v6, v7;
	_ =	sdelay $0x1  }
0x29f: {  	v3 =	vperm.xlane @!p0 v3, v5;
	_ =	sdelay $0x1  }
0x2a0: {  	s9 =	simm.s32 @!p0 $0x8900;
	v3 =	vadd.s32 @!p0 v6, v3  }
0x2a1: {  	[tilespmem:s9], [sflag:$0x7] =	stream.indirect_vreg.gather @!p0 [hbm4b:s2+s8], $0x80, v7, vm1, $0xb8;
	[tilespmem:$0x1A900] =	vst v63  }
0x2a2: {  	s9 =	simm.s32 @!p0 $0x9100  }
0x2a3: {  	[tilespmem:s9], [sflag:$0x7] =	stream.indirect_vreg.gather @!p0 [hbm4b:s7+s8], $0x80, v7, vm1, $0xb8;
	[tilespmem:$0x1A900] =	vst v63  }
0x2a4: {  	s9 =	simm.s32 @!p0 $0x9900  }
0x2a5: {  	[tilespmem:s9], [sflag:$0x7] =	stream.indirect_vreg.gather @!p0 [hbm4b:s2+s8], $0x80, v3, vm1, $0xb8;
	[tilespmem:$0x1A900] =	vst v63  }
0x2a6: {  	s9 =	simm.s32 @!p0 $0xA100  }
0x2a7: {  	[tilespmem:s9], [sflag:$0x7] =	stream.indirect_vreg.gather @!p0 [hbm4b:s7+s8], $0x80, v3, vm1, $0xb8;
	[tilespmem:$0x1A900] =	vst v63  }
0x2a8: {  	v3 =	vld.msk @!p0 [tilespmem:s4+$0x110], $0xff;
	_ =	sdelay $0x4  }
0x2a9: {  	v5 =	vshll.u32 @!p0 v3, $0x2  }
0x2aa: {  	v3 =	vand.u32 @!p0 $0x7, v3;
	v5 =	vand.u32 @!p0 $0xFFFFFFE0, v5  }
0x2ab: {  	v3 =	vor.u32 @!p0 v3, v5  }
0x2ac: {  	v3 =	vperm.xlane @!p0 v3, v4;
	_ =	sdelay $0x1  }
0x2ad: {  	v3 =	vadd.s32 @!p0 v6, v3;
	_ =	sdelay $0x3  }
0x2ae: {  	s9 =	simm.s32 @!p0 $0xA900  }
0x2af: {  	[tilespmem:s9], [sflag:$0xC] =	stream.indirect_vreg.gather @!p0 [hbm4b:s2+s8], $0x80, v3, vm1, $0xb8;
	[tilespmem:$0x1A900] =	vst v63  }
0x2b0: {  	s9 =	simm.s32 @!p0 $0xB100  }
0x2b1: {  	[tilespmem:s9], [sflag:$0xC] =	stream.indirect_vreg.gather @!p0 [hbm4b:s7+s8], $0x80, v3, vm1, $0xb8;
	[tilespmem:$0x1A900] =	vst v63  }
0x2b2: {  	_ =	swait.ge [sflag:s14], $0x2000  }
0x2b3: {  	[sflag:s14] =	ssyncset.done $0x0  }
0x2b4: {  	[sflag:s14] =	ssyncadd.s32 $0xFFFFE000  }
0x2b5: {  	_ =	swait.ge [sflag:s12], $0x2000  }
0x2b6: {  	[sflag:s12] =	ssyncset.done $0x0  }
0x2b7: {  	[sflag:s12] =	ssyncadd.s32 $0xFFFFE000  }
0x2b8: {  	s11 =	simm.s32 $0x0;
	_ =	swait.ge [sflag:s13], $0x1000  }
0x2b9: {  	s16 =	sand.u32 $0x7000, s11;
	s8 =	sand.u32 $0x380, s11;
	[sflag:s13] =	ssyncset.done $0x0  }
0x2ba: {  	s9 =	sor.u32 s8, s16;
	[sflag:s13] =	ssyncadd.s32 $0xFFFFF000  }
0x2bb: {  	s8 =	sadd.s32 $0x15900, s9;
	v3 =	vld [tilespmem:s9+$0x15900]  }
0x2bc: {  	v4 =	vld [tilespmem:s8+$0x810]  }
0x2bd: {  	v5 =	vld [tilespmem:s8+$0x800]  }
0x2be: {  	v6 =	vld [tilespmem:s8+$0x470]  }
0x2bf: {  	v7 =	vld [tilespmem:s8+$0x450]  }
0x2c0: {  	v8 =	vld [tilespmem:s8+$0x440]  }
0x2c1: {  	v9 =	vld [tilespmem:s8+$0x430]  }
0x2c2: {  	v10 =	vld [tilespmem:s8+$0x420]  }
0x2c3: {  	v11 =	vld [tilespmem:s8+$0x410]  }
0x2c4: {  	v12 =	vld [tilespmem:s8+$0xC70]  }
0x2c5: {  	v13 =	vld [tilespmem:s8+$0x400]  }
0x2c6: {  	v14 =	vld [tilespmem:s8+$0xC20]  }
0x2c7: {  	v15 =	vld [tilespmem:s8+$0xC40];
	v3 =	vmul.f32 $2.262741660e+01, v3  }
0x2c8: {  	v17 =	vld [tilespmem:s8+$0x460];
	v10 =	vmul.f32 $2.262741660e+01, v10  }
0x2c9: {  	v18 =	vld [tilespmem:s8+$0x830];
	v11 =	vmul.f32 $2.262741660e+01, v11;
	[tilespmem:s9+$0x15900] =	vst v3  }
0x2ca: {  	v13 =	vmul.f32 $2.262741660e+01, v13;
	v3 =	vld [tilespmem:s8+$0x70];
	[tilespmem:s8+$0x420] =	vst v10  }
0x2cb: {  	v14 =	vmul.f32 $2.262741660e+01, v14;
	[tilespmem:s8+$0x410] =	vst v11;
	v16 =	vld [tilespmem:s8+$0x30]  }
0x2cc: {  	v9 =	vmul.f32 $2.262741660e+01, v9;
	v10 =	vmul.f32 $2.262741660e+01, v12;
	[tilespmem:s8+$0x400] =	vst v13;
	v12 =	vld [tilespmem:s8+$0x20]  }
0x2cd: {  	v8 =	vmul.f32 $2.262741660e+01, v8;
	[tilespmem:s8+$0xC20] =	vst v14;
	v11 =	vld [tilespmem:s8+$0x10]  }
0x2ce: {  	v20 =	vld [tilespmem:s8+$0x40];
	[tilespmem:s8+$0x430] =	vst v9  }
0x2cf: {  	v14 =	vld [tilespmem:s8+$0x840];
	[tilespmem:s8+$0x440] =	vst v8;
	v3 =	vmul.f32 $2.262741660e+01, v3  }
0x2d0: {  	[tilespmem:s8+$0xC70] =	vst v10;
	v10 =	vld [tilespmem:s8+$0x820];
	v13 =	vmul.f32 $2.262741660e+01, v16  }
0x2d1: {  	v12 =	vmul.f32 $2.262741660e+01, v12;
	v16 =	vld [tilespmem:s8+$0x860];
	[tilespmem:s8+$0x70] =	vst v3  }
0x2d2: {  	v19 =	vmul.f32 $2.262741660e+01, v7;
	v11 =	vmul.f32 $2.262741660e+01, v11;
	v3 =	vld [tilespmem:s8+$0x850];
	[tilespmem:s8+$0x30] =	vst v13  }
0x2d3: {  	v17 =	vmul.f32 $2.262741660e+01, v17;
	v13 =	vmul.f32 $2.262741660e+01, v15;
	[tilespmem:s8+$0x20] =	vst v12;
	v12 =	vld [tilespmem:s8+$0x870]  }
0x2d4: {  	v21 =	vmul.f32 $2.262741660e+01, v6;
	v7 =	vmul.f32 $2.262741660e+01, v5;
	[tilespmem:s8+$0x10] =	vst v11;
	v11 =	vld [tilespmem:s8+$0xC00]  }
0x2d5: {  	v6 =	vmul.f32 $2.262741660e+01, v4;
	v8 =	vmul.f32 $2.262741660e+01, v18;
	[tilespmem:s8+$0xC40] =	vst v13;
	v13 =	vld [tilespmem:s8+$0x50]  }
0x2d6: {  	[tilespmem:s8+$0x450] =	vst v19;
	v5 =	vmul.f32 $2.262741660e+01, v14;
	v4 =	vmul.f32 $2.262741660e+01, v10;
	v15 =	vld [tilespmem:s8+$0x60]  }
0x2d7: {  	[tilespmem:s8+$0x460] =	vst v17;
	v14 =	vld [tilespmem:s8+$0xC10];
	v10 =	vmul.f32 $2.262741660e+01, v16;
	v9 =	vmul.f32 $2.262741660e+01, v3  }
0x2d8: {  	s10 =	simm.s32 $0x80;
	s9 =	simm.s32 $0x200;
	[tilespmem:s8+$0x470] =	vst v21;
	v16 =	vld [tilespmem:s8+$0xC30];
	v3 =	vmul.f32 $2.262741660e+01, v12;
	v12 =	vmul.f32 $2.262741660e+01, v20  }
.LBB2_11:
0x2d9: {  	s11 =	sand.u32 $0x7000, s9;
	s16 =	sand.u32 $0x380, s10;
	[tilespmem:s8+$0x800] =	vst v7;
	v7 =	vmul.f32 $2.262741660e+01, v11;
	v11 =	vld [tilespmem:s8+$0xC50]  }
0x2da: {  	p1 =	sne.s32 s9, $0x4E00;
	s9 =	sadd.s32 $0x200, s9;
	s11 =	sor.u32 s16, s11;
	v13 =	vmul.f32 $2.262741660e+01, v13;
	[tilespmem:s8+$0x810] =	vst v6;
	v6 =	vld [tilespmem:s8+$0xC60]  }
0x2db: {  	s16 =	sadd.s32 $0x15900, s11;
	v17 =	vld [tilespmem:s11+$0x15900];
	v15 =	vmul.f32 $2.262741660e+01, v15;
	[tilespmem:s8+$0x820] =	vst v4  }
0x2dc: {  	v4 =	vld [tilespmem:s16+$0x810];
	[tilespmem:s8+$0x830] =	vst v8;
	v8 =	vmul.f32 $2.262741660e+01, v14  }
0x2dd: {  	v14 =	vld [tilespmem:s16+$0x800];
	[tilespmem:s8+$0x840] =	vst v5;
	v5 =	vmul.f32 $2.262741660e+01, v16  }
0x2de: {  	v16 =	vld [tilespmem:s16+$0x470];
	[tilespmem:s8+$0x850] =	vst v9;
	v9 =	vmul.f32 $2.262741660e+01, v11  }
0x2df: {  	v11 =	vld [tilespmem:s16+$0x460];
	[tilespmem:s8+$0x860] =	vst v10;
	v6 =	vmul.f32 $2.262741660e+01, v6  }
0x2e0: {  	v10 =	vmul.f32 $2.262741660e+01, v17;
	v17 =	vld [tilespmem:s16+$0x450];
	[tilespmem:s8+$0x40] =	vst v12  }
0x2e1: {  	v12 =	vld [tilespmem:s16+$0x440];
	[tilespmem:s8+$0xC60] =	vst v6  }
0x2e2: {  	v6 =	vld [tilespmem:s16+$0x430];
	[tilespmem:s8+$0x60] =	vst v15  }
0x2e3: {  	v15 =	vld [tilespmem:s16+$0x420];
	[tilespmem:s8+$0x50] =	vst v13  }
0x2e4: {  	v13 =	vld [tilespmem:s16+$0x410];
	[tilespmem:s8+$0xC50] =	vst v9  }
0x2e5: {  	v9 =	vld [tilespmem:s16+$0xC70];
	[tilespmem:s8+$0xC00] =	vst v7  }
0x2e6: {  	v7 =	vld [tilespmem:s16+$0x400];
	[tilespmem:s8+$0x870] =	vst v3  }
0x2e7: {  	v3 =	vld [tilespmem:s16+$0xC20];
	[tilespmem:s8+$0xC10] =	vst v8  }
0x2e8: {  	v8 =	vmul.f32 $2.262741660e+01, v15;
	v15 =	vld [tilespmem:s16+$0xC40];
	[tilespmem:s8+$0xC30] =	vst v5;
	s8 =	smov.u32 s16  }
0x2e9: {  	[tilespmem:s11+$0x15900] =	vst v10;
	v5 =	vld [tilespmem:s8+$0x70];
	v10 =	vmul.f32 $2.262741660e+01, v13  }
0x2ea: {  	v13 =	vld [tilespmem:s8+$0x30];
	[tilespmem:s8+$0x420] =	vst v8;
	v8 =	vmul.f32 $2.262741660e+01, v9  }
0x2eb: {  	v9 =	vld [tilespmem:s8+$0x20];
	v7 =	vmul.f32 $2.262741660e+01, v7;
	[tilespmem:s8+$0x410] =	vst v10;
	v10 =	vmul.f32 $2.262741660e+01, v6  }
0x2ec: {  	v12 =	vmul.f32 $2.262741660e+01, v12;
	v6 =	vld [tilespmem:s8+$0x10];
	v3 =	vmul.f32 $2.262741660e+01, v3;
	[tilespmem:s8+$0xC70] =	vst v8  }
0x2ed: {  	v17 =	vmul.f32 $2.262741660e+01, v17;
	[tilespmem:s8+$0x400] =	vst v7;
	v8 =	vld [tilespmem:s8+$0x820];
	v7 =	vmul.f32 $2.262741660e+01, v15  }
0x2ee: {  	v18 =	vmul.f32 $2.262741660e+01, v11;
	v5 =	vmul.f32 $2.262741660e+01, v5;
	v11 =	vld [tilespmem:s8+$0x830];
	[tilespmem:s8+$0xC20] =	vst v3  }
0x2ef: {  	v16 =	vmul.f32 $2.262741660e+01, v16;
	v3 =	vmul.f32 $2.262741660e+01, v13;
	v13 =	vld [tilespmem:s8+$0x840];
	[tilespmem:s8+$0xC40] =	vst v7  }
0x2f0: {  	v7 =	vmul.f32 $2.262741660e+01, v14;
	v9 =	vmul.f32 $2.262741660e+01, v9;
	[tilespmem:s8+$0x70] =	vst v5;
	v14 =	vld [tilespmem:s8+$0x850]  }
0x2f1: {  	v5 =	vmul.f32 $2.262741660e+01, v6;
	[tilespmem:s8+$0x30] =	vst v3;
	v6 =	vmul.f32 $2.262741660e+01, v4;
	v3 =	vld [tilespmem:s8+$0x860]  }
0x2f2: {  	[tilespmem:s8+$0x20] =	vst v9;
	v4 =	vmul.f32 $2.262741660e+01, v8;
	v19 =	vld [tilespmem:s8+$0x870]  }
0x2f3: {  	[tilespmem:s8+$0x10] =	vst v5;
	v20 =	vld [tilespmem:s8+$0x40];
	v8 =	vmul.f32 $2.262741660e+01, v11  }
.Ltmp6:
0x2f4: {  	[tilespmem:s8+$0x430] =	vst v10;
	v5 =	vmul.f32 $2.262741660e+01, v13;
	v11 =	vld [tilespmem:s8+$0xC00];
	(pc) =	sbr.rel @p1 .LBB2_11-.Ltmp6, $4  }
0x2f5: {  	v13 =	vld [tilespmem:s8+$0x50];
	[tilespmem:s8+$0x440] =	vst v12;
	v9 =	vmul.f32 $2.262741660e+01, v14  }
0x2f6: {  	v15 =	vld [tilespmem:s8+$0x60];
	[tilespmem:s8+$0x450] =	vst v17;
	v10 =	vmul.f32 $2.262741660e+01, v3  }
0x2f7: {  	[tilespmem:s8+$0x460] =	vst v18;
	v3 =	vmul.f32 $2.262741660e+01, v19;
	v14 =	vld [tilespmem:s8+$0xC10]  }
0x2f8: {  	s10 =	sadd.s32 $0x80, s10;
	v12 =	vmul.f32 $2.262741660e+01, v20;
	[tilespmem:s8+$0x470] =	vst v16;
	v16 =	vld [tilespmem:s8+$0xC30]  }
0x2f9: {  	[tilespmem:s8+$0x800] =	vst v7  }
0x2fa: {  	[tilespmem:s8+$0x810] =	vst v6  }
0x2fb: {  	[tilespmem:s8+$0x820] =	vst v4  }
0x2fc: {  	[tilespmem:s8+$0x830] =	vst v8  }
0x2fd: {  	[tilespmem:s8+$0x840] =	vst v5  }
0x2fe: {  	[tilespmem:s8+$0x850] =	vst v9  }
0x2ff: {  	[tilespmem:s8+$0x860] =	vst v10  }
0x300: {  	v56 =	vld [tilespmem:s8+$0xC60];
	v61 =	vmul.f32 $2.262741660e+01, v11;
	[tilespmem:s8+$0x870] =	vst v3  }
0x301: {  	v57 =	vld [tilespmem:s8+$0xC50];
	[tilespmem:s8+$0x40] =	vst v12;
	v60 =	vmul.f32 $2.262741660e+01, v13  }
0x302: {  	v59 =	vmul.f32 $2.262741660e+01, v15;
	[tilespmem:s8+$0xC00] =	vst v61  }
0x303: {  	[tilespmem:s8+$0x50] =	vst v60;
	v62 =	vmul.f32 $2.262741660e+01, v14  }
0x304: {  	[tilespmem:s8+$0x60] =	vst v59;
	v63 =	vmul.f32 $2.262741660e+01, v16  }
0x305: {  	s9 =	rddreg [dreg:$0x9];
	v58 =	vmul.f32 $2.262741660e+01, v56;
	[tilespmem:s8+$0xC10] =	vst v62  }
0x306: {  	s9 =	sadd.s32 s4, s9;
	v4 =	vmul.f32 $2.262741660e+01, v57;
	[tilespmem:s8+$0xC30] =	vst v63  }
0x307: {  	s9 =	sshll.u32 s9, $0x6;
	[tilespmem:s8+$0xC60] =	vst v58  }
.Ltmp7:
0x308: {  	s16 =	sadd.s32 s3, s9;
	[tilespmem:s8+$0xC50] =	vst v4;
	(pc) =	sbr.rel @p0 .LBB2_14-.Ltmp7, $4  }
0x309: {  	[hbm4b:s16+s5] =	stream.linear.scatter [tilespmem:s23], [sflag:$0x14], $0x5000, $0x38;
	[tilespmem:$0x1A900] =	vst v63  }
0x30a: {  	_ =	swait.ge [sflag:s17], $0x5000  }
0x30b: {  	[sflag:s17] =	ssyncset.done $0x0  }
0x30c: {  	[sflag:s17] =	ssyncadd.s32 $0xFFFFB000  }
0x30d: {  	v3 =	vld [tilespmem:s4+$0x118];
	_ =	sdelay $0x4  }
0x30e: {  	v4 =	vshll.u32 v3, $0x2  }
0x30f: {  	v3 =	vand.u32 $0x7, v3;
	v4 =	vand.u32 $0xFFFFFFE0, v4  }
0x310: {  	v3 =	vor.u32 v3, v4  }
0x311: {  	v4 =	vperm.xlane v3, v0;
	_ =	sdelay $0x1  }
0x312: {  	v4 =	vadd.s32 v1, v4;
	_ =	sdelay $0x1  }
0x313: {  	v3 =	vperm.xlane v3, v2;
	_ =	sdelay $0x1  }
0x314: {  	s8 =	simm.s32 $0xB900;
	v3 =	vadd.s32 v1, v3  }
0x315: {  	[tilespmem:s8], [sflag:$0x3] =	stream.indirect_vreg.gather [hbm4b:s2+s5], $0x80, v4, vm0, $0xb8;
	[tilespmem:$0x1A900] =	vst v63  }
0x316: {  	s16 =	simm.s32 $0xC100  }
0x317: {  	[tilespmem:s16], [sflag:$0x3] =	stream.indirect_vreg.gather [hbm4b:s7+s5], $0x80, v4, vm0, $0xb8;
	[tilespmem:$0x1A900] =	vst v63  }
0x318: {  	s9 =	simm.s32 $0xC900  }
0x319: {  	[tilespmem:s9], [sflag:$0x3] =	stream.indirect_vreg.gather [hbm4b:s2+s5], $0x80, v3, vm0, $0xb8;
	[tilespmem:$0x1A900] =	vst v63  }
0x31a: {  	s10 =	simm.s32 $0xD100  }
0x31b: {  	[tilespmem:s10], [sflag:$0x3] =	stream.indirect_vreg.gather [hbm4b:s7+s5], $0x80, v3, vm0, $0xb8;
	[tilespmem:$0x1A900] =	vst v63  }
0x31c: {  	v3 =	vld [tilespmem:s4+$0x128];
	_ =	sdelay $0x4  }
0x31d: {  	v62 =	vshll.u32 v3, $0x2  }
0x31e: {  	v3 =	vand.u32 $0x7, v3;
	v4 =	vand.u32 $0xFFFFFFE0, v62  }
0x31f: {  	v3 =	vor.u32 v3, v4  }
0x320: {  	v4 =	vperm.xlane v3, v0;
	_ =	sdelay $0x1  }
0x321: {  	v4 =	vadd.s32 v1, v4;
	_ =	sdelay $0x1  }
0x322: {  	v3 =	vperm.xlane v3, v2;
	_ =	sdelay $0x1  }
0x323: {  	s11 =	simm.s32 $0xD900;
	v3 =	vadd.s32 v1, v3  }
0x324: {  	[tilespmem:s11], [sflag:$0x8] =	stream.indirect_vreg.gather [hbm4b:s2+s5], $0x80, v4, vm0, $0xb8;
	[tilespmem:$0x1A900] =	vst v63  }
0x325: {  	s16 =	simm.s32 $0xE100  }
0x326: {  	[tilespmem:s16], [sflag:$0x8] =	stream.indirect_vreg.gather [hbm4b:s7+s5], $0x80, v4, vm0, $0xb8;
	[tilespmem:$0x1A900] =	vst v63  }
0x327: {  	s9 =	simm.s32 $0xE900  }
0x328: {  	[tilespmem:s9], [sflag:$0x8] =	stream.indirect_vreg.gather [hbm4b:s2+s5], $0x80, v3, vm0, $0xb8;
	[tilespmem:$0x1A900] =	vst v63  }
0x329: {  	s10 =	simm.s32 $0xF100  }
0x32a: {  	[tilespmem:s10], [sflag:$0x8] =	stream.indirect_vreg.gather [hbm4b:s7+s5], $0x80, v3, vm0, $0xb8;
	[tilespmem:$0x1A900] =	vst v63  }
0x32b: {  	v3 =	vld.msk [tilespmem:s4+$0x138], $0xff;
	_ =	sdelay $0x4  }
0x32c: {  	v63 =	vshll.u32 v3, $0x2  }
0x32d: {  	v3 =	vand.u32 $0x7, v3;
	v4 =	vand.u32 $0xFFFFFFE0, v63  }
0x32e: {  	v3 =	vor.u32 v3, v4  }
0x32f: {  	v3 =	vperm.xlane v3, v0;
	_ =	sdelay $0x1  }
0x330: {  	v3 =	vadd.s32 v1, v3;
	_ =	sdelay $0x2  }
.Ltmp8:
0x331: {  	_ = 	snop;
	(pc) =	sbr.rel .LBB2_2-.Ltmp8, $4  }
0x332: {  	s11 =	simm.s32 $0xF900  }
0x333: {  	[tilespmem:s11], [sflag:$0xD] =	stream.indirect_vreg.gather [hbm4b:s2+s5], $0x80, v3, vm0, $0xb8;
	[tilespmem:$0x1A900] =	vst v63  }
0x334: {  	s24 =	sadd.s32 $0x1, s24;
	s16 =	simm.s32 $0x10100  }
0x335: {  	[tilespmem:s16], [sflag:$0xD] =	stream.indirect_vreg.gather [hbm4b:s7+s5], $0x80, v3, vm0, $0xb8;
	[tilespmem:$0x1A900] =	vst v63  }
.LBB2_15:
0x336: {  	_ =	sfence.sel $0x180000  }
0x337: {  	[bflag:$0x0] =	sbarrier.arrive $0xFFFF  }
0x338: {  	_ =	strace $0x90000047  }
0x339: {  	s0 =	stileid.u32;
	[bflag:$0x2] =	sbarrier.arrive $0xFFFF  }
0x33a: {  	p0 =	sne.s32 s0, $0x0;
	s0 =	rddreg [dreg:$0x3]  }
0x33b: {  	s0 =	sadd.s32 @!p0 $0x100000, s0  }
0x33c: {  	[sflag:s0] =	ssyncadd.tile.s32 @!p0 $0x1;
	_ =	shalt  }
.Lfunc_end2:
_tile_overlayer_lowered:
.L_overlay_start_2:
0x33d: {  	(tag) =	ssettag $0x2  }
0x33e: {  	s0 =	rddreg [dreg:$0x0];
	s2 =	stileid.u32  }
0x33f: {  	s1 =	rddreg [dreg:$0x1];
	p0 =	sne.s32 s2, $0x0  }
0x340: {  	s3 =	rddreg [dreg:$0x2];
	[bflag:$0x3] =	sbarrier.arrive $0xFFFF;
	s2 =	simm.s32 @!p0 $0x1C15  }
0x341: {  	[timem:s3], [sflag:s2] =	dma.local @!p0 [hbm:s0], s1  }
0x342: {  	s0 =	simm.s32 @!p0 $0x15  }
0x343: {  	_ =	swait.ge @!p0 [sflag:s0], s1  }
0x344: {  	s1 =	ssub.s32 @!p0 $0x0, s1;
	[sflag:s0] =	ssyncset.done @!p0 $0x0  }
0x345: {  	[sflag:s0] =	ssyncadd.s32 @!p0 s1  }
0x346: {  	[bflag:$0x3] =	sbarrier.arrive $0xFFFF  }
0x347: {  	_ =	shalt  }

</sc_bundles>
